<compile_context>
chip_gen: v7x
topology: tpu7x:2x2x1
jax: 0.10.2.dev20260603
libtpu: 0.0.44.dev20260713+nightly
codegen_flags: <defaults>
</compile_context>

<pallas_src>
import functools

import jax
import jax.numpy as jnp
from jax import lax
from jax.experimental import pallas as pl
from jax.experimental.pallas import tpu as pltpu
from jax.experimental.pallas import tpu_sc as plsc

NN = 10000
EE = 320000
HID = 128
NHEADS = 2
NEG = 0.2

NC = 2
NS = 16
LANE = 16
CH = 80

_MESH = dict(core_axis_name="c", subcore_axis_name="s",
             num_cores=NC, num_subcores=NS)



def _tc_layer(i0, i1, WaT, WbT, alT, arT, b, flag):
  BR = 2000
  grid = (NN // BR,)

  def body(i0_ref, i1_ref, wa_ref, wb_ref, al_ref, ar_ref, b_ref, fl_ref,
           feat_ref, el_ref, er_ref):
    a0 = i0_ref[...]
    a1 = i1_ref[...]
    fv = fl_ref[...]
    a0 = fv * jnp.maximum(a0 + b_ref[0:1, :], 0.0) + (1.0 - fv) * a0
    a1 = fv * jnp.maximum(a1 + b_ref[1:2, :], 0.0) + (1.0 - fv) * a1
    f = jnp.dot(a0, wa_ref[...], preferred_element_type=jnp.float32)
    f = f + jnp.dot(a1, wb_ref[...], preferred_element_type=jnp.float32)
    f0 = f[:, :HID]
    f1 = f[:, HID:]
    feat_ref[0] = f0
    feat_ref[1] = f1
    al = al_ref[...]
    ar = ar_ref[...]
    el_ref[...] = jnp.concatenate(
        [jnp.sum(f0 * al[0:1, :], axis=1, keepdims=True),
         jnp.sum(f1 * al[1:2, :], axis=1, keepdims=True)], axis=1)
    er_ref[...] = jnp.concatenate(
        [jnp.sum(f0 * ar[0:1, :], axis=1, keepdims=True),
         jnp.sum(f1 * ar[1:2, :], axis=1, keepdims=True)], axis=1)

  rspec = pl.BlockSpec((BR, HID), lambda i: (i, 0))
  wspec = pl.BlockSpec((HID, 2 * HID), lambda i: (0, 0))
  aspec = pl.BlockSpec((2, HID), lambda i: (0, 0))
  bspec = pl.BlockSpec((2, HID), lambda i: (0, 0))
  fspec = pl.BlockSpec((1, 1), lambda i: (0, 0))
  return pl.pallas_call(
      body,
      grid=grid,
      in_specs=[rspec, rspec, wspec, wspec, aspec, aspec, bspec, fspec],
      out_specs=[
          pl.BlockSpec((2, BR, HID), lambda i: (0, i, 0)),
          pl.BlockSpec((BR, 2), lambda i: (i, 0)),
          pl.BlockSpec((BR, 2), lambda i: (i, 0)),
      ],
      out_shape=[
          jax.ShapeDtypeStruct((2, NN, HID), jnp.float32),
          jax.ShapeDtypeStruct((NN, 2), jnp.float32),
          jax.ShapeDtypeStruct((NN, 2), jnp.float32),
      ],
  )(i0, i1, WaT, WbT, alT, arT, b, flag)




def _tc_logits(i0, i1, WcA, WcB, b, fcb4):
  BR = 2000
  grid = (NN // BR,)

  def body(i0_ref, i1_ref, wa_ref, wb_ref, b_ref, f_ref, pq_ref):
    a0 = jnp.maximum(i0_ref[...] + b_ref[0:1, :], 0.0)
    a1 = jnp.maximum(i1_ref[...] + b_ref[1:2, :], 0.0)
    pq = jnp.dot(a0, wa_ref[...], preferred_element_type=jnp.float32)
    pq = pq + jnp.dot(a1, wb_ref[...], preferred_element_type=jnp.float32)
    pq_ref[...] = pq + f_ref[0:1, :]

  rspec = pl.BlockSpec((BR, HID), lambda i: (i, 0))
  return pl.pallas_call(
      body,
      grid=grid,
      in_specs=[
          rspec, rspec,
          pl.BlockSpec((HID, 4), lambda i: (0, 0)),
          pl.BlockSpec((HID, 4), lambda i: (0, 0)),
          pl.BlockSpec((2, HID), lambda i: (0, 0)),
          pl.BlockSpec((1, 4), lambda i: (0, 0)),
      ],
      out_specs=pl.BlockSpec((BR, 4), lambda i: (i, 0)),
      out_shape=jax.ShapeDtypeStruct((NN, 4), jnp.float32),
  )(i0, i1, WcA, WcB, b, fcb4)



_EPT1 = EE // (NC * NS)
_NCH1 = 2 * _EPT1 // CH


@functools.cache
def _make_sc_attn():
  return pl.kernel(
      _sc_attn_body,
      out_type=[
          jax.ShapeDtypeStruct((2 * EE,), jnp.float32),
          jax.ShapeDtypeStruct((NC * 2 * NN,), jnp.float32),
      ],
      mesh=plsc.VectorSubcoreMesh(**_MESH),
      compiler_params=pltpu.CompilerParams(needs_layout_passes=False),
      scratch_types=[
          pltpu.VMEM((_EPT1,), jnp.int32),
          pltpu.VMEM((_EPT1,), jnp.int32),
          pltpu.VMEM((2 * NN,), jnp.float32),
          pltpu.VMEM((2 * NN,), jnp.float32),
          pltpu.VMEM((2 * _EPT1,), jnp.float32),
          pltpu.VMEM((_NCH1, CH), jnp.int32),
          pltpu.VMEM((1280,), jnp.float32),
          pltpu.VMEM_SHARED((2 * NN,), jnp.float32),
      ],
  )


def _sc_attn_body(src_hbm, dst_hbm, el_hbm, er_hbm, ex_hbm, dn_hbm,
                  srcv, dstv, elv, erv, exv, idxv, zv, dshared):
  cid = lax.axis_index("c")
  sid = lax.axis_index("s")
  wid = cid * NS + sid
  base = wid * _EPT1

  def zstep(i, _):
    zv[pl.ds(i * LANE, LANE)] = jnp.zeros((LANE,), jnp.float32)
    return _
  lax.fori_loop(0, 1280 // LANE, zstep, 0)
  zstart = jnp.minimum(sid * 1280, 2 * NN - 1280)
  pltpu.sync_copy(zv, dshared.at[pl.ds(zstart, 1280)])

  pltpu.sync_copy(src_hbm.at[pl.ds(base, _EPT1)], srcv)
  pltpu.sync_copy(dst_hbm.at[pl.ds(base, _EPT1)], dstv)
  pltpu.sync_copy(el_hbm, elv)
  pltpu.sync_copy(er_hbm, erv)

  def step(i, _):
    s16 = srcv[pl.ds(i * LANE, LANE)]
    d16 = dstv[pl.ds(i * LANE, LANE)]
    for h in range(NHEADS):
      eli = plsc.load_gather(elv, [s16 * 2 + h])
      eri = plsc.load_gather(erv, [d16 * 2 + h])
      z = eli + eri
      z = jnp.where(z >= 0.0, z, z * NEG)
      ex = jnp.exp(z)
      off = h * _EPT1 + i * LANE
      exv[pl.ds(off, LANE)] = ex
      r = off // CH
      c = off % CH
      idxv[r, pl.ds(c, LANE)] = d16 + h * NN
    return _
  lax.fori_loop(0, _EPT1 // LANE, step, 0)

  plsc.subcore_barrier()

  def astep(ci, _):
    pltpu.sync_copy(exv.at[pl.ds(ci * CH, CH)],
                    dshared.at[idxv.at[ci]], add=True)
    return _
  lax.fori_loop(0, _NCH1, astep, 0)

  pltpu.sync_copy(exv.at[pl.ds(0, _EPT1)], ex_hbm.at[pl.ds(base, _EPT1)])
  pltpu.sync_copy(exv.at[pl.ds(_EPT1, _EPT1)],
                  ex_hbm.at[pl.ds(EE + base, _EPT1)])

  plsc.subcore_barrier()

  pltpu.sync_copy(dshared.at[pl.ds(zstart, 1280)], zv)
  pltpu.sync_copy(zv, dn_hbm.at[pl.ds(cid * 2 * NN + zstart, 1280)])



_EPT2 = EE // NS
_BLK = 10
_NBLK = _EPT2 // (_BLK * CH)
_NPT = 624


@functools.cache
def _make_sc_agg():
  return pl.kernel(
      _sc_agg_body,
      out_type=jax.ShapeDtypeStruct((2 * NN, HID), jnp.float32),
      mesh=plsc.VectorSubcoreMesh(**_MESH),
      compiler_params=pltpu.CompilerParams(needs_layout_passes=False),
      scratch_types=[
          pltpu.VMEM((_BLK, CH), jnp.int32),
          pltpu.VMEM((_BLK, CH), jnp.int32),
          pltpu.VMEM((_BLK * CH,), jnp.float32),
          pltpu.VMEM((CH,), jnp.float32),
          pltpu.VMEM((NN,), jnp.float32),
          pltpu.VMEM((2000,), jnp.float32),
          pltpu.VMEM((CH, HID), jnp.float32),
          pltpu.VMEM((CH, HID), jnp.float32),
          pltpu.VMEM_SHARED((NN, HID), jnp.float32),
          pltpu.SemaphoreType.DMA,
          pltpu.SemaphoreType.DMA,
      ],
  )


def _sc_agg_body(src4_hbm, dst4_hbm, ex_hbm, dn_hbm, feat_hbm, acc_hbm,
                 gsrc, gdst, exb, alb, dnv, dtmp, rows0, rows1, accum,
                 sem0, sem1):
  h = lax.axis_index("c")
  sid = lax.axis_index("s")
  hoff = h * NN
  exbase = h * EE + sid * _EPT2

  pltpu.sync_copy(dn_hbm.at[pl.ds(h * NN, NN)], dnv)
  for bb in range(5):
    pltpu.sync_copy(dn_hbm.at[pl.ds(2 * NN + h * NN + bb * 2000, 2000)], dtmp)

    def dstep(i, carry, bb=bb):
      sl = pl.ds(bb * 2000 + i * LANE, LANE)
      dnv[sl] = dnv[sl] + dtmp[pl.ds(i * LANE, LANE)]
      return carry
    lax.fori_loop(0, 2000 // LANE, dstep, 0)

  def zrow(j, carry):
    for t in range(HID // LANE):
      rows0[j, pl.ds(t * LANE, LANE)] = jnp.zeros((LANE,), jnp.float32)
    return carry
  lax.fori_loop(0, CH, zrow, 0)
  for k in range(8):
    start = jnp.minimum(sid * _NPT + k * CH, NN - CH)
    pltpu.sync_copy(rows0, accum.at[pl.ds(start, CH)])

  plsc.subcore_barrier()

  def alpha_chunk(j):
    for g in range(CH // LANE):
      d16 = gdst[j, pl.ds(g * LANE, LANE)]
      den = plsc.load_gather(dnv, [d16])
      a16 = exb[pl.ds(j * CH + g * LANE, LANE)] / (den + 1e-9)
      alb[pl.ds(g * LANE, LANE)] = a16

  def scale(rows):
    def sg(g, carry):
      av16 = alb[pl.ds(g * LANE, LANE)]
      for j in range(LANE):
        av = jnp.full((LANE,), av16[j], jnp.float32)
        row = g * LANE + j
        for t in range(HID // LANE):
          sl = pl.ds(t * LANE, LANE)
          rows[row, sl] = rows[row, sl] * av
      return carry
    lax.fori_loop(0, CH // LANE, sg, 0)

  def block(blk, carry):
    pltpu.sync_copy(src4_hbm.at[sid, blk], gsrc)
    pltpu.sync_copy(dst4_hbm.at[sid, blk], gdst)
    pltpu.sync_copy(ex_hbm.at[pl.ds(exbase + blk * (_BLK * CH), _BLK * CH)],
                    exb)

    def goff(i, carry):
      r = i // (CH // LANE)
      c = (i % (CH // LANE)) * LANE
      gsrc[r, pl.ds(c, LANE)] = gsrc[r, pl.ds(c, LANE)] + hoff
      return carry
    lax.fori_loop(0, _BLK * CH // LANE, goff, 0)

    pltpu.async_copy(feat_hbm.at[gsrc.at[0]], rows0, sem0)

    def pair(p, carry):
      j0 = 2 * p
      j1 = 2 * p + 1
      pltpu.async_copy(feat_hbm.at[gsrc.at[j1]], rows1, sem1)
      pltpu.make_async_copy(feat_hbm.at[gsrc.at[j0]], rows0, sem0).wait()
      alpha_chunk(j0)
      scale(rows0)
      pltpu.sync_copy(rows0, accum.at[gdst.at[j0]], add=True)

      @pl.when(j1 + 1 < _BLK)
      def _prefetch():
        pltpu.async_copy(feat_hbm.at[gsrc.at[j1 + 1]], rows0, sem0)
      pltpu.make_async_copy(feat_hbm.at[gsrc.at[j1]], rows1, sem1).wait()
      alpha_chunk(j1)
      scale(rows1)
      pltpu.sync_copy(rows1, accum.at[gdst.at[j1]], add=True)
      return carry
    lax.fori_loop(0, _BLK // 2, pair, 0)
    return carry
  lax.fori_loop(0, _NBLK, block, 0)

  plsc.subcore_barrier()

  for k in range(8):
    start = jnp.minimum(sid * _NPT + k * CH, NN - CH)
    pltpu.sync_copy(accum.at[pl.ds(start, CH)], rows0)
    pltpu.sync_copy(rows0, acc_hbm.at[pl.ds(hoff + start, CH)])



_EPT3 = EE // (NC * NS)


@functools.cache
def _make_sc_edge():
  return pl.kernel(
      _sc_edge_body,
      out_type=jax.ShapeDtypeStruct((2 * EE,), jnp.float32),
      mesh=plsc.VectorSubcoreMesh(**_MESH),
      compiler_params=pltpu.CompilerParams(needs_layout_passes=False),
      scratch_types=[
          pltpu.VMEM((_EPT3,), jnp.int32),
          pltpu.VMEM((_EPT3,), jnp.int32),
          pltpu.VMEM((4 * NN,), jnp.float32),
          pltpu.VMEM((2 * _EPT3,), jnp.float32),
      ],
  )


def _sc_edge_body(src_hbm, dst_hbm, pq_hbm, out_hbm, srcv, dstv, pqv, outv):
  cid = lax.axis_index("c")
  sid = lax.axis_index("s")
  wid = cid * NS + sid
  base = wid * _EPT3

  pltpu.sync_copy(src_hbm.at[pl.ds(base, _EPT3)], srcv)
  pltpu.sync_copy(dst_hbm.at[pl.ds(base, _EPT3)], dstv)
  pltpu.sync_copy(pq_hbm, pqv)

  ii = lax.iota(jnp.int32, LANE)
  half = jnp.right_shift(ii, 1)
  bit = jnp.bitwise_and(ii, 1)

  def step(i, _):
    jb = i * (LANE // 2)
    s2 = plsc.load_gather(srcv, [jb + half])
    d2 = plsc.load_gather(dstv, [jb + half])
    pv = plsc.load_gather(pqv, [s2 * 4 + bit])
    qv = plsc.load_gather(pqv, [d2 * 4 + 2 + bit])
    outv[pl.ds(i * LANE, LANE)] = pv + qv
    return _
  lax.fori_loop(0, 2 * _EPT3 // LANE, step, 0)

  pltpu.sync_copy(outv, out_hbm.at[pl.ds(2 * base, 2 * _EPT3)])



def kernel(x, repr_graph, edge_index, W1, al1, ar1, b1, W2, al2, ar2, b2,
           fcW, fcb):
  src = edge_index[0]
  dst = edge_index[1]
  src2 = src.reshape(NS, _NBLK, _BLK, CH)
  dst2 = dst.reshape(NS, _NBLK, _BLK, CH)

  Wstack = jnp.stack([W1.T, W2.T])
  alstack = jnp.stack([al1, al2])
  arstack = jnp.stack([ar1, ar2])
  bstack = jnp.stack([jnp.zeros_like(b1), b1])
  flagstack = jnp.array([[[0.0]], [[1.0]]], dtype=jnp.float32)

  def layer(l, carry):
    i0, i1 = carry
    WT = lax.dynamic_index_in_dim(Wstack, l, keepdims=False)
    al = lax.dynamic_index_in_dim(alstack, l, keepdims=False)
    ar = lax.dynamic_index_in_dim(arstack, l, keepdims=False)
    b = lax.dynamic_index_in_dim(bstack, l, keepdims=False)
    flag = lax.dynamic_index_in_dim(flagstack, l, keepdims=False)
    feat, el, er = _tc_layer(i0, i1, WT[:HID], WT[HID:], al, ar, b, flag)
    featf = feat.reshape(2 * NN, HID)
    ex, dn = _make_sc_attn()(src, dst, el.reshape(2 * NN), er.reshape(2 * NN))
    acc = _make_sc_agg()(src2, dst2, ex, dn, featf)
    accr = acc.reshape(2, NN, HID)
    return (accr[0], accr[1])

  h0, h1 = lax.fori_loop(0, 2, layer, (x, repr_graph))
  acc2 = jnp.stack([h0, h1])

  WcT = fcW.T
  Wc = jnp.concatenate([WcT[:2 * HID], WcT[2 * HID:]], axis=1)
  fcb4 = jnp.concatenate([fcb, jnp.zeros((2,), fcb.dtype)])[None, :]
  pq = _tc_logits(acc2[0], acc2[1], Wc[:HID], Wc[HID:], b2, fcb4)

  out = _make_sc_edge()(src, dst, pq.reshape(4 * NN))
  return out.reshape(EE, 2)

# --- scband reference (transcript-rebuilt; emitter-appended) ---
"""Pipeline reference for scband-edge-classification-gnn-17394617549531 (READ-ONLY COPY).

The authoritative reference and input builder live on the scoring server;
editing this copy changes nothing except your own understanding.
"""

import jax, jax.numpy as jnp
import numpy as np

N = 10000
E = 320000
RAW = 128
REPR = 128
HID = 128
HEADS = 2
OUT_DIM = 2


def gat_conv(x, edge_index, W, al, ar, b, num_heads, out_feats, negative_slope=0.2):
    n = x.shape[0]
    feat = (x @ W.T).reshape(n, num_heads, out_feats)
    el = jnp.sum(feat * al[None, :, :], axis=-1)
    er = jnp.sum(feat * ar[None, :, :], axis=-1)
    src = edge_index[0]
    dst = edge_index[1]
    e = jax.nn.leaky_relu(el[src] + er[dst], negative_slope)
    emax = jax.ops.segment_max(e, dst, num_segments=n)
    emax = jnp.where(jnp.isfinite(emax), emax, 0.0)
    ex = jnp.exp(e - emax[dst])
    denom = jax.ops.segment_sum(ex, dst, num_segments=n)
    alpha = ex / (denom[dst] + 1e-9)
    msg = alpha[:, :, None] * feat[src]
    out = jax.ops.segment_sum(msg, dst, num_segments=n)
    return out + b[None, :, :]


def setup_inputs(seed: int = 0):
    key = jax.random.key(seed)
    ks = jax.random.split(key, 16)
    x = jax.random.normal(ks[0], (N, RAW), dtype=jnp.float32)
    repr_graph = jax.random.normal(ks[1], (N, REPR), dtype=jnp.float32)
    edge_index = jax.random.randint(ks[2], (2, E), 0, N, dtype=jnp.int32)
    in1 = RAW + REPR
    in2 = HEADS * HID
    W1 = 0.1 * jax.random.normal(ks[3], (HEADS * HID, in1), dtype=jnp.float32)
    al1 = 0.1 * jax.random.normal(ks[4], (HEADS, HID), dtype=jnp.float32)
    ar1 = 0.1 * jax.random.normal(ks[5], (HEADS, HID), dtype=jnp.float32)
    b1 = jnp.zeros((HEADS, HID), dtype=jnp.float32)
    W2 = 0.1 * jax.random.normal(ks[6], (HEADS * HID, in2), dtype=jnp.float32)
    al2 = 0.1 * jax.random.normal(ks[7], (HEADS, HID), dtype=jnp.float32)
    ar2 = 0.1 * jax.random.normal(ks[8], (HEADS, HID), dtype=jnp.float32)
    b2 = jnp.zeros((HEADS, HID), dtype=jnp.float32)
    fcW = 0.1 * jax.random.normal(ks[9], (OUT_DIM, 2 * HEADS * HID), dtype=jnp.float32)
    fcb = jnp.zeros((OUT_DIM,), dtype=jnp.float32)
    return {"x": x, "repr_graph": repr_graph, "edge_index": edge_index,
            "W1": W1, "al1": al1, "ar1": ar1, "b1": b1,
            "W2": W2, "al2": al2, "ar2": ar2, "b2": b2,
            "fcW": fcW, "fcb": fcb}


def reference(x, repr_graph, edge_index, W1, al1, ar1, b1, W2, al2, ar2, b2, fcW, fcb):
    h = jnp.concatenate([x, repr_graph], axis=-1)
    h = gat_conv(h, edge_index, W1, al1, ar1, b1, HEADS, HID)
    h = jax.nn.relu(h.reshape(h.shape[0], -1))
    h = gat_conv(h, edge_index, W2, al2, ar2, b2, HEADS, HID)
    h = jax.nn.relu(h.reshape(h.shape[0], -1))
    src = edge_index[0]
    dst = edge_index[1]
    h_src = h[src]
    h_dst = h[dst]
    edge_emb = jnp.concatenate([h_src, h_dst], axis=1)
    return edge_emb @ fcW.T + fcb

if __name__ == "__main__":
    import jax
    _d = setup_inputs()
    print(jax.jit(kernel)(*tuple(_d.values())))

</pallas_src>

<mosaic_0001>
#map = affine_map<(d0, d1) -> (0)>
module attributes {stable_mosaic.version = 14 : i64} {
  func.func @_sc_edge_body(%arg0: i32, %arg1: i32, %arg2: memref<320000xi32, #tpu.memory_space<hbm>>, %arg3: memref<320000xi32, #tpu.memory_space<hbm>>, %arg4: memref<40000xf32, #tpu.memory_space<hbm>>, %arg5: memref<640000xf32, #tpu.memory_space<hbm>>, %arg6: memref<10000xi32, #tpu.memory_space<vmem>>, %arg7: memref<10000xi32, #tpu.memory_space<vmem>>, %arg8: memref<40000xf32, #tpu.memory_space<vmem>>, %arg9: memref<20000xf32, #tpu.memory_space<vmem>>) attributes {dimension_semantics = [#tpu.dimension_semantics<core_parallel>, #tpu.dimension_semantics<subcore_parallel>], iteration_bounds = array<i64: 2, 16>, scalar_prefetch = 0 : i64, scratch_operands = 4 : i64, tpu.core_type = #tpu.core_type<sc_vector_subcore>, window_params = [{transform_indices = #map}, {transform_indices = #map}, {transform_indices = #map}, {transform_indices = #map}]} {
    %mul3A = arith.constant 16 : i32
    %mul3A_0 = arith.muli %arg0, %mul3A : i32
    %add3A = arith.addi %mul3A_0, %arg1 : i32
    %mul3A_1 = arith.constant 10000 : i32
    %mul3A_2 = arith.muli %add3A, %mul3A_1 : i32
    "tpu.region"() ({
      %run_scoped3A = tpu.sem_alloc : memref<!tpu.dma_semaphore, #tpu.memory_space<semaphore_mem>>
      %dma_start3A = tpu.memref_slice %arg2[%mul3A_2] : memref<320000xi32, #tpu.memory_space<hbm>> -> memref<10000xi32, #tpu.memory_space<hbm>>
      %dma_start3A_14 = tpu.memref_slice %arg2[%mul3A_2] : memref<320000xi32, #tpu.memory_space<hbm>> -> memref<10000xi32, #tpu.memory_space<hbm>>
      tpu.enqueue_dma source(%dma_start3A_14 : memref<10000xi32, #tpu.memory_space<hbm>>) target(%arg6 : memref<10000xi32, #tpu.memory_space<vmem>>) target_semaphore(%run_scoped3A : memref<!tpu.dma_semaphore, #tpu.memory_space<semaphore_mem>>)
      %dma_wait3A = tpu.memref_slice %arg2[%mul3A_2] : memref<320000xi32, #tpu.memory_space<hbm>> -> memref<10000xi32, #tpu.memory_space<hbm>>
      %dma_wait3A_15 = tpu.memref_slice %arg2[%mul3A_2] : memref<320000xi32, #tpu.memory_space<hbm>> -> memref<10000xi32, #tpu.memory_space<hbm>>
      tpu.wait_dma2 semaphore(%run_scoped3A : memref<!tpu.dma_semaphore, #tpu.memory_space<semaphore_mem>>) src(%dma_wait3A_15 : memref<10000xi32, #tpu.memory_space<hbm>>) dst(%arg6 : memref<10000xi32, #tpu.memory_space<vmem>>)
      tpu.yield
    }) : () -> ()
    "tpu.region"() ({
      %run_scoped3A = tpu.sem_alloc : memref<!tpu.dma_semaphore, #tpu.memory_space<semaphore_mem>>
      %dma_start3A = tpu.memref_slice %arg3[%mul3A_2] : memref<320000xi32, #tpu.memory_space<hbm>> -> memref<10000xi32, #tpu.memory_space<hbm>>
      %dma_start3A_14 = tpu.memref_slice %arg3[%mul3A_2] : memref<320000xi32, #tpu.memory_space<hbm>> -> memref<10000xi32, #tpu.memory_space<hbm>>
      tpu.enqueue_dma source(%dma_start3A_14 : memref<10000xi32, #tpu.memory_space<hbm>>) target(%arg7 : memref<10000xi32, #tpu.memory_space<vmem>>) target_semaphore(%run_scoped3A : memref<!tpu.dma_semaphore, #tpu.memory_space<semaphore_mem>>)
      %dma_wait3A = tpu.memref_slice %arg3[%mul3A_2] : memref<320000xi32, #tpu.memory_space<hbm>> -> memref<10000xi32, #tpu.memory_space<hbm>>
      %dma_wait3A_15 = tpu.memref_slice %arg3[%mul3A_2] : memref<320000xi32, #tpu.memory_space<hbm>> -> memref<10000xi32, #tpu.memory_space<hbm>>
      tpu.wait_dma2 semaphore(%run_scoped3A : memref<!tpu.dma_semaphore, #tpu.memory_space<semaphore_mem>>) src(%dma_wait3A_15 : memref<10000xi32, #tpu.memory_space<hbm>>) dst(%arg7 : memref<10000xi32, #tpu.memory_space<vmem>>)
      tpu.yield
    }) : () -> ()
    "tpu.region"() ({
      %run_scoped3A = tpu.sem_alloc : memref<!tpu.dma_semaphore, #tpu.memory_space<semaphore_mem>>
      tpu.enqueue_dma source(%arg4 : memref<40000xf32, #tpu.memory_space<hbm>>) target(%arg8 : memref<40000xf32, #tpu.memory_space<vmem>>) target_semaphore(%run_scoped3A : memref<!tpu.dma_semaphore, #tpu.memory_space<semaphore_mem>>)
      tpu.wait_dma2 semaphore(%run_scoped3A : memref<!tpu.dma_semaphore, #tpu.memory_space<semaphore_mem>>) src(%arg4 : memref<40000xf32, #tpu.memory_space<hbm>>) dst(%arg8 : memref<40000xf32, #tpu.memory_space<vmem>>)
      tpu.yield
    }) : () -> ()
    %iota3A = tpu.iota {dimensions = array<i32: 0>} : vector<16xi32>
    %shift_right_arithmetic3A = arith.constant 1 : i32
    %shift_right_arithmetic3A_3 = vector.broadcast %shift_right_arithmetic3A : i32 to vector<16xi32>
    %shift_right_arithmetic3A_4 = arith.shrsi %iota3A, %shift_right_arithmetic3A_3 : vector<16xi32>
    %and3A = arith.constant 1 : i32
    %and3A_5 = vector.broadcast %and3A : i32 to vector<16xi32>
    %and3A_6 = arith.andi %iota3A, %and3A_5 : vector<16xi32>
    %scan3A = arith.constant 0 : i32
    %scan3A_7 = arith.constant 0 : i32
    %scan3A_8 = arith.constant 1250 : i32
    %scan3A_9 = arith.addi %scan3A_7, %scan3A_8 : i32
    %scan3A_10 = arith.constant 1 : i32
    scf.for %scan3A_14 = %scan3A_7 to %scan3A_9 step %scan3A_10  : i32 {
      %mul3A_15 = arith.constant 8 : i32
      %mul3A_16 = arith.muli %scan3A_14, %mul3A_15 : i32
      %add3A_17 = vector.broadcast %mul3A_16 : i32 to vector<16xi32>
      %add3A_18 = arith.addi %add3A_17, %shift_right_arithmetic3A_4 : vector<16xi32>
      %gather3A = tpu.vector_load_idx %arg6[%add3A_18] : memref<10000xi32, #tpu.memory_space<vmem>>[vector<16xi32>], vector<16xi32>,
      %add3A_19 = vector.broadcast %mul3A_16 : i32 to vector<16xi32>
      %add3A_20 = arith.addi %add3A_19, %shift_right_arithmetic3A_4 : vector<16xi32>
      %gather3A_21 = tpu.vector_load_idx %arg7[%add3A_20] : memref<10000xi32, #tpu.memory_space<vmem>>[vector<16xi32>], vector<16xi32>,
      %mul3A_22 = arith.constant 4 : i32
      %mul3A_23 = vector.broadcast %mul3A_22 : i32 to vector<16xi32>
      %mul3A_24 = arith.muli %gather3A, %mul3A_23 : vector<16xi32>
      %add3A_25 = arith.addi %mul3A_24, %and3A_6 : vector<16xi32>
      %gather3A_26 = tpu.vector_load_idx %arg8[%add3A_25] : memref<40000xf32, #tpu.memory_space<vmem>>[vector<16xi32>], vector<16xf32>,
      %mul3A_27 = arith.constant 4 : i32
      %mul3A_28 = vector.broadcast %mul3A_27 : i32 to vector<16xi32>
      %mul3A_29 = arith.muli %gather3A_21, %mul3A_28 : vector<16xi32>
      %add3A_30 = arith.constant 2 : i32
      %add3A_31 = vector.broadcast %add3A_30 : i32 to vector<16xi32>
      %add3A_32 = arith.addi %mul3A_29, %add3A_31 : vector<16xi32>
      %add3A_33 = arith.addi %add3A_32, %and3A_6 : vector<16xi32>
      %gather3A_34 = tpu.vector_load_idx %arg8[%add3A_33] : memref<40000xf32, #tpu.memory_space<vmem>>[vector<16xi32>], vector<16xf32>,
      %add3A_35 = arith.addf %gather3A_26, %gather3A_34 : vector<16xf32>
      %mul3A_36 = arith.constant 16 : i32
      %mul3A_37 = arith.muli %scan3A_14, %mul3A_36 : i32
      %swap3A = arith.index_cast %mul3A_37 : i32 to index
      %swap3A_38 = tpu.vector_load %arg9[%swap3A] {strides = array<i32>} : memref<20000xf32, #tpu.memory_space<vmem>>, vector<16xf32>,
      tpu.vector_store %arg9[%swap3A], %add3A_35 {strides = array<i32>} : memref<20000xf32, #tpu.memory_space<vmem>>, vector<16xf32>,
    }
    %scan3A_11 = arith.constant 1250 : i32
    %mul3A_12 = arith.constant 2 : i32
    %mul3A_13 = arith.muli %mul3A_12, %mul3A_2 : i32
    "tpu.region"() ({
      %run_scoped3A = tpu.sem_alloc : memref<!tpu.dma_semaphore, #tpu.memory_space<semaphore_mem>>
      %dma_start3A = tpu.memref_slice %arg5[%mul3A_13] : memref<640000xf32, #tpu.memory_space<hbm>> -> memref<20000xf32, #tpu.memory_space<hbm>>
      %dma_start3A_14 = tpu.memref_slice %arg5[%mul3A_13] : memref<640000xf32, #tpu.memory_space<hbm>> -> memref<20000xf32, #tpu.memory_space<hbm>>
      tpu.enqueue_dma source(%arg9 : memref<20000xf32, #tpu.memory_space<vmem>>) target(%dma_start3A_14 : memref<20000xf32, #tpu.memory_space<hbm>>) target_semaphore(%run_scoped3A : memref<!tpu.dma_semaphore, #tpu.memory_space<semaphore_mem>>)
      %dma_wait3A = tpu.memref_slice %arg5[%mul3A_13] : memref<640000xf32, #tpu.memory_space<hbm>> -> memref<20000xf32, #tpu.memory_space<hbm>>
      %dma_wait3A_15 = tpu.memref_slice %arg5[%mul3A_13] : memref<640000xf32, #tpu.memory_space<hbm>> -> memref<20000xf32, #tpu.memory_space<hbm>>
      tpu.wait_dma2 semaphore(%run_scoped3A : memref<!tpu.dma_semaphore, #tpu.memory_space<semaphore_mem>>) src(%arg9 : memref<20000xf32, #tpu.memory_space<vmem>>) dst(%dma_wait3A_15 : memref<20000xf32, #tpu.memory_space<hbm>>)
      tpu.yield
    }) : () -> ()
    return
  }
}

#map = affine_map<(d0, d1) -> (0, 0, 0, 0)>
#map1 = affine_map<(d0, d1) -> (0)>
#map2 = affine_map<(d0, d1) -> (0, 0)>
module attributes {stable_mosaic.version = 14 : i64} {
  func.func @_sc_agg_body(%arg0: i32, %arg1: i32, %arg2: memref<16x25x10x80xi32, #tpu.memory_space<hbm>>, %arg3: memref<16x25x10x80xi32, #tpu.memory_space<hbm>>, %arg4: memref<640000xf32, #tpu.memory_space<hbm>>, %arg5: memref<40000xf32, #tpu.memory_space<hbm>>, %arg6: memref<20000x128xf32, #tpu.memory_space<hbm>>, %arg7: memref<20000x128xf32, #tpu.memory_space<hbm>>, %arg8: memref<10x80xi32, #tpu.memory_space<vmem>>, %arg9: memref<10x80xi32, #tpu.memory_space<vmem>>, %arg10: memref<800xf32, #tpu.memory_space<vmem>>, %arg11: memref<80xf32, #tpu.memory_space<vmem>>, %arg12: memref<10000xf32, #tpu.memory_space<vmem>>, %arg13: memref<2000xf32, #tpu.memory_space<vmem>>, %arg14: memref<80x128xf32, #tpu.memory_space<vmem>>, %arg15: memref<80x128xf32, #tpu.memory_space<vmem>>, %arg16: memref<10000x128xf32, #tpu.memory_space<vmem_shared>>, %arg17: memref<!tpu.dma_semaphore, #tpu.memory_space<semaphore_mem>>, %arg18: memref<!tpu.dma_semaphore, #tpu.memory_space<semaphore_mem>>) attributes {dimension_semantics = [#tpu.dimension_semantics<core_parallel>, #tpu.dimension_semantics<subcore_parallel>], iteration_bounds = array<i64: 2, 16>, scalar_prefetch = 0 : i64, scratch_operands = 11 : i64, tpu.core_type = #tpu.core_type<sc_vector_subcore>, window_params = [{transform_indices = #map}, {transform_indices = #map}, {transform_indices = #map1}, {transform_indices = #map1}, {transform_indices = #map2}, {transform_indices = #map2}]} {
    %mul3A = arith.constant 10000 : i32
    %mul3A_0 = arith.muli %arg0, %mul3A : i32
    %mul3A_1 = arith.constant 320000 : i32
    %mul3A_2 = arith.muli %arg0, %mul3A_1 : i32
    %mul3A_3 = arith.constant 20000 : i32
    %mul3A_4 = arith.muli %arg1, %mul3A_3 : i32
    %add3A = arith.addi %mul3A_2, %mul3A_4 : i32
    %mul3A_5 = arith.constant 10000 : i32
    %mul3A_6 = arith.muli %arg0, %mul3A_5 : i32
    "tpu.region"() ({
      %run_scoped3A = tpu.sem_alloc : memref<!tpu.dma_semaphore, #tpu.memory_space<semaphore_mem>>
      %dma_start3A = tpu.memref_slice %arg5[%mul3A_6] : memref<40000xf32, #tpu.memory_space<hbm>> -> memref<10000xf32, #tpu.memory_space<hbm>>
      %dma_start3A_182 = tpu.memref_slice %arg5[%mul3A_6] : memref<40000xf32, #tpu.memory_space<hbm>> -> memref<10000xf32, #tpu.memory_space<hbm>>
      tpu.enqueue_dma source(%dma_start3A_182 : memref<10000xf32, #tpu.memory_space<hbm>>) target(%arg12 : memref<10000xf32, #tpu.memory_space<vmem>>) target_semaphore(%run_scoped3A : memref<!tpu.dma_semaphore, #tpu.memory_space<semaphore_mem>>)
      %dma_wait3A = tpu.memref_slice %arg5[%mul3A_6] : memref<40000xf32, #tpu.memory_space<hbm>> -> memref<10000xf32, #tpu.memory_space<hbm>>
      %dma_wait3A_183 = tpu.memref_slice %arg5[%mul3A_6] : memref<40000xf32, #tpu.memory_space<hbm>> -> memref<10000xf32, #tpu.memory_space<hbm>>
      tpu.wait_dma2 semaphore(%run_scoped3A : memref<!tpu.dma_semaphore, #tpu.memory_space<semaphore_mem>>) src(%dma_wait3A_183 : memref<10000xf32, #tpu.memory_space<hbm>>) dst(%arg12 : memref<10000xf32, #tpu.memory_space<vmem>>)
      tpu.yield
    }) : () -> ()
    %mul3A_7 = arith.constant 10000 : i32
    %mul3A_8 = arith.muli %arg0, %mul3A_7 : i32
    %add3A_9 = arith.constant 20000 : i32
    %add3A_10 = arith.addi %add3A_9, %mul3A_8 : i32
    %add3A_11 = arith.constant 0 : i32
    %add3A_12 = arith.addi %add3A_10, %add3A_11 : i32
    "tpu.region"() ({
      %run_scoped3A = tpu.sem_alloc : memref<!tpu.dma_semaphore, #tpu.memory_space<semaphore_mem>>
      %dma_start3A = tpu.memref_slice %arg5[%add3A_12] : memref<40000xf32, #tpu.memory_space<hbm>> -> memref<2000xf32, #tpu.memory_space<hbm>>
      %dma_start3A_182 = tpu.memref_slice %arg5[%add3A_12] : memref<40000xf32, #tpu.memory_space<hbm>> -> memref<2000xf32, #tpu.memory_space<hbm>>
      tpu.enqueue_dma source(%dma_start3A_182 : memref<2000xf32, #tpu.memory_space<hbm>>) target(%arg13 : memref<2000xf32, #tpu.memory_space<vmem>>) target_semaphore(%run_scoped3A : memref<!tpu.dma_semaphore, #tpu.memory_space<semaphore_mem>>)
      %dma_wait3A = tpu.memref_slice %arg5[%add3A_12] : memref<40000xf32, #tpu.memory_space<hbm>> -> memref<2000xf32, #tpu.memory_space<hbm>>
      %dma_wait3A_183 = tpu.memref_slice %arg5[%add3A_12] : memref<40000xf32, #tpu.memory_space<hbm>> -> memref<2000xf32, #tpu.memory_space<hbm>>
      tpu.wait_dma2 semaphore(%run_scoped3A : memref<!tpu.dma_semaphore, #tpu.memory_space<semaphore_mem>>) src(%dma_wait3A_183 : memref<2000xf32, #tpu.memory_space<hbm>>) dst(%arg13 : memref<2000xf32, #tpu.memory_space<vmem>>)
      tpu.yield
    }) : () -> ()
    %scan3A = arith.constant 0 : i32
    %scan3A_13 = arith.constant 0 : i32
    %scan3A_14 = arith.constant 125 : i32
    %scan3A_15 = arith.addi %scan3A_13, %scan3A_14 : i32
    %scan3A_16 = arith.constant 1 : i32
    scf.for %scan3A_182 = %scan3A_13 to %scan3A_15 step %scan3A_16  : i32 {
      %mul3A_183 = arith.constant 16 : i32
      %mul3A_184 = arith.muli %scan3A_182, %mul3A_183 : i32
      %add3A_185 = arith.constant 0 : i32
      %add3A_186 = arith.addi %add3A_185, %mul3A_184 : i32
      %get3A = arith.index_cast %add3A_186 : i32 to index
      %get3A_187 = tpu.vector_load %arg12[%get3A] {strides = array<i32>} : memref<10000xf32, #tpu.memory_space<vmem>>, vector<16xf32>,
      %mul3A_188 = arith.constant 16 : i32
      %mul3A_189 = arith.muli %scan3A_182, %mul3A_188 : i32
      %get3A_190 = arith.index_cast %mul3A_189 : i32 to index
      %get3A_191 = tpu.vector_load %arg13[%get3A_190] {strides = array<i32>} : memref<2000xf32, #tpu.memory_space<vmem>>, vector<16xf32>,
      %add3A_192 = arith.addf %get3A_187, %get3A_191 : vector<16xf32>
      %swap3A = arith.index_cast %add3A_186 : i32 to index
      %swap3A_193 = tpu.vector_load %arg12[%swap3A] {strides = array<i32>} : memref<10000xf32, #tpu.memory_space<vmem>>, vector<16xf32>,
      tpu.vector_store %arg12[%swap3A], %add3A_192 {strides = array<i32>} : memref<10000xf32, #tpu.memory_space<vmem>>, vector<16xf32>,
    }
    %scan3A_17 = arith.constant 125 : i32
    %mul3A_18 = arith.constant 10000 : i32
    %mul3A_19 = arith.muli %arg0, %mul3A_18 : i32
    %add3A_20 = arith.constant 20000 : i32
    %add3A_21 = arith.addi %add3A_20, %mul3A_19 : i32
    %add3A_22 = arith.constant 2000 : i32
    %add3A_23 = arith.addi %add3A_21, %add3A_22 : i32
    "tpu.region"() ({
      %run_scoped3A = tpu.sem_alloc : memref<!tpu.dma_semaphore, #tpu.memory_space<semaphore_mem>>
      %dma_start3A = tpu.memref_slice %arg5[%add3A_23] : memref<40000xf32, #tpu.memory_space<hbm>> -> memref<2000xf32, #tpu.memory_space<hbm>>
      %dma_start3A_182 = tpu.memref_slice %arg5[%add3A_23] : memref<40000xf32, #tpu.memory_space<hbm>> -> memref<2000xf32, #tpu.memory_space<hbm>>
      tpu.enqueue_dma source(%dma_start3A_182 : memref<2000xf32, #tpu.memory_space<hbm>>) target(%arg13 : memref<2000xf32, #tpu.memory_space<vmem>>) target_semaphore(%run_scoped3A : memref<!tpu.dma_semaphore, #tpu.memory_space<semaphore_mem>>)
      %dma_wait3A = tpu.memref_slice %arg5[%add3A_23] : memref<40000xf32, #tpu.memory_space<hbm>> -> memref<2000xf32, #tpu.memory_space<hbm>>
      %dma_wait3A_183 = tpu.memref_slice %arg5[%add3A_23] : memref<40000xf32, #tpu.memory_space<hbm>> -> memref<2000xf32, #tpu.memory_space<hbm>>
      tpu.wait_dma2 semaphore(%run_scoped3A : memref<!tpu.dma_semaphore, #tpu.memory_space<semaphore_mem>>) src(%dma_wait3A_183 : memref<2000xf32, #tpu.memory_space<hbm>>) dst(%arg13 : memref<2000xf32, #tpu.memory_space<vmem>>)
      tpu.yield
    }) : () -> ()
    %scan3A_24 = arith.constant 0 : i32
    %scan3A_25 = arith.constant 0 : i32
    %scan3A_26 = arith.constant 125 : i32
    %scan3A_27 = arith.addi %scan3A_25, %scan3A_26 : i32
    %scan3A_28 = arith.constant 1 : i32
    scf.for %scan3A_182 = %scan3A_25 to %scan3A_27 step %scan3A_28  : i32 {
      %mul3A_183 = arith.constant 16 : i32
      %mul3A_184 = arith.muli %scan3A_182, %mul3A_183 : i32
      %add3A_185 = arith.constant 2000 : i32
      %add3A_186 = arith.addi %add3A_185, %mul3A_184 : i32
      %get3A = arith.index_cast %add3A_186 : i32 to index
      %get3A_187 = tpu.vector_load %arg12[%get3A] {strides = array<i32>} : memref<10000xf32, #tpu.memory_space<vmem>>, vector<16xf32>,
      %mul3A_188 = arith.constant 16 : i32
      %mul3A_189 = arith.muli %scan3A_182, %mul3A_188 : i32
      %get3A_190 = arith.index_cast %mul3A_189 : i32 to index
      %get3A_191 = tpu.vector_load %arg13[%get3A_190] {strides = array<i32>} : memref<2000xf32, #tpu.memory_space<vmem>>, vector<16xf32>,
      %add3A_192 = arith.addf %get3A_187, %get3A_191 : vector<16xf32>
      %swap3A = arith.index_cast %add3A_186 : i32 to index
      %swap3A_193 = tpu.vector_load %arg12[%swap3A] {strides = array<i32>} : memref<10000xf32, #tpu.memory_space<vmem>>, vector<16xf32>,
      tpu.vector_store %arg12[%swap3A], %add3A_192 {strides = array<i32>} : memref<10000xf32, #tpu.memory_space<vmem>>, vector<16xf32>,
    }
    %scan3A_29 = arith.constant 125 : i32
    %mul3A_30 = arith.constant 10000 : i32
    %mul3A_31 = arith.muli %arg0, %mul3A_30 : i32
    %add3A_32 = arith.constant 20000 : i32
    %add3A_33 = arith.addi %add3A_32, %mul3A_31 : i32
    %add3A_34 = arith.constant 4000 : i32
    %add3A_35 = arith.addi %add3A_33, %add3A_34 : i32
    "tpu.region"() ({
      %run_scoped3A = tpu.sem_alloc : memref<!tpu.dma_semaphore, #tpu.memory_space<semaphore_mem>>
      %dma_start3A = tpu.memref_slice %arg5[%add3A_35] : memref<40000xf32, #tpu.memory_space<hbm>> -> memref<2000xf32, #tpu.memory_space<hbm>>
      %dma_start3A_182 = tpu.memref_slice %arg5[%add3A_35] : memref<40000xf32, #tpu.memory_space<hbm>> -> memref<2000xf32, #tpu.memory_space<hbm>>
      tpu.enqueue_dma source(%dma_start3A_182 : memref<2000xf32, #tpu.memory_space<hbm>>) target(%arg13 : memref<2000xf32, #tpu.memory_space<vmem>>) target_semaphore(%run_scoped3A : memref<!tpu.dma_semaphore, #tpu.memory_space<semaphore_mem>>)
      %dma_wait3A = tpu.memref_slice %arg5[%add3A_35] : memref<40000xf32, #tpu.memory_space<hbm>> -> memref<2000xf32, #tpu.memory_space<hbm>>
      %dma_wait3A_183 = tpu.memref_slice %arg5[%add3A_35] : memref<40000xf32, #tpu.memory_space<hbm>> -> memref<2000xf32, #tpu.memory_space<hbm>>
      tpu.wait_dma2 semaphore(%run_scoped3A : memref<!tpu.dma_semaphore, #tpu.memory_space<semaphore_mem>>) src(%dma_wait3A_183 : memref<2000xf32, #tpu.memory_space<hbm>>) dst(%arg13 : memref<2000xf32, #tpu.memory_space<vmem>>)
      tpu.yield
    }) : () -> ()
    %scan3A_36 = arith.constant 0 : i32
    %scan3A_37 = arith.constant 0 : i32
    %scan3A_38 = arith.constant 125 : i32
    %scan3A_39 = arith.addi %scan3A_37, %scan3A_38 : i32
    %scan3A_40 = arith.constant 1 : i32
    scf.for %scan3A_182 = %scan3A_37 to %scan3A_39 step %scan3A_40  : i32 {
      %mul3A_183 = arith.constant 16 : i32
      %mul3A_184 = arith.muli %scan3A_182, %mul3A_183 : i32
      %add3A_185 = arith.constant 4000 : i32
      %add3A_186 = arith.addi %add3A_185, %mul3A_184 : i32
      %get3A = arith.index_cast %add3A_186 : i32 to index
      %get3A_187 = tpu.vector_load %arg12[%get3A] {strides = array<i32>} : memref<10000xf32, #tpu.memory_space<vmem>>, vector<16xf32>,
      %mul3A_188 = arith.constant 16 : i32
      %mul3A_189 = arith.muli %scan3A_182, %mul3A_188 : i32
      %get3A_190 = arith.index_cast %mul3A_189 : i32 to index
      %get3A_191 = tpu.vector_load %arg13[%get3A_190] {strides = array<i32>} : memref<2000xf32, #tpu.memory_space<vmem>>, vector<16xf32>,
      %add3A_192 = arith.addf %get3A_187, %get3A_191 : vector<16xf32>
      %swap3A = arith.index_cast %add3A_186 : i32 to index
      %swap3A_193 = tpu.vector_load %arg12[%swap3A] {strides = array<i32>} : memref<10000xf32, #tpu.memory_space<vmem>>, vector<16xf32>,
      tpu.vector_store %arg12[%swap3A], %add3A_192 {strides = array<i32>} : memref<10000xf32, #tpu.memory_space<vmem>>, vector<16xf32>,
    }
    %scan3A_41 = arith.constant 125 : i32
    %mul3A_42 = arith.constant 10000 : i32
    %mul3A_43 = arith.muli %arg0, %mul3A_42 : i32
    %add3A_44 = arith.constant 20000 : i32
    %add3A_45 = arith.addi %add3A_44, %mul3A_43 : i32
    %add3A_46 = arith.constant 6000 : i32
    %add3A_47 = arith.addi %add3A_45, %add3A_46 : i32
    "tpu.region"() ({
      %run_scoped3A = tpu.sem_alloc : memref<!tpu.dma_semaphore, #tpu.memory_space<semaphore_mem>>
      %dma_start3A = tpu.memref_slice %arg5[%add3A_47] : memref<40000xf32, #tpu.memory_space<hbm>> -> memref<2000xf32, #tpu.memory_space<hbm>>
      %dma_start3A_182 = tpu.memref_slice %arg5[%add3A_47] : memref<40000xf32, #tpu.memory_space<hbm>> -> memref<2000xf32, #tpu.memory_space<hbm>>
      tpu.enqueue_dma source(%dma_start3A_182 : memref<2000xf32, #tpu.memory_space<hbm>>) target(%arg13 : memref<2000xf32, #tpu.memory_space<vmem>>) target_semaphore(%run_scoped3A : memref<!tpu.dma_semaphore, #tpu.memory_space<semaphore_mem>>)
      %dma_wait3A = tpu.memref_slice %arg5[%add3A_47] : memref<40000xf32, #tpu.memory_space<hbm>> -> memref<2000xf32, #tpu.memory_space<hbm>>
      %dma_wait3A_183 = tpu.memref_slice %arg5[%add3A_47] : memref<40000xf32, #tpu.memory_space<hbm>> -> memref<2000xf32, #tpu.memory_space<hbm>>
      tpu.wait_dma2 semaphore(%run_scoped3A : memref<!tpu.dma_semaphore, #tpu.memory_space<semaphore_mem>>) src(%dma_wait3A_183 : memref<2000xf32, #tpu.memory_space<hbm>>) dst(%arg13 : memref<2000xf32, #tpu.memory_space<vmem>>)
      tpu.yield
    }) : () -> ()
    %scan3A_48 = arith.constant 0 : i32
    %scan3A_49 = arith.constant 0 : i32
    %scan3A_50 = arith.constant 125 : i32
    %scan3A_51 = arith.addi %scan3A_49, %scan3A_50 : i32
    %scan3A_52 = arith.constant 1 : i32
    scf.for %scan3A_182 = %scan3A_49 to %scan3A_51 step %scan3A_52  : i32 {
      %mul3A_183 = arith.constant 16 : i32
      %mul3A_184 = arith.muli %scan3A_182, %mul3A_183 : i32
      %add3A_185 = arith.constant 6000 : i32
      %add3A_186 = arith.addi %add3A_185, %mul3A_184 : i32
      %get3A = arith.index_cast %add3A_186 : i32 to index
      %get3A_187 = tpu.vector_load %arg12[%get3A] {strides = array<i32>} : memref<10000xf32, #tpu.memory_space<vmem>>, vector<16xf32>,
      %mul3A_188 = arith.constant 16 : i32
      %mul3A_189 = arith.muli %scan3A_182, %mul3A_188 : i32
      %get3A_190 = arith.index_cast %mul3A_189 : i32 to index
      %get3A_191 = tpu.vector_load %arg13[%get3A_190] {strides = array<i32>} : memref<2000xf32, #tpu.memory_space<vmem>>, vector<16xf32>,
      %add3A_192 = arith.addf %get3A_187, %get3A_191 : vector<16xf32>
      %swap3A = arith.index_cast %add3A_186 : i32 to index
      %swap3A_193 = tpu.vector_load %arg12[%swap3A] {strides = array<i32>} : memref<10000xf32, #tpu.memory_space<vmem>>, vector<16xf32>,
      tpu.vector_store %arg12[%swap3A], %add3A_192 {strides = array<i32>} : memref<10000xf32, #tpu.memory_space<vmem>>, vector<16xf32>,
    }
    %scan3A_53 = arith.constant 125 : i32
    %mul3A_54 = arith.constant 10000 : i32
    %mul3A_55 = arith.muli %arg0, %mul3A_54 : i32
    %add3A_56 = arith.constant 20000 : i32
    %add3A_57 = arith.addi %add3A_56, %mul3A_55 : i32
    %add3A_58 = arith.constant 8000 : i32
    %add3A_59 = arith.addi %add3A_57, %add3A_58 : i32
    "tpu.region"() ({
      %run_scoped3A = tpu.sem_alloc : memref<!tpu.dma_semaphore, #tpu.memory_space<semaphore_mem>>
      %dma_start3A = tpu.memref_slice %arg5[%add3A_59] : memref<40000xf32, #tpu.memory_space<hbm>> -> memref<2000xf32, #tpu.memory_space<hbm>>
      %dma_start3A_182 = tpu.memref_slice %arg5[%add3A_59] : memref<40000xf32, #tpu.memory_space<hbm>> -> memref<2000xf32, #tpu.memory_space<hbm>>
      tpu.enqueue_dma source(%dma_start3A_182 : memref<2000xf32, #tpu.memory_space<hbm>>) target(%arg13 : memref<2000xf32, #tpu.memory_space<vmem>>) target_semaphore(%run_scoped3A : memref<!tpu.dma_semaphore, #tpu.memory_space<semaphore_mem>>)
      %dma_wait3A = tpu.memref_slice %arg5[%add3A_59] : memref<40000xf32, #tpu.memory_space<hbm>> -> memref<2000xf32, #tpu.memory_space<hbm>>
      %dma_wait3A_183 = tpu.memref_slice %arg5[%add3A_59] : memref<40000xf32, #tpu.memory_space<hbm>> -> memref<2000xf32, #tpu.memory_space<hbm>>
      tpu.wait_dma2 semaphore(%run_scoped3A : memref<!tpu.dma_semaphore, #tpu.memory_space<semaphore_mem>>) src(%dma_wait3A_183 : memref<2000xf32, #tpu.memory_space<hbm>>) dst(%arg13 : memref<2000xf32, #tpu.memory_space<vmem>>)
      tpu.yield
    }) : () -> ()
    %scan3A_60 = arith.constant 0 : i32
    %scan3A_61 = arith.constant 0 : i32
    %scan3A_62 = arith.constant 125 : i32
    %scan3A_63 = arith.addi %scan3A_61, %scan3A_62 : i32
    %scan3A_64 = arith.constant 1 : i32
    scf.for %scan3A_182 = %scan3A_61 to %scan3A_63 step %scan3A_64  : i32 {
      %mul3A_183 = arith.constant 16 : i32
      %mul3A_184 = arith.muli %scan3A_182, %mul3A_183 : i32
      %add3A_185 = arith.constant 8000 : i32
      %add3A_186 = arith.addi %add3A_185, %mul3A_184 : i32
      %get3A = arith.index_cast %add3A_186 : i32 to index
      %get3A_187 = tpu.vector_load %arg12[%get3A] {strides = array<i32>} : memref<10000xf32, #tpu.memory_space<vmem>>, vector<16xf32>,
      %mul3A_188 = arith.constant 16 : i32
      %mul3A_189 = arith.muli %scan3A_182, %mul3A_188 : i32
      %get3A_190 = arith.index_cast %mul3A_189 : i32 to index
      %get3A_191 = tpu.vector_load %arg13[%get3A_190] {strides = array<i32>} : memref<2000xf32, #tpu.memory_space<vmem>>, vector<16xf32>,
      %add3A_192 = arith.addf %get3A_187, %get3A_191 : vector<16xf32>
      %swap3A = arith.index_cast %add3A_186 : i32 to index
      %swap3A_193 = tpu.vector_load %arg12[%swap3A] {strides = array<i32>} : memref<10000xf32, #tpu.memory_space<vmem>>, vector<16xf32>,
      tpu.vector_store %arg12[%swap3A], %add3A_192 {strides = array<i32>} : memref<10000xf32, #tpu.memory_space<vmem>>, vector<16xf32>,
    }
    %scan3A_65 = arith.constant 125 : i32
    %scan3A_66 = arith.constant 0 : i32
    %scan3A_67 = arith.constant 0 : i32
    %scan3A_68 = arith.constant 80 : i32
    %scan3A_69 = arith.addi %scan3A_67, %scan3A_68 : i32
    %scan3A_70 = arith.constant 1 : i32
    scf.for %scan3A_182 = %scan3A_67 to %scan3A_69 step %scan3A_70  : i32 {
      %broadcast_in_dim3A = arith.constant 0.000000e+00 : f32
      %broadcast_in_dim3A_183 = vector.broadcast %broadcast_in_dim3A : f32 to vector<16xf32>
      %swap3A = arith.index_cast %scan3A_182 : i32 to index
      %swap3A_184 = arith.constant 0 : index
      %swap3A_185 = tpu.vector_load %arg14[%swap3A, %swap3A_184] {strides = array<i32>} : memref<80x128xf32, #tpu.memory_space<vmem>>, vector<16xf32>,
      tpu.vector_store %arg14[%swap3A, %swap3A_184], %broadcast_in_dim3A_183 {strides = array<i32>} : memref<80x128xf32, #tpu.memory_space<vmem>>, vector<16xf32>,
      %broadcast_in_dim3A_186 = arith.constant 0.000000e+00 : f32
      %broadcast_in_dim3A_187 = vector.broadcast %broadcast_in_dim3A_186 : f32 to vector<16xf32>
      %swap3A_188 = arith.index_cast %scan3A_182 : i32 to index
      %swap3A_189 = arith.constant 16 : index
      %swap3A_190 = tpu.vector_load %arg14[%swap3A_188, %swap3A_189] {strides = array<i32>} : memref<80x128xf32, #tpu.memory_space<vmem>>, vector<16xf32>,
      tpu.vector_store %arg14[%swap3A_188, %swap3A_189], %broadcast_in_dim3A_187 {strides = array<i32>} : memref<80x128xf32, #tpu.memory_space<vmem>>, vector<16xf32>,
      %broadcast_in_dim3A_191 = arith.constant 0.000000e+00 : f32
      %broadcast_in_dim3A_192 = vector.broadcast %broadcast_in_dim3A_191 : f32 to vector<16xf32>
      %swap3A_193 = arith.index_cast %scan3A_182 : i32 to index
      %swap3A_194 = arith.constant 32 : index
      %swap3A_195 = tpu.vector_load %arg14[%swap3A_193, %swap3A_194] {strides = array<i32>} : memref<80x128xf32, #tpu.memory_space<vmem>>, vector<16xf32>,
      tpu.vector_store %arg14[%swap3A_193, %swap3A_194], %broadcast_in_dim3A_192 {strides = array<i32>} : memref<80x128xf32, #tpu.memory_space<vmem>>, vector<16xf32>,
      %broadcast_in_dim3A_196 = arith.constant 0.000000e+00 : f32
      %broadcast_in_dim3A_197 = vector.broadcast %broadcast_in_dim3A_196 : f32 to vector<16xf32>
      %swap3A_198 = arith.index_cast %scan3A_182 : i32 to index
      %swap3A_199 = arith.constant 48 : index
      %swap3A_200 = tpu.vector_load %arg14[%swap3A_198, %swap3A_199] {strides = array<i32>} : memref<80x128xf32, #tpu.memory_space<vmem>>, vector<16xf32>,
      tpu.vector_store %arg14[%swap3A_198, %swap3A_199], %broadcast_in_dim3A_197 {strides = array<i32>} : memref<80x128xf32, #tpu.memory_space<vmem>>, vector<16xf32>,
      %broadcast_in_dim3A_201 = arith.constant 0.000000e+00 : f32
      %broadcast_in_dim3A_202 = vector.broadcast %broadcast_in_dim3A_201 : f32 to vector<16xf32>
      %swap3A_203 = arith.index_cast %scan3A_182 : i32 to index
      %swap3A_204 = arith.constant 64 : index
      %swap3A_205 = tpu.vector_load %arg14[%swap3A_203, %swap3A_204] {strides = array<i32>} : memref<80x128xf32, #tpu.memory_space<vmem>>, vector<16xf32>,
      tpu.vector_store %arg14[%swap3A_203, %swap3A_204], %broadcast_in_dim3A_202 {strides = array<i32>} : memref<80x128xf32, #tpu.memory_space<vmem>>, vector<16xf32>,
      %broadcast_in_dim3A_206 = arith.constant 0.000000e+00 : f32
      %broadcast_in_dim3A_207 = vector.broadcast %broadcast_in_dim3A_206 : f32 to vector<16xf32>
      %swap3A_208 = arith.index_cast %scan3A_182 : i32 to index
      %swap3A_209 = arith.constant 80 : index
      %swap3A_210 = tpu.vector_load %arg14[%swap3A_208, %swap3A_209] {strides = array<i32>} : memref<80x128xf32, #tpu.memory_space<vmem>>, vector<16xf32>,
      tpu.vector_store %arg14[%swap3A_208, %swap3A_209], %broadcast_in_dim3A_207 {strides = array<i32>} : memref<80x128xf32, #tpu.memory_space<vmem>>, vector<16xf32>,
      %broadcast_in_dim3A_211 = arith.constant 0.000000e+00 : f32
      %broadcast_in_dim3A_212 = vector.broadcast %broadcast_in_dim3A_211 : f32 to vector<16xf32>
      %swap3A_213 = arith.index_cast %scan3A_182 : i32 to index
      %swap3A_214 = arith.constant 96 : index
      %swap3A_215 = tpu.vector_load %arg14[%swap3A_213, %swap3A_214] {strides = array<i32>} : memref<80x128xf32, #tpu.memory_space<vmem>>, vector<16xf32>,
      tpu.vector_store %arg14[%swap3A_213, %swap3A_214], %broadcast_in_dim3A_212 {strides = array<i32>} : memref<80x128xf32, #tpu.memory_space<vmem>>, vector<16xf32>,
      %broadcast_in_dim3A_216 = arith.constant 0.000000e+00 : f32
      %broadcast_in_dim3A_217 = vector.broadcast %broadcast_in_dim3A_216 : f32 to vector<16xf32>
      %swap3A_218 = arith.index_cast %scan3A_182 : i32 to index
      %swap3A_219 = arith.constant 112 : index
      %swap3A_220 = tpu.vector_load %arg14[%swap3A_218, %swap3A_219] {strides = array<i32>} : memref<80x128xf32, #tpu.memory_space<vmem>>, vector<16xf32>,
      tpu.vector_store %arg14[%swap3A_218, %swap3A_219], %broadcast_in_dim3A_217 {strides = array<i32>} : memref<80x128xf32, #tpu.memory_space<vmem>>, vector<16xf32>,
    }
    %scan3A_71 = arith.constant 80 : i32
    %mul3A_72 = arith.constant 624 : i32
    %mul3A_73 = arith.muli %arg1, %mul3A_72 : i32
    %add3A_74 = arith.constant 0 : i32
    %add3A_75 = arith.addi %mul3A_73, %add3A_74 : i32
    %min3A = arith.constant 9920 : i32
    %min3A_76 = arith.minsi %add3A_75, %min3A : i32
    "tpu.region"() ({
      %run_scoped3A = tpu.sem_alloc : memref<!tpu.dma_semaphore, #tpu.memory_space<semaphore_mem>>
      %dma_start3A = arith.constant 0 : i32
      %dma_start3A_182 = tpu.memref_slice %arg16[%min3A_76, %dma_start3A] : memref<10000x128xf32, #tpu.memory_space<vmem_shared>> -> memref<80x128xf32, #tpu.memory_space<vmem_shared>>
      %dma_start3A_183 = arith.constant 0 : i32
      %dma_start3A_184 = tpu.memref_slice %arg16[%min3A_76, %dma_start3A_183] : memref<10000x128xf32, #tpu.memory_space<vmem_shared>> -> memref<80x128xf32, #tpu.memory_space<vmem_shared>>
      tpu.enqueue_dma source(%arg14 : memref<80x128xf32, #tpu.memory_space<vmem>>) target(%dma_start3A_184 : memref<80x128xf32, #tpu.memory_space<vmem_shared>>) target_semaphore(%run_scoped3A : memref<!tpu.dma_semaphore, #tpu.memory_space<semaphore_mem>>)
      %dma_wait3A = arith.constant 0 : i32
      %dma_wait3A_185 = tpu.memref_slice %arg16[%min3A_76, %dma_wait3A] : memref<10000x128xf32, #tpu.memory_space<vmem_shared>> -> memref<80x128xf32, #tpu.memory_space<vmem_shared>>
      %dma_wait3A_186 = arith.constant 0 : i32
      %dma_wait3A_187 = tpu.memref_slice %arg16[%min3A_76, %dma_wait3A_186] : memref<10000x128xf32, #tpu.memory_space<vmem_shared>> -> memref<80x128xf32, #tpu.memory_space<vmem_shared>>
      tpu.wait_dma2 semaphore(%run_scoped3A : memref<!tpu.dma_semaphore, #tpu.memory_space<semaphore_mem>>) src(%arg14 : memref<80x128xf32, #tpu.memory_space<vmem>>) dst(%dma_wait3A_187 : memref<80x128xf32, #tpu.memory_space<vmem_shared>>)
      tpu.yield
    }) : () -> ()
    %mul3A_77 = arith.constant 624 : i32
    %mul3A_78 = arith.muli %arg1, %mul3A_77 : i32
    %add3A_79 = arith.constant 80 : i32
    %add3A_80 = arith.addi %mul3A_78, %add3A_79 : i32
    %min3A_81 = arith.constant 9920 : i32
    %min3A_82 = arith.minsi %add3A_80, %min3A_81 : i32
    "tpu.region"() ({
      %run_scoped3A = tpu.sem_alloc : memref<!tpu.dma_semaphore, #tpu.memory_space<semaphore_mem>>
      %dma_start3A = arith.constant 0 : i32
      %dma_start3A_182 = tpu.memref_slice %arg16[%min3A_82, %dma_start3A] : memref<10000x128xf32, #tpu.memory_space<vmem_shared>> -> memref<80x128xf32, #tpu.memory_space<vmem_shared>>
      %dma_start3A_183 = arith.constant 0 : i32
      %dma_start3A_184 = tpu.memref_slice %arg16[%min3A_82, %dma_start3A_183] : memref<10000x128xf32, #tpu.memory_space<vmem_shared>> -> memref<80x128xf32, #tpu.memory_space<vmem_shared>>
      tpu.enqueue_dma source(%arg14 : memref<80x128xf32, #tpu.memory_space<vmem>>) target(%dma_start3A_184 : memref<80x128xf32, #tpu.memory_space<vmem_shared>>) target_semaphore(%run_scoped3A : memref<!tpu.dma_semaphore, #tpu.memory_space<semaphore_mem>>)
      %dma_wait3A = arith.constant 0 : i32
      %dma_wait3A_185 = tpu.memref_slice %arg16[%min3A_82, %dma_wait3A] : memref<10000x128xf32, #tpu.memory_space<vmem_shared>> -> memref<80x128xf32, #tpu.memory_space<vmem_shared>>
      %dma_wait3A_186 = arith.constant 0 : i32
      %dma_wait3A_187 = tpu.memref_slice %arg16[%min3A_82, %dma_wait3A_186] : memref<10000x128xf32, #tpu.memory_space<vmem_shared>> -> memref<80x128xf32, #tpu.memory_space<vmem_shared>>
      tpu.wait_dma2 semaphore(%run_scoped3A : memref<!tpu.dma_semaphore, #tpu.memory_space<semaphore_mem>>) src(%arg14 : memref<80x128xf32, #tpu.memory_space<vmem>>) dst(%dma_wait3A_187 : memref<80x128xf32, #tpu.memory_space<vmem_shared>>)
      tpu.yield
    }) : () -> ()
    %mul3A_83 = arith.constant 624 : i32
    %mul3A_84 = arith.muli %arg1, %mul3A_83 : i32
    %add3A_85 = arith.constant 160 : i32
    %add3A_86 = arith.addi %mul3A_84, %add3A_85 : i32
    %min3A_87 = arith.constant 9920 : i32
    %min3A_88 = arith.minsi %add3A_86, %min3A_87 : i32
    "tpu.region"() ({
      %run_scoped3A = tpu.sem_alloc : memref<!tpu.dma_semaphore, #tpu.memory_space<semaphore_mem>>
      %dma_start3A = arith.constant 0 : i32
      %dma_start3A_182 = tpu.memref_slice %arg16[%min3A_88, %dma_start3A] : memref<10000x128xf32, #tpu.memory_space<vmem_shared>> -> memref<80x128xf32, #tpu.memory_space<vmem_shared>>
      %dma_start3A_183 = arith.constant 0 : i32
      %dma_start3A_184 = tpu.memref_slice %arg16[%min3A_88, %dma_start3A_183] : memref<10000x128xf32, #tpu.memory_space<vmem_shared>> -> memref<80x128xf32, #tpu.memory_space<vmem_shared>>
      tpu.enqueue_dma source(%arg14 : memref<80x128xf32, #tpu.memory_space<vmem>>) target(%dma_start3A_184 : memref<80x128xf32, #tpu.memory_space<vmem_shared>>) target_semaphore(%run_scoped3A : memref<!tpu.dma_semaphore, #tpu.memory_space<semaphore_mem>>)
      %dma_wait3A = arith.constant 0 : i32
      %dma_wait3A_185 = tpu.memref_slice %arg16[%min3A_88, %dma_wait3A] : memref<10000x128xf32, #tpu.memory_space<vmem_shared>> -> memref<80x128xf32, #tpu.memory_space<vmem_shared>>
      %dma_wait3A_186 = arith.constant 0 : i32
      %dma_wait3A_187 = tpu.memref_slice %arg16[%min3A_88, %dma_wait3A_186] : memref<10000x128xf32, #tpu.memory_space<vmem_shared>> -> memref<80x128xf32, #tpu.memory_space<vmem_shared>>
      tpu.wait_dma2 semaphore(%run_scoped3A : memref<!tpu.dma_semaphore, #tpu.memory_space<semaphore_mem>>) src(%arg14 : memref<80x128xf32, #tpu.memory_space<vmem>>) dst(%dma_wait3A_187 : memref<80x128xf32, #tpu.memory_space<vmem_shared>>)
      tpu.yield
    }) : () -> ()
    %mul3A_89 = arith.constant 624 : i32
    %mul3A_90 = arith.muli %arg1, %mul3A_89 : i32
    %add3A_91 = arith.constant 240 : i32
    %add3A_92 = arith.addi %mul3A_90, %add3A_91 : i32
    %min3A_93 = arith.constant 9920 : i32
    %min3A_94 = arith.minsi %add3A_92, %min3A_93 : i32
    "tpu.region"() ({
      %run_scoped3A = tpu.sem_alloc : memref<!tpu.dma_semaphore, #tpu.memory_space<semaphore_mem>>
      %dma_start3A = arith.constant 0 : i32
      %dma_start3A_182 = tpu.memref_slice %arg16[%min3A_94, %dma_start3A] : memref<10000x128xf32, #tpu.memory_space<vmem_shared>> -> memref<80x128xf32, #tpu.memory_space<vmem_shared>>
      %dma_start3A_183 = arith.constant 0 : i32
      %dma_start3A_184 = tpu.memref_slice %arg16[%min3A_94, %dma_start3A_183] : memref<10000x128xf32, #tpu.memory_space<vmem_shared>> -> memref<80x128xf32, #tpu.memory_space<vmem_shared>>
      tpu.enqueue_dma source(%arg14 : memref<80x128xf32, #tpu.memory_space<vmem>>) target(%dma_start3A_184 : memref<80x128xf32, #tpu.memory_space<vmem_shared>>) target_semaphore(%run_scoped3A : memref<!tpu.dma_semaphore, #tpu.memory_space<semaphore_mem>>)
      %dma_wait3A = arith.constant 0 : i32
      %dma_wait3A_185 = tpu.memref_slice %arg16[%min3A_94, %dma_wait3A] : memref<10000x128xf32, #tpu.memory_space<vmem_shared>> -> memref<80x128xf32, #tpu.memory_space<vmem_shared>>
      %dma_wait3A_186 = arith.constant 0 : i32
      %dma_wait3A_187 = tpu.memref_slice %arg16[%min3A_94, %dma_wait3A_186] : memref<10000x128xf32, #tpu.memory_space<vmem_shared>> -> memref<80x128xf32, #tpu.memory_space<vmem_shared>>
      tpu.wait_dma2 semaphore(%run_scoped3A : memref<!tpu.dma_semaphore, #tpu.memory_space<semaphore_mem>>) src(%arg14 : memref<80x128xf32, #tpu.memory_space<vmem>>) dst(%dma_wait3A_187 : memref<80x128xf32, #tpu.memory_space<vmem_shared>>)
      tpu.yield
    }) : () -> ()
    %mul3A_95 = arith.constant 624 : i32
    %mul3A_96 = arith.muli %arg1, %mul3A_95 : i32
    %add3A_97 = arith.constant 320 : i32
    %add3A_98 = arith.addi %mul3A_96, %add3A_97 : i32
    %min3A_99 = arith.constant 9920 : i32
    %min3A_100 = arith.minsi %add3A_98, %min3A_99 : i32
    "tpu.region"() ({
      %run_scoped3A = tpu.sem_alloc : memref<!tpu.dma_semaphore, #tpu.memory_space<semaphore_mem>>
      %dma_start3A = arith.constant 0 : i32
      %dma_start3A_182 = tpu.memref_slice %arg16[%min3A_100, %dma_start3A] : memref<10000x128xf32, #tpu.memory_space<vmem_shared>> -> memref<80x128xf32, #tpu.memory_space<vmem_shared>>
      %dma_start3A_183 = arith.constant 0 : i32
      %dma_start3A_184 = tpu.memref_slice %arg16[%min3A_100, %dma_start3A_183] : memref<10000x128xf32, #tpu.memory_space<vmem_shared>> -> memref<80x128xf32, #tpu.memory_space<vmem_shared>>
      tpu.enqueue_dma source(%arg14 : memref<80x128xf32, #tpu.memory_space<vmem>>) target(%dma_start3A_184 : memref<80x128xf32, #tpu.memory_space<vmem_shared>>) target_semaphore(%run_scoped3A : memref<!tpu.dma_semaphore, #tpu.memory_space<semaphore_mem>>)
      %dma_wait3A = arith.constant 0 : i32
      %dma_wait3A_185 = tpu.memref_slice %arg16[%min3A_100, %dma_wait3A] : memref<10000x128xf32, #tpu.memory_space<vmem_shared>> -> memref<80x128xf32, #tpu.memory_space<vmem_shared>>
      %dma_wait3A_186 = arith.constant 0 : i32
      %dma_wait3A_187 = tpu.memref_slice %arg16[%min3A_100, %dma_wait3A_186] : memref<10000x128xf32, #tpu.memory_space<vmem_shared>> -> memref<80x128xf32, #tpu.memory_space<vmem_shared>>
      tpu.wait_dma2 semaphore(%run_scoped3A : memref<!tpu.dma_semaphore, #tpu.memory_space<semaphore_mem>>) src(%arg14 : memref<80x128xf32, #tpu.memory_space<vmem>>) dst(%dma_wait3A_187 : memref<80x128xf32, #tpu.memory_space<vmem_shared>>)
      tpu.yield
    }) : () -> ()
    %mul3A_101 = arith.constant 624 : i32
    %mul3A_102 = arith.muli %arg1, %mul3A_101 : i32
    %add3A_103 = arith.constant 400 : i32
    %add3A_104 = arith.addi %mul3A_102, %add3A_103 : i32
    %min3A_105 = arith.constant 9920 : i32
    %min3A_106 = arith.minsi %add3A_104, %min3A_105 : i32
    "tpu.region"() ({
      %run_scoped3A = tpu.sem_alloc : memref<!tpu.dma_semaphore, #tpu.memory_space<semaphore_mem>>
      %dma_start3A = arith.constant 0 : i32
      %dma_start3A_182 = tpu.memref_slice %arg16[%min3A_106, %dma_start3A] : memref<10000x128xf32, #tpu.memory_space<vmem_shared>> -> memref<80x128xf32, #tpu.memory_space<vmem_shared>>
      %dma_start3A_183 = arith.constant 0 : i32
      %dma_start3A_184 = tpu.memref_slice %arg16[%min3A_106, %dma_start3A_183] : memref<10000x128xf32, #tpu.memory_space<vmem_shared>> -> memref<80x128xf32, #tpu.memory_space<vmem_shared>>
      tpu.enqueue_dma source(%arg14 : memref<80x128xf32, #tpu.memory_space<vmem>>) target(%dma_start3A_184 : memref<80x128xf32, #tpu.memory_space<vmem_shared>>) target_semaphore(%run_scoped3A : memref<!tpu.dma_semaphore, #tpu.memory_space<semaphore_mem>>)
      %dma_wait3A = arith.constant 0 : i32
      %dma_wait3A_185 = tpu.memref_slice %arg16[%min3A_106, %dma_wait3A] : memref<10000x128xf32, #tpu.memory_space<vmem_shared>> -> memref<80x128xf32, #tpu.memory_space<vmem_shared>>
      %dma_wait3A_186 = arith.constant 0 : i32
      %dma_wait3A_187 = tpu.memref_slice %arg16[%min3A_106, %dma_wait3A_186] : memref<10000x128xf32, #tpu.memory_space<vmem_shared>> -> memref<80x128xf32, #tpu.memory_space<vmem_shared>>
      tpu.wait_dma2 semaphore(%run_scoped3A : memref<!tpu.dma_semaphore, #tpu.memory_space<semaphore_mem>>) src(%arg14 : memref<80x128xf32, #tpu.memory_space<vmem>>) dst(%dma_wait3A_187 : memref<80x128xf32, #tpu.memory_space<vmem_shared>>)
      tpu.yield
    }) : () -> ()
    %mul3A_107 = arith.constant 624 : i32
    %mul3A_108 = arith.muli %arg1, %mul3A_107 : i32
    %add3A_109 = arith.constant 480 : i32
    %add3A_110 = arith.addi %mul3A_108, %add3A_109 : i32
    %min3A_111 = arith.constant 9920 : i32
    %min3A_112 = arith.minsi %add3A_110, %min3A_111 : i32
    "tpu.region"() ({
      %run_scoped3A = tpu.sem_alloc : memref<!tpu.dma_semaphore, #tpu.memory_space<semaphore_mem>>
      %dma_start3A = arith.constant 0 : i32
      %dma_start3A_182 = tpu.memref_slice %arg16[%min3A_112, %dma_start3A] : memref<10000x128xf32, #tpu.memory_space<vmem_shared>> -> memref<80x128xf32, #tpu.memory_space<vmem_shared>>
      %dma_start3A_183 = arith.constant 0 : i32
      %dma_start3A_184 = tpu.memref_slice %arg16[%min3A_112, %dma_start3A_183] : memref<10000x128xf32, #tpu.memory_space<vmem_shared>> -> memref<80x128xf32, #tpu.memory_space<vmem_shared>>
      tpu.enqueue_dma source(%arg14 : memref<80x128xf32, #tpu.memory_space<vmem>>) target(%dma_start3A_184 : memref<80x128xf32, #tpu.memory_space<vmem_shared>>) target_semaphore(%run_scoped3A : memref<!tpu.dma_semaphore, #tpu.memory_space<semaphore_mem>>)
      %dma_wait3A = arith.constant 0 : i32
      %dma_wait3A_185 = tpu.memref_slice %arg16[%min3A_112, %dma_wait3A] : memref<10000x128xf32, #tpu.memory_space<vmem_shared>> -> memref<80x128xf32, #tpu.memory_space<vmem_shared>>
      %dma_wait3A_186 = arith.constant 0 : i32
      %dma_wait3A_187 = tpu.memref_slice %arg16[%min3A_112, %dma_wait3A_186] : memref<10000x128xf32, #tpu.memory_space<vmem_shared>> -> memref<80x128xf32, #tpu.memory_space<vmem_shared>>
      tpu.wait_dma2 semaphore(%run_scoped3A : memref<!tpu.dma_semaphore, #tpu.memory_space<semaphore_mem>>) src(%arg14 : memref<80x128xf32, #tpu.memory_space<vmem>>) dst(%dma_wait3A_187 : memref<80x128xf32, #tpu.memory_space<vmem_shared>>)
      tpu.yield
    }) : () -> ()
    %mul3A_113 = arith.constant 624 : i32
    %mul3A_114 = arith.muli %arg1, %mul3A_113 : i32
    %add3A_115 = arith.constant 560 : i32
    %add3A_116 = arith.addi %mul3A_114, %add3A_115 : i32
    %min3A_117 = arith.constant 9920 : i32
    %min3A_118 = arith.minsi %add3A_116, %min3A_117 : i32
    "tpu.region"() ({
      %run_scoped3A = tpu.sem_alloc : memref<!tpu.dma_semaphore, #tpu.memory_space<semaphore_mem>>
      %dma_start3A = arith.constant 0 : i32
      %dma_start3A_182 = tpu.memref_slice %arg16[%min3A_118, %dma_start3A] : memref<10000x128xf32, #tpu.memory_space<vmem_shared>> -> memref<80x128xf32, #tpu.memory_space<vmem_shared>>
      %dma_start3A_183 = arith.constant 0 : i32
      %dma_start3A_184 = tpu.memref_slice %arg16[%min3A_118, %dma_start3A_183] : memref<10000x128xf32, #tpu.memory_space<vmem_shared>> -> memref<80x128xf32, #tpu.memory_space<vmem_shared>>
      tpu.enqueue_dma source(%arg14 : memref<80x128xf32, #tpu.memory_space<vmem>>) target(%dma_start3A_184 : memref<80x128xf32, #tpu.memory_space<vmem_shared>>) target_semaphore(%run_scoped3A : memref<!tpu.dma_semaphore, #tpu.memory_space<semaphore_mem>>)
      %dma_wait3A = arith.constant 0 : i32
      %dma_wait3A_185 = tpu.memref_slice %arg16[%min3A_118, %dma_wait3A] : memref<10000x128xf32, #tpu.memory_space<vmem_shared>> -> memref<80x128xf32, #tpu.memory_space<vmem_shared>>
      %dma_wait3A_186 = arith.constant 0 : i32
      %dma_wait3A_187 = tpu.memref_slice %arg16[%min3A_118, %dma_wait3A_186] : memref<10000x128xf32, #tpu.memory_space<vmem_shared>> -> memref<80x128xf32, #tpu.memory_space<vmem_shared>>
      tpu.wait_dma2 semaphore(%run_scoped3A : memref<!tpu.dma_semaphore, #tpu.memory_space<semaphore_mem>>) src(%arg14 : memref<80x128xf32, #tpu.memory_space<vmem>>) dst(%dma_wait3A_187 : memref<80x128xf32, #tpu.memory_space<vmem_shared>>)
      tpu.yield
    }) : () -> ()
    %barrier3A = arith.constant 0 : index
    tpu.barrier barrier_id(%barrier3A)
    %scan3A_119 = arith.constant 0 : i32
    %scan3A_120 = arith.constant 0 : i32
    %scan3A_121 = arith.constant 25 : i32
    %scan3A_122 = arith.addi %scan3A_120, %scan3A_121 : i32
    %scan3A_123 = arith.constant 1 : i32
    scf.for %scan3A_182 = %scan3A_120 to %scan3A_122 step %scan3A_123  : i32 {
      "tpu.region"() ({
        %run_scoped3A = tpu.sem_alloc : memref<!tpu.dma_semaphore, #tpu.memory_space<semaphore_mem>>
        %dma_start3A_204 = arith.constant 0 : i32
        %dma_start3A_205 = arith.constant 0 : i32
        %dma_start3A_206 = tpu.memref_slice %arg2[%arg1, %scan3A_182, %dma_start3A_204, %dma_start3A_205] : memref<16x25x10x80xi32, #tpu.memory_space<hbm>> -> memref<1x1x10x80xi32, #tpu.memory_space<hbm>>
        %dma_start3A_207 = tpu.memref_squeeze %dma_start3A_206 : memref<1x1x10x80xi32, #tpu.memory_space<hbm>> -> memref<10x80xi32, #tpu.memory_space<hbm>>
        %dma_start3A_208 = arith.constant 0 : i32
        %dma_start3A_209 = arith.constant 0 : i32
        %dma_start3A_210 = tpu.memref_slice %arg2[%arg1, %scan3A_182, %dma_start3A_208, %dma_start3A_209] : memref<16x25x10x80xi32, #tpu.memory_space<hbm>> -> memref<1x1x10x80xi32, #tpu.memory_space<hbm>>
        %dma_start3A_211 = tpu.memref_squeeze %dma_start3A_210 : memref<1x1x10x80xi32, #tpu.memory_space<hbm>> -> memref<10x80xi32, #tpu.memory_space<hbm>>
        tpu.enqueue_dma source(%dma_start3A_211 : memref<10x80xi32, #tpu.memory_space<hbm>>) target(%arg8 : memref<10x80xi32, #tpu.memory_space<vmem>>) target_semaphore(%run_scoped3A : memref<!tpu.dma_semaphore, #tpu.memory_space<semaphore_mem>>)
        %dma_wait3A = arith.constant 0 : i32
        %dma_wait3A_212 = arith.constant 0 : i32
        %dma_wait3A_213 = tpu.memref_slice %arg2[%arg1, %scan3A_182, %dma_wait3A, %dma_wait3A_212] : memref<16x25x10x80xi32, #tpu.memory_space<hbm>> -> memref<1x1x10x80xi32, #tpu.memory_space<hbm>>
        %dma_wait3A_214 = tpu.memref_squeeze %dma_wait3A_213 : memref<1x1x10x80xi32, #tpu.memory_space<hbm>> -> memref<10x80xi32, #tpu.memory_space<hbm>>
        %dma_wait3A_215 = arith.constant 0 : i32
        %dma_wait3A_216 = arith.constant 0 : i32
        %dma_wait3A_217 = tpu.memref_slice %arg2[%arg1, %scan3A_182, %dma_wait3A_215, %dma_wait3A_216] : memref<16x25x10x80xi32, #tpu.memory_space<hbm>> -> memref<1x1x10x80xi32, #tpu.memory_space<hbm>>
        %dma_wait3A_218 = tpu.memref_squeeze %dma_wait3A_217 : memref<1x1x10x80xi32, #tpu.memory_space<hbm>> -> memref<10x80xi32, #tpu.memory_space<hbm>>
        tpu.wait_dma2 semaphore(%run_scoped3A : memref<!tpu.dma_semaphore, #tpu.memory_space<semaphore_mem>>) src(%dma_wait3A_218 : memref<10x80xi32, #tpu.memory_space<hbm>>) dst(%arg8 : memref<10x80xi32, #tpu.memory_space<vmem>>)
        tpu.yield
      }) : () -> ()
      "tpu.region"() ({
        %run_scoped3A = tpu.sem_alloc : memref<!tpu.dma_semaphore, #tpu.memory_space<semaphore_mem>>
        %dma_start3A_204 = arith.constant 0 : i32
        %dma_start3A_205 = arith.constant 0 : i32
        %dma_start3A_206 = tpu.memref_slice %arg3[%arg1, %scan3A_182, %dma_start3A_204, %dma_start3A_205] : memref<16x25x10x80xi32, #tpu.memory_space<hbm>> -> memref<1x1x10x80xi32, #tpu.memory_space<hbm>>
        %dma_start3A_207 = tpu.memref_squeeze %dma_start3A_206 : memref<1x1x10x80xi32, #tpu.memory_space<hbm>> -> memref<10x80xi32, #tpu.memory_space<hbm>>
        %dma_start3A_208 = arith.constant 0 : i32
        %dma_start3A_209 = arith.constant 0 : i32
        %dma_start3A_210 = tpu.memref_slice %arg3[%arg1, %scan3A_182, %dma_start3A_208, %dma_start3A_209] : memref<16x25x10x80xi32, #tpu.memory_space<hbm>> -> memref<1x1x10x80xi32, #tpu.memory_space<hbm>>
        %dma_start3A_211 = tpu.memref_squeeze %dma_start3A_210 : memref<1x1x10x80xi32, #tpu.memory_space<hbm>> -> memref<10x80xi32, #tpu.memory_space<hbm>>
        tpu.enqueue_dma source(%dma_start3A_211 : memref<10x80xi32, #tpu.memory_space<hbm>>) target(%arg9 : memref<10x80xi32, #tpu.memory_space<vmem>>) target_semaphore(%run_scoped3A : memref<!tpu.dma_semaphore, #tpu.memory_space<semaphore_mem>>)
        %dma_wait3A = arith.constant 0 : i32
        %dma_wait3A_212 = arith.constant 0 : i32
        %dma_wait3A_213 = tpu.memref_slice %arg3[%arg1, %scan3A_182, %dma_wait3A, %dma_wait3A_212] : memref<16x25x10x80xi32, #tpu.memory_space<hbm>> -> memref<1x1x10x80xi32, #tpu.memory_space<hbm>>
        %dma_wait3A_214 = tpu.memref_squeeze %dma_wait3A_213 : memref<1x1x10x80xi32, #tpu.memory_space<hbm>> -> memref<10x80xi32, #tpu.memory_space<hbm>>
        %dma_wait3A_215 = arith.constant 0 : i32
        %dma_wait3A_216 = arith.constant 0 : i32
        %dma_wait3A_217 = tpu.memref_slice %arg3[%arg1, %scan3A_182, %dma_wait3A_215, %dma_wait3A_216] : memref<16x25x10x80xi32, #tpu.memory_space<hbm>> -> memref<1x1x10x80xi32, #tpu.memory_space<hbm>>
        %dma_wait3A_218 = tpu.memref_squeeze %dma_wait3A_217 : memref<1x1x10x80xi32, #tpu.memory_space<hbm>> -> memref<10x80xi32, #tpu.memory_space<hbm>>
        tpu.wait_dma2 semaphore(%run_scoped3A : memref<!tpu.dma_semaphore, #tpu.memory_space<semaphore_mem>>) src(%dma_wait3A_218 : memref<10x80xi32, #tpu.memory_space<hbm>>) dst(%arg9 : memref<10x80xi32, #tpu.memory_space<vmem>>)
        tpu.yield
      }) : () -> ()
      %mul3A_183 = arith.constant 800 : i32
      %mul3A_184 = arith.muli %scan3A_182, %mul3A_183 : i32
      %add3A_185 = arith.addi %add3A, %mul3A_184 : i32
      "tpu.region"() ({
        %run_scoped3A = tpu.sem_alloc : memref<!tpu.dma_semaphore, #tpu.memory_space<semaphore_mem>>
        %dma_start3A_204 = tpu.memref_slice %arg4[%add3A_185] : memref<640000xf32, #tpu.memory_space<hbm>> -> memref<800xf32, #tpu.memory_space<hbm>>
        %dma_start3A_205 = tpu.memref_slice %arg4[%add3A_185] : memref<640000xf32, #tpu.memory_space<hbm>> -> memref<800xf32, #tpu.memory_space<hbm>>
        tpu.enqueue_dma source(%dma_start3A_205 : memref<800xf32, #tpu.memory_space<hbm>>) target(%arg10 : memref<800xf32, #tpu.memory_space<vmem>>) target_semaphore(%run_scoped3A : memref<!tpu.dma_semaphore, #tpu.memory_space<semaphore_mem>>)
        %dma_wait3A = tpu.memref_slice %arg4[%add3A_185] : memref<640000xf32, #tpu.memory_space<hbm>> -> memref<800xf32, #tpu.memory_space<hbm>>
        %dma_wait3A_206 = tpu.memref_slice %arg4[%add3A_185] : memref<640000xf32, #tpu.memory_space<hbm>> -> memref<800xf32, #tpu.memory_space<hbm>>
        tpu.wait_dma2 semaphore(%run_scoped3A : memref<!tpu.dma_semaphore, #tpu.memory_space<semaphore_mem>>) src(%dma_wait3A_206 : memref<800xf32, #tpu.memory_space<hbm>>) dst(%arg10 : memref<800xf32, #tpu.memory_space<vmem>>)
        tpu.yield
      }) : () -> ()
      %scan3A_186 = arith.constant 0 : i32
      %scan3A_187 = arith.constant 0 : i32
      %scan3A_188 = arith.constant 50 : i32
      %scan3A_189 = arith.addi %scan3A_187, %scan3A_188 : i32
      %scan3A_190 = arith.constant 1 : i32
      scf.for %scan3A_204 = %scan3A_187 to %scan3A_189 step %scan3A_190  : i32 {
        %jit3A = arith.constant 5 : i32
        %div3A = arith.divsi %scan3A_204, %jit3A : i32
        %sign3A = arith.constant 0 : i32
        %sign3A_205 = arith.cmpi sgt, %scan3A_204, %sign3A : i32
        %sign3A_206 = arith.extui %sign3A_205 : i1 to i32
        %sign3A_207 = arith.constant 0 : i32
        %sign3A_208 = arith.cmpi slt, %scan3A_204, %sign3A_207 : i32
        %sign3A_209 = arith.extui %sign3A_208 : i1 to i32
        %sign3A_210 = arith.subi %sign3A_206, %sign3A_209 : i32
        %sign3A_211 = arith.constant 0 : i32
        %sign3A_212 = arith.cmpi sgt, %jit3A, %sign3A_211 : i32
        %sign3A_213 = arith.extui %sign3A_212 : i1 to i32
        %sign3A_214 = arith.constant 0 : i32
        %sign3A_215 = arith.cmpi slt, %jit3A, %sign3A_214 : i32
        %sign3A_216 = arith.extui %sign3A_215 : i1 to i32
        %sign3A_217 = arith.subi %sign3A_213, %sign3A_216 : i32
        %ne3A = arith.cmpi ne, %sign3A_210, %sign3A_217 : i32
        %rem3A = arith.remsi %scan3A_204, %jit3A : i32
        %ne3A_218 = arith.constant 0 : i32
        %ne3A_219 = arith.cmpi ne, %rem3A, %ne3A_218 : i32
        %and3A = arith.andi %ne3A, %ne3A_219 : i1
        %sub3A = arith.constant 1 : i32
        %sub3A_220 = arith.subi %div3A, %sub3A : i32
        %select_n3A = arith.select %and3A, %sub3A_220, %div3A : i32
        %jit3A_221 = arith.constant 5 : i32
        %eq3A = arith.constant 0 : i32
        %eq3A_222 = arith.cmpi eq, %jit3A_221, %eq3A : i32
        %jit3A_223 = arith.constant 1 : i32
        %select_n3A_224 = arith.select %eq3A_222, %jit3A_223, %jit3A_221 : i32
        %rem3A_225 = arith.remsi %scan3A_204, %select_n3A_224 : i32
        %ne3A_226 = arith.constant 0 : i32
        %ne3A_227 = arith.cmpi ne, %rem3A_225, %ne3A_226 : i32
        %lt3A = arith.constant 0 : i32
        %lt3A_228 = arith.cmpi slt, %rem3A_225, %lt3A : i32
        %lt3A_229 = arith.constant 0 : i32
        %lt3A_230 = arith.cmpi slt, %select_n3A_224, %lt3A_229 : i32
        %ne3A_231 = arith.xori %lt3A_228, %lt3A_230 : i1
        %and3A_232 = arith.andi %ne3A_231, %ne3A_227 : i1
        %add3A_233 = arith.addi %rem3A_225, %select_n3A_224 : i32
        %select_n3A_234 = arith.select %and3A_232, %add3A_233, %rem3A_225 : i32
        %mul3A_235 = arith.constant 16 : i32
        %mul3A_236 = arith.muli %select_n3A_234, %mul3A_235 : i32
        %get3A = arith.index_cast %select_n3A : i32 to index
        %get3A_237 = arith.index_cast %mul3A_236 : i32 to index
        %get3A_238 = tpu.vector_load %arg8[%get3A, %get3A_237] {strides = array<i32>} : memref<10x80xi32, #tpu.memory_space<vmem>>, vector<16xi32>,
        %add3A_239 = vector.broadcast %mul3A_0 : i32 to vector<16xi32>
        %add3A_240 = arith.addi %get3A_238, %add3A_239 : vector<16xi32>
        %swap3A = arith.index_cast %select_n3A : i32 to index
        %swap3A_241 = arith.index_cast %mul3A_236 : i32 to index
        %swap3A_242 = tpu.vector_load %arg8[%swap3A, %swap3A_241] {strides = array<i32>} : memref<10x80xi32, #tpu.memory_space<vmem>>, vector<16xi32>,
        tpu.vector_store %arg8[%swap3A, %swap3A_241], %add3A_240 {strides = array<i32>} : memref<10x80xi32, #tpu.memory_space<vmem>>, vector<16xi32>,
      }
      %scan3A_191 = arith.constant 50 : i32
      %dma_start3A = arith.constant 0 : i32
      %dma_start3A_192 = arith.constant 0 : i32
      %dma_start3A_193 = tpu.memref_slice %arg8[%dma_start3A, %dma_start3A_192] : memref<10x80xi32, #tpu.memory_space<vmem>> -> memref<1x80xi32, #tpu.memory_space<vmem>>
      %dma_start3A_194 = tpu.memref_squeeze %dma_start3A_193 : memref<1x80xi32, #tpu.memory_space<vmem>> -> memref<80xi32, #tpu.memory_space<vmem>>
      %dma_start3A_195 = arith.constant 0 : i32
      %dma_start3A_196 = arith.constant 0 : i32
      %dma_start3A_197 = tpu.memref_slice %arg6[%dma_start3A_195, %dma_start3A_196] : memref<20000x128xf32, #tpu.memory_space<hbm>> -> memref<20000x128xf32, #tpu.memory_space<hbm>>
      tpu.enqueue_indirect_dma source(%dma_start3A_197 : memref<20000x128xf32, #tpu.memory_space<hbm>>) target(%arg14 : memref<80x128xf32, #tpu.memory_space<vmem>>) offsets(%dma_start3A_194 : memref<80xi32, #tpu.memory_space<vmem>>) semaphore(%arg17 : memref<!tpu.dma_semaphore, #tpu.memory_space<semaphore_mem>>)
      %scan3A_198 = arith.constant 0 : i32
      %scan3A_199 = arith.constant 0 : i32
      %scan3A_200 = arith.constant 5 : i32
      %scan3A_201 = arith.addi %scan3A_199, %scan3A_200 : i32
      %scan3A_202 = arith.constant 1 : i32
      scf.for %scan3A_204 = %scan3A_199 to %scan3A_201 step %scan3A_202  : i32 {
        %mul3A_205 = arith.constant 2 : i32
        %mul3A_206 = arith.muli %mul3A_205, %scan3A_204 : i32
        %mul3A_207 = arith.constant 2 : i32
        %mul3A_208 = arith.muli %mul3A_207, %scan3A_204 : i32
        %add3A_209 = arith.constant 1 : i32
        %add3A_210 = arith.addi %mul3A_208, %add3A_209 : i32
        %dma_start3A_211 = arith.constant 0 : i32
        %dma_start3A_212 = tpu.memref_slice %arg8[%add3A_210, %dma_start3A_211] : memref<10x80xi32, #tpu.memory_space<vmem>> -> memref<1x80xi32, #tpu.memory_space<vmem>>
        %dma_start3A_213 = tpu.memref_squeeze %dma_start3A_212 : memref<1x80xi32, #tpu.memory_space<vmem>> -> memref<80xi32, #tpu.memory_space<vmem>>
        %dma_start3A_214 = arith.constant 0 : i32
        %dma_start3A_215 = arith.constant 0 : i32
        %dma_start3A_216 = tpu.memref_slice %arg6[%dma_start3A_214, %dma_start3A_215] : memref<20000x128xf32, #tpu.memory_space<hbm>> -> memref<20000x128xf32, #tpu.memory_space<hbm>>
        tpu.enqueue_indirect_dma source(%dma_start3A_216 : memref<20000x128xf32, #tpu.memory_space<hbm>>) target(%arg15 : memref<80x128xf32, #tpu.memory_space<vmem>>) offsets(%dma_start3A_213 : memref<80xi32, #tpu.memory_space<vmem>>) semaphore(%arg18 : memref<!tpu.dma_semaphore, #tpu.memory_space<semaphore_mem>>)
        %dma_wait3A = arith.constant 0 : i32
        %dma_wait3A_217 = tpu.memref_slice %arg8[%mul3A_206, %dma_wait3A] : memref<10x80xi32, #tpu.memory_space<vmem>> -> memref<1x80xi32, #tpu.memory_space<vmem>>
        %dma_wait3A_218 = tpu.memref_squeeze %dma_wait3A_217 : memref<1x80xi32, #tpu.memory_space<vmem>> -> memref<80xi32, #tpu.memory_space<vmem>>
        %dma_wait3A_219 = arith.constant 0 : i32
        %dma_wait3A_220 = arith.constant 0 : i32
        %dma_wait3A_221 = tpu.memref_slice %arg6[%dma_wait3A_219, %dma_wait3A_220] : memref<20000x128xf32, #tpu.memory_space<hbm>> -> memref<20000x128xf32, #tpu.memory_space<hbm>>
        tpu.wait_indirect_dma semaphore(%arg17 : memref<!tpu.dma_semaphore, #tpu.memory_space<semaphore_mem>>) src(%dma_wait3A_221 : memref<20000x128xf32, #tpu.memory_space<hbm>>) dst(%arg14 : memref<80x128xf32, #tpu.memory_space<vmem>>)
        %get3A = arith.index_cast %mul3A_206 : i32 to index
        %get3A_222 = arith.constant 0 : index
        %get3A_223 = tpu.vector_load %arg9[%get3A, %get3A_222] {strides = array<i32>} : memref<10x80xi32, #tpu.memory_space<vmem>>, vector<16xi32>,
        %gather3A = tpu.vector_load_idx %arg12[%get3A_223] : memref<10000xf32, #tpu.memory_space<vmem>>[vector<16xi32>], vector<16xf32>,
        %mul3A_224 = arith.constant 80 : i32
        %mul3A_225 = arith.muli %mul3A_206, %mul3A_224 : i32
        %add3A_226 = arith.constant 0 : i32
        %add3A_227 = arith.addi %mul3A_225, %add3A_226 : i32
        %get3A_228 = arith.index_cast %add3A_227 : i32 to index
        %get3A_229 = tpu.vector_load %arg10[%get3A_228] {strides = array<i32>} : memref<800xf32, #tpu.memory_space<vmem>>, vector<16xf32>,
        %add3A_230 = arith.constant 9.99999971E-10 : f32
        %add3A_231 = vector.broadcast %add3A_230 : f32 to vector<16xf32>
        %add3A_232 = arith.addf %gather3A, %add3A_231 : vector<16xf32>
        %div3A = arith.divf %get3A_229, %add3A_232 : vector<16xf32>
        %swap3A = arith.constant 0 : index
        %swap3A_233 = tpu.vector_load %arg11[%swap3A] {strides = array<i32>} : memref<80xf32, #tpu.memory_space<vmem>>, vector<16xf32>,
        tpu.vector_store %arg11[%swap3A], %div3A {strides = array<i32>} : memref<80xf32, #tpu.memory_space<vmem>>, vector<16xf32>,
        %get3A_234 = arith.index_cast %mul3A_206 : i32 to index
        %get3A_235 = arith.constant 16 : index
        %get3A_236 = tpu.vector_load %arg9[%get3A_234, %get3A_235] {strides = array<i32>} : memref<10x80xi32, #tpu.memory_space<vmem>>, vector<16xi32>,
        %gather3A_237 = tpu.vector_load_idx %arg12[%get3A_236] : memref<10000xf32, #tpu.memory_space<vmem>>[vector<16xi32>], vector<16xf32>,
        %mul3A_238 = arith.constant 80 : i32
        %mul3A_239 = arith.muli %mul3A_206, %mul3A_238 : i32
        %add3A_240 = arith.constant 16 : i32
        %add3A_241 = arith.addi %mul3A_239, %add3A_240 : i32
        %get3A_242 = arith.index_cast %add3A_241 : i32 to index
        %get3A_243 = tpu.vector_load %arg10[%get3A_242] {strides = array<i32>} : memref<800xf32, #tpu.memory_space<vmem>>, vector<16xf32>,
        %add3A_244 = arith.constant 9.99999971E-10 : f32
        %add3A_245 = vector.broadcast %add3A_244 : f32 to vector<16xf32>
        %add3A_246 = arith.addf %gather3A_237, %add3A_245 : vector<16xf32>
        %div3A_247 = arith.divf %get3A_243, %add3A_246 : vector<16xf32>
        %swap3A_248 = arith.constant 16 : index
        %swap3A_249 = tpu.vector_load %arg11[%swap3A_248] {strides = array<i32>} : memref<80xf32, #tpu.memory_space<vmem>>, vector<16xf32>,
        tpu.vector_store %arg11[%swap3A_248], %div3A_247 {strides = array<i32>} : memref<80xf32, #tpu.memory_space<vmem>>, vector<16xf32>,
        %get3A_250 = arith.index_cast %mul3A_206 : i32 to index
        %get3A_251 = arith.constant 32 : index
        %get3A_252 = tpu.vector_load %arg9[%get3A_250, %get3A_251] {strides = array<i32>} : memref<10x80xi32, #tpu.memory_space<vmem>>, vector<16xi32>,
        %gather3A_253 = tpu.vector_load_idx %arg12[%get3A_252] : memref<10000xf32, #tpu.memory_space<vmem>>[vector<16xi32>], vector<16xf32>,
        %mul3A_254 = arith.constant 80 : i32
        %mul3A_255 = arith.muli %mul3A_206, %mul3A_254 : i32
        %add3A_256 = arith.constant 32 : i32
        %add3A_257 = arith.addi %mul3A_255, %add3A_256 : i32
        %get3A_258 = arith.index_cast %add3A_257 : i32 to index
        %get3A_259 = tpu.vector_load %arg10[%get3A_258] {strides = array<i32>} : memref<800xf32, #tpu.memory_space<vmem>>, vector<16xf32>,
        %add3A_260 = arith.constant 9.99999971E-10 : f32
        %add3A_261 = vector.broadcast %add3A_260 : f32 to vector<16xf32>
        %add3A_262 = arith.addf %gather3A_253, %add3A_261 : vector<16xf32>
        %div3A_263 = arith.divf %get3A_259, %add3A_262 : vector<16xf32>
        %swap3A_264 = arith.constant 32 : index
        %swap3A_265 = tpu.vector_load %arg11[%swap3A_264] {strides = array<i32>} : memref<80xf32, #tpu.memory_space<vmem>>, vector<16xf32>,
        tpu.vector_store %arg11[%swap3A_264], %div3A_263 {strides = array<i32>} : memref<80xf32, #tpu.memory_space<vmem>>, vector<16xf32>,
        %get3A_266 = arith.index_cast %mul3A_206 : i32 to index
        %get3A_267 = arith.constant 48 : index
        %get3A_268 = tpu.vector_load %arg9[%get3A_266, %get3A_267] {strides = array<i32>} : memref<10x80xi32, #tpu.memory_space<vmem>>, vector<16xi32>,
        %gather3A_269 = tpu.vector_load_idx %arg12[%get3A_268] : memref<10000xf32, #tpu.memory_space<vmem>>[vector<16xi32>], vector<16xf32>,
        %mul3A_270 = arith.constant 80 : i32
        %mul3A_271 = arith.muli %mul3A_206, %mul3A_270 : i32
        %add3A_272 = arith.constant 48 : i32
        %add3A_273 = arith.addi %mul3A_271, %add3A_272 : i32
        %get3A_274 = arith.index_cast %add3A_273 : i32 to index
        %get3A_275 = tpu.vector_load %arg10[%get3A_274] {strides = array<i32>} : memref<800xf32, #tpu.memory_space<vmem>>, vector<16xf32>,
        %add3A_276 = arith.constant 9.99999971E-10 : f32
        %add3A_277 = vector.broadcast %add3A_276 : f32 to vector<16xf32>
        %add3A_278 = arith.addf %gather3A_269, %add3A_277 : vector<16xf32>
        %div3A_279 = arith.divf %get3A_275, %add3A_278 : vector<16xf32>
        %swap3A_280 = arith.constant 48 : index
        %swap3A_281 = tpu.vector_load %arg11[%swap3A_280] {strides = array<i32>} : memref<80xf32, #tpu.memory_space<vmem>>, vector<16xf32>,
        tpu.vector_store %arg11[%swap3A_280], %div3A_279 {strides = array<i32>} : memref<80xf32, #tpu.memory_space<vmem>>, vector<16xf32>,
        %get3A_282 = arith.index_cast %mul3A_206 : i32 to index
        %get3A_283 = arith.constant 64 : index
        %get3A_284 = tpu.vector_load %arg9[%get3A_282, %get3A_283] {strides = array<i32>} : memref<10x80xi32, #tpu.memory_space<vmem>>, vector<16xi32>,
        %gather3A_285 = tpu.vector_load_idx %arg12[%get3A_284] : memref<10000xf32, #tpu.memory_space<vmem>>[vector<16xi32>], vector<16xf32>,
        %mul3A_286 = arith.constant 80 : i32
        %mul3A_287 = arith.muli %mul3A_206, %mul3A_286 : i32
        %add3A_288 = arith.constant 64 : i32
        %add3A_289 = arith.addi %mul3A_287, %add3A_288 : i32
        %get3A_290 = arith.index_cast %add3A_289 : i32 to index
        %get3A_291 = tpu.vector_load %arg10[%get3A_290] {strides = array<i32>} : memref<800xf32, #tpu.memory_space<vmem>>, vector<16xf32>,
        %add3A_292 = arith.constant 9.99999971E-10 : f32
        %add3A_293 = vector.broadcast %add3A_292 : f32 to vector<16xf32>
        %add3A_294 = arith.addf %gather3A_285, %add3A_293 : vector<16xf32>
        %div3A_295 = arith.divf %get3A_291, %add3A_294 : vector<16xf32>
        %swap3A_296 = arith.constant 64 : index
        %swap3A_297 = tpu.vector_load %arg11[%swap3A_296] {strides = array<i32>} : memref<80xf32, #tpu.memory_space<vmem>>, vector<16xf32>,
        tpu.vector_store %arg11[%swap3A_296], %div3A_295 {strides = array<i32>} : memref<80xf32, #tpu.memory_space<vmem>>, vector<16xf32>,
        %scan3A_298 = arith.constant 0 : i32
        %scan3A_299 = arith.constant 0 : i32
        %scan3A_300 = arith.constant 5 : i32
        %scan3A_301 = arith.addi %scan3A_299, %scan3A_300 : i32
        %scan3A_302 = arith.constant 1 : i32
        scf.for %scan3A_400 = %scan3A_299 to %scan3A_301 step %scan3A_302  : i32 {
          %mul3A_401 = arith.constant 16 : i32
          %mul3A_402 = arith.muli %scan3A_400, %mul3A_401 : i32
          %get3A_403 = arith.index_cast %mul3A_402 : i32 to index
          %get3A_404 = tpu.vector_load %arg11[%get3A_403] {strides = array<i32>} : memref<80xf32, #tpu.memory_space<vmem>>, vector<16xf32>,
          %slice3A = vector.extract_strided_slice %get3A_404 {offsets = [0], sizes = [1], strides = [1]} : vector<16xf32> to vector<1xf32>
          %squeeze3A = vector.extract %slice3A[0] : f32 from vector<1xf32>
          %broadcast_in_dim3A = vector.broadcast %squeeze3A : f32 to vector<16xf32>
          %mul3A_405 = arith.constant 16 : i32
          %mul3A_406 = arith.muli %scan3A_400, %mul3A_405 : i32
          %add3A_407 = arith.constant 0 : i32
          %add3A_408 = arith.addi %mul3A_406, %add3A_407 : i32
          %get3A_409 = arith.index_cast %add3A_408 : i32 to index
          %get3A_410 = arith.constant 0 : index
          %get3A_411 = tpu.vector_load %arg14[%get3A_409, %get3A_410] {strides = array<i32>} : memref<80x128xf32, #tpu.memory_space<vmem>>, vector<16xf32>,
          %mul3A_412 = arith.mulf %get3A_411, %broadcast_in_dim3A : vector<16xf32>
          %swap3A_413 = arith.index_cast %add3A_408 : i32 to index
          %swap3A_414 = arith.constant 0 : index
          %swap3A_415 = tpu.vector_load %arg14[%swap3A_413, %swap3A_414] {strides = array<i32>} : memref<80x128xf32, #tpu.memory_space<vmem>>, vector<16xf32>,
          tpu.vector_store %arg14[%swap3A_413, %swap3A_414], %mul3A_412 {strides = array<i32>} : memref<80x128xf32, #tpu.memory_space<vmem>>, vector<16xf32>,
          %get3A_416 = arith.index_cast %add3A_408 : i32 to index
          %get3A_417 = arith.constant 16 : index
          %get3A_418 = tpu.vector_load %arg14[%get3A_416, %get3A_417] {strides = array<i32>} : memref<80x128xf32, #tpu.memory_space<vmem>>, vector<16xf32>,
          %mul3A_419 = arith.mulf %get3A_418, %broadcast_in_dim3A : vector<16xf32>
          %swap3A_420 = arith.index_cast %add3A_408 : i32 to index
          %swap3A_421 = arith.constant 16 : index
          %swap3A_422 = tpu.vector_load %arg14[%swap3A_420, %swap3A_421] {strides = array<i32>} : memref<80x128xf32, #tpu.memory_space<vmem>>, vector<16xf32>,
          tpu.vector_store %arg14[%swap3A_420, %swap3A_421], %mul3A_419 {strides = array<i32>} : memref<80x128xf32, #tpu.memory_space<vmem>>, vector<16xf32>,
          %get3A_423 = arith.index_cast %add3A_408 : i32 to index
          %get3A_424 = arith.constant 32 : index
          %get3A_425 = tpu.vector_load %arg14[%get3A_423, %get3A_424] {strides = array<i32>} : memref<80x128xf32, #tpu.memory_space<vmem>>, vector<16xf32>,
          %mul3A_426 = arith.mulf %get3A_425, %broadcast_in_dim3A : vector<16xf32>
          %swap3A_427 = arith.index_cast %add3A_408 : i32 to index
          %swap3A_428 = arith.constant 32 : index
          %swap3A_429 = tpu.vector_load %arg14[%swap3A_427, %swap3A_428] {strides = array<i32>} : memref<80x128xf32, #tpu.memory_space<vmem>>, vector<16xf32>,
          tpu.vector_store %arg14[%swap3A_427, %swap3A_428], %mul3A_426 {strides = array<i32>} : memref<80x128xf32, #tpu.memory_space<vmem>>, vector<16xf32>,
          %get3A_430 = arith.index_cast %add3A_408 : i32 to index
          %get3A_431 = arith.constant 48 : index
          %get3A_432 = tpu.vector_load %arg14[%get3A_430, %get3A_431] {strides = array<i32>} : memref<80x128xf32, #tpu.memory_space<vmem>>, vector<16xf32>,
          %mul3A_433 = arith.mulf %get3A_432, %broadcast_in_dim3A : vector<16xf32>
          %swap3A_434 = arith.index_cast %add3A_408 : i32 to index
          %swap3A_435 = arith.constant 48 : index
          %swap3A_436 = tpu.vector_load %arg14[%swap3A_434, %swap3A_435] {strides = array<i32>} : memref<80x128xf32, #tpu.memory_space<vmem>>, vector<16xf32>,
          tpu.vector_store %arg14[%swap3A_434, %swap3A_435], %mul3A_433 {strides = array<i32>} : memref<80x128xf32, #tpu.memory_space<vmem>>, vector<16xf32>,
          %get3A_437 = arith.index_cast %add3A_408 : i32 to index
          %get3A_438 = arith.constant 64 : index
          %get3A_439 = tpu.vector_load %arg14[%get3A_437, %get3A_438] {strides = array<i32>} : memref<80x128xf32, #tpu.memory_space<vmem>>, vector<16xf32>,
          %mul3A_440 = arith.mulf %get3A_439, %broadcast_in_dim3A : vector<16xf32>
          %swap3A_441 = arith.index_cast %add3A_408 : i32 to index
          %swap3A_442 = arith.constant 64 : index
          %swap3A_443 = tpu.vector_load %arg14[%swap3A_441, %swap3A_442] {strides = array<i32>} : memref<80x128xf32, #tpu.memory_space<vmem>>, vector<16xf32>,
          tpu.vector_store %arg14[%swap3A_441, %swap3A_442], %mul3A_440 {strides = array<i32>} : memref<80x128xf32, #tpu.memory_space<vmem>>, vector<16xf32>,
          %get3A_444 = arith.index_cast %add3A_408 : i32 to index
          %get3A_445 = arith.constant 80 : index
          %get3A_446 = tpu.vector_load %arg14[%get3A_444, %get3A_445] {strides = array<i32>} : memref<80x128xf32, #tpu.memory_space<vmem>>, vector<16xf32>,
          %mul3A_447 = arith.mulf %get3A_446, %broadcast_in_dim3A : vector<16xf32>
          %swap3A_448 = arith.index_cast %add3A_408 : i32 to index
          %swap3A_449 = arith.constant 80 : index
          %swap3A_450 = tpu.vector_load %arg14[%swap3A_448, %swap3A_449] {strides = array<i32>} : memref<80x128xf32, #tpu.memory_space<vmem>>, vector<16xf32>,
          tpu.vector_store %arg14[%swap3A_448, %swap3A_449], %mul3A_447 {strides = array<i32>} : memref<80x128xf32, #tpu.memory_space<vmem>>, vector<16xf32>,
          %get3A_451 = arith.index_cast %add3A_408 : i32 to index
          %get3A_452 = arith.constant 96 : index
          %get3A_453 = tpu.vector_load %arg14[%get3A_451, %get3A_452] {strides = array<i32>} : memref<80x128xf32, #tpu.memory_space<vmem>>, vector<16xf32>,
          %mul3A_454 = arith.mulf %get3A_453, %broadcast_in_dim3A : vector<16xf32>
          %swap3A_455 = arith.index_cast %add3A_408 : i32 to index
          %swap3A_456 = arith.constant 96 : index
          %swap3A_457 = tpu.vector_load %arg14[%swap3A_455, %swap3A_456] {strides = array<i32>} : memref<80x128xf32, #tpu.memory_space<vmem>>, vector<16xf32>,
          tpu.vector_store %arg14[%swap3A_455, %swap3A_456], %mul3A_454 {strides = array<i32>} : memref<80x128xf32, #tpu.memory_space<vmem>>, vector<16xf32>,
          %get3A_458 = arith.index_cast %add3A_408 : i32 to index
          %get3A_459 = arith.constant 112 : index
          %get3A_460 = tpu.vector_load %arg14[%get3A_458, %get3A_459] {strides = array<i32>} : memref<80x128xf32, #tpu.memory_space<vmem>>, vector<16xf32>,
          %mul3A_461 = arith.mulf %get3A_460, %broadcast_in_dim3A : vector<16xf32>
          %swap3A_462 = arith.index_cast %add3A_408 : i32 to index
          %swap3A_463 = arith.constant 112 : index
          %swap3A_464 = tpu.vector_load %arg14[%swap3A_462, %swap3A_463] {strides = array<i32>} : memref<80x128xf32, #tpu.memory_space<vmem>>, vector<16xf32>,
          tpu.vector_store %arg14[%swap3A_462, %swap3A_463], %mul3A_461 {strides = array<i32>} : memref<80x128xf32, #tpu.memory_space<vmem>>, vector<16xf32>,
          %slice3A_465 = vector.extract_strided_slice %get3A_404 {offsets = [1], sizes = [1], strides = [1]} : vector<16xf32> to vector<1xf32>
          %squeeze3A_466 = vector.extract %slice3A_465[0] : f32 from vector<1xf32>
          %broadcast_in_dim3A_467 = vector.broadcast %squeeze3A_466 : f32 to vector<16xf32>
          %mul3A_468 = arith.constant 16 : i32
          %mul3A_469 = arith.muli %scan3A_400, %mul3A_468 : i32
          %add3A_470 = arith.constant 1 : i32
          %add3A_471 = arith.addi %mul3A_469, %add3A_470 : i32
          %get3A_472 = arith.index_cast %add3A_471 : i32 to index
          %get3A_473 = arith.constant 0 : index
          %get3A_474 = tpu.vector_load %arg14[%get3A_472, %get3A_473] {strides = array<i32>} : memref<80x128xf32, #tpu.memory_space<vmem>>, vector<16xf32>,
          %mul3A_475 = arith.mulf %get3A_474, %broadcast_in_dim3A_467 : vector<16xf32>
          %swap3A_476 = arith.index_cast %add3A_471 : i32 to index
          %swap3A_477 = arith.constant 0 : index
          %swap3A_478 = tpu.vector_load %arg14[%swap3A_476, %swap3A_477] {strides = array<i32>} : memref<80x128xf32, #tpu.memory_space<vmem>>, vector<16xf32>,
          tpu.vector_store %arg14[%swap3A_476, %swap3A_477], %mul3A_475 {strides = array<i32>} : memref<80x128xf32, #tpu.memory_space<vmem>>, vector<16xf32>,
          %get3A_479 = arith.index_cast %add3A_471 : i32 to index
          %get3A_480 = arith.constant 16 : index
          %get3A_481 = tpu.vector_load %arg14[%get3A_479, %get3A_480] {strides = array<i32>} : memref<80x128xf32, #tpu.memory_space<vmem>>, vector<16xf32>,
          %mul3A_482 = arith.mulf %get3A_481, %broadcast_in_dim3A_467 : vector<16xf32>
          %swap3A_483 = arith.index_cast %add3A_471 : i32 to index
          %swap3A_484 = arith.constant 16 : index
          %swap3A_485 = tpu.vector_load %arg14[%swap3A_483, %swap3A_484] {strides = array<i32>} : memref<80x128xf32, #tpu.memory_space<vmem>>, vector<16xf32>,
          tpu.vector_store %arg14[%swap3A_483, %swap3A_484], %mul3A_482 {strides = array<i32>} : memref<80x128xf32, #tpu.memory_space<vmem>>, vector<16xf32>,
          %get3A_486 = arith.index_cast %add3A_471 : i32 to index
          %get3A_487 = arith.constant 32 : index
          %get3A_488 = tpu.vector_load %arg14[%get3A_486, %get3A_487] {strides = array<i32>} : memref<80x128xf32, #tpu.memory_space<vmem>>, vector<16xf32>,
          %mul3A_489 = arith.mulf %get3A_488, %broadcast_in_dim3A_467 : vector<16xf32>
          %swap3A_490 = arith.index_cast %add3A_471 : i32 to index
          %swap3A_491 = arith.constant 32 : index
          %swap3A_492 = tpu.vector_load %arg14[%swap3A_490, %swap3A_491] {strides = array<i32>} : memref<80x128xf32, #tpu.memory_space<vmem>>, vector<16xf32>,
          tpu.vector_store %arg14[%swap3A_490, %swap3A_491], %mul3A_489 {strides = array<i32>} : memref<80x128xf32, #tpu.memory_space<vmem>>, vector<16xf32>,
          %get3A_493 = arith.index_cast %add3A_471 : i32 to index
          %get3A_494 = arith.constant 48 : index
          %get3A_495 = tpu.vector_load %arg14[%get3A_493, %get3A_494] {strides = array<i32>} : memref<80x128xf32, #tpu.memory_space<vmem>>, vector<16xf32>,
          %mul3A_496 = arith.mulf %get3A_495, %broadcast_in_dim3A_467 : vector<16xf32>
          %swap3A_497 = arith.index_cast %add3A_471 : i32 to index
          %swap3A_498 = arith.constant 48 : index
          %swap3A_499 = tpu.vector_load %arg14[%swap3A_497, %swap3A_498] {strides = array<i32>} : memref<80x128xf32, #tpu.memory_space<vmem>>, vector<16xf32>,
          tpu.vector_store %arg14[%swap3A_497, %swap3A_498], %mul3A_496 {strides = array<i32>} : memref<80x128xf32, #tpu.memory_space<vmem>>, vector<16xf32>,
          %get3A_500 = arith.index_cast %add3A_471 : i32 to index
          %get3A_501 = arith.constant 64 : index
          %get3A_502 = tpu.vector_load %arg14[%get3A_500, %get3A_501] {strides = array<i32>} : memref<80x128xf32, #tpu.memory_space<vmem>>, vector<16xf32>,
          %mul3A_503 = arith.mulf %get3A_502, %broadcast_in_dim3A_467 : vector<16xf32>
          %swap3A_504 = arith.index_cast %add3A_471 : i32 to index
          %swap3A_505 = arith.constant 64 : index
          %swap3A_506 = tpu.vector_load %arg14[%swap3A_504, %swap3A_505] {strides = array<i32>} : memref<80x128xf32, #tpu.memory_space<vmem>>, vector<16xf32>,
          tpu.vector_store %arg14[%swap3A_504, %swap3A_505], %mul3A_503 {strides = array<i32>} : memref<80x128xf32, #tpu.memory_space<vmem>>, vector<16xf32>,
          %get3A_507 = arith.index_cast %add3A_471 : i32 to index
          %get3A_508 = arith.constant 80 : index
          %get3A_509 = tpu.vector_load %arg14[%get3A_507, %get3A_508] {strides = array<i32>} : memref<80x128xf32, #tpu.memory_space<vmem>>, vector<16xf32>,
          %mul3A_510 = arith.mulf %get3A_509, %broadcast_in_dim3A_467 : vector<16xf32>
          %swap3A_511 = arith.index_cast %add3A_471 : i32 to index
          %swap3A_512 = arith.constant 80 : index
          %swap3A_513 = tpu.vector_load %arg14[%swap3A_511, %swap3A_512] {strides = array<i32>} : memref<80x128xf32, #tpu.memory_space<vmem>>, vector<16xf32>,
          tpu.vector_store %arg14[%swap3A_511, %swap3A_512], %mul3A_510 {strides = array<i32>} : memref<80x128xf32, #tpu.memory_space<vmem>>, vector<16xf32>,
          %get3A_514 = arith.index_cast %add3A_471 : i32 to index
          %get3A_515 = arith.constant 96 : index
          %get3A_516 = tpu.vector_load %arg14[%get3A_514, %get3A_515] {strides = array<i32>} : memref<80x128xf32, #tpu.memory_space<vmem>>, vector<16xf32>,
          %mul3A_517 = arith.mulf %get3A_516, %broadcast_in_dim3A_467 : vector<16xf32>
          %swap3A_518 = arith.index_cast %add3A_471 : i32 to index
          %swap3A_519 = arith.constant 96 : index
          %swap3A_520 = tpu.vector_load %arg14[%swap3A_518, %swap3A_519] {strides = array<i32>} : memref<80x128xf32, #tpu.memory_space<vmem>>, vector<16xf32>,
          tpu.vector_store %arg14[%swap3A_518, %swap3A_519], %mul3A_517 {strides = array<i32>} : memref<80x128xf32, #tpu.memory_space<vmem>>, vector<16xf32>,
          %get3A_521 = arith.index_cast %add3A_471 : i32 to index
          %get3A_522 = arith.constant 112 : index
          %get3A_523 = tpu.vector_load %arg14[%get3A_521, %get3A_522] {strides = array<i32>} : memref<80x128xf32, #tpu.memory_space<vmem>>, vector<16xf32>,
          %mul3A_524 = arith.mulf %get3A_523, %broadcast_in_dim3A_467 : vector<16xf32>
          %swap3A_525 = arith.index_cast %add3A_471 : i32 to index
          %swap3A_526 = arith.constant 112 : index
          %swap3A_527 = tpu.vector_load %arg14[%swap3A_525, %swap3A_526] {strides = array<i32>} : memref<80x128xf32, #tpu.memory_space<vmem>>, vector<16xf32>,
          tpu.vector_store %arg14[%swap3A_525, %swap3A_526], %mul3A_524 {strides = array<i32>} : memref<80x128xf32, #tpu.memory_space<vmem>>, vector<16xf32>,
          %slice3A_528 = vector.extract_strided_slice %get3A_404 {offsets = [2], sizes = [1], strides = [1]} : vector<16xf32> to vector<1xf32>
          %squeeze3A_529 = vector.extract %slice3A_528[0] : f32 from vector<1xf32>
          %broadcast_in_dim3A_530 = vector.broadcast %squeeze3A_529 : f32 to vector<16xf32>
          %mul3A_531 = arith.constant 16 : i32
          %mul3A_532 = arith.muli %scan3A_400, %mul3A_531 : i32
          %add3A_533 = arith.constant 2 : i32
          %add3A_534 = arith.addi %mul3A_532, %add3A_533 : i32
          %get3A_535 = arith.index_cast %add3A_534 : i32 to index
          %get3A_536 = arith.constant 0 : index
          %get3A_537 = tpu.vector_load %arg14[%get3A_535, %get3A_536] {strides = array<i32>} : memref<80x128xf32, #tpu.memory_space<vmem>>, vector<16xf32>,
          %mul3A_538 = arith.mulf %get3A_537, %broadcast_in_dim3A_530 : vector<16xf32>
          %swap3A_539 = arith.index_cast %add3A_534 : i32 to index
          %swap3A_540 = arith.constant 0 : index
          %swap3A_541 = tpu.vector_load %arg14[%swap3A_539, %swap3A_540] {strides = array<i32>} : memref<80x128xf32, #tpu.memory_space<vmem>>, vector<16xf32>,
          tpu.vector_store %arg14[%swap3A_539, %swap3A_540], %mul3A_538 {strides = array<i32>} : memref<80x128xf32, #tpu.memory_space<vmem>>, vector<16xf32>,
          %get3A_542 = arith.index_cast %add3A_534 : i32 to index
          %get3A_543 = arith.constant 16 : index
          %get3A_544 = tpu.vector_load %arg14[%get3A_542, %get3A_543] {strides = array<i32>} : memref<80x128xf32, #tpu.memory_space<vmem>>, vector<16xf32>,
          %mul3A_545 = arith.mulf %get3A_544, %broadcast_in_dim3A_530 : vector<16xf32>
          %swap3A_546 = arith.index_cast %add3A_534 : i32 to index
          %swap3A_547 = arith.constant 16 : index
          %swap3A_548 = tpu.vector_load %arg14[%swap3A_546, %swap3A_547] {strides = array<i32>} : memref<80x128xf32, #tpu.memory_space<vmem>>, vector<16xf32>,
          tpu.vector_store %arg14[%swap3A_546, %swap3A_547], %mul3A_545 {strides = array<i32>} : memref<80x128xf32, #tpu.memory_space<vmem>>, vector<16xf32>,
          %get3A_549 = arith.index_cast %add3A_534 : i32 to index
          %get3A_550 = arith.constant 32 : index
          %get3A_551 = tpu.vector_load %arg14[%get3A_549, %get3A_550] {strides = array<i32>} : memref<80x128xf32, #tpu.memory_space<vmem>>, vector<16xf32>,
          %mul3A_552 = arith.mulf %get3A_551, %broadcast_in_dim3A_530 : vector<16xf32>
          %swap3A_553 = arith.index_cast %add3A_534 : i32 to index
          %swap3A_554 = arith.constant 32 : index
          %swap3A_555 = tpu.vector_load %arg14[%swap3A_553, %swap3A_554] {strides = array<i32>} : memref<80x128xf32, #tpu.memory_space<vmem>>, vector<16xf32>,
          tpu.vector_store %arg14[%swap3A_553, %swap3A_554], %mul3A_552 {strides = array<i32>} : memref<80x128xf32, #tpu.memory_space<vmem>>, vector<16xf32>,
          %get3A_556 = arith.index_cast %add3A_534 : i32 to index
          %get3A_557 = arith.constant 48 : index
          %get3A_558 = tpu.vector_load %arg14[%get3A_556, %get3A_557] {strides = array<i32>} : memref<80x128xf32, #tpu.memory_space<vmem>>, vector<16xf32>,
          %mul3A_559 = arith.mulf %get3A_558, %broadcast_in_dim3A_530 : vector<16xf32>
          %swap3A_560 = arith.index_cast %add3A_534 : i32 to index
          %swap3A_561 = arith.constant 48 : index
          %swap3A_562 = tpu.vector_load %arg14[%swap3A_560, %swap3A_561] {strides = array<i32>} : memref<80x128xf32, #tpu.memory_space<vmem>>, vector<16xf32>,
          tpu.vector_store %arg14[%swap3A_560, %swap3A_561], %mul3A_559 {strides = array<i32>} : memref<80x128xf32, #tpu.memory_space<vmem>>, vector<16xf32>,
          %get3A_563 = arith.index_cast %add3A_534 : i32 to index
          %get3A_564 = arith.constant 64 : index
          %get3A_565 = tpu.vector_load %arg14[%get3A_563, %get3A_564] {strides = array<i32>} : memref<80x128xf32, #tpu.memory_space<vmem>>, vector<16xf32>,
          %mul3A_566 = arith.mulf %get3A_565, %broadcast_in_dim3A_530 : vector<16xf32>
          %swap3A_567 = arith.index_cast %add3A_534 : i32 to index
          %swap3A_568 = arith.constant 64 : index
          %swap3A_569 = tpu.vector_load %arg14[%swap3A_567, %swap3A_568] {strides = array<i32>} : memref<80x128xf32, #tpu.memory_space<vmem>>, vector<16xf32>,
          tpu.vector_store %arg14[%swap3A_567, %swap3A_568], %mul3A_566 {strides = array<i32>} : memref<80x128xf32, #tpu.memory_space<vmem>>, vector<16xf32>,
          %get3A_570 = arith.index_cast %add3A_534 : i32 to index
          %get3A_571 = arith.constant 80 : index
          %get3A_572 = tpu.vector_load %arg14[%get3A_570, %get3A_571] {strides = array<i32>} : memref<80x128xf32, #tpu.memory_space<vmem>>, vector<16xf32>,
          %mul3A_573 = arith.mulf %get3A_572, %broadcast_in_dim3A_530 : vector<16xf32>
          %swap3A_574 = arith.index_cast %add3A_534 : i32 to index
          %swap3A_575 = arith.constant 80 : index
          %swap3A_576 = tpu.vector_load %arg14[%swap3A_574, %swap3A_575] {strides = array<i32>} : memref<80x128xf32, #tpu.memory_space<vmem>>, vector<16xf32>,
          tpu.vector_store %arg14[%swap3A_574, %swap3A_575], %mul3A_573 {strides = array<i32>} : memref<80x128xf32, #tpu.memory_space<vmem>>, vector<16xf32>,
          %get3A_577 = arith.index_cast %add3A_534 : i32 to index
          %get3A_578 = arith.constant 96 : index
          %get3A_579 = tpu.vector_load %arg14[%get3A_577, %get3A_578] {strides = array<i32>} : memref<80x128xf32, #tpu.memory_space<vmem>>, vector<16xf32>,
          %mul3A_580 = arith.mulf %get3A_579, %broadcast_in_dim3A_530 : vector<16xf32>
          %swap3A_581 = arith.index_cast %add3A_534 : i32 to index
          %swap3A_582 = arith.constant 96 : index
          %swap3A_583 = tpu.vector_load %arg14[%swap3A_581, %swap3A_582] {strides = array<i32>} : memref<80x128xf32, #tpu.memory_space<vmem>>, vector<16xf32>,
          tpu.vector_store %arg14[%swap3A_581, %swap3A_582], %mul3A_580 {strides = array<i32>} : memref<80x128xf32, #tpu.memory_space<vmem>>, vector<16xf32>,
          %get3A_584 = arith.index_cast %add3A_534 : i32 to index
          %get3A_585 = arith.constant 112 : index
          %get3A_586 = tpu.vector_load %arg14[%get3A_584, %get3A_585] {strides = array<i32>} : memref<80x128xf32, #tpu.memory_space<vmem>>, vector<16xf32>,
          %mul3A_587 = arith.mulf %get3A_586, %broadcast_in_dim3A_530 : vector<16xf32>
          %swap3A_588 = arith.index_cast %add3A_534 : i32 to index
          %swap3A_589 = arith.constant 112 : index
          %swap3A_590 = tpu.vector_load %arg14[%swap3A_588, %swap3A_589] {strides = array<i32>} : memref<80x128xf32, #tpu.memory_space<vmem>>, vector<16xf32>,
          tpu.vector_store %arg14[%swap3A_588, %swap3A_589], %mul3A_587 {strides = array<i32>} : memref<80x128xf32, #tpu.memory_space<vmem>>, vector<16xf32>,
          %slice3A_591 = vector.extract_strided_slice %get3A_404 {offsets = [3], sizes = [1], strides = [1]} : vector<16xf32> to vector<1xf32>
          %squeeze3A_592 = vector.extract %slice3A_591[0] : f32 from vector<1xf32>
          %broadcast_in_dim3A_593 = vector.broadcast %squeeze3A_592 : f32 to vector<16xf32>
          %mul3A_594 = arith.constant 16 : i32
          %mul3A_595 = arith.muli %scan3A_400, %mul3A_594 : i32
          %add3A_596 = arith.constant 3 : i32
          %add3A_597 = arith.addi %mul3A_595, %add3A_596 : i32
          %get3A_598 = arith.index_cast %add3A_597 : i32 to index
          %get3A_599 = arith.constant 0 : index
          %get3A_600 = tpu.vector_load %arg14[%get3A_598, %get3A_599] {strides = array<i32>} : memref<80x128xf32, #tpu.memory_space<vmem>>, vector<16xf32>,
          %mul3A_601 = arith.mulf %get3A_600, %broadcast_in_dim3A_593 : vector<16xf32>
          %swap3A_602 = arith.index_cast %add3A_597 : i32 to index
          %swap3A_603 = arith.constant 0 : index
          %swap3A_604 = tpu.vector_load %arg14[%swap3A_602, %swap3A_603] {strides = array<i32>} : memref<80x128xf32, #tpu.memory_space<vmem>>, vector<16xf32>,
          tpu.vector_store %arg14[%swap3A_602, %swap3A_603], %mul3A_601 {strides = array<i32>} : memref<80x128xf32, #tpu.memory_space<vmem>>, vector<16xf32>,
          %get3A_605 = arith.index_cast %add3A_597 : i32 to index
          %get3A_606 = arith.constant 16 : index
          %get3A_607 = tpu.vector_load %arg14[%get3A_605, %get3A_606] {strides = array<i32>} : memref<80x128xf32, #tpu.memory_space<vmem>>, vector<16xf32>,
          %mul3A_608 = arith.mulf %get3A_607, %broadcast_in_dim3A_593 : vector<16xf32>
          %swap3A_609 = arith.index_cast %add3A_597 : i32 to index
          %swap3A_610 = arith.constant 16 : index
          %swap3A_611 = tpu.vector_load %arg14[%swap3A_609, %swap3A_610] {strides = array<i32>} : memref<80x128xf32, #tpu.memory_space<vmem>>, vector<16xf32>,
          tpu.vector_store %arg14[%swap3A_609, %swap3A_610], %mul3A_608 {strides = array<i32>} : memref<80x128xf32, #tpu.memory_space<vmem>>, vector<16xf32>,
          %get3A_612 = arith.index_cast %add3A_597 : i32 to index
          %get3A_613 = arith.constant 32 : index
          %get3A_614 = tpu.vector_load %arg14[%get3A_612, %get3A_613] {strides = array<i32>} : memref<80x128xf32, #tpu.memory_space<vmem>>, vector<16xf32>,
          %mul3A_615 = arith.mulf %get3A_614, %broadcast_in_dim3A_593 : vector<16xf32>
          %swap3A_616 = arith.index_cast %add3A_597 : i32 to index
          %swap3A_617 = arith.constant 32 : index
          %swap3A_618 = tpu.vector_load %arg14[%swap3A_616, %swap3A_617] {strides = array<i32>} : memref<80x128xf32, #tpu.memory_space<vmem>>, vector<16xf32>,
          tpu.vector_store %arg14[%swap3A_616, %swap3A_617], %mul3A_615 {strides = array<i32>} : memref<80x128xf32, #tpu.memory_space<vmem>>, vector<16xf32>,
          %get3A_619 = arith.index_cast %add3A_597 : i32 to index
          %get3A_620 = arith.constant 48 : index
          %get3A_621 = tpu.vector_load %arg14[%get3A_619, %get3A_620] {strides = array<i32>} : memref<80x128xf32, #tpu.memory_space<vmem>>, vector<16xf32>,
          %mul3A_622 = arith.mulf %get3A_621, %broadcast_in_dim3A_593 : vector<16xf32>
          %swap3A_623 = arith.index_cast %add3A_597 : i32 to index
          %swap3A_624 = arith.constant 48 : index
          %swap3A_625 = tpu.vector_load %arg14[%swap3A_623, %swap3A_624] {strides = array<i32>} : memref<80x128xf32, #tpu.memory_space<vmem>>, vector<16xf32>,
          tpu.vector_store %arg14[%swap3A_623, %swap3A_624], %mul3A_622 {strides = array<i32>} : memref<80x128xf32, #tpu.memory_space<vmem>>, vector<16xf32>,
          %get3A_626 = arith.index_cast %add3A_597 : i32 to index
          %get3A_627 = arith.constant 64 : index
          %get3A_628 = tpu.vector_load %arg14[%get3A_626, %get3A_627] {strides = array<i32>} : memref<80x128xf32, #tpu.memory_space<vmem>>, vector<16xf32>,
          %mul3A_629 = arith.mulf %get3A_628, %broadcast_in_dim3A_593 : vector<16xf32>
          %swap3A_630 = arith.index_cast %add3A_597 : i32 to index
          %swap3A_631 = arith.constant 64 : index
          %swap3A_632 = tpu.vector_load %arg14[%swap3A_630, %swap3A_631] {strides = array<i32>} : memref<80x128xf32, #tpu.memory_space<vmem>>, vector<16xf32>,
          tpu.vector_store %arg14[%swap3A_630, %swap3A_631], %mul3A_629 {strides = array<i32>} : memref<80x128xf32, #tpu.memory_space<vmem>>, vector<16xf32>,
          %get3A_633 = arith.index_cast %add3A_597 : i32 to index
          %get3A_634 = arith.constant 80 : index
          %get3A_635 = tpu.vector_load %arg14[%get3A_633, %get3A_634] {strides = array<i32>} : memref<80x128xf32, #tpu.memory_space<vmem>>, vector<16xf32>,
          %mul3A_636 = arith.mulf %get3A_635, %broadcast_in_dim3A_593 : vector<16xf32>
          %swap3A_637 = arith.index_cast %add3A_597 : i32 to index
          %swap3A_638 = arith.constant 80 : index
          %swap3A_639 = tpu.vector_load %arg14[%swap3A_637, %swap3A_638] {strides = array<i32>} : memref<80x128xf32, #tpu.memory_space<vmem>>, vector<16xf32>,
          tpu.vector_store %arg14[%swap3A_637, %swap3A_638], %mul3A_636 {strides = array<i32>} : memref<80x128xf32, #tpu.memory_space<vmem>>, vector<16xf32>,
          %get3A_640 = arith.index_cast %add3A_597 : i32 to index
          %get3A_641 = arith.constant 96 : index
          %get3A_642 = tpu.vector_load %arg14[%get3A_640, %get3A_641] {strides = array<i32>} : memref<80x128xf32, #tpu.memory_space<vmem>>, vector<16xf32>,
          %mul3A_643 = arith.mulf %get3A_642, %broadcast_in_dim3A_593 : vector<16xf32>
          %swap3A_644 = arith.index_cast %add3A_597 : i32 to index
          %swap3A_645 = arith.constant 96 : index
          %swap3A_646 = tpu.vector_load %arg14[%swap3A_644, %swap3A_645] {strides = array<i32>} : memref<80x128xf32, #tpu.memory_space<vmem>>, vector<16xf32>,
          tpu.vector_store %arg14[%swap3A_644, %swap3A_645], %mul3A_643 {strides = array<i32>} : memref<80x128xf32, #tpu.memory_space<vmem>>, vector<16xf32>,
          %get3A_647 = arith.index_cast %add3A_597 : i32 to index
          %get3A_648 = arith.constant 112 : index
          %get3A_649 = tpu.vector_load %arg14[%get3A_647, %get3A_648] {strides = array<i32>} : memref<80x128xf32, #tpu.memory_space<vmem>>, vector<16xf32>,
          %mul3A_650 = arith.mulf %get3A_649, %broadcast_in_dim3A_593 : vector<16xf32>
          %swap3A_651 = arith.index_cast %add3A_597 : i32 to index
          %swap3A_652 = arith.constant 112 : index
          %swap3A_653 = tpu.vector_load %arg14[%swap3A_651, %swap3A_652] {strides = array<i32>} : memref<80x128xf32, #tpu.memory_space<vmem>>, vector<16xf32>,
          tpu.vector_store %arg14[%swap3A_651, %swap3A_652], %mul3A_650 {strides = array<i32>} : memref<80x128xf32, #tpu.memory_space<vmem>>, vector<16xf32>,
          %slice3A_654 = vector.extract_strided_slice %get3A_404 {offsets = [4], sizes = [1], strides = [1]} : vector<16xf32> to vector<1xf32>
          %squeeze3A_655 = vector.extract %slice3A_654[0] : f32 from vector<1xf32>
          %broadcast_in_dim3A_656 = vector.broadcast %squeeze3A_655 : f32 to vector<16xf32>
          %mul3A_657 = arith.constant 16 : i32
          %mul3A_658 = arith.muli %scan3A_400, %mul3A_657 : i32
          %add3A_659 = arith.constant 4 : i32
          %add3A_660 = arith.addi %mul3A_658, %add3A_659 : i32
          %get3A_661 = arith.index_cast %add3A_660 : i32 to index
          %get3A_662 = arith.constant 0 : index
          %get3A_663 = tpu.vector_load %arg14[%get3A_661, %get3A_662] {strides = array<i32>} : memref<80x128xf32, #tpu.memory_space<vmem>>, vector<16xf32>,
          %mul3A_664 = arith.mulf %get3A_663, %broadcast_in_dim3A_656 : vector<16xf32>
          %swap3A_665 = arith.index_cast %add3A_660 : i32 to index
          %swap3A_666 = arith.constant 0 : index
          %swap3A_667 = tpu.vector_load %arg14[%swap3A_665, %swap3A_666] {strides = array<i32>} : memref<80x128xf32, #tpu.memory_space<vmem>>, vector<16xf32>,
          tpu.vector_store %arg14[%swap3A_665, %swap3A_666], %mul3A_664 {strides = array<i32>} : memref<80x128xf32, #tpu.memory_space<vmem>>, vector<16xf32>,
          %get3A_668 = arith.index_cast %add3A_660 : i32 to index
          %get3A_669 = arith.constant 16 : index
          %get3A_670 = tpu.vector_load %arg14[%get3A_668, %get3A_669] {strides = array<i32>} : memref<80x128xf32, #tpu.memory_space<vmem>>, vector<16xf32>,
          %mul3A_671 = arith.mulf %get3A_670, %broadcast_in_dim3A_656 : vector<16xf32>
          %swap3A_672 = arith.index_cast %add3A_660 : i32 to index
          %swap3A_673 = arith.constant 16 : index
          %swap3A_674 = tpu.vector_load %arg14[%swap3A_672, %swap3A_673] {strides = array<i32>} : memref<80x128xf32, #tpu.memory_space<vmem>>, vector<16xf32>,
          tpu.vector_store %arg14[%swap3A_672, %swap3A_673], %mul3A_671 {strides = array<i32>} : memref<80x128xf32, #tpu.memory_space<vmem>>, vector<16xf32>,
          %get3A_675 = arith.index_cast %add3A_660 : i32 to index
          %get3A_676 = arith.constant 32 : index
          %get3A_677 = tpu.vector_load %arg14[%get3A_675, %get3A_676] {strides = array<i32>} : memref<80x128xf32, #tpu.memory_space<vmem>>, vector<16xf32>,
          %mul3A_678 = arith.mulf %get3A_677, %broadcast_in_dim3A_656 : vector<16xf32>
          %swap3A_679 = arith.index_cast %add3A_660 : i32 to index
          %swap3A_680 = arith.constant 32 : index
          %swap3A_681 = tpu.vector_load %arg14[%swap3A_679, %swap3A_680] {strides = array<i32>} : memref<80x128xf32, #tpu.memory_space<vmem>>, vector<16xf32>,
          tpu.vector_store %arg14[%swap3A_679, %swap3A_680], %mul3A_678 {strides = array<i32>} : memref<80x128xf32, #tpu.memory_space<vmem>>, vector<16xf32>,
          %get3A_682 = arith.index_cast %add3A_660 : i32 to index
          %get3A_683 = arith.constant 48 : index
          %get3A_684 = tpu.vector_load %arg14[%get3A_682, %get3A_683] {strides = array<i32>} : memref<80x128xf32, #tpu.memory_space<vmem>>, vector<16xf32>,
          %mul3A_685 = arith.mulf %get3A_684, %broadcast_in_dim3A_656 : vector<16xf32>
          %swap3A_686 = arith.index_cast %add3A_660 : i32 to index
          %swap3A_687 = arith.constant 48 : index
          %swap3A_688 = tpu.vector_load %arg14[%swap3A_686, %swap3A_687] {strides = array<i32>} : memref<80x128xf32, #tpu.memory_space<vmem>>, vector<16xf32>,
          tpu.vector_store %arg14[%swap3A_686, %swap3A_687], %mul3A_685 {strides = array<i32>} : memref<80x128xf32, #tpu.memory_space<vmem>>, vector<16xf32>,
          %get3A_689 = arith.index_cast %add3A_660 : i32 to index
          %get3A_690 = arith.constant 64 : index
          %get3A_691 = tpu.vector_load %arg14[%get3A_689, %get3A_690] {strides = array<i32>} : memref<80x128xf32, #tpu.memory_space<vmem>>, vector<16xf32>,
          %mul3A_692 = arith.mulf %get3A_691, %broadcast_in_dim3A_656 : vector<16xf32>
          %swap3A_693 = arith.index_cast %add3A_660 : i32 to index
          %swap3A_694 = arith.constant 64 : index
          %swap3A_695 = tpu.vector_load %arg14[%swap3A_693, %swap3A_694] {strides = array<i32>} : memref<80x128xf32, #tpu.memory_space<vmem>>, vector<16xf32>,
          tpu.vector_store %arg14[%swap3A_693, %swap3A_694], %mul3A_692 {strides = array<i32>} : memref<80x128xf32, #tpu.memory_space<vmem>>, vector<16xf32>,
          %get3A_696 = arith.index_cast %add3A_660 : i32 to index
          %get3A_697 = arith.constant 80 : index
          %get3A_698 = tpu.vector_load %arg14[%get3A_696, %get3A_697] {strides = array<i32>} : memref<80x128xf32, #tpu.memory_space<vmem>>, vector<16xf32>,
          %mul3A_699 = arith.mulf %get3A_698, %broadcast_in_dim3A_656 : vector<16xf32>
          %swap3A_700 = arith.index_cast %add3A_660 : i32 to index
          %swap3A_701 = arith.constant 80 : index
          %swap3A_702 = tpu.vector_load %arg14[%swap3A_700, %swap3A_701] {strides = array<i32>} : memref<80x128xf32, #tpu.memory_space<vmem>>, vector<16xf32>,
          tpu.vector_store %arg14[%swap3A_700, %swap3A_701], %mul3A_699 {strides = array<i32>} : memref<80x128xf32, #tpu.memory_space<vmem>>, vector<16xf32>,
          %get3A_703 = arith.index_cast %add3A_660 : i32 to index
          %get3A_704 = arith.constant 96 : index
          %get3A_705 = tpu.vector_load %arg14[%get3A_703, %get3A_704] {strides = array<i32>} : memref<80x128xf32, #tpu.memory_space<vmem>>, vector<16xf32>,
          %mul3A_706 = arith.mulf %get3A_705, %broadcast_in_dim3A_656 : vector<16xf32>
          %swap3A_707 = arith.index_cast %add3A_660 : i32 to index
          %swap3A_708 = arith.constant 96 : index
          %swap3A_709 = tpu.vector_load %arg14[%swap3A_707, %swap3A_708] {strides = array<i32>} : memref<80x128xf32, #tpu.memory_space<vmem>>, vector<16xf32>,
          tpu.vector_store %arg14[%swap3A_707, %swap3A_708], %mul3A_706 {strides = array<i32>} : memref<80x128xf32, #tpu.memory_space<vmem>>, vector<16xf32>,
          %get3A_710 = arith.index_cast %add3A_660 : i32 to index
          %get3A_711 = arith.constant 112 : index
          %get3A_712 = tpu.vector_load %arg14[%get3A_710, %get3A_711] {strides = array<i32>} : memref<80x128xf32, #tpu.memory_space<vmem>>, vector<16xf32>,
          %mul3A_713 = arith.mulf %get3A_712, %broadcast_in_dim3A_656 : vector<16xf32>
          %swap3A_714 = arith.index_cast %add3A_660 : i32 to index
          %swap3A_715 = arith.constant 112 : index
          %swap3A_716 = tpu.vector_load %arg14[%swap3A_714, %swap3A_715] {strides = array<i32>} : memref<80x128xf32, #tpu.memory_space<vmem>>, vector<16xf32>,
          tpu.vector_store %arg14[%swap3A_714, %swap3A_715], %mul3A_713 {strides = array<i32>} : memref<80x128xf32, #tpu.memory_space<vmem>>, vector<16xf32>,
          %slice3A_717 = vector.extract_strided_slice %get3A_404 {offsets = [5], sizes = [1], strides = [1]} : vector<16xf32> to vector<1xf32>
          %squeeze3A_718 = vector.extract %slice3A_717[0] : f32 from vector<1xf32>
          %broadcast_in_dim3A_719 = vector.broadcast %squeeze3A_718 : f32 to vector<16xf32>
          %mul3A_720 = arith.constant 16 : i32
          %mul3A_721 = arith.muli %scan3A_400, %mul3A_720 : i32
          %add3A_722 = arith.constant 5 : i32
          %add3A_723 = arith.addi %mul3A_721, %add3A_722 : i32
          %get3A_724 = arith.index_cast %add3A_723 : i32 to index
          %get3A_725 = arith.constant 0 : index
          %get3A_726 = tpu.vector_load %arg14[%get3A_724, %get3A_725] {strides = array<i32>} : memref<80x128xf32, #tpu.memory_space<vmem>>, vector<16xf32>,
          %mul3A_727 = arith.mulf %get3A_726, %broadcast_in_dim3A_719 : vector<16xf32>
          %swap3A_728 = arith.index_cast %add3A_723 : i32 to index
          %swap3A_729 = arith.constant 0 : index
          %swap3A_730 = tpu.vector_load %arg14[%swap3A_728, %swap3A_729] {strides = array<i32>} : memref<80x128xf32, #tpu.memory_space<vmem>>, vector<16xf32>,
          tpu.vector_store %arg14[%swap3A_728, %swap3A_729], %mul3A_727 {strides = array<i32>} : memref<80x128xf32, #tpu.memory_space<vmem>>, vector<16xf32>,
          %get3A_731 = arith.index_cast %add3A_723 : i32 to index
          %get3A_732 = arith.constant 16 : index
          %get3A_733 = tpu.vector_load %arg14[%get3A_731, %get3A_732] {strides = array<i32>} : memref<80x128xf32, #tpu.memory_space<vmem>>, vector<16xf32>,
          %mul3A_734 = arith.mulf %get3A_733, %broadcast_in_dim3A_719 : vector<16xf32>
          %swap3A_735 = arith.index_cast %add3A_723 : i32 to index
          %swap3A_736 = arith.constant 16 : index
          %swap3A_737 = tpu.vector_load %arg14[%swap3A_735, %swap3A_736] {strides = array<i32>} : memref<80x128xf32, #tpu.memory_space<vmem>>, vector<16xf32>,
          tpu.vector_store %arg14[%swap3A_735, %swap3A_736], %mul3A_734 {strides = array<i32>} : memref<80x128xf32, #tpu.memory_space<vmem>>, vector<16xf32>,
          %get3A_738 = arith.index_cast %add3A_723 : i32 to index
          %get3A_739 = arith.constant 32 : index
          %get3A_740 = tpu.vector_load %arg14[%get3A_738, %get3A_739] {strides = array<i32>} : memref<80x128xf32, #tpu.memory_space<vmem>>, vector<16xf32>,
          %mul3A_741 = arith.mulf %get3A_740, %broadcast_in_dim3A_719 : vector<16xf32>
          %swap3A_742 = arith.index_cast %add3A_723 : i32 to index
          %swap3A_743 = arith.constant 32 : index
          %swap3A_744 = tpu.vector_load %arg14[%swap3A_742, %swap3A_743] {strides = array<i32>} : memref<80x128xf32, #tpu.memory_space<vmem>>, vector<16xf32>,
          tpu.vector_store %arg14[%swap3A_742, %swap3A_743], %mul3A_741 {strides = array<i32>} : memref<80x128xf32, #tpu.memory_space<vmem>>, vector<16xf32>,
          %get3A_745 = arith.index_cast %add3A_723 : i32 to index
          %get3A_746 = arith.constant 48 : index
          %get3A_747 = tpu.vector_load %arg14[%get3A_745, %get3A_746] {strides = array<i32>} : memref<80x128xf32, #tpu.memory_space<vmem>>, vector<16xf32>,
          %mul3A_748 = arith.mulf %get3A_747, %broadcast_in_dim3A_719 : vector<16xf32>
          %swap3A_749 = arith.index_cast %add3A_723 : i32 to index
          %swap3A_750 = arith.constant 48 : index
          %swap3A_751 = tpu.vector_load %arg14[%swap3A_749, %swap3A_750] {strides = array<i32>} : memref<80x128xf32, #tpu.memory_space<vmem>>, vector<16xf32>,
          tpu.vector_store %arg14[%swap3A_749, %swap3A_750], %mul3A_748 {strides = array<i32>} : memref<80x128xf32, #tpu.memory_space<vmem>>, vector<16xf32>,
          %get3A_752 = arith.index_cast %add3A_723 : i32 to index
          %get3A_753 = arith.constant 64 : index
          %get3A_754 = tpu.vector_load %arg14[%get3A_752, %get3A_753] {strides = array<i32>} : memref<80x128xf32, #tpu.memory_space<vmem>>, vector<16xf32>,
          %mul3A_755 = arith.mulf %get3A_754, %broadcast_in_dim3A_719 : vector<16xf32>
          %swap3A_756 = arith.index_cast %add3A_723 : i32 to index
          %swap3A_757 = arith.constant 64 : index
          %swap3A_758 = tpu.vector_load %arg14[%swap3A_756, %swap3A_757] {strides = array<i32>} : memref<80x128xf32, #tpu.memory_space<vmem>>, vector<16xf32>,
          tpu.vector_store %arg14[%swap3A_756, %swap3A_757], %mul3A_755 {strides = array<i32>} : memref<80x128xf32, #tpu.memory_space<vmem>>, vector<16xf32>,
          %get3A_759 = arith.index_cast %add3A_723 : i32 to index
          %get3A_760 = arith.constant 80 : index
          %get3A_761 = tpu.vector_load %arg14[%get3A_759, %get3A_760] {strides = array<i32>} : memref<80x128xf32, #tpu.memory_space<vmem>>, vector<16xf32>,
          %mul3A_762 = arith.mulf %get3A_761, %broadcast_in_dim3A_719 : vector<16xf32>
          %swap3A_763 = arith.index_cast %add3A_723 : i32 to index
          %swap3A_764 = arith.constant 80 : index
          %swap3A_765 = tpu.vector_load %arg14[%swap3A_763, %swap3A_764] {strides = array<i32>} : memref<80x128xf32, #tpu.memory_space<vmem>>, vector<16xf32>,
          tpu.vector_store %arg14[%swap3A_763, %swap3A_764], %mul3A_762 {strides = array<i32>} : memref<80x128xf32, #tpu.memory_space<vmem>>, vector<16xf32>,
          %get3A_766 = arith.index_cast %add3A_723 : i32 to index
          %get3A_767 = arith.constant 96 : index
          %get3A_768 = tpu.vector_load %arg14[%get3A_766, %get3A_767] {strides = array<i32>} : memref<80x128xf32, #tpu.memory_space<vmem>>, vector<16xf32>,
          %mul3A_769 = arith.mulf %get3A_768, %broadcast_in_dim3A_719 : vector<16xf32>
          %swap3A_770 = arith.index_cast %add3A_723 : i32 to index
          %swap3A_771 = arith.constant 96 : index
          %swap3A_772 = tpu.vector_load %arg14[%swap3A_770, %swap3A_771] {strides = array<i32>} : memref<80x128xf32, #tpu.memory_space<vmem>>, vector<16xf32>,
          tpu.vector_store %arg14[%swap3A_770, %swap3A_771], %mul3A_769 {strides = array<i32>} : memref<80x128xf32, #tpu.memory_space<vmem>>, vector<16xf32>,
          %get3A_773 = arith.index_cast %add3A_723 : i32 to index
          %get3A_774 = arith.constant 112 : index
          %get3A_775 = tpu.vector_load %arg14[%get3A_773, %get3A_774] {strides = array<i32>} : memref<80x128xf32, #tpu.memory_space<vmem>>, vector<16xf32>,
          %mul3A_776 = arith.mulf %get3A_775, %broadcast_in_dim3A_719 : vector<16xf32>
          %swap3A_777 = arith.index_cast %add3A_723 : i32 to index
          %swap3A_778 = arith.constant 112 : index
          %swap3A_779 = tpu.vector_load %arg14[%swap3A_777, %swap3A_778] {strides = array<i32>} : memref<80x128xf32, #tpu.memory_space<vmem>>, vector<16xf32>,
          tpu.vector_store %arg14[%swap3A_777, %swap3A_778], %mul3A_776 {strides = array<i32>} : memref<80x128xf32, #tpu.memory_space<vmem>>, vector<16xf32>,
          %slice3A_780 = vector.extract_strided_slice %get3A_404 {offsets = [6], sizes = [1], strides = [1]} : vector<16xf32> to vector<1xf32>
          %squeeze3A_781 = vector.extract %slice3A_780[0] : f32 from vector<1xf32>
          %broadcast_in_dim3A_782 = vector.broadcast %squeeze3A_781 : f32 to vector<16xf32>
          %mul3A_783 = arith.constant 16 : i32
          %mul3A_784 = arith.muli %scan3A_400, %mul3A_783 : i32
          %add3A_785 = arith.constant 6 : i32
          %add3A_786 = arith.addi %mul3A_784, %add3A_785 : i32
          %get3A_787 = arith.index_cast %add3A_786 : i32 to index
          %get3A_788 = arith.constant 0 : index
          %get3A_789 = tpu.vector_load %arg14[%get3A_787, %get3A_788] {strides = array<i32>} : memref<80x128xf32, #tpu.memory_space<vmem>>, vector<16xf32>,
          %mul3A_790 = arith.mulf %get3A_789, %broadcast_in_dim3A_782 : vector<16xf32>
          %swap3A_791 = arith.index_cast %add3A_786 : i32 to index
          %swap3A_792 = arith.constant 0 : index
          %swap3A_793 = tpu.vector_load %arg14[%swap3A_791, %swap3A_792] {strides = array<i32>} : memref<80x128xf32, #tpu.memory_space<vmem>>, vector<16xf32>,
          tpu.vector_store %arg14[%swap3A_791, %swap3A_792], %mul3A_790 {strides = array<i32>} : memref<80x128xf32, #tpu.memory_space<vmem>>, vector<16xf32>,
          %get3A_794 = arith.index_cast %add3A_786 : i32 to index
          %get3A_795 = arith.constant 16 : index
          %get3A_796 = tpu.vector_load %arg14[%get3A_794, %get3A_795] {strides = array<i32>} : memref<80x128xf32, #tpu.memory_space<vmem>>, vector<16xf32>,
          %mul3A_797 = arith.mulf %get3A_796, %broadcast_in_dim3A_782 : vector<16xf32>
          %swap3A_798 = arith.index_cast %add3A_786 : i32 to index
          %swap3A_799 = arith.constant 16 : index
          %swap3A_800 = tpu.vector_load %arg14[%swap3A_798, %swap3A_799] {strides = array<i32>} : memref<80x128xf32, #tpu.memory_space<vmem>>, vector<16xf32>,
          tpu.vector_store %arg14[%swap3A_798, %swap3A_799], %mul3A_797 {strides = array<i32>} : memref<80x128xf32, #tpu.memory_space<vmem>>, vector<16xf32>,
          %get3A_801 = arith.index_cast %add3A_786 : i32 to index
          %get3A_802 = arith.constant 32 : index
          %get3A_803 = tpu.vector_load %arg14[%get3A_801, %get3A_802] {strides = array<i32>} : memref<80x128xf32, #tpu.memory_space<vmem>>, vector<16xf32>,
          %mul3A_804 = arith.mulf %get3A_803, %broadcast_in_dim3A_782 : vector<16xf32>
          %swap3A_805 = arith.index_cast %add3A_786 : i32 to index
          %swap3A_806 = arith.constant 32 : index
          %swap3A_807 = tpu.vector_load %arg14[%swap3A_805, %swap3A_806] {strides = array<i32>} : memref<80x128xf32, #tpu.memory_space<vmem>>, vector<16xf32>,
          tpu.vector_store %arg14[%swap3A_805, %swap3A_806], %mul3A_804 {strides = array<i32>} : memref<80x128xf32, #tpu.memory_space<vmem>>, vector<16xf32>,
          %get3A_808 = arith.index_cast %add3A_786 : i32 to index
          %get3A_809 = arith.constant 48 : index
          %get3A_810 = tpu.vector_load %arg14[%get3A_808, %get3A_809] {strides = array<i32>} : memref<80x128xf32, #tpu.memory_space<vmem>>, vector<16xf32>,
          %mul3A_811 = arith.mulf %get3A_810, %broadcast_in_dim3A_782 : vector<16xf32>
          %swap3A_812 = arith.index_cast %add3A_786 : i32 to index
          %swap3A_813 = arith.constant 48 : index
          %swap3A_814 = tpu.vector_load %arg14[%swap3A_812, %swap3A_813] {strides = array<i32>} : memref<80x128xf32, #tpu.memory_space<vmem>>, vector<16xf32>,
          tpu.vector_store %arg14[%swap3A_812, %swap3A_813], %mul3A_811 {strides = array<i32>} : memref<80x128xf32, #tpu.memory_space<vmem>>, vector<16xf32>,
          %get3A_815 = arith.index_cast %add3A_786 : i32 to index
          %get3A_816 = arith.constant 64 : index
          %get3A_817 = tpu.vector_load %arg14[%get3A_815, %get3A_816] {strides = array<i32>} : memref<80x128xf32, #tpu.memory_space<vmem>>, vector<16xf32>,
          %mul3A_818 = arith.mulf %get3A_817, %broadcast_in_dim3A_782 : vector<16xf32>
          %swap3A_819 = arith.index_cast %add3A_786 : i32 to index
          %swap3A_820 = arith.constant 64 : index
          %swap3A_821 = tpu.vector_load %arg14[%swap3A_819, %swap3A_820] {strides = array<i32>} : memref<80x128xf32, #tpu.memory_space<vmem>>, vector<16xf32>,
          tpu.vector_store %arg14[%swap3A_819, %swap3A_820], %mul3A_818 {strides = array<i32>} : memref<80x128xf32, #tpu.memory_space<vmem>>, vector<16xf32>,
          %get3A_822 = arith.index_cast %add3A_786 : i32 to index
          %get3A_823 = arith.constant 80 : index
          %get3A_824 = tpu.vector_load %arg14[%get3A_822, %get3A_823] {strides = array<i32>} : memref<80x128xf32, #tpu.memory_space<vmem>>, vector<16xf32>,
          %mul3A_825 = arith.mulf %get3A_824, %broadcast_in_dim3A_782 : vector<16xf32>
          %swap3A_826 = arith.index_cast %add3A_786 : i32 to index
          %swap3A_827 = arith.constant 80 : index
          %swap3A_828 = tpu.vector_load %arg14[%swap3A_826, %swap3A_827] {strides = array<i32>} : memref<80x128xf32, #tpu.memory_space<vmem>>, vector<16xf32>,
          tpu.vector_store %arg14[%swap3A_826, %swap3A_827], %mul3A_825 {strides = array<i32>} : memref<80x128xf32, #tpu.memory_space<vmem>>, vector<16xf32>,
          %get3A_829 = arith.index_cast %add3A_786 : i32 to index
          %get3A_830 = arith.constant 96 : index
          %get3A_831 = tpu.vector_load %arg14[%get3A_829, %get3A_830] {strides = array<i32>} : memref<80x128xf32, #tpu.memory_space<vmem>>, vector<16xf32>,
          %mul3A_832 = arith.mulf %get3A_831, %broadcast_in_dim3A_782 : vector<16xf32>
          %swap3A_833 = arith.index_cast %add3A_786 : i32 to index
          %swap3A_834 = arith.constant 96 : index
          %swap3A_835 = tpu.vector_load %arg14[%swap3A_833, %swap3A_834] {strides = array<i32>} : memref<80x128xf32, #tpu.memory_space<vmem>>, vector<16xf32>,
          tpu.vector_store %arg14[%swap3A_833, %swap3A_834], %mul3A_832 {strides = array<i32>} : memref<80x128xf32, #tpu.memory_space<vmem>>, vector<16xf32>,
          %get3A_836 = arith.index_cast %add3A_786 : i32 to index
          %get3A_837 = arith.constant 112 : index
          %get3A_838 = tpu.vector_load %arg14[%get3A_836, %get3A_837] {strides = array<i32>} : memref<80x128xf32, #tpu.memory_space<vmem>>, vector<16xf32>,
          %mul3A_839 = arith.mulf %get3A_838, %broadcast_in_dim3A_782 : vector<16xf32>
          %swap3A_840 = arith.index_cast %add3A_786 : i32 to index
          %swap3A_841 = arith.constant 112 : index
          %swap3A_842 = tpu.vector_load %arg14[%swap3A_840, %swap3A_841] {strides = array<i32>} : memref<80x128xf32, #tpu.memory_space<vmem>>, vector<16xf32>,
          tpu.vector_store %arg14[%swap3A_840, %swap3A_841], %mul3A_839 {strides = array<i32>} : memref<80x128xf32, #tpu.memory_space<vmem>>, vector<16xf32>,
          %slice3A_843 = vector.extract_strided_slice %get3A_404 {offsets = [7], sizes = [1], strides = [1]} : vector<16xf32> to vector<1xf32>
          %squeeze3A_844 = vector.extract %slice3A_843[0] : f32 from vector<1xf32>
          %broadcast_in_dim3A_845 = vector.broadcast %squeeze3A_844 : f32 to vector<16xf32>
          %mul3A_846 = arith.constant 16 : i32
          %mul3A_847 = arith.muli %scan3A_400, %mul3A_846 : i32
          %add3A_848 = arith.constant 7 : i32
          %add3A_849 = arith.addi %mul3A_847, %add3A_848 : i32
          %get3A_850 = arith.index_cast %add3A_849 : i32 to index
          %get3A_851 = arith.constant 0 : index
          %get3A_852 = tpu.vector_load %arg14[%get3A_850, %get3A_851] {strides = array<i32>} : memref<80x128xf32, #tpu.memory_space<vmem>>, vector<16xf32>,
          %mul3A_853 = arith.mulf %get3A_852, %broadcast_in_dim3A_845 : vector<16xf32>
          %swap3A_854 = arith.index_cast %add3A_849 : i32 to index
          %swap3A_855 = arith.constant 0 : index
          %swap3A_856 = tpu.vector_load %arg14[%swap3A_854, %swap3A_855] {strides = array<i32>} : memref<80x128xf32, #tpu.memory_space<vmem>>, vector<16xf32>,
          tpu.vector_store %arg14[%swap3A_854, %swap3A_855], %mul3A_853 {strides = array<i32>} : memref<80x128xf32, #tpu.memory_space<vmem>>, vector<16xf32>,
          %get3A_857 = arith.index_cast %add3A_849 : i32 to index
          %get3A_858 = arith.constant 16 : index
          %get3A_859 = tpu.vector_load %arg14[%get3A_857, %get3A_858] {strides = array<i32>} : memref<80x128xf32, #tpu.memory_space<vmem>>, vector<16xf32>,
          %mul3A_860 = arith.mulf %get3A_859, %broadcast_in_dim3A_845 : vector<16xf32>
          %swap3A_861 = arith.index_cast %add3A_849 : i32 to index
          %swap3A_862 = arith.constant 16 : index
          %swap3A_863 = tpu.vector_load %arg14[%swap3A_861, %swap3A_862] {strides = array<i32>} : memref<80x128xf32, #tpu.memory_space<vmem>>, vector<16xf32>,
          tpu.vector_store %arg14[%swap3A_861, %swap3A_862], %mul3A_860 {strides = array<i32>} : memref<80x128xf32, #tpu.memory_space<vmem>>, vector<16xf32>,
          %get3A_864 = arith.index_cast %add3A_849 : i32 to index
          %get3A_865 = arith.constant 32 : index
          %get3A_866 = tpu.vector_load %arg14[%get3A_864, %get3A_865] {strides = array<i32>} : memref<80x128xf32, #tpu.memory_space<vmem>>, vector<16xf32>,
          %mul3A_867 = arith.mulf %get3A_866, %broadcast_in_dim3A_845 : vector<16xf32>
          %swap3A_868 = arith.index_cast %add3A_849 : i32 to index
          %swap3A_869 = arith.constant 32 : index
          %swap3A_870 = tpu.vector_load %arg14[%swap3A_868, %swap3A_869] {strides = array<i32>} : memref<80x128xf32, #tpu.memory_space<vmem>>, vector<16xf32>,
          tpu.vector_store %arg14[%swap3A_868, %swap3A_869], %mul3A_867 {strides = array<i32>} : memref<80x128xf32, #tpu.memory_space<vmem>>, vector<16xf32>,
          %get3A_871 = arith.index_cast %add3A_849 : i32 to index
          %get3A_872 = arith.constant 48 : index
          %get3A_873 = tpu.vector_load %arg14[%get3A_871, %get3A_872] {strides = array<i32>} : memref<80x128xf32, #tpu.memory_space<vmem>>, vector<16xf32>,
          %mul3A_874 = arith.mulf %get3A_873, %broadcast_in_dim3A_845 : vector<16xf32>
          %swap3A_875 = arith.index_cast %add3A_849 : i32 to index
          %swap3A_876 = arith.constant 48 : index
          %swap3A_877 = tpu.vector_load %arg14[%swap3A_875, %swap3A_876] {strides = array<i32>} : memref<80x128xf32, #tpu.memory_space<vmem>>, vector<16xf32>,
          tpu.vector_store %arg14[%swap3A_875, %swap3A_876], %mul3A_874 {strides = array<i32>} : memref<80x128xf32, #tpu.memory_space<vmem>>, vector<16xf32>,
          %get3A_878 = arith.index_cast %add3A_849 : i32 to index
          %get3A_879 = arith.constant 64 : index
          %get3A_880 = tpu.vector_load %arg14[%get3A_878, %get3A_879] {strides = array<i32>} : memref<80x128xf32, #tpu.memory_space<vmem>>, vector<16xf32>,
          %mul3A_881 = arith.mulf %get3A_880, %broadcast_in_dim3A_845 : vector<16xf32>
          %swap3A_882 = arith.index_cast %add3A_849 : i32 to index
          %swap3A_883 = arith.constant 64 : index
          %swap3A_884 = tpu.vector_load %arg14[%swap3A_882, %swap3A_883] {strides = array<i32>} : memref<80x128xf32, #tpu.memory_space<vmem>>, vector<16xf32>,
          tpu.vector_store %arg14[%swap3A_882, %swap3A_883], %mul3A_881 {strides = array<i32>} : memref<80x128xf32, #tpu.memory_space<vmem>>, vector<16xf32>,
          %get3A_885 = arith.index_cast %add3A_849 : i32 to index
          %get3A_886 = arith.constant 80 : index
          %get3A_887 = tpu.vector_load %arg14[%get3A_885, %get3A_886] {strides = array<i32>} : memref<80x128xf32, #tpu.memory_space<vmem>>, vector<16xf32>,
          %mul3A_888 = arith.mulf %get3A_887, %broadcast_in_dim3A_845 : vector<16xf32>
          %swap3A_889 = arith.index_cast %add3A_849 : i32 to index
          %swap3A_890 = arith.constant 80 : index
          %swap3A_891 = tpu.vector_load %arg14[%swap3A_889, %swap3A_890] {strides = array<i32>} : memref<80x128xf32, #tpu.memory_space<vmem>>, vector<16xf32>,
          tpu.vector_store %arg14[%swap3A_889, %swap3A_890], %mul3A_888 {strides = array<i32>} : memref<80x128xf32, #tpu.memory_space<vmem>>, vector<16xf32>,
          %get3A_892 = arith.index_cast %add3A_849 : i32 to index
          %get3A_893 = arith.constant 96 : index
          %get3A_894 = tpu.vector_load %arg14[%get3A_892, %get3A_893] {strides = array<i32>} : memref<80x128xf32, #tpu.memory_space<vmem>>, vector<16xf32>,
          %mul3A_895 = arith.mulf %get3A_894, %broadcast_in_dim3A_845 : vector<16xf32>
          %swap3A_896 = arith.index_cast %add3A_849 : i32 to index
          %swap3A_897 = arith.constant 96 : index
          %swap3A_898 = tpu.vector_load %arg14[%swap3A_896, %swap3A_897] {strides = array<i32>} : memref<80x128xf32, #tpu.memory_space<vmem>>, vector<16xf32>,
          tpu.vector_store %arg14[%swap3A_896, %swap3A_897], %mul3A_895 {strides = array<i32>} : memref<80x128xf32, #tpu.memory_space<vmem>>, vector<16xf32>,
          %get3A_899 = arith.index_cast %add3A_849 : i32 to index
          %get3A_900 = arith.constant 112 : index
          %get3A_901 = tpu.vector_load %arg14[%get3A_899, %get3A_900] {strides = array<i32>} : memref<80x128xf32, #tpu.memory_space<vmem>>, vector<16xf32>,
          %mul3A_902 = arith.mulf %get3A_901, %broadcast_in_dim3A_845 : vector<16xf32>
          %swap3A_903 = arith.index_cast %add3A_849 : i32 to index
          %swap3A_904 = arith.constant 112 : index
          %swap3A_905 = tpu.vector_load %arg14[%swap3A_903, %swap3A_904] {strides = array<i32>} : memref<80x128xf32, #tpu.memory_space<vmem>>, vector<16xf32>,
          tpu.vector_store %arg14[%swap3A_903, %swap3A_904], %mul3A_902 {strides = array<i32>} : memref<80x128xf32, #tpu.memory_space<vmem>>, vector<16xf32>,
          %slice3A_906 = vector.extract_strided_slice %get3A_404 {offsets = [8], sizes = [1], strides = [1]} : vector<16xf32> to vector<1xf32>
          %squeeze3A_907 = vector.extract %slice3A_906[0] : f32 from vector<1xf32>
          %broadcast_in_dim3A_908 = vector.broadcast %squeeze3A_907 : f32 to vector<16xf32>
          %mul3A_909 = arith.constant 16 : i32
          %mul3A_910 = arith.muli %scan3A_400, %mul3A_909 : i32
          %add3A_911 = arith.constant 8 : i32
          %add3A_912 = arith.addi %mul3A_910, %add3A_911 : i32
          %get3A_913 = arith.index_cast %add3A_912 : i32 to index
          %get3A_914 = arith.constant 0 : index
          %get3A_915 = tpu.vector_load %arg14[%get3A_913, %get3A_914] {strides = array<i32>} : memref<80x128xf32, #tpu.memory_space<vmem>>, vector<16xf32>,
          %mul3A_916 = arith.mulf %get3A_915, %broadcast_in_dim3A_908 : vector<16xf32>
          %swap3A_917 = arith.index_cast %add3A_912 : i32 to index
          %swap3A_918 = arith.constant 0 : index
          %swap3A_919 = tpu.vector_load %arg14[%swap3A_917, %swap3A_918] {strides = array<i32>} : memref<80x128xf32, #tpu.memory_space<vmem>>, vector<16xf32>,
          tpu.vector_store %arg14[%swap3A_917, %swap3A_918], %mul3A_916 {strides = array<i32>} : memref<80x128xf32, #tpu.memory_space<vmem>>, vector<16xf32>,
          %get3A_920 = arith.index_cast %add3A_912 : i32 to index
          %get3A_921 = arith.constant 16 : index
          %get3A_922 = tpu.vector_load %arg14[%get3A_920, %get3A_921] {strides = array<i32>} : memref<80x128xf32, #tpu.memory_space<vmem>>, vector<16xf32>,
          %mul3A_923 = arith.mulf %get3A_922, %broadcast_in_dim3A_908 : vector<16xf32>
          %swap3A_924 = arith.index_cast %add3A_912 : i32 to index
          %swap3A_925 = arith.constant 16 : index
          %swap3A_926 = tpu.vector_load %arg14[%swap3A_924, %swap3A_925] {strides = array<i32>} : memref<80x128xf32, #tpu.memory_space<vmem>>, vector<16xf32>,
          tpu.vector_store %arg14[%swap3A_924, %swap3A_925], %mul3A_923 {strides = array<i32>} : memref<80x128xf32, #tpu.memory_space<vmem>>, vector<16xf32>,
          %get3A_927 = arith.index_cast %add3A_912 : i32 to index
          %get3A_928 = arith.constant 32 : index
          %get3A_929 = tpu.vector_load %arg14[%get3A_927, %get3A_928] {strides = array<i32>} : memref<80x128xf32, #tpu.memory_space<vmem>>, vector<16xf32>,
          %mul3A_930 = arith.mulf %get3A_929, %broadcast_in_dim3A_908 : vector<16xf32>
          %swap3A_931 = arith.index_cast %add3A_912 : i32 to index
          %swap3A_932 = arith.constant 32 : index
          %swap3A_933 = tpu.vector_load %arg14[%swap3A_931, %swap3A_932] {strides = array<i32>} : memref<80x128xf32, #tpu.memory_space<vmem>>, vector<16xf32>,
          tpu.vector_store %arg14[%swap3A_931, %swap3A_932], %mul3A_930 {strides = array<i32>} : memref<80x128xf32, #tpu.memory_space<vmem>>, vector<16xf32>,
          %get3A_934 = arith.index_cast %add3A_912 : i32 to index
          %get3A_935 = arith.constant 48 : index
          %get3A_936 = tpu.vector_load %arg14[%get3A_934, %get3A_935] {strides = array<i32>} : memref<80x128xf32, #tpu.memory_space<vmem>>, vector<16xf32>,
          %mul3A_937 = arith.mulf %get3A_936, %broadcast_in_dim3A_908 : vector<16xf32>
          %swap3A_938 = arith.index_cast %add3A_912 : i32 to index
          %swap3A_939 = arith.constant 48 : index
          %swap3A_940 = tpu.vector_load %arg14[%swap3A_938, %swap3A_939] {strides = array<i32>} : memref<80x128xf32, #tpu.memory_space<vmem>>, vector<16xf32>,
          tpu.vector_store %arg14[%swap3A_938, %swap3A_939], %mul3A_937 {strides = array<i32>} : memref<80x128xf32, #tpu.memory_space<vmem>>, vector<16xf32>,
          %get3A_941 = arith.index_cast %add3A_912 : i32 to index
          %get3A_942 = arith.constant 64 : index
          %get3A_943 = tpu.vector_load %arg14[%get3A_941, %get3A_942] {strides = array<i32>} : memref<80x128xf32, #tpu.memory_space<vmem>>, vector<16xf32>,
          %mul3A_944 = arith.mulf %get3A_943, %broadcast_in_dim3A_908 : vector<16xf32>
          %swap3A_945 = arith.index_cast %add3A_912 : i32 to index
          %swap3A_946 = arith.constant 64 : index
          %swap3A_947 = tpu.vector_load %arg14[%swap3A_945, %swap3A_946] {strides = array<i32>} : memref<80x128xf32, #tpu.memory_space<vmem>>, vector<16xf32>,
          tpu.vector_store %arg14[%swap3A_945, %swap3A_946], %mul3A_944 {strides = array<i32>} : memref<80x128xf32, #tpu.memory_space<vmem>>, vector<16xf32>,
          %get3A_948 = arith.index_cast %add3A_912 : i32 to index
          %get3A_949 = arith.constant 80 : index
          %get3A_950 = tpu.vector_load %arg14[%get3A_948, %get3A_949] {strides = array<i32>} : memref<80x128xf32, #tpu.memory_space<vmem>>, vector<16xf32>,
          %mul3A_951 = arith.mulf %get3A_950, %broadcast_in_dim3A_908 : vector<16xf32>
          %swap3A_952 = arith.index_cast %add3A_912 : i32 to index
          %swap3A_953 = arith.constant 80 : index
          %swap3A_954 = tpu.vector_load %arg14[%swap3A_952, %swap3A_953] {strides = array<i32>} : memref<80x128xf32, #tpu.memory_space<vmem>>, vector<16xf32>,
          tpu.vector_store %arg14[%swap3A_952, %swap3A_953], %mul3A_951 {strides = array<i32>} : memref<80x128xf32, #tpu.memory_space<vmem>>, vector<16xf32>,
          %get3A_955 = arith.index_cast %add3A_912 : i32 to index
          %get3A_956 = arith.constant 96 : index
          %get3A_957 = tpu.vector_load %arg14[%get3A_955, %get3A_956] {strides = array<i32>} : memref<80x128xf32, #tpu.memory_space<vmem>>, vector<16xf32>,
          %mul3A_958 = arith.mulf %get3A_957, %broadcast_in_dim3A_908 : vector<16xf32>
          %swap3A_959 = arith.index_cast %add3A_912 : i32 to index
          %swap3A_960 = arith.constant 96 : index
          %swap3A_961 = tpu.vector_load %arg14[%swap3A_959, %swap3A_960] {strides = array<i32>} : memref<80x128xf32, #tpu.memory_space<vmem>>, vector<16xf32>,
          tpu.vector_store %arg14[%swap3A_959, %swap3A_960], %mul3A_958 {strides = array<i32>} : memref<80x128xf32, #tpu.memory_space<vmem>>, vector<16xf32>,
          %get3A_962 = arith.index_cast %add3A_912 : i32 to index
          %get3A_963 = arith.constant 112 : index
          %get3A_964 = tpu.vector_load %arg14[%get3A_962, %get3A_963] {strides = array<i32>} : memref<80x128xf32, #tpu.memory_space<vmem>>, vector<16xf32>,
          %mul3A_965 = arith.mulf %get3A_964, %broadcast_in_dim3A_908 : vector<16xf32>
          %swap3A_966 = arith.index_cast %add3A_912 : i32 to index
          %swap3A_967 = arith.constant 112 : index
          %swap3A_968 = tpu.vector_load %arg14[%swap3A_966, %swap3A_967] {strides = array<i32>} : memref<80x128xf32, #tpu.memory_space<vmem>>, vector<16xf32>,
          tpu.vector_store %arg14[%swap3A_966, %swap3A_967], %mul3A_965 {strides = array<i32>} : memref<80x128xf32, #tpu.memory_space<vmem>>, vector<16xf32>,
          %slice3A_969 = vector.extract_strided_slice %get3A_404 {offsets = [9], sizes = [1], strides = [1]} : vector<16xf32> to vector<1xf32>
          %squeeze3A_970 = vector.extract %slice3A_969[0] : f32 from vector<1xf32>
          %broadcast_in_dim3A_971 = vector.broadcast %squeeze3A_970 : f32 to vector<16xf32>
          %mul3A_972 = arith.constant 16 : i32
          %mul3A_973 = arith.muli %scan3A_400, %mul3A_972 : i32
          %add3A_974 = arith.constant 9 : i32
          %add3A_975 = arith.addi %mul3A_973, %add3A_974 : i32
          %get3A_976 = arith.index_cast %add3A_975 : i32 to index
          %get3A_977 = arith.constant 0 : index
          %get3A_978 = tpu.vector_load %arg14[%get3A_976, %get3A_977] {strides = array<i32>} : memref<80x128xf32, #tpu.memory_space<vmem>>, vector<16xf32>,
          %mul3A_979 = arith.mulf %get3A_978, %broadcast_in_dim3A_971 : vector<16xf32>
          %swap3A_980 = arith.index_cast %add3A_975 : i32 to index
          %swap3A_981 = arith.constant 0 : index
          %swap3A_982 = tpu.vector_load %arg14[%swap3A_980, %swap3A_981] {strides = array<i32>} : memref<80x128xf32, #tpu.memory_space<vmem>>, vector<16xf32>,
          tpu.vector_store %arg14[%swap3A_980, %swap3A_981], %mul3A_979 {strides = array<i32>} : memref<80x128xf32, #tpu.memory_space<vmem>>, vector<16xf32>,
          %get3A_983 = arith.index_cast %add3A_975 : i32 to index
          %get3A_984 = arith.constant 16 : index
          %get3A_985 = tpu.vector_load %arg14[%get3A_983, %get3A_984] {strides = array<i32>} : memref<80x128xf32, #tpu.memory_space<vmem>>, vector<16xf32>,
          %mul3A_986 = arith.mulf %get3A_985, %broadcast_in_dim3A_971 : vector<16xf32>
          %swap3A_987 = arith.index_cast %add3A_975 : i32 to index
          %swap3A_988 = arith.constant 16 : index
          %swap3A_989 = tpu.vector_load %arg14[%swap3A_987, %swap3A_988] {strides = array<i32>} : memref<80x128xf32, #tpu.memory_space<vmem>>, vector<16xf32>,
          tpu.vector_store %arg14[%swap3A_987, %swap3A_988], %mul3A_986 {strides = array<i32>} : memref<80x128xf32, #tpu.memory_space<vmem>>, vector<16xf32>,
          %get3A_990 = arith.index_cast %add3A_975 : i32 to index
          %get3A_991 = arith.constant 32 : index
          %get3A_992 = tpu.vector_load %arg14[%get3A_990, %get3A_991] {strides = array<i32>} : memref<80x128xf32, #tpu.memory_space<vmem>>, vector<16xf32>,
          %mul3A_993 = arith.mulf %get3A_992, %broadcast_in_dim3A_971 : vector<16xf32>
          %swap3A_994 = arith.index_cast %add3A_975 : i32 to index
          %swap3A_995 = arith.constant 32 : index
          %swap3A_996 = tpu.vector_load %arg14[%swap3A_994, %swap3A_995] {strides = array<i32>} : memref<80x128xf32, #tpu.memory_space<vmem>>, vector<16xf32>,
          tpu.vector_store %arg14[%swap3A_994, %swap3A_995], %mul3A_993 {strides = array<i32>} : memref<80x128xf32, #tpu.memory_space<vmem>>, vector<16xf32>,
          %get3A_997 = arith.index_cast %add3A_975 : i32 to index
          %get3A_998 = arith.constant 48 : index
          %get3A_999 = tpu.vector_load %arg14[%get3A_997, %get3A_998] {strides = array<i32>} : memref<80x128xf32, #tpu.memory_space<vmem>>, vector<16xf32>,
          %mul3A_1000 = arith.mulf %get3A_999, %broadcast_in_dim3A_971 : vector<16xf32>
          %swap3A_1001 = arith.index_cast %add3A_975 : i32 to index
          %swap3A_1002 = arith.constant 48 : index
          %swap3A_1003 = tpu.vector_load %arg14[%swap3A_1001, %swap3A_1002] {strides = array<i32>} : memref<80x128xf32, #tpu.memory_space<vmem>>, vector<16xf32>,
          tpu.vector_store %arg14[%swap3A_1001, %swap3A_1002], %mul3A_1000 {strides = array<i32>} : memref<80x128xf32, #tpu.memory_space<vmem>>, vector<16xf32>,
          %get3A_1004 = arith.index_cast %add3A_975 : i32 to index
          %get3A_1005 = arith.constant 64 : index
          %get3A_1006 = tpu.vector_load %arg14[%get3A_1004, %get3A_1005] {strides = array<i32>} : memref<80x128xf32, #tpu.memory_space<vmem>>, vector<16xf32>,
          %mul3A_1007 = arith.mulf %get3A_1006, %broadcast_in_dim3A_971 : vector<16xf32>
          %swap3A_1008 = arith.index_cast %add3A_975 : i32 to index
          %swap3A_1009 = arith.constant 64 : index
          %swap3A_1010 = tpu.vector_load %arg14[%swap3A_1008, %swap3A_1009] {strides = array<i32>} : memref<80x128xf32, #tpu.memory_space<vmem>>, vector<16xf32>,
          tpu.vector_store %arg14[%swap3A_1008, %swap3A_1009], %mul3A_1007 {strides = array<i32>} : memref<80x128xf32, #tpu.memory_space<vmem>>, vector<16xf32>,
          %get3A_1011 = arith.index_cast %add3A_975 : i32 to index
          %get3A_1012 = arith.constant 80 : index
          %get3A_1013 = tpu.vector_load %arg14[%get3A_1011, %get3A_1012] {strides = array<i32>} : memref<80x128xf32, #tpu.memory_space<vmem>>, vector<16xf32>,
          %mul3A_1014 = arith.mulf %get3A_1013, %broadcast_in_dim3A_971 : vector<16xf32>
          %swap3A_1015 = arith.index_cast %add3A_975 : i32 to index
          %swap3A_1016 = arith.constant 80 : index
          %swap3A_1017 = tpu.vector_load %arg14[%swap3A_1015, %swap3A_1016] {strides = array<i32>} : memref<80x128xf32, #tpu.memory_space<vmem>>, vector<16xf32>,
          tpu.vector_store %arg14[%swap3A_1015, %swap3A_1016], %mul3A_1014 {strides = array<i32>} : memref<80x128xf32, #tpu.memory_space<vmem>>, vector<16xf32>,
          %get3A_1018 = arith.index_cast %add3A_975 : i32 to index
          %get3A_1019 = arith.constant 96 : index
          %get3A_1020 = tpu.vector_load %arg14[%get3A_1018, %get3A_1019] {strides = array<i32>} : memref<80x128xf32, #tpu.memory_space<vmem>>, vector<16xf32>,
          %mul3A_1021 = arith.mulf %get3A_1020, %broadcast_in_dim3A_971 : vector<16xf32>
          %swap3A_1022 = arith.index_cast %add3A_975 : i32 to index
          %swap3A_1023 = arith.constant 96 : index
          %swap3A_1024 = tpu.vector_load %arg14[%swap3A_1022, %swap3A_1023] {strides = array<i32>} : memref<80x128xf32, #tpu.memory_space<vmem>>, vector<16xf32>,
          tpu.vector_store %arg14[%swap3A_1022, %swap3A_1023], %mul3A_1021 {strides = array<i32>} : memref<80x128xf32, #tpu.memory_space<vmem>>, vector<16xf32>,
          %get3A_1025 = arith.index_cast %add3A_975 : i32 to index
          %get3A_1026 = arith.constant 112 : index
          %get3A_1027 = tpu.vector_load %arg14[%get3A_1025, %get3A_1026] {strides = array<i32>} : memref<80x128xf32, #tpu.memory_space<vmem>>, vector<16xf32>,
          %mul3A_1028 = arith.mulf %get3A_1027, %broadcast_in_dim3A_971 : vector<16xf32>
          %swap3A_1029 = arith.index_cast %add3A_975 : i32 to index
          %swap3A_1030 = arith.constant 112 : index
          %swap3A_1031 = tpu.vector_load %arg14[%swap3A_1029, %swap3A_1030] {strides = array<i32>} : memref<80x128xf32, #tpu.memory_space<vmem>>, vector<16xf32>,
          tpu.vector_store %arg14[%swap3A_1029, %swap3A_1030], %mul3A_1028 {strides = array<i32>} : memref<80x128xf32, #tpu.memory_space<vmem>>, vector<16xf32>,
          %slice3A_1032 = vector.extract_strided_slice %get3A_404 {offsets = [10], sizes = [1], strides = [1]} : vector<16xf32> to vector<1xf32>
          %squeeze3A_1033 = vector.extract %slice3A_1032[0] : f32 from vector<1xf32>
          %broadcast_in_dim3A_1034 = vector.broadcast %squeeze3A_1033 : f32 to vector<16xf32>
          %mul3A_1035 = arith.constant 16 : i32
          %mul3A_1036 = arith.muli %scan3A_400, %mul3A_1035 : i32
          %add3A_1037 = arith.constant 10 : i32
          %add3A_1038 = arith.addi %mul3A_1036, %add3A_1037 : i32
          %get3A_1039 = arith.index_cast %add3A_1038 : i32 to index
          %get3A_1040 = arith.constant 0 : index
          %get3A_1041 = tpu.vector_load %arg14[%get3A_1039, %get3A_1040] {strides = array<i32>} : memref<80x128xf32, #tpu.memory_space<vmem>>, vector<16xf32>,
          %mul3A_1042 = arith.mulf %get3A_1041, %broadcast_in_dim3A_1034 : vector<16xf32>
          %swap3A_1043 = arith.index_cast %add3A_1038 : i32 to index
          %swap3A_1044 = arith.constant 0 : index
          %swap3A_1045 = tpu.vector_load %arg14[%swap3A_1043, %swap3A_1044] {strides = array<i32>} : memref<80x128xf32, #tpu.memory_space<vmem>>, vector<16xf32>,
          tpu.vector_store %arg14[%swap3A_1043, %swap3A_1044], %mul3A_1042 {strides = array<i32>} : memref<80x128xf32, #tpu.memory_space<vmem>>, vector<16xf32>,
          %get3A_1046 = arith.index_cast %add3A_1038 : i32 to index
          %get3A_1047 = arith.constant 16 : index
          %get3A_1048 = tpu.vector_load %arg14[%get3A_1046, %get3A_1047] {strides = array<i32>} : memref<80x128xf32, #tpu.memory_space<vmem>>, vector<16xf32>,
          %mul3A_1049 = arith.mulf %get3A_1048, %broadcast_in_dim3A_1034 : vector<16xf32>
          %swap3A_1050 = arith.index_cast %add3A_1038 : i32 to index
          %swap3A_1051 = arith.constant 16 : index
          %swap3A_1052 = tpu.vector_load %arg14[%swap3A_1050, %swap3A_1051] {strides = array<i32>} : memref<80x128xf32, #tpu.memory_space<vmem>>, vector<16xf32>,
          tpu.vector_store %arg14[%swap3A_1050, %swap3A_1051], %mul3A_1049 {strides = array<i32>} : memref<80x128xf32, #tpu.memory_space<vmem>>, vector<16xf32>,
          %get3A_1053 = arith.index_cast %add3A_1038 : i32 to index
          %get3A_1054 = arith.constant 32 : index
          %get3A_1055 = tpu.vector_load %arg14[%get3A_1053, %get3A_1054] {strides = array<i32>} : memref<80x128xf32, #tpu.memory_space<vmem>>, vector<16xf32>,
          %mul3A_1056 = arith.mulf %get3A_1055, %broadcast_in_dim3A_1034 : vector<16xf32>
          %swap3A_1057 = arith.index_cast %add3A_1038 : i32 to index
          %swap3A_1058 = arith.constant 32 : index
          %swap3A_1059 = tpu.vector_load %arg14[%swap3A_1057, %swap3A_1058] {strides = array<i32>} : memref<80x128xf32, #tpu.memory_space<vmem>>, vector<16xf32>,
          tpu.vector_store %arg14[%swap3A_1057, %swap3A_1058], %mul3A_1056 {strides = array<i32>} : memref<80x128xf32, #tpu.memory_space<vmem>>, vector<16xf32>,
          %get3A_1060 = arith.index_cast %add3A_1038 : i32 to index
          %get3A_1061 = arith.constant 48 : index
          %get3A_1062 = tpu.vector_load %arg14[%get3A_1060, %get3A_1061] {strides = array<i32>} : memref<80x128xf32, #tpu.memory_space<vmem>>, vector<16xf32>,
          %mul3A_1063 = arith.mulf %get3A_1062, %broadcast_in_dim3A_1034 : vector<16xf32>
          %swap3A_1064 = arith.index_cast %add3A_1038 : i32 to index
          %swap3A_1065 = arith.constant 48 : index
          %swap3A_1066 = tpu.vector_load %arg14[%swap3A_1064, %swap3A_1065] {strides = array<i32>} : memref<80x128xf32, #tpu.memory_space<vmem>>, vector<16xf32>,
          tpu.vector_store %arg14[%swap3A_1064, %swap3A_1065], %mul3A_1063 {strides = array<i32>} : memref<80x128xf32, #tpu.memory_space<vmem>>, vector<16xf32>,
          %get3A_1067 = arith.index_cast %add3A_1038 : i32 to index
          %get3A_1068 = arith.constant 64 : index
          %get3A_1069 = tpu.vector_load %arg14[%get3A_1067, %get3A_1068] {strides = array<i32>} : memref<80x128xf32, #tpu.memory_space<vmem>>, vector<16xf32>,
          %mul3A_1070 = arith.mulf %get3A_1069, %broadcast_in_dim3A_1034 : vector<16xf32>
          %swap3A_1071 = arith.index_cast %add3A_1038 : i32 to index
          %swap3A_1072 = arith.constant 64 : index
          %swap3A_1073 = tpu.vector_load %arg14[%swap3A_1071, %swap3A_1072] {strides = array<i32>} : memref<80x128xf32, #tpu.memory_space<vmem>>, vector<16xf32>,
          tpu.vector_store %arg14[%swap3A_1071, %swap3A_1072], %mul3A_1070 {strides = array<i32>} : memref<80x128xf32, #tpu.memory_space<vmem>>, vector<16xf32>,
          %get3A_1074 = arith.index_cast %add3A_1038 : i32 to index
          %get3A_1075 = arith.constant 80 : index
          %get3A_1076 = tpu.vector_load %arg14[%get3A_1074, %get3A_1075] {strides = array<i32>} : memref<80x128xf32, #tpu.memory_space<vmem>>, vector<16xf32>,
          %mul3A_1077 = arith.mulf %get3A_1076, %broadcast_in_dim3A_1034 : vector<16xf32>
          %swap3A_1078 = arith.index_cast %add3A_1038 : i32 to index
          %swap3A_1079 = arith.constant 80 : index
          %swap3A_1080 = tpu.vector_load %arg14[%swap3A_1078, %swap3A_1079] {strides = array<i32>} : memref<80x128xf32, #tpu.memory_space<vmem>>, vector<16xf32>,
          tpu.vector_store %arg14[%swap3A_1078, %swap3A_1079], %mul3A_1077 {strides = array<i32>} : memref<80x128xf32, #tpu.memory_space<vmem>>, vector<16xf32>,
          %get3A_1081 = arith.index_cast %add3A_1038 : i32 to index
          %get3A_1082 = arith.constant 96 : index
          %get3A_1083 = tpu.vector_load %arg14[%get3A_1081, %get3A_1082] {strides = array<i32>} : memref<80x128xf32, #tpu.memory_space<vmem>>, vector<16xf32>,
          %mul3A_1084 = arith.mulf %get3A_1083, %broadcast_in_dim3A_1034 : vector<16xf32>
          %swap3A_1085 = arith.index_cast %add3A_1038 : i32 to index
          %swap3A_1086 = arith.constant 96 : index
          %swap3A_1087 = tpu.vector_load %arg14[%swap3A_1085, %swap3A_1086] {strides = array<i32>} : memref<80x128xf32, #tpu.memory_space<vmem>>, vector<16xf32>,
          tpu.vector_store %arg14[%swap3A_1085, %swap3A_1086], %mul3A_1084 {strides = array<i32>} : memref<80x128xf32, #tpu.memory_space<vmem>>, vector<16xf32>,
          %get3A_1088 = arith.index_cast %add3A_1038 : i32 to index
          %get3A_1089 = arith.constant 112 : index
          %get3A_1090 = tpu.vector_load %arg14[%get3A_1088, %get3A_1089] {strides = array<i32>} : memref<80x128xf32, #tpu.memory_space<vmem>>, vector<16xf32>,
          %mul3A_1091 = arith.mulf %get3A_1090, %broadcast_in_dim3A_1034 : vector<16xf32>
          %swap3A_1092 = arith.index_cast %add3A_1038 : i32 to index
          %swap3A_1093 = arith.constant 112 : index
          %swap3A_1094 = tpu.vector_load %arg14[%swap3A_1092, %swap3A_1093] {strides = array<i32>} : memref<80x128xf32, #tpu.memory_space<vmem>>, vector<16xf32>,
          tpu.vector_store %arg14[%swap3A_1092, %swap3A_1093], %mul3A_1091 {strides = array<i32>} : memref<80x128xf32, #tpu.memory_space<vmem>>, vector<16xf32>,
          %slice3A_1095 = vector.extract_strided_slice %get3A_404 {offsets = [11], sizes = [1], strides = [1]} : vector<16xf32> to vector<1xf32>
          %squeeze3A_1096 = vector.extract %slice3A_1095[0] : f32 from vector<1xf32>
          %broadcast_in_dim3A_1097 = vector.broadcast %squeeze3A_1096 : f32 to vector<16xf32>
          %mul3A_1098 = arith.constant 16 : i32
          %mul3A_1099 = arith.muli %scan3A_400, %mul3A_1098 : i32
          %add3A_1100 = arith.constant 11 : i32
          %add3A_1101 = arith.addi %mul3A_1099, %add3A_1100 : i32
          %get3A_1102 = arith.index_cast %add3A_1101 : i32 to index
          %get3A_1103 = arith.constant 0 : index
          %get3A_1104 = tpu.vector_load %arg14[%get3A_1102, %get3A_1103] {strides = array<i32>} : memref<80x128xf32, #tpu.memory_space<vmem>>, vector<16xf32>,
          %mul3A_1105 = arith.mulf %get3A_1104, %broadcast_in_dim3A_1097 : vector<16xf32>
          %swap3A_1106 = arith.index_cast %add3A_1101 : i32 to index
          %swap3A_1107 = arith.constant 0 : index
          %swap3A_1108 = tpu.vector_load %arg14[%swap3A_1106, %swap3A_1107] {strides = array<i32>} : memref<80x128xf32, #tpu.memory_space<vmem>>, vector<16xf32>,
          tpu.vector_store %arg14[%swap3A_1106, %swap3A_1107], %mul3A_1105 {strides = array<i32>} : memref<80x128xf32, #tpu.memory_space<vmem>>, vector<16xf32>,
          %get3A_1109 = arith.index_cast %add3A_1101 : i32 to index
          %get3A_1110 = arith.constant 16 : index
          %get3A_1111 = tpu.vector_load %arg14[%get3A_1109, %get3A_1110] {strides = array<i32>} : memref<80x128xf32, #tpu.memory_space<vmem>>, vector<16xf32>,
          %mul3A_1112 = arith.mulf %get3A_1111, %broadcast_in_dim3A_1097 : vector<16xf32>
          %swap3A_1113 = arith.index_cast %add3A_1101 : i32 to index
          %swap3A_1114 = arith.constant 16 : index
          %swap3A_1115 = tpu.vector_load %arg14[%swap3A_1113, %swap3A_1114] {strides = array<i32>} : memref<80x128xf32, #tpu.memory_space<vmem>>, vector<16xf32>,
          tpu.vector_store %arg14[%swap3A_1113, %swap3A_1114], %mul3A_1112 {strides = array<i32>} : memref<80x128xf32, #tpu.memory_space<vmem>>, vector<16xf32>,
          %get3A_1116 = arith.index_cast %add3A_1101 : i32 to index
          %get3A_1117 = arith.constant 32 : index
          %get3A_1118 = tpu.vector_load %arg14[%get3A_1116, %get3A_1117] {strides = array<i32>} : memref<80x128xf32, #tpu.memory_space<vmem>>, vector<16xf32>,
          %mul3A_1119 = arith.mulf %get3A_1118, %broadcast_in_dim3A_1097 : vector<16xf32>
          %swap3A_1120 = arith.index_cast %add3A_1101 : i32 to index
          %swap3A_1121 = arith.constant 32 : index
          %swap3A_1122 = tpu.vector_load %arg14[%swap3A_1120, %swap3A_1121] {strides = array<i32>} : memref<80x128xf32, #tpu.memory_space<vmem>>, vector<16xf32>,
          tpu.vector_store %arg14[%swap3A_1120, %swap3A_1121], %mul3A_1119 {strides = array<i32>} : memref<80x128xf32, #tpu.memory_space<vmem>>, vector<16xf32>,
          %get3A_1123 = arith.index_cast %add3A_1101 : i32 to index
          %get3A_1124 = arith.constant 48 : index
          %get3A_1125 = tpu.vector_load %arg14[%get3A_1123, %get3A_1124] {strides = array<i32>} : memref<80x128xf32, #tpu.memory_space<vmem>>, vector<16xf32>,
          %mul3A_1126 = arith.mulf %get3A_1125, %broadcast_in_dim3A_1097 : vector<16xf32>
          %swap3A_1127 = arith.index_cast %add3A_1101 : i32 to index
          %swap3A_1128 = arith.constant 48 : index
          %swap3A_1129 = tpu.vector_load %arg14[%swap3A_1127, %swap3A_1128] {strides = array<i32>} : memref<80x128xf32, #tpu.memory_space<vmem>>, vector<16xf32>,
          tpu.vector_store %arg14[%swap3A_1127, %swap3A_1128], %mul3A_1126 {strides = array<i32>} : memref<80x128xf32, #tpu.memory_space<vmem>>, vector<16xf32>,
          %get3A_1130 = arith.index_cast %add3A_1101 : i32 to index
          %get3A_1131 = arith.constant 64 : index
          %get3A_1132 = tpu.vector_load %arg14[%get3A_1130, %get3A_1131] {strides = array<i32>} : memref<80x128xf32, #tpu.memory_space<vmem>>, vector<16xf32>,
          %mul3A_1133 = arith.mulf %get3A_1132, %broadcast_in_dim3A_1097 : vector<16xf32>
          %swap3A_1134 = arith.index_cast %add3A_1101 : i32 to index
          %swap3A_1135 = arith.constant 64 : index
          %swap3A_1136 = tpu.vector_load %arg14[%swap3A_1134, %swap3A_1135] {strides = array<i32>} : memref<80x128xf32, #tpu.memory_space<vmem>>, vector<16xf32>,
          tpu.vector_store %arg14[%swap3A_1134, %swap3A_1135], %mul3A_1133 {strides = array<i32>} : memref<80x128xf32, #tpu.memory_space<vmem>>, vector<16xf32>,
          %get3A_1137 = arith.index_cast %add3A_1101 : i32 to index
          %get3A_1138 = arith.constant 80 : index
          %get3A_1139 = tpu.vector_load %arg14[%get3A_1137, %get3A_1138] {strides = array<i32>} : memref<80x128xf32, #tpu.memory_space<vmem>>, vector<16xf32>,
          %mul3A_1140 = arith.mulf %get3A_1139, %broadcast_in_dim3A_1097 : vector<16xf32>
          %swap3A_1141 = arith.index_cast %add3A_1101 : i32 to index
          %swap3A_1142 = arith.constant 80 : index
          %swap3A_1143 = tpu.vector_load %arg14[%swap3A_1141, %swap3A_1142] {strides = array<i32>} : memref<80x128xf32, #tpu.memory_space<vmem>>, vector<16xf32>,
          tpu.vector_store %arg14[%swap3A_1141, %swap3A_1142], %mul3A_1140 {strides = array<i32>} : memref<80x128xf32, #tpu.memory_space<vmem>>, vector<16xf32>,
          %get3A_1144 = arith.index_cast %add3A_1101 : i32 to index
          %get3A_1145 = arith.constant 96 : index
          %get3A_1146 = tpu.vector_load %arg14[%get3A_1144, %get3A_1145] {strides = array<i32>} : memref<80x128xf32, #tpu.memory_space<vmem>>, vector<16xf32>,
          %mul3A_1147 = arith.mulf %get3A_1146, %broadcast_in_dim3A_1097 : vector<16xf32>
          %swap3A_1148 = arith.index_cast %add3A_1101 : i32 to index
          %swap3A_1149 = arith.constant 96 : index
          %swap3A_1150 = tpu.vector_load %arg14[%swap3A_1148, %swap3A_1149] {strides = array<i32>} : memref<80x128xf32, #tpu.memory_space<vmem>>, vector<16xf32>,
          tpu.vector_store %arg14[%swap3A_1148, %swap3A_1149], %mul3A_1147 {strides = array<i32>} : memref<80x128xf32, #tpu.memory_space<vmem>>, vector<16xf32>,
          %get3A_1151 = arith.index_cast %add3A_1101 : i32 to index
          %get3A_1152 = arith.constant 112 : index
          %get3A_1153 = tpu.vector_load %arg14[%get3A_1151, %get3A_1152] {strides = array<i32>} : memref<80x128xf32, #tpu.memory_space<vmem>>, vector<16xf32>,
          %mul3A_1154 = arith.mulf %get3A_1153, %broadcast_in_dim3A_1097 : vector<16xf32>
          %swap3A_1155 = arith.index_cast %add3A_1101 : i32 to index
          %swap3A_1156 = arith.constant 112 : index
          %swap3A_1157 = tpu.vector_load %arg14[%swap3A_1155, %swap3A_1156] {strides = array<i32>} : memref<80x128xf32, #tpu.memory_space<vmem>>, vector<16xf32>,
          tpu.vector_store %arg14[%swap3A_1155, %swap3A_1156], %mul3A_1154 {strides = array<i32>} : memref<80x128xf32, #tpu.memory_space<vmem>>, vector<16xf32>,
          %slice3A_1158 = vector.extract_strided_slice %get3A_404 {offsets = [12], sizes = [1], strides = [1]} : vector<16xf32> to vector<1xf32>
          %squeeze3A_1159 = vector.extract %slice3A_1158[0] : f32 from vector<1xf32>
          %broadcast_in_dim3A_1160 = vector.broadcast %squeeze3A_1159 : f32 to vector<16xf32>
          %mul3A_1161 = arith.constant 16 : i32
          %mul3A_1162 = arith.muli %scan3A_400, %mul3A_1161 : i32
          %add3A_1163 = arith.constant 12 : i32
          %add3A_1164 = arith.addi %mul3A_1162, %add3A_1163 : i32
          %get3A_1165 = arith.index_cast %add3A_1164 : i32 to index
          %get3A_1166 = arith.constant 0 : index
          %get3A_1167 = tpu.vector_load %arg14[%get3A_1165, %get3A_1166] {strides = array<i32>} : memref<80x128xf32, #tpu.memory_space<vmem>>, vector<16xf32>,
          %mul3A_1168 = arith.mulf %get3A_1167, %broadcast_in_dim3A_1160 : vector<16xf32>
          %swap3A_1169 = arith.index_cast %add3A_1164 : i32 to index
          %swap3A_1170 = arith.constant 0 : index
          %swap3A_1171 = tpu.vector_load %arg14[%swap3A_1169, %swap3A_1170] {strides = array<i32>} : memref<80x128xf32, #tpu.memory_space<vmem>>, vector<16xf32>,
          tpu.vector_store %arg14[%swap3A_1169, %swap3A_1170], %mul3A_1168 {strides = array<i32>} : memref<80x128xf32, #tpu.memory_space<vmem>>, vector<16xf32>,
          %get3A_1172 = arith.index_cast %add3A_1164 : i32 to index
          %get3A_1173 = arith.constant 16 : index
          %get3A_1174 = tpu.vector_load %arg14[%get3A_1172, %get3A_1173] {strides = array<i32>} : memref<80x128xf32, #tpu.memory_space<vmem>>, vector<16xf32>,
          %mul3A_1175 = arith.mulf %get3A_1174, %broadcast_in_dim3A_1160 : vector<16xf32>
          %swap3A_1176 = arith.index_cast %add3A_1164 : i32 to index
          %swap3A_1177 = arith.constant 16 : index
          %swap3A_1178 = tpu.vector_load %arg14[%swap3A_1176, %swap3A_1177] {strides = array<i32>} : memref<80x128xf32, #tpu.memory_space<vmem>>, vector<16xf32>,
          tpu.vector_store %arg14[%swap3A_1176, %swap3A_1177], %mul3A_1175 {strides = array<i32>} : memref<80x128xf32, #tpu.memory_space<vmem>>, vector<16xf32>,
          %get3A_1179 = arith.index_cast %add3A_1164 : i32 to index
          %get3A_1180 = arith.constant 32 : index
          %get3A_1181 = tpu.vector_load %arg14[%get3A_1179, %get3A_1180] {strides = array<i32>} : memref<80x128xf32, #tpu.memory_space<vmem>>, vector<16xf32>,
          %mul3A_1182 = arith.mulf %get3A_1181, %broadcast_in_dim3A_1160 : vector<16xf32>
          %swap3A_1183 = arith.index_cast %add3A_1164 : i32 to index
          %swap3A_1184 = arith.constant 32 : index
          %swap3A_1185 = tpu.vector_load %arg14[%swap3A_1183, %swap3A_1184] {strides = array<i32>} : memref<80x128xf32, #tpu.memory_space<vmem>>, vector<16xf32>,
          tpu.vector_store %arg14[%swap3A_1183, %swap3A_1184], %mul3A_1182 {strides = array<i32>} : memref<80x128xf32, #tpu.memory_space<vmem>>, vector<16xf32>,
          %get3A_1186 = arith.index_cast %add3A_1164 : i32 to index
          %get3A_1187 = arith.constant 48 : index
          %get3A_1188 = tpu.vector_load %arg14[%get3A_1186, %get3A_1187] {strides = array<i32>} : memref<80x128xf32, #tpu.memory_space<vmem>>, vector<16xf32>,
          %mul3A_1189 = arith.mulf %get3A_1188, %broadcast_in_dim3A_1160 : vector<16xf32>
          %swap3A_1190 = arith.index_cast %add3A_1164 : i32 to index
          %swap3A_1191 = arith.constant 48 : index
          %swap3A_1192 = tpu.vector_load %arg14[%swap3A_1190, %swap3A_1191] {strides = array<i32>} : memref<80x128xf32, #tpu.memory_space<vmem>>, vector<16xf32>,
          tpu.vector_store %arg14[%swap3A_1190, %swap3A_1191], %mul3A_1189 {strides = array<i32>} : memref<80x128xf32, #tpu.memory_space<vmem>>, vector<16xf32>,
          %get3A_1193 = arith.index_cast %add3A_1164 : i32 to index
          %get3A_1194 = arith.constant 64 : index
          %get3A_1195 = tpu.vector_load %arg14[%get3A_1193, %get3A_1194] {strides = array<i32>} : memref<80x128xf32, #tpu.memory_space<vmem>>, vector<16xf32>,
          %mul3A_1196 = arith.mulf %get3A_1195, %broadcast_in_dim3A_1160 : vector<16xf32>
          %swap3A_1197 = arith.index_cast %add3A_1164 : i32 to index
          %swap3A_1198 = arith.constant 64 : index
          %swap3A_1199 = tpu.vector_load %arg14[%swap3A_1197, %swap3A_1198] {strides = array<i32>} : memref<80x128xf32, #tpu.memory_space<vmem>>, vector<16xf32>,
          tpu.vector_store %arg14[%swap3A_1197, %swap3A_1198], %mul3A_1196 {strides = array<i32>} : memref<80x128xf32, #tpu.memory_space<vmem>>, vector<16xf32>,
          %get3A_1200 = arith.index_cast %add3A_1164 : i32 to index
          %get3A_1201 = arith.constant 80 : index
          %get3A_1202 = tpu.vector_load %arg14[%get3A_1200, %get3A_1201] {strides = array<i32>} : memref<80x128xf32, #tpu.memory_space<vmem>>, vector<16xf32>,
          %mul3A_1203 = arith.mulf %get3A_1202, %broadcast_in_dim3A_1160 : vector<16xf32>
          %swap3A_1204 = arith.index_cast %add3A_1164 : i32 to index
          %swap3A_1205 = arith.constant 80 : index
          %swap3A_1206 = tpu.vector_load %arg14[%swap3A_1204, %swap3A_1205] {strides = array<i32>} : memref<80x128xf32, #tpu.memory_space<vmem>>, vector<16xf32>,
          tpu.vector_store %arg14[%swap3A_1204, %swap3A_1205], %mul3A_1203 {strides = array<i32>} : memref<80x128xf32, #tpu.memory_space<vmem>>, vector<16xf32>,
          %get3A_1207 = arith.index_cast %add3A_1164 : i32 to index
          %get3A_1208 = arith.constant 96 : index
          %get3A_1209 = tpu.vector_load %arg14[%get3A_1207, %get3A_1208] {strides = array<i32>} : memref<80x128xf32, #tpu.memory_space<vmem>>, vector<16xf32>,
          %mul3A_1210 = arith.mulf %get3A_1209, %broadcast_in_dim3A_1160 : vector<16xf32>
          %swap3A_1211 = arith.index_cast %add3A_1164 : i32 to index
          %swap3A_1212 = arith.constant 96 : index
          %swap3A_1213 = tpu.vector_load %arg14[%swap3A_1211, %swap3A_1212] {strides = array<i32>} : memref<80x128xf32, #tpu.memory_space<vmem>>, vector<16xf32>,
          tpu.vector_store %arg14[%swap3A_1211, %swap3A_1212], %mul3A_1210 {strides = array<i32>} : memref<80x128xf32, #tpu.memory_space<vmem>>, vector<16xf32>,
          %get3A_1214 = arith.index_cast %add3A_1164 : i32 to index
          %get3A_1215 = arith.constant 112 : index
          %get3A_1216 = tpu.vector_load %arg14[%get3A_1214, %get3A_1215] {strides = array<i32>} : memref<80x128xf32, #tpu.memory_space<vmem>>, vector<16xf32>,
          %mul3A_1217 = arith.mulf %get3A_1216, %broadcast_in_dim3A_1160 : vector<16xf32>
          %swap3A_1218 = arith.index_cast %add3A_1164 : i32 to index
          %swap3A_1219 = arith.constant 112 : index
          %swap3A_1220 = tpu.vector_load %arg14[%swap3A_1218, %swap3A_1219] {strides = array<i32>} : memref<80x128xf32, #tpu.memory_space<vmem>>, vector<16xf32>,
          tpu.vector_store %arg14[%swap3A_1218, %swap3A_1219], %mul3A_1217 {strides = array<i32>} : memref<80x128xf32, #tpu.memory_space<vmem>>, vector<16xf32>,
          %slice3A_1221 = vector.extract_strided_slice %get3A_404 {offsets = [13], sizes = [1], strides = [1]} : vector<16xf32> to vector<1xf32>
          %squeeze3A_1222 = vector.extract %slice3A_1221[0] : f32 from vector<1xf32>
          %broadcast_in_dim3A_1223 = vector.broadcast %squeeze3A_1222 : f32 to vector<16xf32>
          %mul3A_1224 = arith.constant 16 : i32
          %mul3A_1225 = arith.muli %scan3A_400, %mul3A_1224 : i32
          %add3A_1226 = arith.constant 13 : i32
          %add3A_1227 = arith.addi %mul3A_1225, %add3A_1226 : i32
          %get3A_1228 = arith.index_cast %add3A_1227 : i32 to index
          %get3A_1229 = arith.constant 0 : index
          %get3A_1230 = tpu.vector_load %arg14[%get3A_1228, %get3A_1229] {strides = array<i32>} : memref<80x128xf32, #tpu.memory_space<vmem>>, vector<16xf32>,
          %mul3A_1231 = arith.mulf %get3A_1230, %broadcast_in_dim3A_1223 : vector<16xf32>
          %swap3A_1232 = arith.index_cast %add3A_1227 : i32 to index
          %swap3A_1233 = arith.constant 0 : index
          %swap3A_1234 = tpu.vector_load %arg14[%swap3A_1232, %swap3A_1233] {strides = array<i32>} : memref<80x128xf32, #tpu.memory_space<vmem>>, vector<16xf32>,
          tpu.vector_store %arg14[%swap3A_1232, %swap3A_1233], %mul3A_1231 {strides = array<i32>} : memref<80x128xf32, #tpu.memory_space<vmem>>, vector<16xf32>,
          %get3A_1235 = arith.index_cast %add3A_1227 : i32 to index
          %get3A_1236 = arith.constant 16 : index
          %get3A_1237 = tpu.vector_load %arg14[%get3A_1235, %get3A_1236] {strides = array<i32>} : memref<80x128xf32, #tpu.memory_space<vmem>>, vector<16xf32>,
          %mul3A_1238 = arith.mulf %get3A_1237, %broadcast_in_dim3A_1223 : vector<16xf32>
          %swap3A_1239 = arith.index_cast %add3A_1227 : i32 to index
          %swap3A_1240 = arith.constant 16 : index
          %swap3A_1241 = tpu.vector_load %arg14[%swap3A_1239, %swap3A_1240] {strides = array<i32>} : memref<80x128xf32, #tpu.memory_space<vmem>>, vector<16xf32>,
          tpu.vector_store %arg14[%swap3A_1239, %swap3A_1240], %mul3A_1238 {strides = array<i32>} : memref<80x128xf32, #tpu.memory_space<vmem>>, vector<16xf32>,
          %get3A_1242 = arith.index_cast %add3A_1227 : i32 to index
          %get3A_1243 = arith.constant 32 : index
          %get3A_1244 = tpu.vector_load %arg14[%get3A_1242, %get3A_1243] {strides = array<i32>} : memref<80x128xf32, #tpu.memory_space<vmem>>, vector<16xf32>,
          %mul3A_1245 = arith.mulf %get3A_1244, %broadcast_in_dim3A_1223 : vector<16xf32>
          %swap3A_1246 = arith.index_cast %add3A_1227 : i32 to index
          %swap3A_1247 = arith.constant 32 : index
          %swap3A_1248 = tpu.vector_load %arg14[%swap3A_1246, %swap3A_1247] {strides = array<i32>} : memref<80x128xf32, #tpu.memory_space<vmem>>, vector<16xf32>,
          tpu.vector_store %arg14[%swap3A_1246, %swap3A_1247], %mul3A_1245 {strides = array<i32>} : memref<80x128xf32, #tpu.memory_space<vmem>>, vector<16xf32>,
          %get3A_1249 = arith.index_cast %add3A_1227 : i32 to index
          %get3A_1250 = arith.constant 48 : index
          %get3A_1251 = tpu.vector_load %arg14[%get3A_1249, %get3A_1250] {strides = array<i32>} : memref<80x128xf32, #tpu.memory_space<vmem>>, vector<16xf32>,
          %mul3A_1252 = arith.mulf %get3A_1251, %broadcast_in_dim3A_1223 : vector<16xf32>
          %swap3A_1253 = arith.index_cast %add3A_1227 : i32 to index
          %swap3A_1254 = arith.constant 48 : index
          %swap3A_1255 = tpu.vector_load %arg14[%swap3A_1253, %swap3A_1254] {strides = array<i32>} : memref<80x128xf32, #tpu.memory_space<vmem>>, vector<16xf32>,
          tpu.vector_store %arg14[%swap3A_1253, %swap3A_1254], %mul3A_1252 {strides = array<i32>} : memref<80x128xf32, #tpu.memory_space<vmem>>, vector<16xf32>,
          %get3A_1256 = arith.index_cast %add3A_1227 : i32 to index
          %get3A_1257 = arith.constant 64 : index
          %get3A_1258 = tpu.vector_load %arg14[%get3A_1256, %get3A_1257] {strides = array<i32>} : memref<80x128xf32, #tpu.memory_space<vmem>>, vector<16xf32>,
          %mul3A_1259 = arith.mulf %get3A_1258, %broadcast_in_dim3A_1223 : vector<16xf32>
          %swap3A_1260 = arith.index_cast %add3A_1227 : i32 to index
          %swap3A_1261 = arith.constant 64 : index
          %swap3A_1262 = tpu.vector_load %arg14[%swap3A_1260, %swap3A_1261] {strides = array<i32>} : memref<80x128xf32, #tpu.memory_space<vmem>>, vector<16xf32>,
          tpu.vector_store %arg14[%swap3A_1260, %swap3A_1261], %mul3A_1259 {strides = array<i32>} : memref<80x128xf32, #tpu.memory_space<vmem>>, vector<16xf32>,
          %get3A_1263 = arith.index_cast %add3A_1227 : i32 to index
          %get3A_1264 = arith.constant 80 : index
          %get3A_1265 = tpu.vector_load %arg14[%get3A_1263, %get3A_1264] {strides = array<i32>} : memref<80x128xf32, #tpu.memory_space<vmem>>, vector<16xf32>,
          %mul3A_1266 = arith.mulf %get3A_1265, %broadcast_in_dim3A_1223 : vector<16xf32>
          %swap3A_1267 = arith.index_cast %add3A_1227 : i32 to index
          %swap3A_1268 = arith.constant 80 : index
          %swap3A_1269 = tpu.vector_load %arg14[%swap3A_1267, %swap3A_1268] {strides = array<i32>} : memref<80x128xf32, #tpu.memory_space<vmem>>, vector<16xf32>,
          tpu.vector_store %arg14[%swap3A_1267, %swap3A_1268], %mul3A_1266 {strides = array<i32>} : memref<80x128xf32, #tpu.memory_space<vmem>>, vector<16xf32>,
          %get3A_1270 = arith.index_cast %add3A_1227 : i32 to index
          %get3A_1271 = arith.constant 96 : index
          %get3A_1272 = tpu.vector_load %arg14[%get3A_1270, %get3A_1271] {strides = array<i32>} : memref<80x128xf32, #tpu.memory_space<vmem>>, vector<16xf32>,
          %mul3A_1273 = arith.mulf %get3A_1272, %broadcast_in_dim3A_1223 : vector<16xf32>
          %swap3A_1274 = arith.index_cast %add3A_1227 : i32 to index
          %swap3A_1275 = arith.constant 96 : index
          %swap3A_1276 = tpu.vector_load %arg14[%swap3A_1274, %swap3A_1275] {strides = array<i32>} : memref<80x128xf32, #tpu.memory_space<vmem>>, vector<16xf32>,
          tpu.vector_store %arg14[%swap3A_1274, %swap3A_1275], %mul3A_1273 {strides = array<i32>} : memref<80x128xf32, #tpu.memory_space<vmem>>, vector<16xf32>,
          %get3A_1277 = arith.index_cast %add3A_1227 : i32 to index
          %get3A_1278 = arith.constant 112 : index
          %get3A_1279 = tpu.vector_load %arg14[%get3A_1277, %get3A_1278] {strides = array<i32>} : memref<80x128xf32, #tpu.memory_space<vmem>>, vector<16xf32>,
          %mul3A_1280 = arith.mulf %get3A_1279, %broadcast_in_dim3A_1223 : vector<16xf32>
          %swap3A_1281 = arith.index_cast %add3A_1227 : i32 to index
          %swap3A_1282 = arith.constant 112 : index
          %swap3A_1283 = tpu.vector_load %arg14[%swap3A_1281, %swap3A_1282] {strides = array<i32>} : memref<80x128xf32, #tpu.memory_space<vmem>>, vector<16xf32>,
          tpu.vector_store %arg14[%swap3A_1281, %swap3A_1282], %mul3A_1280 {strides = array<i32>} : memref<80x128xf32, #tpu.memory_space<vmem>>, vector<16xf32>,
          %slice3A_1284 = vector.extract_strided_slice %get3A_404 {offsets = [14], sizes = [1], strides = [1]} : vector<16xf32> to vector<1xf32>
          %squeeze3A_1285 = vector.extract %slice3A_1284[0] : f32 from vector<1xf32>
          %broadcast_in_dim3A_1286 = vector.broadcast %squeeze3A_1285 : f32 to vector<16xf32>
          %mul3A_1287 = arith.constant 16 : i32
          %mul3A_1288 = arith.muli %scan3A_400, %mul3A_1287 : i32
          %add3A_1289 = arith.constant 14 : i32
          %add3A_1290 = arith.addi %mul3A_1288, %add3A_1289 : i32
          %get3A_1291 = arith.index_cast %add3A_1290 : i32 to index
          %get3A_1292 = arith.constant 0 : index
          %get3A_1293 = tpu.vector_load %arg14[%get3A_1291, %get3A_1292] {strides = array<i32>} : memref<80x128xf32, #tpu.memory_space<vmem>>, vector<16xf32>,
          %mul3A_1294 = arith.mulf %get3A_1293, %broadcast_in_dim3A_1286 : vector<16xf32>
          %swap3A_1295 = arith.index_cast %add3A_1290 : i32 to index
          %swap3A_1296 = arith.constant 0 : index
          %swap3A_1297 = tpu.vector_load %arg14[%swap3A_1295, %swap3A_1296] {strides = array<i32>} : memref<80x128xf32, #tpu.memory_space<vmem>>, vector<16xf32>,
          tpu.vector_store %arg14[%swap3A_1295, %swap3A_1296], %mul3A_1294 {strides = array<i32>} : memref<80x128xf32, #tpu.memory_space<vmem>>, vector<16xf32>,
          %get3A_1298 = arith.index_cast %add3A_1290 : i32 to index
          %get3A_1299 = arith.constant 16 : index
          %get3A_1300 = tpu.vector_load %arg14[%get3A_1298, %get3A_1299] {strides = array<i32>} : memref<80x128xf32, #tpu.memory_space<vmem>>, vector<16xf32>,
          %mul3A_1301 = arith.mulf %get3A_1300, %broadcast_in_dim3A_1286 : vector<16xf32>
          %swap3A_1302 = arith.index_cast %add3A_1290 : i32 to index
          %swap3A_1303 = arith.constant 16 : index
          %swap3A_1304 = tpu.vector_load %arg14[%swap3A_1302, %swap3A_1303] {strides = array<i32>} : memref<80x128xf32, #tpu.memory_space<vmem>>, vector<16xf32>,
          tpu.vector_store %arg14[%swap3A_1302, %swap3A_1303], %mul3A_1301 {strides = array<i32>} : memref<80x128xf32, #tpu.memory_space<vmem>>, vector<16xf32>,
          %get3A_1305 = arith.index_cast %add3A_1290 : i32 to index
          %get3A_1306 = arith.constant 32 : index
          %get3A_1307 = tpu.vector_load %arg14[%get3A_1305, %get3A_1306] {strides = array<i32>} : memref<80x128xf32, #tpu.memory_space<vmem>>, vector<16xf32>,
          %mul3A_1308 = arith.mulf %get3A_1307, %broadcast_in_dim3A_1286 : vector<16xf32>
          %swap3A_1309 = arith.index_cast %add3A_1290 : i32 to index
          %swap3A_1310 = arith.constant 32 : index
          %swap3A_1311 = tpu.vector_load %arg14[%swap3A_1309, %swap3A_1310] {strides = array<i32>} : memref<80x128xf32, #tpu.memory_space<vmem>>, vector<16xf32>,
          tpu.vector_store %arg14[%swap3A_1309, %swap3A_1310], %mul3A_1308 {strides = array<i32>} : memref<80x128xf32, #tpu.memory_space<vmem>>, vector<16xf32>,
          %get3A_1312 = arith.index_cast %add3A_1290 : i32 to index
          %get3A_1313 = arith.constant 48 : index
          %get3A_1314 = tpu.vector_load %arg14[%get3A_1312, %get3A_1313] {strides = array<i32>} : memref<80x128xf32, #tpu.memory_space<vmem>>, vector<16xf32>,
          %mul3A_1315 = arith.mulf %get3A_1314, %broadcast_in_dim3A_1286 : vector<16xf32>
          %swap3A_1316 = arith.index_cast %add3A_1290 : i32 to index
          %swap3A_1317 = arith.constant 48 : index
          %swap3A_1318 = tpu.vector_load %arg14[%swap3A_1316, %swap3A_1317] {strides = array<i32>} : memref<80x128xf32, #tpu.memory_space<vmem>>, vector<16xf32>,
          tpu.vector_store %arg14[%swap3A_1316, %swap3A_1317], %mul3A_1315 {strides = array<i32>} : memref<80x128xf32, #tpu.memory_space<vmem>>, vector<16xf32>,
          %get3A_1319 = arith.index_cast %add3A_1290 : i32 to index
          %get3A_1320 = arith.constant 64 : index
          %get3A_1321 = tpu.vector_load %arg14[%get3A_1319, %get3A_1320] {strides = array<i32>} : memref<80x128xf32, #tpu.memory_space<vmem>>, vector<16xf32>,
          %mul3A_1322 = arith.mulf %get3A_1321, %broadcast_in_dim3A_1286 : vector<16xf32>
          %swap3A_1323 = arith.index_cast %add3A_1290 : i32 to index
          %swap3A_1324 = arith.constant 64 : index
          %swap3A_1325 = tpu.vector_load %arg14[%swap3A_1323, %swap3A_1324] {strides = array<i32>} : memref<80x128xf32, #tpu.memory_space<vmem>>, vector<16xf32>,
          tpu.vector_store %arg14[%swap3A_1323, %swap3A_1324], %mul3A_1322 {strides = array<i32>} : memref<80x128xf32, #tpu.memory_space<vmem>>, vector<16xf32>,
          %get3A_1326 = arith.index_cast %add3A_1290 : i32 to index
          %get3A_1327 = arith.constant 80 : index
          %get3A_1328 = tpu.vector_load %arg14[%get3A_1326, %get3A_1327] {strides = array<i32>} : memref<80x128xf32, #tpu.memory_space<vmem>>, vector<16xf32>,
          %mul3A_1329 = arith.mulf %get3A_1328, %broadcast_in_dim3A_1286 : vector<16xf32>
          %swap3A_1330 = arith.index_cast %add3A_1290 : i32 to index
          %swap3A_1331 = arith.constant 80 : index
          %swap3A_1332 = tpu.vector_load %arg14[%swap3A_1330, %swap3A_1331] {strides = array<i32>} : memref<80x128xf32, #tpu.memory_space<vmem>>, vector<16xf32>,
          tpu.vector_store %arg14[%swap3A_1330, %swap3A_1331], %mul3A_1329 {strides = array<i32>} : memref<80x128xf32, #tpu.memory_space<vmem>>, vector<16xf32>,
          %get3A_1333 = arith.index_cast %add3A_1290 : i32 to index
          %get3A_1334 = arith.constant 96 : index
          %get3A_1335 = tpu.vector_load %arg14[%get3A_1333, %get3A_1334] {strides = array<i32>} : memref<80x128xf32, #tpu.memory_space<vmem>>, vector<16xf32>,
          %mul3A_1336 = arith.mulf %get3A_1335, %broadcast_in_dim3A_1286 : vector<16xf32>
          %swap3A_1337 = arith.index_cast %add3A_1290 : i32 to index
          %swap3A_1338 = arith.constant 96 : index
          %swap3A_1339 = tpu.vector_load %arg14[%swap3A_1337, %swap3A_1338] {strides = array<i32>} : memref<80x128xf32, #tpu.memory_space<vmem>>, vector<16xf32>,
          tpu.vector_store %arg14[%swap3A_1337, %swap3A_1338], %mul3A_1336 {strides = array<i32>} : memref<80x128xf32, #tpu.memory_space<vmem>>, vector<16xf32>,
          %get3A_1340 = arith.index_cast %add3A_1290 : i32 to index
          %get3A_1341 = arith.constant 112 : index
          %get3A_1342 = tpu.vector_load %arg14[%get3A_1340, %get3A_1341] {strides = array<i32>} : memref<80x128xf32, #tpu.memory_space<vmem>>, vector<16xf32>,
          %mul3A_1343 = arith.mulf %get3A_1342, %broadcast_in_dim3A_1286 : vector<16xf32>
          %swap3A_1344 = arith.index_cast %add3A_1290 : i32 to index
          %swap3A_1345 = arith.constant 112 : index
          %swap3A_1346 = tpu.vector_load %arg14[%swap3A_1344, %swap3A_1345] {strides = array<i32>} : memref<80x128xf32, #tpu.memory_space<vmem>>, vector<16xf32>,
          tpu.vector_store %arg14[%swap3A_1344, %swap3A_1345], %mul3A_1343 {strides = array<i32>} : memref<80x128xf32, #tpu.memory_space<vmem>>, vector<16xf32>,
          %slice3A_1347 = vector.extract_strided_slice %get3A_404 {offsets = [15], sizes = [1], strides = [1]} : vector<16xf32> to vector<1xf32>
          %squeeze3A_1348 = vector.extract %slice3A_1347[0] : f32 from vector<1xf32>
          %broadcast_in_dim3A_1349 = vector.broadcast %squeeze3A_1348 : f32 to vector<16xf32>
          %mul3A_1350 = arith.constant 16 : i32
          %mul3A_1351 = arith.muli %scan3A_400, %mul3A_1350 : i32
          %add3A_1352 = arith.constant 15 : i32
          %add3A_1353 = arith.addi %mul3A_1351, %add3A_1352 : i32
          %get3A_1354 = arith.index_cast %add3A_1353 : i32 to index
          %get3A_1355 = arith.constant 0 : index
          %get3A_1356 = tpu.vector_load %arg14[%get3A_1354, %get3A_1355] {strides = array<i32>} : memref<80x128xf32, #tpu.memory_space<vmem>>, vector<16xf32>,
          %mul3A_1357 = arith.mulf %get3A_1356, %broadcast_in_dim3A_1349 : vector<16xf32>
          %swap3A_1358 = arith.index_cast %add3A_1353 : i32 to index
          %swap3A_1359 = arith.constant 0 : index
          %swap3A_1360 = tpu.vector_load %arg14[%swap3A_1358, %swap3A_1359] {strides = array<i32>} : memref<80x128xf32, #tpu.memory_space<vmem>>, vector<16xf32>,
          tpu.vector_store %arg14[%swap3A_1358, %swap3A_1359], %mul3A_1357 {strides = array<i32>} : memref<80x128xf32, #tpu.memory_space<vmem>>, vector<16xf32>,
          %get3A_1361 = arith.index_cast %add3A_1353 : i32 to index
          %get3A_1362 = arith.constant 16 : index
          %get3A_1363 = tpu.vector_load %arg14[%get3A_1361, %get3A_1362] {strides = array<i32>} : memref<80x128xf32, #tpu.memory_space<vmem>>, vector<16xf32>,
          %mul3A_1364 = arith.mulf %get3A_1363, %broadcast_in_dim3A_1349 : vector<16xf32>
          %swap3A_1365 = arith.index_cast %add3A_1353 : i32 to index
          %swap3A_1366 = arith.constant 16 : index
          %swap3A_1367 = tpu.vector_load %arg14[%swap3A_1365, %swap3A_1366] {strides = array<i32>} : memref<80x128xf32, #tpu.memory_space<vmem>>, vector<16xf32>,
          tpu.vector_store %arg14[%swap3A_1365, %swap3A_1366], %mul3A_1364 {strides = array<i32>} : memref<80x128xf32, #tpu.memory_space<vmem>>, vector<16xf32>,
          %get3A_1368 = arith.index_cast %add3A_1353 : i32 to index
          %get3A_1369 = arith.constant 32 : index
          %get3A_1370 = tpu.vector_load %arg14[%get3A_1368, %get3A_1369] {strides = array<i32>} : memref<80x128xf32, #tpu.memory_space<vmem>>, vector<16xf32>,
          %mul3A_1371 = arith.mulf %get3A_1370, %broadcast_in_dim3A_1349 : vector<16xf32>
          %swap3A_1372 = arith.index_cast %add3A_1353 : i32 to index
          %swap3A_1373 = arith.constant 32 : index
          %swap3A_1374 = tpu.vector_load %arg14[%swap3A_1372, %swap3A_1373] {strides = array<i32>} : memref<80x128xf32, #tpu.memory_space<vmem>>, vector<16xf32>,
          tpu.vector_store %arg14[%swap3A_1372, %swap3A_1373], %mul3A_1371 {strides = array<i32>} : memref<80x128xf32, #tpu.memory_space<vmem>>, vector<16xf32>,
          %get3A_1375 = arith.index_cast %add3A_1353 : i32 to index
          %get3A_1376 = arith.constant 48 : index
          %get3A_1377 = tpu.vector_load %arg14[%get3A_1375, %get3A_1376] {strides = array<i32>} : memref<80x128xf32, #tpu.memory_space<vmem>>, vector<16xf32>,
          %mul3A_1378 = arith.mulf %get3A_1377, %broadcast_in_dim3A_1349 : vector<16xf32>
          %swap3A_1379 = arith.index_cast %add3A_1353 : i32 to index
          %swap3A_1380 = arith.constant 48 : index
          %swap3A_1381 = tpu.vector_load %arg14[%swap3A_1379, %swap3A_1380] {strides = array<i32>} : memref<80x128xf32, #tpu.memory_space<vmem>>, vector<16xf32>,
          tpu.vector_store %arg14[%swap3A_1379, %swap3A_1380], %mul3A_1378 {strides = array<i32>} : memref<80x128xf32, #tpu.memory_space<vmem>>, vector<16xf32>,
          %get3A_1382 = arith.index_cast %add3A_1353 : i32 to index
          %get3A_1383 = arith.constant 64 : index
          %get3A_1384 = tpu.vector_load %arg14[%get3A_1382, %get3A_1383] {strides = array<i32>} : memref<80x128xf32, #tpu.memory_space<vmem>>, vector<16xf32>,
          %mul3A_1385 = arith.mulf %get3A_1384, %broadcast_in_dim3A_1349 : vector<16xf32>
          %swap3A_1386 = arith.index_cast %add3A_1353 : i32 to index
          %swap3A_1387 = arith.constant 64 : index
          %swap3A_1388 = tpu.vector_load %arg14[%swap3A_1386, %swap3A_1387] {strides = array<i32>} : memref<80x128xf32, #tpu.memory_space<vmem>>, vector<16xf32>,
          tpu.vector_store %arg14[%swap3A_1386, %swap3A_1387], %mul3A_1385 {strides = array<i32>} : memref<80x128xf32, #tpu.memory_space<vmem>>, vector<16xf32>,
          %get3A_1389 = arith.index_cast %add3A_1353 : i32 to index
          %get3A_1390 = arith.constant 80 : index
          %get3A_1391 = tpu.vector_load %arg14[%get3A_1389, %get3A_1390] {strides = array<i32>} : memref<80x128xf32, #tpu.memory_space<vmem>>, vector<16xf32>,
          %mul3A_1392 = arith.mulf %get3A_1391, %broadcast_in_dim3A_1349 : vector<16xf32>
          %swap3A_1393 = arith.index_cast %add3A_1353 : i32 to index
          %swap3A_1394 = arith.constant 80 : index
          %swap3A_1395 = tpu.vector_load %arg14[%swap3A_1393, %swap3A_1394] {strides = array<i32>} : memref<80x128xf32, #tpu.memory_space<vmem>>, vector<16xf32>,
          tpu.vector_store %arg14[%swap3A_1393, %swap3A_1394], %mul3A_1392 {strides = array<i32>} : memref<80x128xf32, #tpu.memory_space<vmem>>, vector<16xf32>,
          %get3A_1396 = arith.index_cast %add3A_1353 : i32 to index
          %get3A_1397 = arith.constant 96 : index
          %get3A_1398 = tpu.vector_load %arg14[%get3A_1396, %get3A_1397] {strides = array<i32>} : memref<80x128xf32, #tpu.memory_space<vmem>>, vector<16xf32>,
          %mul3A_1399 = arith.mulf %get3A_1398, %broadcast_in_dim3A_1349 : vector<16xf32>
          %swap3A_1400 = arith.index_cast %add3A_1353 : i32 to index
          %swap3A_1401 = arith.constant 96 : index
          %swap3A_1402 = tpu.vector_load %arg14[%swap3A_1400, %swap3A_1401] {strides = array<i32>} : memref<80x128xf32, #tpu.memory_space<vmem>>, vector<16xf32>,
          tpu.vector_store %arg14[%swap3A_1400, %swap3A_1401], %mul3A_1399 {strides = array<i32>} : memref<80x128xf32, #tpu.memory_space<vmem>>, vector<16xf32>,
          %get3A_1403 = arith.index_cast %add3A_1353 : i32 to index
          %get3A_1404 = arith.constant 112 : index
          %get3A_1405 = tpu.vector_load %arg14[%get3A_1403, %get3A_1404] {strides = array<i32>} : memref<80x128xf32, #tpu.memory_space<vmem>>, vector<16xf32>,
          %mul3A_1406 = arith.mulf %get3A_1405, %broadcast_in_dim3A_1349 : vector<16xf32>
          %swap3A_1407 = arith.index_cast %add3A_1353 : i32 to index
          %swap3A_1408 = arith.constant 112 : index
          %swap3A_1409 = tpu.vector_load %arg14[%swap3A_1407, %swap3A_1408] {strides = array<i32>} : memref<80x128xf32, #tpu.memory_space<vmem>>, vector<16xf32>,
          tpu.vector_store %arg14[%swap3A_1407, %swap3A_1408], %mul3A_1406 {strides = array<i32>} : memref<80x128xf32, #tpu.memory_space<vmem>>, vector<16xf32>,
        }
        %scan3A_303 = arith.constant 5 : i32
        "tpu.region"() ({
          %run_scoped3A = tpu.sem_alloc : memref<!tpu.dma_semaphore, #tpu.memory_space<semaphore_mem>>
          %dma_start3A_400 = arith.constant 0 : i32
          %dma_start3A_401 = tpu.memref_slice %arg9[%mul3A_206, %dma_start3A_400] : memref<10x80xi32, #tpu.memory_space<vmem>> -> memref<1x80xi32, #tpu.memory_space<vmem>>
          %dma_start3A_402 = tpu.memref_squeeze %dma_start3A_401 : memref<1x80xi32, #tpu.memory_space<vmem>> -> memref<80xi32, #tpu.memory_space<vmem>>
          %dma_start3A_403 = arith.constant 0 : i32
          %dma_start3A_404 = arith.constant 0 : i32
          %dma_start3A_405 = tpu.memref_slice %arg16[%dma_start3A_403, %dma_start3A_404] : memref<10000x128xf32, #tpu.memory_space<vmem_shared>> -> memref<10000x128xf32, #tpu.memory_space<vmem_shared>>
          tpu.enqueue_indirect_dma source(%arg14 : memref<80x128xf32, #tpu.memory_space<vmem>>) target(%dma_start3A_405 : memref<10000x128xf32, #tpu.memory_space<vmem_shared>>) offsets(%dma_start3A_402 : memref<80xi32, #tpu.memory_space<vmem>>) semaphore(%run_scoped3A : memref<!tpu.dma_semaphore, #tpu.memory_space<semaphore_mem>>) {add = true}
          %dma_wait3A_406 = arith.constant 0 : i32
          %dma_wait3A_407 = tpu.memref_slice %arg9[%mul3A_206, %dma_wait3A_406] : memref<10x80xi32, #tpu.memory_space<vmem>> -> memref<1x80xi32, #tpu.memory_space<vmem>>
          %dma_wait3A_408 = tpu.memref_squeeze %dma_wait3A_407 : memref<1x80xi32, #tpu.memory_space<vmem>> -> memref<80xi32, #tpu.memory_space<vmem>>
          %dma_wait3A_409 = arith.constant 0 : i32
          %dma_wait3A_410 = arith.constant 0 : i32
          %dma_wait3A_411 = tpu.memref_slice %arg16[%dma_wait3A_409, %dma_wait3A_410] : memref<10000x128xf32, #tpu.memory_space<vmem_shared>> -> memref<10000x128xf32, #tpu.memory_space<vmem_shared>>
          tpu.wait_indirect_dma semaphore(%run_scoped3A : memref<!tpu.dma_semaphore, #tpu.memory_space<semaphore_mem>>) src(%arg14 : memref<80x128xf32, #tpu.memory_space<vmem>>) dst(%dma_wait3A_411 : memref<10000x128xf32, #tpu.memory_space<vmem_shared>>)
          tpu.yield
        }) : () -> ()
        %add3A_304 = arith.constant 1 : i32
        %add3A_305 = arith.addi %add3A_210, %add3A_304 : i32
        %lt3A = arith.constant 10 : i32
        %lt3A_306 = arith.cmpi slt, %add3A_305, %lt3A : i32
        %convert_element_type3A = arith.extui %lt3A_306 : i1 to i32
        %cond3A = arith.constant 0 : i32
        %cond3A_307 = arith.cmpi ne, %convert_element_type3A, %cond3A : i32
        scf.if %cond3A_307 {
          %add3A_400 = arith.constant 1 : i32
          %add3A_401 = arith.addi %add3A_210, %add3A_400 : i32
          %dma_start3A_402 = arith.constant 0 : i32
          %dma_start3A_403 = tpu.memref_slice %arg8[%add3A_401, %dma_start3A_402] : memref<10x80xi32, #tpu.memory_space<vmem>> -> memref<1x80xi32, #tpu.memory_space<vmem>>
          %dma_start3A_404 = tpu.memref_squeeze %dma_start3A_403 : memref<1x80xi32, #tpu.memory_space<vmem>> -> memref<80xi32, #tpu.memory_space<vmem>>
          %dma_start3A_405 = arith.constant 0 : i32
          %dma_start3A_406 = arith.constant 0 : i32
          %dma_start3A_407 = tpu.memref_slice %arg6[%dma_start3A_405, %dma_start3A_406] : memref<20000x128xf32, #tpu.memory_space<hbm>> -> memref<20000x128xf32, #tpu.memory_space<hbm>>
          tpu.enqueue_indirect_dma source(%dma_start3A_407 : memref<20000x128xf32, #tpu.memory_space<hbm>>) target(%arg14 : memref<80x128xf32, #tpu.memory_space<vmem>>) offsets(%dma_start3A_404 : memref<80xi32, #tpu.memory_space<vmem>>) semaphore(%arg17 : memref<!tpu.dma_semaphore, #tpu.memory_space<semaphore_mem>>)
        } else {
        }
        %dma_wait3A_308 = arith.constant 0 : i32
        %dma_wait3A_309 = tpu.memref_slice %arg8[%add3A_210, %dma_wait3A_308] : memref<10x80xi32, #tpu.memory_space<vmem>> -> memref<1x80xi32, #tpu.memory_space<vmem>>
        %dma_wait3A_310 = tpu.memref_squeeze %dma_wait3A_309 : memref<1x80xi32, #tpu.memory_space<vmem>> -> memref<80xi32, #tpu.memory_space<vmem>>
        %dma_wait3A_311 = arith.constant 0 : i32
        %dma_wait3A_312 = arith.constant 0 : i32
        %dma_wait3A_313 = tpu.memref_slice %arg6[%dma_wait3A_311, %dma_wait3A_312] : memref<20000x128xf32, #tpu.memory_space<hbm>> -> memref<20000x128xf32, #tpu.memory_space<hbm>>
        tpu.wait_indirect_dma semaphore(%arg18 : memref<!tpu.dma_semaphore, #tpu.memory_space<semaphore_mem>>) src(%dma_wait3A_313 : memref<20000x128xf32, #tpu.memory_space<hbm>>) dst(%arg15 : memref<80x128xf32, #tpu.memory_space<vmem>>)
        %get3A_314 = arith.index_cast %add3A_210 : i32 to index
        %get3A_315 = arith.constant 0 : index
        %get3A_316 = tpu.vector_load %arg9[%get3A_314, %get3A_315] {strides = array<i32>} : memref<10x80xi32, #tpu.memory_space<vmem>>, vector<16xi32>,
        %gather3A_317 = tpu.vector_load_idx %arg12[%get3A_316] : memref<10000xf32, #tpu.memory_space<vmem>>[vector<16xi32>], vector<16xf32>,
        %mul3A_318 = arith.constant 80 : i32
        %mul3A_319 = arith.muli %add3A_210, %mul3A_318 : i32
        %add3A_320 = arith.constant 0 : i32
        %add3A_321 = arith.addi %mul3A_319, %add3A_320 : i32
        %get3A_322 = arith.index_cast %add3A_321 : i32 to index
        %get3A_323 = tpu.vector_load %arg10[%get3A_322] {strides = array<i32>} : memref<800xf32, #tpu.memory_space<vmem>>, vector<16xf32>,
        %add3A_324 = arith.constant 9.99999971E-10 : f32
        %add3A_325 = vector.broadcast %add3A_324 : f32 to vector<16xf32>
        %add3A_326 = arith.addf %gather3A_317, %add3A_325 : vector<16xf32>
        %div3A_327 = arith.divf %get3A_323, %add3A_326 : vector<16xf32>
        %swap3A_328 = arith.constant 0 : index
        %swap3A_329 = tpu.vector_load %arg11[%swap3A_328] {strides = array<i32>} : memref<80xf32, #tpu.memory_space<vmem>>, vector<16xf32>,
        tpu.vector_store %arg11[%swap3A_328], %div3A_327 {strides = array<i32>} : memref<80xf32, #tpu.memory_space<vmem>>, vector<16xf32>,
        %get3A_330 = arith.index_cast %add3A_210 : i32 to index
        %get3A_331 = arith.constant 16 : index
        %get3A_332 = tpu.vector_load %arg9[%get3A_330, %get3A_331] {strides = array<i32>} : memref<10x80xi32, #tpu.memory_space<vmem>>, vector<16xi32>,
        %gather3A_333 = tpu.vector_load_idx %arg12[%get3A_332] : memref<10000xf32, #tpu.memory_space<vmem>>[vector<16xi32>], vector<16xf32>,
        %mul3A_334 = arith.constant 80 : i32
        %mul3A_335 = arith.muli %add3A_210, %mul3A_334 : i32
        %add3A_336 = arith.constant 16 : i32
        %add3A_337 = arith.addi %mul3A_335, %add3A_336 : i32
        %get3A_338 = arith.index_cast %add3A_337 : i32 to index
        %get3A_339 = tpu.vector_load %arg10[%get3A_338] {strides = array<i32>} : memref<800xf32, #tpu.memory_space<vmem>>, vector<16xf32>,
        %add3A_340 = arith.constant 9.99999971E-10 : f32
        %add3A_341 = vector.broadcast %add3A_340 : f32 to vector<16xf32>
        %add3A_342 = arith.addf %gather3A_333, %add3A_341 : vector<16xf32>
        %div3A_343 = arith.divf %get3A_339, %add3A_342 : vector<16xf32>
        %swap3A_344 = arith.constant 16 : index
        %swap3A_345 = tpu.vector_load %arg11[%swap3A_344] {strides = array<i32>} : memref<80xf32, #tpu.memory_space<vmem>>, vector<16xf32>,
        tpu.vector_store %arg11[%swap3A_344], %div3A_343 {strides = array<i32>} : memref<80xf32, #tpu.memory_space<vmem>>, vector<16xf32>,
        %get3A_346 = arith.index_cast %add3A_210 : i32 to index
        %get3A_347 = arith.constant 32 : index
        %get3A_348 = tpu.vector_load %arg9[%get3A_346, %get3A_347] {strides = array<i32>} : memref<10x80xi32, #tpu.memory_space<vmem>>, vector<16xi32>,
        %gather3A_349 = tpu.vector_load_idx %arg12[%get3A_348] : memref<10000xf32, #tpu.memory_space<vmem>>[vector<16xi32>], vector<16xf32>,
        %mul3A_350 = arith.constant 80 : i32
        %mul3A_351 = arith.muli %add3A_210, %mul3A_350 : i32
        %add3A_352 = arith.constant 32 : i32
        %add3A_353 = arith.addi %mul3A_351, %add3A_352 : i32
        %get3A_354 = arith.index_cast %add3A_353 : i32 to index
        %get3A_355 = tpu.vector_load %arg10[%get3A_354] {strides = array<i32>} : memref<800xf32, #tpu.memory_space<vmem>>, vector<16xf32>,
        %add3A_356 = arith.constant 9.99999971E-10 : f32
        %add3A_357 = vector.broadcast %add3A_356 : f32 to vector<16xf32>
        %add3A_358 = arith.addf %gather3A_349, %add3A_357 : vector<16xf32>
        %div3A_359 = arith.divf %get3A_355, %add3A_358 : vector<16xf32>
        %swap3A_360 = arith.constant 32 : index
        %swap3A_361 = tpu.vector_load %arg11[%swap3A_360] {strides = array<i32>} : memref<80xf32, #tpu.memory_space<vmem>>, vector<16xf32>,
        tpu.vector_store %arg11[%swap3A_360], %div3A_359 {strides = array<i32>} : memref<80xf32, #tpu.memory_space<vmem>>, vector<16xf32>,
        %get3A_362 = arith.index_cast %add3A_210 : i32 to index
        %get3A_363 = arith.constant 48 : index
        %get3A_364 = tpu.vector_load %arg9[%get3A_362, %get3A_363] {strides = array<i32>} : memref<10x80xi32, #tpu.memory_space<vmem>>, vector<16xi32>,
        %gather3A_365 = tpu.vector_load_idx %arg12[%get3A_364] : memref<10000xf32, #tpu.memory_space<vmem>>[vector<16xi32>], vector<16xf32>,
        %mul3A_366 = arith.constant 80 : i32
        %mul3A_367 = arith.muli %add3A_210, %mul3A_366 : i32
        %add3A_368 = arith.constant 48 : i32
        %add3A_369 = arith.addi %mul3A_367, %add3A_368 : i32
        %get3A_370 = arith.index_cast %add3A_369 : i32 to index
        %get3A_371 = tpu.vector_load %arg10[%get3A_370] {strides = array<i32>} : memref<800xf32, #tpu.memory_space<vmem>>, vector<16xf32>,
        %add3A_372 = arith.constant 9.99999971E-10 : f32
        %add3A_373 = vector.broadcast %add3A_372 : f32 to vector<16xf32>
        %add3A_374 = arith.addf %gather3A_365, %add3A_373 : vector<16xf32>
        %div3A_375 = arith.divf %get3A_371, %add3A_374 : vector<16xf32>
        %swap3A_376 = arith.constant 48 : index
        %swap3A_377 = tpu.vector_load %arg11[%swap3A_376] {strides = array<i32>} : memref<80xf32, #tpu.memory_space<vmem>>, vector<16xf32>,
        tpu.vector_store %arg11[%swap3A_376], %div3A_375 {strides = array<i32>} : memref<80xf32, #tpu.memory_space<vmem>>, vector<16xf32>,
        %get3A_378 = arith.index_cast %add3A_210 : i32 to index
        %get3A_379 = arith.constant 64 : index
        %get3A_380 = tpu.vector_load %arg9[%get3A_378, %get3A_379] {strides = array<i32>} : memref<10x80xi32, #tpu.memory_space<vmem>>, vector<16xi32>,
        %gather3A_381 = tpu.vector_load_idx %arg12[%get3A_380] : memref<10000xf32, #tpu.memory_space<vmem>>[vector<16xi32>], vector<16xf32>,
        %mul3A_382 = arith.constant 80 : i32
        %mul3A_383 = arith.muli %add3A_210, %mul3A_382 : i32
        %add3A_384 = arith.constant 64 : i32
        %add3A_385 = arith.addi %mul3A_383, %add3A_384 : i32
        %get3A_386 = arith.index_cast %add3A_385 : i32 to index
        %get3A_387 = tpu.vector_load %arg10[%get3A_386] {strides = array<i32>} : memref<800xf32, #tpu.memory_space<vmem>>, vector<16xf32>,
        %add3A_388 = arith.constant 9.99999971E-10 : f32
        %add3A_389 = vector.broadcast %add3A_388 : f32 to vector<16xf32>
        %add3A_390 = arith.addf %gather3A_381, %add3A_389 : vector<16xf32>
        %div3A_391 = arith.divf %get3A_387, %add3A_390 : vector<16xf32>
        %swap3A_392 = arith.constant 64 : index
        %swap3A_393 = tpu.vector_load %arg11[%swap3A_392] {strides = array<i32>} : memref<80xf32, #tpu.memory_space<vmem>>, vector<16xf32>,
        tpu.vector_store %arg11[%swap3A_392], %div3A_391 {strides = array<i32>} : memref<80xf32, #tpu.memory_space<vmem>>, vector<16xf32>,
        %scan3A_394 = arith.constant 0 : i32
        %scan3A_395 = arith.constant 0 : i32
        %scan3A_396 = arith.constant 5 : i32
        %scan3A_397 = arith.addi %scan3A_395, %scan3A_396 : i32
        %scan3A_398 = arith.constant 1 : i32
        scf.for %scan3A_400 = %scan3A_395 to %scan3A_397 step %scan3A_398  : i32 {
          %mul3A_401 = arith.constant 16 : i32
          %mul3A_402 = arith.muli %scan3A_400, %mul3A_401 : i32
          %get3A_403 = arith.index_cast %mul3A_402 : i32 to index
          %get3A_404 = tpu.vector_load %arg11[%get3A_403] {strides = array<i32>} : memref<80xf32, #tpu.memory_space<vmem>>, vector<16xf32>,
          %slice3A = vector.extract_strided_slice %get3A_404 {offsets = [0], sizes = [1], strides = [1]} : vector<16xf32> to vector<1xf32>
          %squeeze3A = vector.extract %slice3A[0] : f32 from vector<1xf32>
          %broadcast_in_dim3A = vector.broadcast %squeeze3A : f32 to vector<16xf32>
          %mul3A_405 = arith.constant 16 : i32
          %mul3A_406 = arith.muli %scan3A_400, %mul3A_405 : i32
          %add3A_407 = arith.constant 0 : i32
          %add3A_408 = arith.addi %mul3A_406, %add3A_407 : i32
          %get3A_409 = arith.index_cast %add3A_408 : i32 to index
          %get3A_410 = arith.constant 0 : index
          %get3A_411 = tpu.vector_load %arg15[%get3A_409, %get3A_410] {strides = array<i32>} : memref<80x128xf32, #tpu.memory_space<vmem>>, vector<16xf32>,
          %mul3A_412 = arith.mulf %get3A_411, %broadcast_in_dim3A : vector<16xf32>
          %swap3A_413 = arith.index_cast %add3A_408 : i32 to index
          %swap3A_414 = arith.constant 0 : index
          %swap3A_415 = tpu.vector_load %arg15[%swap3A_413, %swap3A_414] {strides = array<i32>} : memref<80x128xf32, #tpu.memory_space<vmem>>, vector<16xf32>,
          tpu.vector_store %arg15[%swap3A_413, %swap3A_414], %mul3A_412 {strides = array<i32>} : memref<80x128xf32, #tpu.memory_space<vmem>>, vector<16xf32>,
          %get3A_416 = arith.index_cast %add3A_408 : i32 to index
          %get3A_417 = arith.constant 16 : index
          %get3A_418 = tpu.vector_load %arg15[%get3A_416, %get3A_417] {strides = array<i32>} : memref<80x128xf32, #tpu.memory_space<vmem>>, vector<16xf32>,
          %mul3A_419 = arith.mulf %get3A_418, %broadcast_in_dim3A : vector<16xf32>
          %swap3A_420 = arith.index_cast %add3A_408 : i32 to index
          %swap3A_421 = arith.constant 16 : index
          %swap3A_422 = tpu.vector_load %arg15[%swap3A_420, %swap3A_421] {strides = array<i32>} : memref<80x128xf32, #tpu.memory_space<vmem>>, vector<16xf32>,
          tpu.vector_store %arg15[%swap3A_420, %swap3A_421], %mul3A_419 {strides = array<i32>} : memref<80x128xf32, #tpu.memory_space<vmem>>, vector<16xf32>,
          %get3A_423 = arith.index_cast %add3A_408 : i32 to index
          %get3A_424 = arith.constant 32 : index
          %get3A_425 = tpu.vector_load %arg15[%get3A_423, %get3A_424] {strides = array<i32>} : memref<80x128xf32, #tpu.memory_space<vmem>>, vector<16xf32>,
          %mul3A_426 = arith.mulf %get3A_425, %broadcast_in_dim3A : vector<16xf32>
          %swap3A_427 = arith.index_cast %add3A_408 : i32 to index
          %swap3A_428 = arith.constant 32 : index
          %swap3A_429 = tpu.vector_load %arg15[%swap3A_427, %swap3A_428] {strides = array<i32>} : memref<80x128xf32, #tpu.memory_space<vmem>>, vector<16xf32>,
          tpu.vector_store %arg15[%swap3A_427, %swap3A_428], %mul3A_426 {strides = array<i32>} : memref<80x128xf32, #tpu.memory_space<vmem>>, vector<16xf32>,
          %get3A_430 = arith.index_cast %add3A_408 : i32 to index
          %get3A_431 = arith.constant 48 : index
          %get3A_432 = tpu.vector_load %arg15[%get3A_430, %get3A_431] {strides = array<i32>} : memref<80x128xf32, #tpu.memory_space<vmem>>, vector<16xf32>,
          %mul3A_433 = arith.mulf %get3A_432, %broadcast_in_dim3A : vector<16xf32>
          %swap3A_434 = arith.index_cast %add3A_408 : i32 to index
          %swap3A_435 = arith.constant 48 : index
          %swap3A_436 = tpu.vector_load %arg15[%swap3A_434, %swap3A_435] {strides = array<i32>} : memref<80x128xf32, #tpu.memory_space<vmem>>, vector<16xf32>,
          tpu.vector_store %arg15[%swap3A_434, %swap3A_435], %mul3A_433 {strides = array<i32>} : memref<80x128xf32, #tpu.memory_space<vmem>>, vector<16xf32>,
          %get3A_437 = arith.index_cast %add3A_408 : i32 to index
          %get3A_438 = arith.constant 64 : index
          %get3A_439 = tpu.vector_load %arg15[%get3A_437, %get3A_438] {strides = array<i32>} : memref<80x128xf32, #tpu.memory_space<vmem>>, vector<16xf32>,
          %mul3A_440 = arith.mulf %get3A_439, %broadcast_in_dim3A : vector<16xf32>
          %swap3A_441 = arith.index_cast %add3A_408 : i32 to index
          %swap3A_442 = arith.constant 64 : index
          %swap3A_443 = tpu.vector_load %arg15[%swap3A_441, %swap3A_442] {strides = array<i32>} : memref<80x128xf32, #tpu.memory_space<vmem>>, vector<16xf32>,
          tpu.vector_store %arg15[%swap3A_441, %swap3A_442], %mul3A_440 {strides = array<i32>} : memref<80x128xf32, #tpu.memory_space<vmem>>, vector<16xf32>,
          %get3A_444 = arith.index_cast %add3A_408 : i32 to index
          %get3A_445 = arith.constant 80 : index
          %get3A_446 = tpu.vector_load %arg15[%get3A_444, %get3A_445] {strides = array<i32>} : memref<80x128xf32, #tpu.memory_space<vmem>>, vector<16xf32>,
          %mul3A_447 = arith.mulf %get3A_446, %broadcast_in_dim3A : vector<16xf32>
          %swap3A_448 = arith.index_cast %add3A_408 : i32 to index
          %swap3A_449 = arith.constant 80 : index
          %swap3A_450 = tpu.vector_load %arg15[%swap3A_448, %swap3A_449] {strides = array<i32>} : memref<80x128xf32, #tpu.memory_space<vmem>>, vector<16xf32>,
          tpu.vector_store %arg15[%swap3A_448, %swap3A_449], %mul3A_447 {strides = array<i32>} : memref<80x128xf32, #tpu.memory_space<vmem>>, vector<16xf32>,
          %get3A_451 = arith.index_cast %add3A_408 : i32 to index
          %get3A_452 = arith.constant 96 : index
          %get3A_453 = tpu.vector_load %arg15[%get3A_451, %get3A_452] {strides = array<i32>} : memref<80x128xf32, #tpu.memory_space<vmem>>, vector<16xf32>,
          %mul3A_454 = arith.mulf %get3A_453, %broadcast_in_dim3A : vector<16xf32>
          %swap3A_455 = arith.index_cast %add3A_408 : i32 to index
          %swap3A_456 = arith.constant 96 : index
          %swap3A_457 = tpu.vector_load %arg15[%swap3A_455, %swap3A_456] {strides = array<i32>} : memref<80x128xf32, #tpu.memory_space<vmem>>, vector<16xf32>,
          tpu.vector_store %arg15[%swap3A_455, %swap3A_456], %mul3A_454 {strides = array<i32>} : memref<80x128xf32, #tpu.memory_space<vmem>>, vector<16xf32>,
          %get3A_458 = arith.index_cast %add3A_408 : i32 to index
          %get3A_459 = arith.constant 112 : index
          %get3A_460 = tpu.vector_load %arg15[%get3A_458, %get3A_459] {strides = array<i32>} : memref<80x128xf32, #tpu.memory_space<vmem>>, vector<16xf32>,
          %mul3A_461 = arith.mulf %get3A_460, %broadcast_in_dim3A : vector<16xf32>
          %swap3A_462 = arith.index_cast %add3A_408 : i32 to index
          %swap3A_463 = arith.constant 112 : index
          %swap3A_464 = tpu.vector_load %arg15[%swap3A_462, %swap3A_463] {strides = array<i32>} : memref<80x128xf32, #tpu.memory_space<vmem>>, vector<16xf32>,
          tpu.vector_store %arg15[%swap3A_462, %swap3A_463], %mul3A_461 {strides = array<i32>} : memref<80x128xf32, #tpu.memory_space<vmem>>, vector<16xf32>,
          %slice3A_465 = vector.extract_strided_slice %get3A_404 {offsets = [1], sizes = [1], strides = [1]} : vector<16xf32> to vector<1xf32>
          %squeeze3A_466 = vector.extract %slice3A_465[0] : f32 from vector<1xf32>
          %broadcast_in_dim3A_467 = vector.broadcast %squeeze3A_466 : f32 to vector<16xf32>
          %mul3A_468 = arith.constant 16 : i32
          %mul3A_469 = arith.muli %scan3A_400, %mul3A_468 : i32
          %add3A_470 = arith.constant 1 : i32
          %add3A_471 = arith.addi %mul3A_469, %add3A_470 : i32
          %get3A_472 = arith.index_cast %add3A_471 : i32 to index
          %get3A_473 = arith.constant 0 : index
          %get3A_474 = tpu.vector_load %arg15[%get3A_472, %get3A_473] {strides = array<i32>} : memref<80x128xf32, #tpu.memory_space<vmem>>, vector<16xf32>,
          %mul3A_475 = arith.mulf %get3A_474, %broadcast_in_dim3A_467 : vector<16xf32>
          %swap3A_476 = arith.index_cast %add3A_471 : i32 to index
          %swap3A_477 = arith.constant 0 : index
          %swap3A_478 = tpu.vector_load %arg15[%swap3A_476, %swap3A_477] {strides = array<i32>} : memref<80x128xf32, #tpu.memory_space<vmem>>, vector<16xf32>,
          tpu.vector_store %arg15[%swap3A_476, %swap3A_477], %mul3A_475 {strides = array<i32>} : memref<80x128xf32, #tpu.memory_space<vmem>>, vector<16xf32>,
          %get3A_479 = arith.index_cast %add3A_471 : i32 to index
          %get3A_480 = arith.constant 16 : index
          %get3A_481 = tpu.vector_load %arg15[%get3A_479, %get3A_480] {strides = array<i32>} : memref<80x128xf32, #tpu.memory_space<vmem>>, vector<16xf32>,
          %mul3A_482 = arith.mulf %get3A_481, %broadcast_in_dim3A_467 : vector<16xf32>
          %swap3A_483 = arith.index_cast %add3A_471 : i32 to index
          %swap3A_484 = arith.constant 16 : index
          %swap3A_485 = tpu.vector_load %arg15[%swap3A_483, %swap3A_484] {strides = array<i32>} : memref<80x128xf32, #tpu.memory_space<vmem>>, vector<16xf32>,
          tpu.vector_store %arg15[%swap3A_483, %swap3A_484], %mul3A_482 {strides = array<i32>} : memref<80x128xf32, #tpu.memory_space<vmem>>, vector<16xf32>,
          %get3A_486 = arith.index_cast %add3A_471 : i32 to index
          %get3A_487 = arith.constant 32 : index
          %get3A_488 = tpu.vector_load %arg15[%get3A_486, %get3A_487] {strides = array<i32>} : memref<80x128xf32, #tpu.memory_space<vmem>>, vector<16xf32>,
          %mul3A_489 = arith.mulf %get3A_488, %broadcast_in_dim3A_467 : vector<16xf32>
          %swap3A_490 = arith.index_cast %add3A_471 : i32 to index
          %swap3A_491 = arith.constant 32 : index
          %swap3A_492 = tpu.vector_load %arg15[%swap3A_490, %swap3A_491] {strides = array<i32>} : memref<80x128xf32, #tpu.memory_space<vmem>>, vector<16xf32>,
          tpu.vector_store %arg15[%swap3A_490, %swap3A_491], %mul3A_489 {strides = array<i32>} : memref<80x128xf32, #tpu.memory_space<vmem>>, vector<16xf32>,
          %get3A_493 = arith.index_cast %add3A_471 : i32 to index
          %get3A_494 = arith.constant 48 : index
          %get3A_495 = tpu.vector_load %arg15[%get3A_493, %get3A_494] {strides = array<i32>} : memref<80x128xf32, #tpu.memory_space<vmem>>, vector<16xf32>,
          %mul3A_496 = arith.mulf %get3A_495, %broadcast_in_dim3A_467 : vector<16xf32>
          %swap3A_497 = arith.index_cast %add3A_471 : i32 to index
          %swap3A_498 = arith.constant 48 : index
          %swap3A_499 = tpu.vector_load %arg15[%swap3A_497, %swap3A_498] {strides = array<i32>} : memref<80x128xf32, #tpu.memory_space<vmem>>, vector<16xf32>,
          tpu.vector_store %arg15[%swap3A_497, %swap3A_498], %mul3A_496 {strides = array<i32>} : memref<80x128xf32, #tpu.memory_space<vmem>>, vector<16xf32>,
          %get3A_500 = arith.index_cast %add3A_471 : i32 to index
          %get3A_501 = arith.constant 64 : index
          %get3A_502 = tpu.vector_load %arg15[%get3A_500, %get3A_501] {strides = array<i32>} : memref<80x128xf32, #tpu.memory_space<vmem>>, vector<16xf32>,
          %mul3A_503 = arith.mulf %get3A_502, %broadcast_in_dim3A_467 : vector<16xf32>
          %swap3A_504 = arith.index_cast %add3A_471 : i32 to index
          %swap3A_505 = arith.constant 64 : index
          %swap3A_506 = tpu.vector_load %arg15[%swap3A_504, %swap3A_505] {strides = array<i32>} : memref<80x128xf32, #tpu.memory_space<vmem>>, vector<16xf32>,
          tpu.vector_store %arg15[%swap3A_504, %swap3A_505], %mul3A_503 {strides = array<i32>} : memref<80x128xf32, #tpu.memory_space<vmem>>, vector<16xf32>,
          %get3A_507 = arith.index_cast %add3A_471 : i32 to index
          %get3A_508 = arith.constant 80 : index
          %get3A_509 = tpu.vector_load %arg15[%get3A_507, %get3A_508] {strides = array<i32>} : memref<80x128xf32, #tpu.memory_space<vmem>>, vector<16xf32>,
          %mul3A_510 = arith.mulf %get3A_509, %broadcast_in_dim3A_467 : vector<16xf32>
          %swap3A_511 = arith.index_cast %add3A_471 : i32 to index
          %swap3A_512 = arith.constant 80 : index
          %swap3A_513 = tpu.vector_load %arg15[%swap3A_511, %swap3A_512] {strides = array<i32>} : memref<80x128xf32, #tpu.memory_space<vmem>>, vector<16xf32>,
          tpu.vector_store %arg15[%swap3A_511, %swap3A_512], %mul3A_510 {strides = array<i32>} : memref<80x128xf32, #tpu.memory_space<vmem>>, vector<16xf32>,
          %get3A_514 = arith.index_cast %add3A_471 : i32 to index
          %get3A_515 = arith.constant 96 : index
          %get3A_516 = tpu.vector_load %arg15[%get3A_514, %get3A_515] {strides = array<i32>} : memref<80x128xf32, #tpu.memory_space<vmem>>, vector<16xf32>,
          %mul3A_517 = arith.mulf %get3A_516, %broadcast_in_dim3A_467 : vector<16xf32>
          %swap3A_518 = arith.index_cast %add3A_471 : i32 to index
          %swap3A_519 = arith.constant 96 : index
          %swap3A_520 = tpu.vector_load %arg15[%swap3A_518, %swap3A_519] {strides = array<i32>} : memref<80x128xf32, #tpu.memory_space<vmem>>, vector<16xf32>,
          tpu.vector_store %arg15[%swap3A_518, %swap3A_519], %mul3A_517 {strides = array<i32>} : memref<80x128xf32, #tpu.memory_space<vmem>>, vector<16xf32>,
          %get3A_521 = arith.index_cast %add3A_471 : i32 to index
          %get3A_522 = arith.constant 112 : index
          %get3A_523 = tpu.vector_load %arg15[%get3A_521, %get3A_522] {strides = array<i32>} : memref<80x128xf32, #tpu.memory_space<vmem>>, vector<16xf32>,
          %mul3A_524 = arith.mulf %get3A_523, %broadcast_in_dim3A_467 : vector<16xf32>
          %swap3A_525 = arith.index_cast %add3A_471 : i32 to index
          %swap3A_526 = arith.constant 112 : index
          %swap3A_527 = tpu.vector_load %arg15[%swap3A_525, %swap3A_526] {strides = array<i32>} : memref<80x128xf32, #tpu.memory_space<vmem>>, vector<16xf32>,
          tpu.vector_store %arg15[%swap3A_525, %swap3A_526], %mul3A_524 {strides = array<i32>} : memref<80x128xf32, #tpu.memory_space<vmem>>, vector<16xf32>,
          %slice3A_528 = vector.extract_strided_slice %get3A_404 {offsets = [2], sizes = [1], strides = [1]} : vector<16xf32> to vector<1xf32>
          %squeeze3A_529 = vector.extract %slice3A_528[0] : f32 from vector<1xf32>
          %broadcast_in_dim3A_530 = vector.broadcast %squeeze3A_529 : f32 to vector<16xf32>
          %mul3A_531 = arith.constant 16 : i32
          %mul3A_532 = arith.muli %scan3A_400, %mul3A_531 : i32
          %add3A_533 = arith.constant 2 : i32
          %add3A_534 = arith.addi %mul3A_532, %add3A_533 : i32
          %get3A_535 = arith.index_cast %add3A_534 : i32 to index
          %get3A_536 = arith.constant 0 : index
          %get3A_537 = tpu.vector_load %arg15[%get3A_535, %get3A_536] {strides = array<i32>} : memref<80x128xf32, #tpu.memory_space<vmem>>, vector<16xf32>,
          %mul3A_538 = arith.mulf %get3A_537, %broadcast_in_dim3A_530 : vector<16xf32>
          %swap3A_539 = arith.index_cast %add3A_534 : i32 to index
          %swap3A_540 = arith.constant 0 : index
          %swap3A_541 = tpu.vector_load %arg15[%swap3A_539, %swap3A_540] {strides = array<i32>} : memref<80x128xf32, #tpu.memory_space<vmem>>, vector<16xf32>,
          tpu.vector_store %arg15[%swap3A_539, %swap3A_540], %mul3A_538 {strides = array<i32>} : memref<80x128xf32, #tpu.memory_space<vmem>>, vector<16xf32>,
          %get3A_542 = arith.index_cast %add3A_534 : i32 to index
          %get3A_543 = arith.constant 16 : index
          %get3A_544 = tpu.vector_load %arg15[%get3A_542, %get3A_543] {strides = array<i32>} : memref<80x128xf32, #tpu.memory_space<vmem>>, vector<16xf32>,
          %mul3A_545 = arith.mulf %get3A_544, %broadcast_in_dim3A_530 : vector<16xf32>
          %swap3A_546 = arith.index_cast %add3A_534 : i32 to index
          %swap3A_547 = arith.constant 16 : index
          %swap3A_548 = tpu.vector_load %arg15[%swap3A_546, %swap3A_547] {strides = array<i32>} : memref<80x128xf32, #tpu.memory_space<vmem>>, vector<16xf32>,
          tpu.vector_store %arg15[%swap3A_546, %swap3A_547], %mul3A_545 {strides = array<i32>} : memref<80x128xf32, #tpu.memory_space<vmem>>, vector<16xf32>,
          %get3A_549 = arith.index_cast %add3A_534 : i32 to index
          %get3A_550 = arith.constant 32 : index
          %get3A_551 = tpu.vector_load %arg15[%get3A_549, %get3A_550] {strides = array<i32>} : memref<80x128xf32, #tpu.memory_space<vmem>>, vector<16xf32>,
          %mul3A_552 = arith.mulf %get3A_551, %broadcast_in_dim3A_530 : vector<16xf32>
          %swap3A_553 = arith.index_cast %add3A_534 : i32 to index
          %swap3A_554 = arith.constant 32 : index
          %swap3A_555 = tpu.vector_load %arg15[%swap3A_553, %swap3A_554] {strides = array<i32>} : memref<80x128xf32, #tpu.memory_space<vmem>>, vector<16xf32>,
          tpu.vector_store %arg15[%swap3A_553, %swap3A_554], %mul3A_552 {strides = array<i32>} : memref<80x128xf32, #tpu.memory_space<vmem>>, vector<16xf32>,
          %get3A_556 = arith.index_cast %add3A_534 : i32 to index
          %get3A_557 = arith.constant 48 : index
          %get3A_558 = tpu.vector_load %arg15[%get3A_556, %get3A_557] {strides = array<i32>} : memref<80x128xf32, #tpu.memory_space<vmem>>, vector<16xf32>,
          %mul3A_559 = arith.mulf %get3A_558, %broadcast_in_dim3A_530 : vector<16xf32>
          %swap3A_560 = arith.index_cast %add3A_534 : i32 to index
          %swap3A_561 = arith.constant 48 : index
          %swap3A_562 = tpu.vector_load %arg15[%swap3A_560, %swap3A_561] {strides = array<i32>} : memref<80x128xf32, #tpu.memory_space<vmem>>, vector<16xf32>,
          tpu.vector_store %arg15[%swap3A_560, %swap3A_561], %mul3A_559 {strides = array<i32>} : memref<80x128xf32, #tpu.memory_space<vmem>>, vector<16xf32>,
          %get3A_563 = arith.index_cast %add3A_534 : i32 to index
          %get3A_564 = arith.constant 64 : index
          %get3A_565 = tpu.vector_load %arg15[%get3A_563, %get3A_564] {strides = array<i32>} : memref<80x128xf32, #tpu.memory_space<vmem>>, vector<16xf32>,
          %mul3A_566 = arith.mulf %get3A_565, %broadcast_in_dim3A_530 : vector<16xf32>
          %swap3A_567 = arith.index_cast %add3A_534 : i32 to index
          %swap3A_568 = arith.constant 64 : index
          %swap3A_569 = tpu.vector_load %arg15[%swap3A_567, %swap3A_568] {strides = array<i32>} : memref<80x128xf32, #tpu.memory_space<vmem>>, vector<16xf32>,
          tpu.vector_store %arg15[%swap3A_567, %swap3A_568], %mul3A_566 {strides = array<i32>} : memref<80x128xf32, #tpu.memory_space<vmem>>, vector<16xf32>,
          %get3A_570 = arith.index_cast %add3A_534 : i32 to index
          %get3A_571 = arith.constant 80 : index
          %get3A_572 = tpu.vector_load %arg15[%get3A_570, %get3A_571] {strides = array<i32>} : memref<80x128xf32, #tpu.memory_space<vmem>>, vector<16xf32>,
          %mul3A_573 = arith.mulf %get3A_572, %broadcast_in_dim3A_530 : vector<16xf32>
          %swap3A_574 = arith.index_cast %add3A_534 : i32 to index
          %swap3A_575 = arith.constant 80 : index
          %swap3A_576 = tpu.vector_load %arg15[%swap3A_574, %swap3A_575] {strides = array<i32>} : memref<80x128xf32, #tpu.memory_space<vmem>>, vector<16xf32>,
          tpu.vector_store %arg15[%swap3A_574, %swap3A_575], %mul3A_573 {strides = array<i32>} : memref<80x128xf32, #tpu.memory_space<vmem>>, vector<16xf32>,
          %get3A_577 = arith.index_cast %add3A_534 : i32 to index
          %get3A_578 = arith.constant 96 : index
          %get3A_579 = tpu.vector_load %arg15[%get3A_577, %get3A_578] {strides = array<i32>} : memref<80x128xf32, #tpu.memory_space<vmem>>, vector<16xf32>,
          %mul3A_580 = arith.mulf %get3A_579, %broadcast_in_dim3A_530 : vector<16xf32>
          %swap3A_581 = arith.index_cast %add3A_534 : i32 to index
          %swap3A_582 = arith.constant 96 : index
          %swap3A_583 = tpu.vector_load %arg15[%swap3A_581, %swap3A_582] {strides = array<i32>} : memref<80x128xf32, #tpu.memory_space<vmem>>, vector<16xf32>,
          tpu.vector_store %arg15[%swap3A_581, %swap3A_582], %mul3A_580 {strides = array<i32>} : memref<80x128xf32, #tpu.memory_space<vmem>>, vector<16xf32>,
          %get3A_584 = arith.index_cast %add3A_534 : i32 to index
          %get3A_585 = arith.constant 112 : index
          %get3A_586 = tpu.vector_load %arg15[%get3A_584, %get3A_585] {strides = array<i32>} : memref<80x128xf32, #tpu.memory_space<vmem>>, vector<16xf32>,
          %mul3A_587 = arith.mulf %get3A_586, %broadcast_in_dim3A_530 : vector<16xf32>
          %swap3A_588 = arith.index_cast %add3A_534 : i32 to index
          %swap3A_589 = arith.constant 112 : index
          %swap3A_590 = tpu.vector_load %arg15[%swap3A_588, %swap3A_589] {strides = array<i32>} : memref<80x128xf32, #tpu.memory_space<vmem>>, vector<16xf32>,
          tpu.vector_store %arg15[%swap3A_588, %swap3A_589], %mul3A_587 {strides = array<i32>} : memref<80x128xf32, #tpu.memory_space<vmem>>, vector<16xf32>,
          %slice3A_591 = vector.extract_strided_slice %get3A_404 {offsets = [3], sizes = [1], strides = [1]} : vector<16xf32> to vector<1xf32>
          %squeeze3A_592 = vector.extract %slice3A_591[0] : f32 from vector<1xf32>
          %broadcast_in_dim3A_593 = vector.broadcast %squeeze3A_592 : f32 to vector<16xf32>
          %mul3A_594 = arith.constant 16 : i32
          %mul3A_595 = arith.muli %scan3A_400, %mul3A_594 : i32
          %add3A_596 = arith.constant 3 : i32
          %add3A_597 = arith.addi %mul3A_595, %add3A_596 : i32
          %get3A_598 = arith.index_cast %add3A_597 : i32 to index
          %get3A_599 = arith.constant 0 : index
          %get3A_600 = tpu.vector_load %arg15[%get3A_598, %get3A_599] {strides = array<i32>} : memref<80x128xf32, #tpu.memory_space<vmem>>, vector<16xf32>,
          %mul3A_601 = arith.mulf %get3A_600, %broadcast_in_dim3A_593 : vector<16xf32>
          %swap3A_602 = arith.index_cast %add3A_597 : i32 to index
          %swap3A_603 = arith.constant 0 : index
          %swap3A_604 = tpu.vector_load %arg15[%swap3A_602, %swap3A_603] {strides = array<i32>} : memref<80x128xf32, #tpu.memory_space<vmem>>, vector<16xf32>,
          tpu.vector_store %arg15[%swap3A_602, %swap3A_603], %mul3A_601 {strides = array<i32>} : memref<80x128xf32, #tpu.memory_space<vmem>>, vector<16xf32>,
          %get3A_605 = arith.index_cast %add3A_597 : i32 to index
          %get3A_606 = arith.constant 16 : index
          %get3A_607 = tpu.vector_load %arg15[%get3A_605, %get3A_606] {strides = array<i32>} : memref<80x128xf32, #tpu.memory_space<vmem>>, vector<16xf32>,
          %mul3A_608 = arith.mulf %get3A_607, %broadcast_in_dim3A_593 : vector<16xf32>
          %swap3A_609 = arith.index_cast %add3A_597 : i32 to index
          %swap3A_610 = arith.constant 16 : index
          %swap3A_611 = tpu.vector_load %arg15[%swap3A_609, %swap3A_610] {strides = array<i32>} : memref<80x128xf32, #tpu.memory_space<vmem>>, vector<16xf32>,
          tpu.vector_store %arg15[%swap3A_609, %swap3A_610], %mul3A_608 {strides = array<i32>} : memref<80x128xf32, #tpu.memory_space<vmem>>, vector<16xf32>,
          %get3A_612 = arith.index_cast %add3A_597 : i32 to index
          %get3A_613 = arith.constant 32 : index
          %get3A_614 = tpu.vector_load %arg15[%get3A_612, %get3A_613] {strides = array<i32>} : memref<80x128xf32, #tpu.memory_space<vmem>>, vector<16xf32>,
          %mul3A_615 = arith.mulf %get3A_614, %broadcast_in_dim3A_593 : vector<16xf32>
          %swap3A_616 = arith.index_cast %add3A_597 : i32 to index
          %swap3A_617 = arith.constant 32 : index
          %swap3A_618 = tpu.vector_load %arg15[%swap3A_616, %swap3A_617] {strides = array<i32>} : memref<80x128xf32, #tpu.memory_space<vmem>>, vector<16xf32>,
          tpu.vector_store %arg15[%swap3A_616, %swap3A_617], %mul3A_615 {strides = array<i32>} : memref<80x128xf32, #tpu.memory_space<vmem>>, vector<16xf32>,
          %get3A_619 = arith.index_cast %add3A_597 : i32 to index
          %get3A_620 = arith.constant 48 : index
          %get3A_621 = tpu.vector_load %arg15[%get3A_619, %get3A_620] {strides = array<i32>} : memref<80x128xf32, #tpu.memory_space<vmem>>, vector<16xf32>,
          %mul3A_622 = arith.mulf %get3A_621, %broadcast_in_dim3A_593 : vector<16xf32>
          %swap3A_623 = arith.index_cast %add3A_597 : i32 to index
          %swap3A_624 = arith.constant 48 : index
          %swap3A_625 = tpu.vector_load %arg15[%swap3A_623, %swap3A_624] {strides = array<i32>} : memref<80x128xf32, #tpu.memory_space<vmem>>, vector<16xf32>,
          tpu.vector_store %arg15[%swap3A_623, %swap3A_624], %mul3A_622 {strides = array<i32>} : memref<80x128xf32, #tpu.memory_space<vmem>>, vector<16xf32>,
          %get3A_626 = arith.index_cast %add3A_597 : i32 to index
          %get3A_627 = arith.constant 64 : index
          %get3A_628 = tpu.vector_load %arg15[%get3A_626, %get3A_627] {strides = array<i32>} : memref<80x128xf32, #tpu.memory_space<vmem>>, vector<16xf32>,
          %mul3A_629 = arith.mulf %get3A_628, %broadcast_in_dim3A_593 : vector<16xf32>
          %swap3A_630 = arith.index_cast %add3A_597 : i32 to index
          %swap3A_631 = arith.constant 64 : index
          %swap3A_632 = tpu.vector_load %arg15[%swap3A_630, %swap3A_631] {strides = array<i32>} : memref<80x128xf32, #tpu.memory_space<vmem>>, vector<16xf32>,
          tpu.vector_store %arg15[%swap3A_630, %swap3A_631], %mul3A_629 {strides = array<i32>} : memref<80x128xf32, #tpu.memory_space<vmem>>, vector<16xf32>,
          %get3A_633 = arith.index_cast %add3A_597 : i32 to index
          %get3A_634 = arith.constant 80 : index
          %get3A_635 = tpu.vector_load %arg15[%get3A_633, %get3A_634] {strides = array<i32>} : memref<80x128xf32, #tpu.memory_space<vmem>>, vector<16xf32>,
          %mul3A_636 = arith.mulf %get3A_635, %broadcast_in_dim3A_593 : vector<16xf32>
          %swap3A_637 = arith.index_cast %add3A_597 : i32 to index
          %swap3A_638 = arith.constant 80 : index
          %swap3A_639 = tpu.vector_load %arg15[%swap3A_637, %swap3A_638] {strides = array<i32>} : memref<80x128xf32, #tpu.memory_space<vmem>>, vector<16xf32>,
          tpu.vector_store %arg15[%swap3A_637, %swap3A_638], %mul3A_636 {strides = array<i32>} : memref<80x128xf32, #tpu.memory_space<vmem>>, vector<16xf32>,
          %get3A_640 = arith.index_cast %add3A_597 : i32 to index
          %get3A_641 = arith.constant 96 : index
          %get3A_642 = tpu.vector_load %arg15[%get3A_640, %get3A_641] {strides = array<i32>} : memref<80x128xf32, #tpu.memory_space<vmem>>, vector<16xf32>,
          %mul3A_643 = arith.mulf %get3A_642, %broadcast_in_dim3A_593 : vector<16xf32>
          %swap3A_644 = arith.index_cast %add3A_597 : i32 to index
          %swap3A_645 = arith.constant 96 : index
          %swap3A_646 = tpu.vector_load %arg15[%swap3A_644, %swap3A_645] {strides = array<i32>} : memref<80x128xf32, #tpu.memory_space<vmem>>, vector<16xf32>,
          tpu.vector_store %arg15[%swap3A_644, %swap3A_645], %mul3A_643 {strides = array<i32>} : memref<80x128xf32, #tpu.memory_space<vmem>>, vector<16xf32>,
          %get3A_647 = arith.index_cast %add3A_597 : i32 to index
          %get3A_648 = arith.constant 112 : index
          %get3A_649 = tpu.vector_load %arg15[%get3A_647, %get3A_648] {strides = array<i32>} : memref<80x128xf32, #tpu.memory_space<vmem>>, vector<16xf32>,
          %mul3A_650 = arith.mulf %get3A_649, %broadcast_in_dim3A_593 : vector<16xf32>
          %swap3A_651 = arith.index_cast %add3A_597 : i32 to index
          %swap3A_652 = arith.constant 112 : index
          %swap3A_653 = tpu.vector_load %arg15[%swap3A_651, %swap3A_652] {strides = array<i32>} : memref<80x128xf32, #tpu.memory_space<vmem>>, vector<16xf32>,
          tpu.vector_store %arg15[%swap3A_651, %swap3A_652], %mul3A_650 {strides = array<i32>} : memref<80x128xf32, #tpu.memory_space<vmem>>, vector<16xf32>,
          %slice3A_654 = vector.extract_strided_slice %get3A_404 {offsets = [4], sizes = [1], strides = [1]} : vector<16xf32> to vector<1xf32>
          %squeeze3A_655 = vector.extract %slice3A_654[0] : f32 from vector<1xf32>
          %broadcast_in_dim3A_656 = vector.broadcast %squeeze3A_655 : f32 to vector<16xf32>
          %mul3A_657 = arith.constant 16 : i32
          %mul3A_658 = arith.muli %scan3A_400, %mul3A_657 : i32
          %add3A_659 = arith.constant 4 : i32
          %add3A_660 = arith.addi %mul3A_658, %add3A_659 : i32
          %get3A_661 = arith.index_cast %add3A_660 : i32 to index
          %get3A_662 = arith.constant 0 : index
          %get3A_663 = tpu.vector_load %arg15[%get3A_661, %get3A_662] {strides = array<i32>} : memref<80x128xf32, #tpu.memory_space<vmem>>, vector<16xf32>,
          %mul3A_664 = arith.mulf %get3A_663, %broadcast_in_dim3A_656 : vector<16xf32>
          %swap3A_665 = arith.index_cast %add3A_660 : i32 to index
          %swap3A_666 = arith.constant 0 : index
          %swap3A_667 = tpu.vector_load %arg15[%swap3A_665, %swap3A_666] {strides = array<i32>} : memref<80x128xf32, #tpu.memory_space<vmem>>, vector<16xf32>,
          tpu.vector_store %arg15[%swap3A_665, %swap3A_666], %mul3A_664 {strides = array<i32>} : memref<80x128xf32, #tpu.memory_space<vmem>>, vector<16xf32>,
          %get3A_668 = arith.index_cast %add3A_660 : i32 to index
          %get3A_669 = arith.constant 16 : index
          %get3A_670 = tpu.vector_load %arg15[%get3A_668, %get3A_669] {strides = array<i32>} : memref<80x128xf32, #tpu.memory_space<vmem>>, vector<16xf32>,
          %mul3A_671 = arith.mulf %get3A_670, %broadcast_in_dim3A_656 : vector<16xf32>
          %swap3A_672 = arith.index_cast %add3A_660 : i32 to index
          %swap3A_673 = arith.constant 16 : index
          %swap3A_674 = tpu.vector_load %arg15[%swap3A_672, %swap3A_673] {strides = array<i32>} : memref<80x128xf32, #tpu.memory_space<vmem>>, vector<16xf32>,
          tpu.vector_store %arg15[%swap3A_672, %swap3A_673], %mul3A_671 {strides = array<i32>} : memref<80x128xf32, #tpu.memory_space<vmem>>, vector<16xf32>,
          %get3A_675 = arith.index_cast %add3A_660 : i32 to index
          %get3A_676 = arith.constant 32 : index
          %get3A_677 = tpu.vector_load %arg15[%get3A_675, %get3A_676] {strides = array<i32>} : memref<80x128xf32, #tpu.memory_space<vmem>>, vector<16xf32>,
          %mul3A_678 = arith.mulf %get3A_677, %broadcast_in_dim3A_656 : vector<16xf32>
          %swap3A_679 = arith.index_cast %add3A_660 : i32 to index
          %swap3A_680 = arith.constant 32 : index
          %swap3A_681 = tpu.vector_load %arg15[%swap3A_679, %swap3A_680] {strides = array<i32>} : memref<80x128xf32, #tpu.memory_space<vmem>>, vector<16xf32>,
          tpu.vector_store %arg15[%swap3A_679, %swap3A_680], %mul3A_678 {strides = array<i32>} : memref<80x128xf32, #tpu.memory_space<vmem>>, vector<16xf32>,
          %get3A_682 = arith.index_cast %add3A_660 : i32 to index
          %get3A_683 = arith.constant 48 : index
          %get3A_684 = tpu.vector_load %arg15[%get3A_682, %get3A_683] {strides = array<i32>} : memref<80x128xf32, #tpu.memory_space<vmem>>, vector<16xf32>,
          %mul3A_685 = arith.mulf %get3A_684, %broadcast_in_dim3A_656 : vector<16xf32>
          %swap3A_686 = arith.index_cast %add3A_660 : i32 to index
          %swap3A_687 = arith.constant 48 : index
          %swap3A_688 = tpu.vector_load %arg15[%swap3A_686, %swap3A_687] {strides = array<i32>} : memref<80x128xf32, #tpu.memory_space<vmem>>, vector<16xf32>,
          tpu.vector_store %arg15[%swap3A_686, %swap3A_687], %mul3A_685 {strides = array<i32>} : memref<80x128xf32, #tpu.memory_space<vmem>>, vector<16xf32>,
          %get3A_689 = arith.index_cast %add3A_660 : i32 to index
          %get3A_690 = arith.constant 64 : index
          %get3A_691 = tpu.vector_load %arg15[%get3A_689, %get3A_690] {strides = array<i32>} : memref<80x128xf32, #tpu.memory_space<vmem>>, vector<16xf32>,
          %mul3A_692 = arith.mulf %get3A_691, %broadcast_in_dim3A_656 : vector<16xf32>
          %swap3A_693 = arith.index_cast %add3A_660 : i32 to index
          %swap3A_694 = arith.constant 64 : index
          %swap3A_695 = tpu.vector_load %arg15[%swap3A_693, %swap3A_694] {strides = array<i32>} : memref<80x128xf32, #tpu.memory_space<vmem>>, vector<16xf32>,
          tpu.vector_store %arg15[%swap3A_693, %swap3A_694], %mul3A_692 {strides = array<i32>} : memref<80x128xf32, #tpu.memory_space<vmem>>, vector<16xf32>,
          %get3A_696 = arith.index_cast %add3A_660 : i32 to index
          %get3A_697 = arith.constant 80 : index
          %get3A_698 = tpu.vector_load %arg15[%get3A_696, %get3A_697] {strides = array<i32>} : memref<80x128xf32, #tpu.memory_space<vmem>>, vector<16xf32>,
          %mul3A_699 = arith.mulf %get3A_698, %broadcast_in_dim3A_656 : vector<16xf32>
          %swap3A_700 = arith.index_cast %add3A_660 : i32 to index
          %swap3A_701 = arith.constant 80 : index
          %swap3A_702 = tpu.vector_load %arg15[%swap3A_700, %swap3A_701] {strides = array<i32>} : memref<80x128xf32, #tpu.memory_space<vmem>>, vector<16xf32>,
          tpu.vector_store %arg15[%swap3A_700, %swap3A_701], %mul3A_699 {strides = array<i32>} : memref<80x128xf32, #tpu.memory_space<vmem>>, vector<16xf32>,
          %get3A_703 = arith.index_cast %add3A_660 : i32 to index
          %get3A_704 = arith.constant 96 : index
          %get3A_705 = tpu.vector_load %arg15[%get3A_703, %get3A_704] {strides = array<i32>} : memref<80x128xf32, #tpu.memory_space<vmem>>, vector<16xf32>,
          %mul3A_706 = arith.mulf %get3A_705, %broadcast_in_dim3A_656 : vector<16xf32>
          %swap3A_707 = arith.index_cast %add3A_660 : i32 to index
          %swap3A_708 = arith.constant 96 : index
          %swap3A_709 = tpu.vector_load %arg15[%swap3A_707, %swap3A_708] {strides = array<i32>} : memref<80x128xf32, #tpu.memory_space<vmem>>, vector<16xf32>,
          tpu.vector_store %arg15[%swap3A_707, %swap3A_708], %mul3A_706 {strides = array<i32>} : memref<80x128xf32, #tpu.memory_space<vmem>>, vector<16xf32>,
          %get3A_710 = arith.index_cast %add3A_660 : i32 to index
          %get3A_711 = arith.constant 112 : index
          %get3A_712 = tpu.vector_load %arg15[%get3A_710, %get3A_711] {strides = array<i32>} : memref<80x128xf32, #tpu.memory_space<vmem>>, vector<16xf32>,
          %mul3A_713 = arith.mulf %get3A_712, %broadcast_in_dim3A_656 : vector<16xf32>
          %swap3A_714 = arith.index_cast %add3A_660 : i32 to index
          %swap3A_715 = arith.constant 112 : index
          %swap3A_716 = tpu.vector_load %arg15[%swap3A_714, %swap3A_715] {strides = array<i32>} : memref<80x128xf32, #tpu.memory_space<vmem>>, vector<16xf32>,
          tpu.vector_store %arg15[%swap3A_714, %swap3A_715], %mul3A_713 {strides = array<i32>} : memref<80x128xf32, #tpu.memory_space<vmem>>, vector<16xf32>,
          %slice3A_717 = vector.extract_strided_slice %get3A_404 {offsets = [5], sizes = [1], strides = [1]} : vector<16xf32> to vector<1xf32>
          %squeeze3A_718 = vector.extract %slice3A_717[0] : f32 from vector<1xf32>
          %broadcast_in_dim3A_719 = vector.broadcast %squeeze3A_718 : f32 to vector<16xf32>
          %mul3A_720 = arith.constant 16 : i32
          %mul3A_721 = arith.muli %scan3A_400, %mul3A_720 : i32
          %add3A_722 = arith.constant 5 : i32
          %add3A_723 = arith.addi %mul3A_721, %add3A_722 : i32
          %get3A_724 = arith.index_cast %add3A_723 : i32 to index
          %get3A_725 = arith.constant 0 : index
          %get3A_726 = tpu.vector_load %arg15[%get3A_724, %get3A_725] {strides = array<i32>} : memref<80x128xf32, #tpu.memory_space<vmem>>, vector<16xf32>,
          %mul3A_727 = arith.mulf %get3A_726, %broadcast_in_dim3A_719 : vector<16xf32>
          %swap3A_728 = arith.index_cast %add3A_723 : i32 to index
          %swap3A_729 = arith.constant 0 : index
          %swap3A_730 = tpu.vector_load %arg15[%swap3A_728, %swap3A_729] {strides = array<i32>} : memref<80x128xf32, #tpu.memory_space<vmem>>, vector<16xf32>,
          tpu.vector_store %arg15[%swap3A_728, %swap3A_729], %mul3A_727 {strides = array<i32>} : memref<80x128xf32, #tpu.memory_space<vmem>>, vector<16xf32>,
          %get3A_731 = arith.index_cast %add3A_723 : i32 to index
          %get3A_732 = arith.constant 16 : index
          %get3A_733 = tpu.vector_load %arg15[%get3A_731, %get3A_732] {strides = array<i32>} : memref<80x128xf32, #tpu.memory_space<vmem>>, vector<16xf32>,
          %mul3A_734 = arith.mulf %get3A_733, %broadcast_in_dim3A_719 : vector<16xf32>
          %swap3A_735 = arith.index_cast %add3A_723 : i32 to index
          %swap3A_736 = arith.constant 16 : index
          %swap3A_737 = tpu.vector_load %arg15[%swap3A_735, %swap3A_736] {strides = array<i32>} : memref<80x128xf32, #tpu.memory_space<vmem>>, vector<16xf32>,
          tpu.vector_store %arg15[%swap3A_735, %swap3A_736], %mul3A_734 {strides = array<i32>} : memref<80x128xf32, #tpu.memory_space<vmem>>, vector<16xf32>,
          %get3A_738 = arith.index_cast %add3A_723 : i32 to index
          %get3A_739 = arith.constant 32 : index
          %get3A_740 = tpu.vector_load %arg15[%get3A_738, %get3A_739] {strides = array<i32>} : memref<80x128xf32, #tpu.memory_space<vmem>>, vector<16xf32>,
          %mul3A_741 = arith.mulf %get3A_740, %broadcast_in_dim3A_719 : vector<16xf32>
          %swap3A_742 = arith.index_cast %add3A_723 : i32 to index
          %swap3A_743 = arith.constant 32 : index
          %swap3A_744 = tpu.vector_load %arg15[%swap3A_742, %swap3A_743] {strides = array<i32>} : memref<80x128xf32, #tpu.memory_space<vmem>>, vector<16xf32>,
          tpu.vector_store %arg15[%swap3A_742, %swap3A_743], %mul3A_741 {strides = array<i32>} : memref<80x128xf32, #tpu.memory_space<vmem>>, vector<16xf32>,
          %get3A_745 = arith.index_cast %add3A_723 : i32 to index
          %get3A_746 = arith.constant 48 : index
          %get3A_747 = tpu.vector_load %arg15[%get3A_745, %get3A_746] {strides = array<i32>} : memref<80x128xf32, #tpu.memory_space<vmem>>, vector<16xf32>,
          %mul3A_748 = arith.mulf %get3A_747, %broadcast_in_dim3A_719 : vector<16xf32>
          %swap3A_749 = arith.index_cast %add3A_723 : i32 to index
          %swap3A_750 = arith.constant 48 : index
          %swap3A_751 = tpu.vector_load %arg15[%swap3A_749, %swap3A_750] {strides = array<i32>} : memref<80x128xf32, #tpu.memory_space<vmem>>, vector<16xf32>,
          tpu.vector_store %arg15[%swap3A_749, %swap3A_750], %mul3A_748 {strides = array<i32>} : memref<80x128xf32, #tpu.memory_space<vmem>>, vector<16xf32>,
          %get3A_752 = arith.index_cast %add3A_723 : i32 to index
          %get3A_753 = arith.constant 64 : index
          %get3A_754 = tpu.vector_load %arg15[%get3A_752, %get3A_753] {strides = array<i32>} : memref<80x128xf32, #tpu.memory_space<vmem>>, vector<16xf32>,
          %mul3A_755 = arith.mulf %get3A_754, %broadcast_in_dim3A_719 : vector<16xf32>
          %swap3A_756 = arith.index_cast %add3A_723 : i32 to index
          %swap3A_757 = arith.constant 64 : index
          %swap3A_758 = tpu.vector_load %arg15[%swap3A_756, %swap3A_757] {strides = array<i32>} : memref<80x128xf32, #tpu.memory_space<vmem>>, vector<16xf32>,
          tpu.vector_store %arg15[%swap3A_756, %swap3A_757], %mul3A_755 {strides = array<i32>} : memref<80x128xf32, #tpu.memory_space<vmem>>, vector<16xf32>,
          %get3A_759 = arith.index_cast %add3A_723 : i32 to index
          %get3A_760 = arith.constant 80 : index
          %get3A_761 = tpu.vector_load %arg15[%get3A_759, %get3A_760] {strides = array<i32>} : memref<80x128xf32, #tpu.memory_space<vmem>>, vector<16xf32>,
          %mul3A_762 = arith.mulf %get3A_761, %broadcast_in_dim3A_719 : vector<16xf32>
          %swap3A_763 = arith.index_cast %add3A_723 : i32 to index
          %swap3A_764 = arith.constant 80 : index
          %swap3A_765 = tpu.vector_load %arg15[%swap3A_763, %swap3A_764] {strides = array<i32>} : memref<80x128xf32, #tpu.memory_space<vmem>>, vector<16xf32>,
          tpu.vector_store %arg15[%swap3A_763, %swap3A_764], %mul3A_762 {strides = array<i32>} : memref<80x128xf32, #tpu.memory_space<vmem>>, vector<16xf32>,
          %get3A_766 = arith.index_cast %add3A_723 : i32 to index
          %get3A_767 = arith.constant 96 : index
          %get3A_768 = tpu.vector_load %arg15[%get3A_766, %get3A_767] {strides = array<i32>} : memref<80x128xf32, #tpu.memory_space<vmem>>, vector<16xf32>,
          %mul3A_769 = arith.mulf %get3A_768, %broadcast_in_dim3A_719 : vector<16xf32>
          %swap3A_770 = arith.index_cast %add3A_723 : i32 to index
          %swap3A_771 = arith.constant 96 : index
          %swap3A_772 = tpu.vector_load %arg15[%swap3A_770, %swap3A_771] {strides = array<i32>} : memref<80x128xf32, #tpu.memory_space<vmem>>, vector<16xf32>,
          tpu.vector_store %arg15[%swap3A_770, %swap3A_771], %mul3A_769 {strides = array<i32>} : memref<80x128xf32, #tpu.memory_space<vmem>>, vector<16xf32>,
          %get3A_773 = arith.index_cast %add3A_723 : i32 to index
          %get3A_774 = arith.constant 112 : index
          %get3A_775 = tpu.vector_load %arg15[%get3A_773, %get3A_774] {strides = array<i32>} : memref<80x128xf32, #tpu.memory_space<vmem>>, vector<16xf32>,
          %mul3A_776 = arith.mulf %get3A_775, %broadcast_in_dim3A_719 : vector<16xf32>
          %swap3A_777 = arith.index_cast %add3A_723 : i32 to index
          %swap3A_778 = arith.constant 112 : index
          %swap3A_779 = tpu.vector_load %arg15[%swap3A_777, %swap3A_778] {strides = array<i32>} : memref<80x128xf32, #tpu.memory_space<vmem>>, vector<16xf32>,
          tpu.vector_store %arg15[%swap3A_777, %swap3A_778], %mul3A_776 {strides = array<i32>} : memref<80x128xf32, #tpu.memory_space<vmem>>, vector<16xf32>,
          %slice3A_780 = vector.extract_strided_slice %get3A_404 {offsets = [6], sizes = [1], strides = [1]} : vector<16xf32> to vector<1xf32>
          %squeeze3A_781 = vector.extract %slice3A_780[0] : f32 from vector<1xf32>
          %broadcast_in_dim3A_782 = vector.broadcast %squeeze3A_781 : f32 to vector<16xf32>
          %mul3A_783 = arith.constant 16 : i32
          %mul3A_784 = arith.muli %scan3A_400, %mul3A_783 : i32
          %add3A_785 = arith.constant 6 : i32
          %add3A_786 = arith.addi %mul3A_784, %add3A_785 : i32
          %get3A_787 = arith.index_cast %add3A_786 : i32 to index
          %get3A_788 = arith.constant 0 : index
          %get3A_789 = tpu.vector_load %arg15[%get3A_787, %get3A_788] {strides = array<i32>} : memref<80x128xf32, #tpu.memory_space<vmem>>, vector<16xf32>,
          %mul3A_790 = arith.mulf %get3A_789, %broadcast_in_dim3A_782 : vector<16xf32>
          %swap3A_791 = arith.index_cast %add3A_786 : i32 to index
          %swap3A_792 = arith.constant 0 : index
          %swap3A_793 = tpu.vector_load %arg15[%swap3A_791, %swap3A_792] {strides = array<i32>} : memref<80x128xf32, #tpu.memory_space<vmem>>, vector<16xf32>,
          tpu.vector_store %arg15[%swap3A_791, %swap3A_792], %mul3A_790 {strides = array<i32>} : memref<80x128xf32, #tpu.memory_space<vmem>>, vector<16xf32>,
          %get3A_794 = arith.index_cast %add3A_786 : i32 to index
          %get3A_795 = arith.constant 16 : index
          %get3A_796 = tpu.vector_load %arg15[%get3A_794, %get3A_795] {strides = array<i32>} : memref<80x128xf32, #tpu.memory_space<vmem>>, vector<16xf32>,
          %mul3A_797 = arith.mulf %get3A_796, %broadcast_in_dim3A_782 : vector<16xf32>
          %swap3A_798 = arith.index_cast %add3A_786 : i32 to index
          %swap3A_799 = arith.constant 16 : index
          %swap3A_800 = tpu.vector_load %arg15[%swap3A_798, %swap3A_799] {strides = array<i32>} : memref<80x128xf32, #tpu.memory_space<vmem>>, vector<16xf32>,
          tpu.vector_store %arg15[%swap3A_798, %swap3A_799], %mul3A_797 {strides = array<i32>} : memref<80x128xf32, #tpu.memory_space<vmem>>, vector<16xf32>,
          %get3A_801 = arith.index_cast %add3A_786 : i32 to index
          %get3A_802 = arith.constant 32 : index
          %get3A_803 = tpu.vector_load %arg15[%get3A_801, %get3A_802] {strides = array<i32>} : memref<80x128xf32, #tpu.memory_space<vmem>>, vector<16xf32>,
          %mul3A_804 = arith.mulf %get3A_803, %broadcast_in_dim3A_782 : vector<16xf32>
          %swap3A_805 = arith.index_cast %add3A_786 : i32 to index
          %swap3A_806 = arith.constant 32 : index
          %swap3A_807 = tpu.vector_load %arg15[%swap3A_805, %swap3A_806] {strides = array<i32>} : memref<80x128xf32, #tpu.memory_space<vmem>>, vector<16xf32>,
          tpu.vector_store %arg15[%swap3A_805, %swap3A_806], %mul3A_804 {strides = array<i32>} : memref<80x128xf32, #tpu.memory_space<vmem>>, vector<16xf32>,
          %get3A_808 = arith.index_cast %add3A_786 : i32 to index
          %get3A_809 = arith.constant 48 : index
          %get3A_810 = tpu.vector_load %arg15[%get3A_808, %get3A_809] {strides = array<i32>} : memref<80x128xf32, #tpu.memory_space<vmem>>, vector<16xf32>,
          %mul3A_811 = arith.mulf %get3A_810, %broadcast_in_dim3A_782 : vector<16xf32>
          %swap3A_812 = arith.index_cast %add3A_786 : i32 to index
          %swap3A_813 = arith.constant 48 : index
          %swap3A_814 = tpu.vector_load %arg15[%swap3A_812, %swap3A_813] {strides = array<i32>} : memref<80x128xf32, #tpu.memory_space<vmem>>, vector<16xf32>,
          tpu.vector_store %arg15[%swap3A_812, %swap3A_813], %mul3A_811 {strides = array<i32>} : memref<80x128xf32, #tpu.memory_space<vmem>>, vector<16xf32>,
          %get3A_815 = arith.index_cast %add3A_786 : i32 to index
          %get3A_816 = arith.constant 64 : index
          %get3A_817 = tpu.vector_load %arg15[%get3A_815, %get3A_816] {strides = array<i32>} : memref<80x128xf32, #tpu.memory_space<vmem>>, vector<16xf32>,
          %mul3A_818 = arith.mulf %get3A_817, %broadcast_in_dim3A_782 : vector<16xf32>
          %swap3A_819 = arith.index_cast %add3A_786 : i32 to index
          %swap3A_820 = arith.constant 64 : index
          %swap3A_821 = tpu.vector_load %arg15[%swap3A_819, %swap3A_820] {strides = array<i32>} : memref<80x128xf32, #tpu.memory_space<vmem>>, vector<16xf32>,
          tpu.vector_store %arg15[%swap3A_819, %swap3A_820], %mul3A_818 {strides = array<i32>} : memref<80x128xf32, #tpu.memory_space<vmem>>, vector<16xf32>,
          %get3A_822 = arith.index_cast %add3A_786 : i32 to index
          %get3A_823 = arith.constant 80 : index
          %get3A_824 = tpu.vector_load %arg15[%get3A_822, %get3A_823] {strides = array<i32>} : memref<80x128xf32, #tpu.memory_space<vmem>>, vector<16xf32>,
          %mul3A_825 = arith.mulf %get3A_824, %broadcast_in_dim3A_782 : vector<16xf32>
          %swap3A_826 = arith.index_cast %add3A_786 : i32 to index
          %swap3A_827 = arith.constant 80 : index
          %swap3A_828 = tpu.vector_load %arg15[%swap3A_826, %swap3A_827] {strides = array<i32>} : memref<80x128xf32, #tpu.memory_space<vmem>>, vector<16xf32>,
          tpu.vector_store %arg15[%swap3A_826, %swap3A_827], %mul3A_825 {strides = array<i32>} : memref<80x128xf32, #tpu.memory_space<vmem>>, vector<16xf32>,
          %get3A_829 = arith.index_cast %add3A_786 : i32 to index
          %get3A_830 = arith.constant 96 : index
          %get3A_831 = tpu.vector_load %arg15[%get3A_829, %get3A_830] {strides = array<i32>} : memref<80x128xf32, #tpu.memory_space<vmem>>, vector<16xf32>,
          %mul3A_832 = arith.mulf %get3A_831, %broadcast_in_dim3A_782 : vector<16xf32>
          %swap3A_833 = arith.index_cast %add3A_786 : i32 to index
          %swap3A_834 = arith.constant 96 : index
          %swap3A_835 = tpu.vector_load %arg15[%swap3A_833, %swap3A_834] {strides = array<i32>} : memref<80x128xf32, #tpu.memory_space<vmem>>, vector<16xf32>,
          tpu.vector_store %arg15[%swap3A_833, %swap3A_834], %mul3A_832 {strides = array<i32>} : memref<80x128xf32, #tpu.memory_space<vmem>>, vector<16xf32>,
          %get3A_836 = arith.index_cast %add3A_786 : i32 to index
          %get3A_837 = arith.constant 112 : index
          %get3A_838 = tpu.vector_load %arg15[%get3A_836, %get3A_837] {strides = array<i32>} : memref<80x128xf32, #tpu.memory_space<vmem>>, vector<16xf32>,
          %mul3A_839 = arith.mulf %get3A_838, %broadcast_in_dim3A_782 : vector<16xf32>
          %swap3A_840 = arith.index_cast %add3A_786 : i32 to index
          %swap3A_841 = arith.constant 112 : index
          %swap3A_842 = tpu.vector_load %arg15[%swap3A_840, %swap3A_841] {strides = array<i32>} : memref<80x128xf32, #tpu.memory_space<vmem>>, vector<16xf32>,
          tpu.vector_store %arg15[%swap3A_840, %swap3A_841], %mul3A_839 {strides = array<i32>} : memref<80x128xf32, #tpu.memory_space<vmem>>, vector<16xf32>,
          %slice3A_843 = vector.extract_strided_slice %get3A_404 {offsets = [7], sizes = [1], strides = [1]} : vector<16xf32> to vector<1xf32>
          %squeeze3A_844 = vector.extract %slice3A_843[0] : f32 from vector<1xf32>
          %broadcast_in_dim3A_845 = vector.broadcast %squeeze3A_844 : f32 to vector<16xf32>
          %mul3A_846 = arith.constant 16 : i32
          %mul3A_847 = arith.muli %scan3A_400, %mul3A_846 : i32
          %add3A_848 = arith.constant 7 : i32
          %add3A_849 = arith.addi %mul3A_847, %add3A_848 : i32
          %get3A_850 = arith.index_cast %add3A_849 : i32 to index
          %get3A_851 = arith.constant 0 : index
          %get3A_852 = tpu.vector_load %arg15[%get3A_850, %get3A_851] {strides = array<i32>} : memref<80x128xf32, #tpu.memory_space<vmem>>, vector<16xf32>,
          %mul3A_853 = arith.mulf %get3A_852, %broadcast_in_dim3A_845 : vector<16xf32>
          %swap3A_854 = arith.index_cast %add3A_849 : i32 to index
          %swap3A_855 = arith.constant 0 : index
          %swap3A_856 = tpu.vector_load %arg15[%swap3A_854, %swap3A_855] {strides = array<i32>} : memref<80x128xf32, #tpu.memory_space<vmem>>, vector<16xf32>,
          tpu.vector_store %arg15[%swap3A_854, %swap3A_855], %mul3A_853 {strides = array<i32>} : memref<80x128xf32, #tpu.memory_space<vmem>>, vector<16xf32>,
          %get3A_857 = arith.index_cast %add3A_849 : i32 to index
          %get3A_858 = arith.constant 16 : index
          %get3A_859 = tpu.vector_load %arg15[%get3A_857, %get3A_858] {strides = array<i32>} : memref<80x128xf32, #tpu.memory_space<vmem>>, vector<16xf32>,
          %mul3A_860 = arith.mulf %get3A_859, %broadcast_in_dim3A_845 : vector<16xf32>
          %swap3A_861 = arith.index_cast %add3A_849 : i32 to index
          %swap3A_862 = arith.constant 16 : index
          %swap3A_863 = tpu.vector_load %arg15[%swap3A_861, %swap3A_862] {strides = array<i32>} : memref<80x128xf32, #tpu.memory_space<vmem>>, vector<16xf32>,
          tpu.vector_store %arg15[%swap3A_861, %swap3A_862], %mul3A_860 {strides = array<i32>} : memref<80x128xf32, #tpu.memory_space<vmem>>, vector<16xf32>,
          %get3A_864 = arith.index_cast %add3A_849 : i32 to index
          %get3A_865 = arith.constant 32 : index
          %get3A_866 = tpu.vector_load %arg15[%get3A_864, %get3A_865] {strides = array<i32>} : memref<80x128xf32, #tpu.memory_space<vmem>>, vector<16xf32>,
          %mul3A_867 = arith.mulf %get3A_866, %broadcast_in_dim3A_845 : vector<16xf32>
          %swap3A_868 = arith.index_cast %add3A_849 : i32 to index
          %swap3A_869 = arith.constant 32 : index
          %swap3A_870 = tpu.vector_load %arg15[%swap3A_868, %swap3A_869] {strides = array<i32>} : memref<80x128xf32, #tpu.memory_space<vmem>>, vector<16xf32>,
          tpu.vector_store %arg15[%swap3A_868, %swap3A_869], %mul3A_867 {strides = array<i32>} : memref<80x128xf32, #tpu.memory_space<vmem>>, vector<16xf32>,
          %get3A_871 = arith.index_cast %add3A_849 : i32 to index
          %get3A_872 = arith.constant 48 : index
          %get3A_873 = tpu.vector_load %arg15[%get3A_871, %get3A_872] {strides = array<i32>} : memref<80x128xf32, #tpu.memory_space<vmem>>, vector<16xf32>,
          %mul3A_874 = arith.mulf %get3A_873, %broadcast_in_dim3A_845 : vector<16xf32>
          %swap3A_875 = arith.index_cast %add3A_849 : i32 to index
          %swap3A_876 = arith.constant 48 : index
          %swap3A_877 = tpu.vector_load %arg15[%swap3A_875, %swap3A_876] {strides = array<i32>} : memref<80x128xf32, #tpu.memory_space<vmem>>, vector<16xf32>,
          tpu.vector_store %arg15[%swap3A_875, %swap3A_876], %mul3A_874 {strides = array<i32>} : memref<80x128xf32, #tpu.memory_space<vmem>>, vector<16xf32>,
          %get3A_878 = arith.index_cast %add3A_849 : i32 to index
          %get3A_879 = arith.constant 64 : index
          %get3A_880 = tpu.vector_load %arg15[%get3A_878, %get3A_879] {strides = array<i32>} : memref<80x128xf32, #tpu.memory_space<vmem>>, vector<16xf32>,
          %mul3A_881 = arith.mulf %get3A_880, %broadcast_in_dim3A_845 : vector<16xf32>
          %swap3A_882 = arith.index_cast %add3A_849 : i32 to index
          %swap3A_883 = arith.constant 64 : index
          %swap3A_884 = tpu.vector_load %arg15[%swap3A_882, %swap3A_883] {strides = array<i32>} : memref<80x128xf32, #tpu.memory_space<vmem>>, vector<16xf32>,
          tpu.vector_store %arg15[%swap3A_882, %swap3A_883], %mul3A_881 {strides = array<i32>} : memref<80x128xf32, #tpu.memory_space<vmem>>, vector<16xf32>,
          %get3A_885 = arith.index_cast %add3A_849 : i32 to index
          %get3A_886 = arith.constant 80 : index
          %get3A_887 = tpu.vector_load %arg15[%get3A_885, %get3A_886] {strides = array<i32>} : memref<80x128xf32, #tpu.memory_space<vmem>>, vector<16xf32>,
          %mul3A_888 = arith.mulf %get3A_887, %broadcast_in_dim3A_845 : vector<16xf32>
          %swap3A_889 = arith.index_cast %add3A_849 : i32 to index
          %swap3A_890 = arith.constant 80 : index
          %swap3A_891 = tpu.vector_load %arg15[%swap3A_889, %swap3A_890] {strides = array<i32>} : memref<80x128xf32, #tpu.memory_space<vmem>>, vector<16xf32>,
          tpu.vector_store %arg15[%swap3A_889, %swap3A_890], %mul3A_888 {strides = array<i32>} : memref<80x128xf32, #tpu.memory_space<vmem>>, vector<16xf32>,
          %get3A_892 = arith.index_cast %add3A_849 : i32 to index
          %get3A_893 = arith.constant 96 : index
          %get3A_894 = tpu.vector_load %arg15[%get3A_892, %get3A_893] {strides = array<i32>} : memref<80x128xf32, #tpu.memory_space<vmem>>, vector<16xf32>,
          %mul3A_895 = arith.mulf %get3A_894, %broadcast_in_dim3A_845 : vector<16xf32>
          %swap3A_896 = arith.index_cast %add3A_849 : i32 to index
          %swap3A_897 = arith.constant 96 : index
          %swap3A_898 = tpu.vector_load %arg15[%swap3A_896, %swap3A_897] {strides = array<i32>} : memref<80x128xf32, #tpu.memory_space<vmem>>, vector<16xf32>,
          tpu.vector_store %arg15[%swap3A_896, %swap3A_897], %mul3A_895 {strides = array<i32>} : memref<80x128xf32, #tpu.memory_space<vmem>>, vector<16xf32>,
          %get3A_899 = arith.index_cast %add3A_849 : i32 to index
          %get3A_900 = arith.constant 112 : index
          %get3A_901 = tpu.vector_load %arg15[%get3A_899, %get3A_900] {strides = array<i32>} : memref<80x128xf32, #tpu.memory_space<vmem>>, vector<16xf32>,
          %mul3A_902 = arith.mulf %get3A_901, %broadcast_in_dim3A_845 : vector<16xf32>
          %swap3A_903 = arith.index_cast %add3A_849 : i32 to index
          %swap3A_904 = arith.constant 112 : index
          %swap3A_905 = tpu.vector_load %arg15[%swap3A_903, %swap3A_904] {strides = array<i32>} : memref<80x128xf32, #tpu.memory_space<vmem>>, vector<16xf32>,
          tpu.vector_store %arg15[%swap3A_903, %swap3A_904], %mul3A_902 {strides = array<i32>} : memref<80x128xf32, #tpu.memory_space<vmem>>, vector<16xf32>,
          %slice3A_906 = vector.extract_strided_slice %get3A_404 {offsets = [8], sizes = [1], strides = [1]} : vector<16xf32> to vector<1xf32>
          %squeeze3A_907 = vector.extract %slice3A_906[0] : f32 from vector<1xf32>
          %broadcast_in_dim3A_908 = vector.broadcast %squeeze3A_907 : f32 to vector<16xf32>
          %mul3A_909 = arith.constant 16 : i32
          %mul3A_910 = arith.muli %scan3A_400, %mul3A_909 : i32
          %add3A_911 = arith.constant 8 : i32
          %add3A_912 = arith.addi %mul3A_910, %add3A_911 : i32
          %get3A_913 = arith.index_cast %add3A_912 : i32 to index
          %get3A_914 = arith.constant 0 : index
          %get3A_915 = tpu.vector_load %arg15[%get3A_913, %get3A_914] {strides = array<i32>} : memref<80x128xf32, #tpu.memory_space<vmem>>, vector<16xf32>,
          %mul3A_916 = arith.mulf %get3A_915, %broadcast_in_dim3A_908 : vector<16xf32>
          %swap3A_917 = arith.index_cast %add3A_912 : i32 to index
          %swap3A_918 = arith.constant 0 : index
          %swap3A_919 = tpu.vector_load %arg15[%swap3A_917, %swap3A_918] {strides = array<i32>} : memref<80x128xf32, #tpu.memory_space<vmem>>, vector<16xf32>,
          tpu.vector_store %arg15[%swap3A_917, %swap3A_918], %mul3A_916 {strides = array<i32>} : memref<80x128xf32, #tpu.memory_space<vmem>>, vector<16xf32>,
          %get3A_920 = arith.index_cast %add3A_912 : i32 to index
          %get3A_921 = arith.constant 16 : index
          %get3A_922 = tpu.vector_load %arg15[%get3A_920, %get3A_921] {strides = array<i32>} : memref<80x128xf32, #tpu.memory_space<vmem>>, vector<16xf32>,
          %mul3A_923 = arith.mulf %get3A_922, %broadcast_in_dim3A_908 : vector<16xf32>
          %swap3A_924 = arith.index_cast %add3A_912 : i32 to index
          %swap3A_925 = arith.constant 16 : index
          %swap3A_926 = tpu.vector_load %arg15[%swap3A_924, %swap3A_925] {strides = array<i32>} : memref<80x128xf32, #tpu.memory_space<vmem>>, vector<16xf32>,
          tpu.vector_store %arg15[%swap3A_924, %swap3A_925], %mul3A_923 {strides = array<i32>} : memref<80x128xf32, #tpu.memory_space<vmem>>, vector<16xf32>,
          %get3A_927 = arith.index_cast %add3A_912 : i32 to index
          %get3A_928 = arith.constant 32 : index
          %get3A_929 = tpu.vector_load %arg15[%get3A_927, %get3A_928] {strides = array<i32>} : memref<80x128xf32, #tpu.memory_space<vmem>>, vector<16xf32>,
          %mul3A_930 = arith.mulf %get3A_929, %broadcast_in_dim3A_908 : vector<16xf32>
          %swap3A_931 = arith.index_cast %add3A_912 : i32 to index
          %swap3A_932 = arith.constant 32 : index
          %swap3A_933 = tpu.vector_load %arg15[%swap3A_931, %swap3A_932] {strides = array<i32>} : memref<80x128xf32, #tpu.memory_space<vmem>>, vector<16xf32>,
          tpu.vector_store %arg15[%swap3A_931, %swap3A_932], %mul3A_930 {strides = array<i32>} : memref<80x128xf32, #tpu.memory_space<vmem>>, vector<16xf32>,
          %get3A_934 = arith.index_cast %add3A_912 : i32 to index
          %get3A_935 = arith.constant 48 : index
          %get3A_936 = tpu.vector_load %arg15[%get3A_934, %get3A_935] {strides = array<i32>} : memref<80x128xf32, #tpu.memory_space<vmem>>, vector<16xf32>,
          %mul3A_937 = arith.mulf %get3A_936, %broadcast_in_dim3A_908 : vector<16xf32>
          %swap3A_938 = arith.index_cast %add3A_912 : i32 to index
          %swap3A_939 = arith.constant 48 : index
          %swap3A_940 = tpu.vector_load %arg15[%swap3A_938, %swap3A_939] {strides = array<i32>} : memref<80x128xf32, #tpu.memory_space<vmem>>, vector<16xf32>,
          tpu.vector_store %arg15[%swap3A_938, %swap3A_939], %mul3A_937 {strides = array<i32>} : memref<80x128xf32, #tpu.memory_space<vmem>>, vector<16xf32>,
          %get3A_941 = arith.index_cast %add3A_912 : i32 to index
          %get3A_942 = arith.constant 64 : index
          %get3A_943 = tpu.vector_load %arg15[%get3A_941, %get3A_942] {strides = array<i32>} : memref<80x128xf32, #tpu.memory_space<vmem>>, vector<16xf32>,
          %mul3A_944 = arith.mulf %get3A_943, %broadcast_in_dim3A_908 : vector<16xf32>
          %swap3A_945 = arith.index_cast %add3A_912 : i32 to index
          %swap3A_946 = arith.constant 64 : index
          %swap3A_947 = tpu.vector_load %arg15[%swap3A_945, %swap3A_946] {strides = array<i32>} : memref<80x128xf32, #tpu.memory_space<vmem>>, vector<16xf32>,
          tpu.vector_store %arg15[%swap3A_945, %swap3A_946], %mul3A_944 {strides = array<i32>} : memref<80x128xf32, #tpu.memory_space<vmem>>, vector<16xf32>,
          %get3A_948 = arith.index_cast %add3A_912 : i32 to index
          %get3A_949 = arith.constant 80 : index
          %get3A_950 = tpu.vector_load %arg15[%get3A_948, %get3A_949] {strides = array<i32>} : memref<80x128xf32, #tpu.memory_space<vmem>>, vector<16xf32>,
          %mul3A_951 = arith.mulf %get3A_950, %broadcast_in_dim3A_908 : vector<16xf32>
          %swap3A_952 = arith.index_cast %add3A_912 : i32 to index
          %swap3A_953 = arith.constant 80 : index
          %swap3A_954 = tpu.vector_load %arg15[%swap3A_952, %swap3A_953] {strides = array<i32>} : memref<80x128xf32, #tpu.memory_space<vmem>>, vector<16xf32>,
          tpu.vector_store %arg15[%swap3A_952, %swap3A_953], %mul3A_951 {strides = array<i32>} : memref<80x128xf32, #tpu.memory_space<vmem>>, vector<16xf32>,
          %get3A_955 = arith.index_cast %add3A_912 : i32 to index
          %get3A_956 = arith.constant 96 : index
          %get3A_957 = tpu.vector_load %arg15[%get3A_955, %get3A_956] {strides = array<i32>} : memref<80x128xf32, #tpu.memory_space<vmem>>, vector<16xf32>,
          %mul3A_958 = arith.mulf %get3A_957, %broadcast_in_dim3A_908 : vector<16xf32>
          %swap3A_959 = arith.index_cast %add3A_912 : i32 to index
          %swap3A_960 = arith.constant 96 : index
          %swap3A_961 = tpu.vector_load %arg15[%swap3A_959, %swap3A_960] {strides = array<i32>} : memref<80x128xf32, #tpu.memory_space<vmem>>, vector<16xf32>,
          tpu.vector_store %arg15[%swap3A_959, %swap3A_960], %mul3A_958 {strides = array<i32>} : memref<80x128xf32, #tpu.memory_space<vmem>>, vector<16xf32>,
          %get3A_962 = arith.index_cast %add3A_912 : i32 to index
          %get3A_963 = arith.constant 112 : index
          %get3A_964 = tpu.vector_load %arg15[%get3A_962, %get3A_963] {strides = array<i32>} : memref<80x128xf32, #tpu.memory_space<vmem>>, vector<16xf32>,
          %mul3A_965 = arith.mulf %get3A_964, %broadcast_in_dim3A_908 : vector<16xf32>
          %swap3A_966 = arith.index_cast %add3A_912 : i32 to index
          %swap3A_967 = arith.constant 112 : index
          %swap3A_968 = tpu.vector_load %arg15[%swap3A_966, %swap3A_967] {strides = array<i32>} : memref<80x128xf32, #tpu.memory_space<vmem>>, vector<16xf32>,
          tpu.vector_store %arg15[%swap3A_966, %swap3A_967], %mul3A_965 {strides = array<i32>} : memref<80x128xf32, #tpu.memory_space<vmem>>, vector<16xf32>,
          %slice3A_969 = vector.extract_strided_slice %get3A_404 {offsets = [9], sizes = [1], strides = [1]} : vector<16xf32> to vector<1xf32>
          %squeeze3A_970 = vector.extract %slice3A_969[0] : f32 from vector<1xf32>
          %broadcast_in_dim3A_971 = vector.broadcast %squeeze3A_970 : f32 to vector<16xf32>
          %mul3A_972 = arith.constant 16 : i32
          %mul3A_973 = arith.muli %scan3A_400, %mul3A_972 : i32
          %add3A_974 = arith.constant 9 : i32
          %add3A_975 = arith.addi %mul3A_973, %add3A_974 : i32
          %get3A_976 = arith.index_cast %add3A_975 : i32 to index
          %get3A_977 = arith.constant 0 : index
          %get3A_978 = tpu.vector_load %arg15[%get3A_976, %get3A_977] {strides = array<i32>} : memref<80x128xf32, #tpu.memory_space<vmem>>, vector<16xf32>,
          %mul3A_979 = arith.mulf %get3A_978, %broadcast_in_dim3A_971 : vector<16xf32>
          %swap3A_980 = arith.index_cast %add3A_975 : i32 to index
          %swap3A_981 = arith.constant 0 : index
          %swap3A_982 = tpu.vector_load %arg15[%swap3A_980, %swap3A_981] {strides = array<i32>} : memref<80x128xf32, #tpu.memory_space<vmem>>, vector<16xf32>,
          tpu.vector_store %arg15[%swap3A_980, %swap3A_981], %mul3A_979 {strides = array<i32>} : memref<80x128xf32, #tpu.memory_space<vmem>>, vector<16xf32>,
          %get3A_983 = arith.index_cast %add3A_975 : i32 to index
          %get3A_984 = arith.constant 16 : index
          %get3A_985 = tpu.vector_load %arg15[%get3A_983, %get3A_984] {strides = array<i32>} : memref<80x128xf32, #tpu.memory_space<vmem>>, vector<16xf32>,
          %mul3A_986 = arith.mulf %get3A_985, %broadcast_in_dim3A_971 : vector<16xf32>
          %swap3A_987 = arith.index_cast %add3A_975 : i32 to index
          %swap3A_988 = arith.constant 16 : index
          %swap3A_989 = tpu.vector_load %arg15[%swap3A_987, %swap3A_988] {strides = array<i32>} : memref<80x128xf32, #tpu.memory_space<vmem>>, vector<16xf32>,
          tpu.vector_store %arg15[%swap3A_987, %swap3A_988], %mul3A_986 {strides = array<i32>} : memref<80x128xf32, #tpu.memory_space<vmem>>, vector<16xf32>,
          %get3A_990 = arith.index_cast %add3A_975 : i32 to index
          %get3A_991 = arith.constant 32 : index
          %get3A_992 = tpu.vector_load %arg15[%get3A_990, %get3A_991] {strides = array<i32>} : memref<80x128xf32, #tpu.memory_space<vmem>>, vector<16xf32>,
          %mul3A_993 = arith.mulf %get3A_992, %broadcast_in_dim3A_971 : vector<16xf32>
          %swap3A_994 = arith.index_cast %add3A_975 : i32 to index
          %swap3A_995 = arith.constant 32 : index
          %swap3A_996 = tpu.vector_load %arg15[%swap3A_994, %swap3A_995] {strides = array<i32>} : memref<80x128xf32, #tpu.memory_space<vmem>>, vector<16xf32>,
          tpu.vector_store %arg15[%swap3A_994, %swap3A_995], %mul3A_993 {strides = array<i32>} : memref<80x128xf32, #tpu.memory_space<vmem>>, vector<16xf32>,
          %get3A_997 = arith.index_cast %add3A_975 : i32 to index
          %get3A_998 = arith.constant 48 : index
          %get3A_999 = tpu.vector_load %arg15[%get3A_997, %get3A_998] {strides = array<i32>} : memref<80x128xf32, #tpu.memory_space<vmem>>, vector<16xf32>,
          %mul3A_1000 = arith.mulf %get3A_999, %broadcast_in_dim3A_971 : vector<16xf32>
          %swap3A_1001 = arith.index_cast %add3A_975 : i32 to index
          %swap3A_1002 = arith.constant 48 : index
          %swap3A_1003 = tpu.vector_load %arg15[%swap3A_1001, %swap3A_1002] {strides = array<i32>} : memref<80x128xf32, #tpu.memory_space<vmem>>, vector<16xf32>,
          tpu.vector_store %arg15[%swap3A_1001, %swap3A_1002], %mul3A_1000 {strides = array<i32>} : memref<80x128xf32, #tpu.memory_space<vmem>>, vector<16xf32>,
          %get3A_1004 = arith.index_cast %add3A_975 : i32 to index
          %get3A_1005 = arith.constant 64 : index
          %get3A_1006 = tpu.vector_load %arg15[%get3A_1004, %get3A_1005] {strides = array<i32>} : memref<80x128xf32, #tpu.memory_space<vmem>>, vector<16xf32>,
          %mul3A_1007 = arith.mulf %get3A_1006, %broadcast_in_dim3A_971 : vector<16xf32>
          %swap3A_1008 = arith.index_cast %add3A_975 : i32 to index
          %swap3A_1009 = arith.constant 64 : index
          %swap3A_1010 = tpu.vector_load %arg15[%swap3A_1008, %swap3A_1009] {strides = array<i32>} : memref<80x128xf32, #tpu.memory_space<vmem>>, vector<16xf32>,
          tpu.vector_store %arg15[%swap3A_1008, %swap3A_1009], %mul3A_1007 {strides = array<i32>} : memref<80x128xf32, #tpu.memory_space<vmem>>, vector<16xf32>,
          %get3A_1011 = arith.index_cast %add3A_975 : i32 to index
          %get3A_1012 = arith.constant 80 : index
          %get3A_1013 = tpu.vector_load %arg15[%get3A_1011, %get3A_1012] {strides = array<i32>} : memref<80x128xf32, #tpu.memory_space<vmem>>, vector<16xf32>,
          %mul3A_1014 = arith.mulf %get3A_1013, %broadcast_in_dim3A_971 : vector<16xf32>
          %swap3A_1015 = arith.index_cast %add3A_975 : i32 to index
          %swap3A_1016 = arith.constant 80 : index
          %swap3A_1017 = tpu.vector_load %arg15[%swap3A_1015, %swap3A_1016] {strides = array<i32>} : memref<80x128xf32, #tpu.memory_space<vmem>>, vector<16xf32>,
          tpu.vector_store %arg15[%swap3A_1015, %swap3A_1016], %mul3A_1014 {strides = array<i32>} : memref<80x128xf32, #tpu.memory_space<vmem>>, vector<16xf32>,
          %get3A_1018 = arith.index_cast %add3A_975 : i32 to index
          %get3A_1019 = arith.constant 96 : index
          %get3A_1020 = tpu.vector_load %arg15[%get3A_1018, %get3A_1019] {strides = array<i32>} : memref<80x128xf32, #tpu.memory_space<vmem>>, vector<16xf32>,
          %mul3A_1021 = arith.mulf %get3A_1020, %broadcast_in_dim3A_971 : vector<16xf32>
          %swap3A_1022 = arith.index_cast %add3A_975 : i32 to index
          %swap3A_1023 = arith.constant 96 : index
          %swap3A_1024 = tpu.vector_load %arg15[%swap3A_1022, %swap3A_1023] {strides = array<i32>} : memref<80x128xf32, #tpu.memory_space<vmem>>, vector<16xf32>,
          tpu.vector_store %arg15[%swap3A_1022, %swap3A_1023], %mul3A_1021 {strides = array<i32>} : memref<80x128xf32, #tpu.memory_space<vmem>>, vector<16xf32>,
          %get3A_1025 = arith.index_cast %add3A_975 : i32 to index
          %get3A_1026 = arith.constant 112 : index
          %get3A_1027 = tpu.vector_load %arg15[%get3A_1025, %get3A_1026] {strides = array<i32>} : memref<80x128xf32, #tpu.memory_space<vmem>>, vector<16xf32>,
          %mul3A_1028 = arith.mulf %get3A_1027, %broadcast_in_dim3A_971 : vector<16xf32>
          %swap3A_1029 = arith.index_cast %add3A_975 : i32 to index
          %swap3A_1030 = arith.constant 112 : index
          %swap3A_1031 = tpu.vector_load %arg15[%swap3A_1029, %swap3A_1030] {strides = array<i32>} : memref<80x128xf32, #tpu.memory_space<vmem>>, vector<16xf32>,
          tpu.vector_store %arg15[%swap3A_1029, %swap3A_1030], %mul3A_1028 {strides = array<i32>} : memref<80x128xf32, #tpu.memory_space<vmem>>, vector<16xf32>,
          %slice3A_1032 = vector.extract_strided_slice %get3A_404 {offsets = [10], sizes = [1], strides = [1]} : vector<16xf32> to vector<1xf32>
          %squeeze3A_1033 = vector.extract %slice3A_1032[0] : f32 from vector<1xf32>
          %broadcast_in_dim3A_1034 = vector.broadcast %squeeze3A_1033 : f32 to vector<16xf32>
          %mul3A_1035 = arith.constant 16 : i32
          %mul3A_1036 = arith.muli %scan3A_400, %mul3A_1035 : i32
          %add3A_1037 = arith.constant 10 : i32
          %add3A_1038 = arith.addi %mul3A_1036, %add3A_1037 : i32
          %get3A_1039 = arith.index_cast %add3A_1038 : i32 to index
          %get3A_1040 = arith.constant 0 : index
          %get3A_1041 = tpu.vector_load %arg15[%get3A_1039, %get3A_1040] {strides = array<i32>} : memref<80x128xf32, #tpu.memory_space<vmem>>, vector<16xf32>,
          %mul3A_1042 = arith.mulf %get3A_1041, %broadcast_in_dim3A_1034 : vector<16xf32>
          %swap3A_1043 = arith.index_cast %add3A_1038 : i32 to index
          %swap3A_1044 = arith.constant 0 : index
          %swap3A_1045 = tpu.vector_load %arg15[%swap3A_1043, %swap3A_1044] {strides = array<i32>} : memref<80x128xf32, #tpu.memory_space<vmem>>, vector<16xf32>,
          tpu.vector_store %arg15[%swap3A_1043, %swap3A_1044], %mul3A_1042 {strides = array<i32>} : memref<80x128xf32, #tpu.memory_space<vmem>>, vector<16xf32>,
          %get3A_1046 = arith.index_cast %add3A_1038 : i32 to index
          %get3A_1047 = arith.constant 16 : index
          %get3A_1048 = tpu.vector_load %arg15[%get3A_1046, %get3A_1047] {strides = array<i32>} : memref<80x128xf32, #tpu.memory_space<vmem>>, vector<16xf32>,
          %mul3A_1049 = arith.mulf %get3A_1048, %broadcast_in_dim3A_1034 : vector<16xf32>
          %swap3A_1050 = arith.index_cast %add3A_1038 : i32 to index
          %swap3A_1051 = arith.constant 16 : index
          %swap3A_1052 = tpu.vector_load %arg15[%swap3A_1050, %swap3A_1051] {strides = array<i32>} : memref<80x128xf32, #tpu.memory_space<vmem>>, vector<16xf32>,
          tpu.vector_store %arg15[%swap3A_1050, %swap3A_1051], %mul3A_1049 {strides = array<i32>} : memref<80x128xf32, #tpu.memory_space<vmem>>, vector<16xf32>,
          %get3A_1053 = arith.index_cast %add3A_1038 : i32 to index
          %get3A_1054 = arith.constant 32 : index
          %get3A_1055 = tpu.vector_load %arg15[%get3A_1053, %get3A_1054] {strides = array<i32>} : memref<80x128xf32, #tpu.memory_space<vmem>>, vector<16xf32>,
          %mul3A_1056 = arith.mulf %get3A_1055, %broadcast_in_dim3A_1034 : vector<16xf32>
          %swap3A_1057 = arith.index_cast %add3A_1038 : i32 to index
          %swap3A_1058 = arith.constant 32 : index
          %swap3A_1059 = tpu.vector_load %arg15[%swap3A_1057, %swap3A_1058] {strides = array<i32>} : memref<80x128xf32, #tpu.memory_space<vmem>>, vector<16xf32>,
          tpu.vector_store %arg15[%swap3A_1057, %swap3A_1058], %mul3A_1056 {strides = array<i32>} : memref<80x128xf32, #tpu.memory_space<vmem>>, vector<16xf32>,
          %get3A_1060 = arith.index_cast %add3A_1038 : i32 to index
          %get3A_1061 = arith.constant 48 : index
          %get3A_1062 = tpu.vector_load %arg15[%get3A_1060, %get3A_1061] {strides = array<i32>} : memref<80x128xf32, #tpu.memory_space<vmem>>, vector<16xf32>,
          %mul3A_1063 = arith.mulf %get3A_1062, %broadcast_in_dim3A_1034 : vector<16xf32>
          %swap3A_1064 = arith.index_cast %add3A_1038 : i32 to index
          %swap3A_1065 = arith.constant 48 : index
          %swap3A_1066 = tpu.vector_load %arg15[%swap3A_1064, %swap3A_1065] {strides = array<i32>} : memref<80x128xf32, #tpu.memory_space<vmem>>, vector<16xf32>,
          tpu.vector_store %arg15[%swap3A_1064, %swap3A_1065], %mul3A_1063 {strides = array<i32>} : memref<80x128xf32, #tpu.memory_space<vmem>>, vector<16xf32>,
          %get3A_1067 = arith.index_cast %add3A_1038 : i32 to index
          %get3A_1068 = arith.constant 64 : index
          %get3A_1069 = tpu.vector_load %arg15[%get3A_1067, %get3A_1068] {strides = array<i32>} : memref<80x128xf32, #tpu.memory_space<vmem>>, vector<16xf32>,
          %mul3A_1070 = arith.mulf %get3A_1069, %broadcast_in_dim3A_1034 : vector<16xf32>
          %swap3A_1071 = arith.index_cast %add3A_1038 : i32 to index
          %swap3A_1072 = arith.constant 64 : index
          %swap3A_1073 = tpu.vector_load %arg15[%swap3A_1071, %swap3A_1072] {strides = array<i32>} : memref<80x128xf32, #tpu.memory_space<vmem>>, vector<16xf32>,
          tpu.vector_store %arg15[%swap3A_1071, %swap3A_1072], %mul3A_1070 {strides = array<i32>} : memref<80x128xf32, #tpu.memory_space<vmem>>, vector<16xf32>,
          %get3A_1074 = arith.index_cast %add3A_1038 : i32 to index
          %get3A_1075 = arith.constant 80 : index
          %get3A_1076 = tpu.vector_load %arg15[%get3A_1074, %get3A_1075] {strides = array<i32>} : memref<80x128xf32, #tpu.memory_space<vmem>>, vector<16xf32>,
          %mul3A_1077 = arith.mulf %get3A_1076, %broadcast_in_dim3A_1034 : vector<16xf32>
          %swap3A_1078 = arith.index_cast %add3A_1038 : i32 to index
          %swap3A_1079 = arith.constant 80 : index
          %swap3A_1080 = tpu.vector_load %arg15[%swap3A_1078, %swap3A_1079] {strides = array<i32>} : memref<80x128xf32, #tpu.memory_space<vmem>>, vector<16xf32>,
          tpu.vector_store %arg15[%swap3A_1078, %swap3A_1079], %mul3A_1077 {strides = array<i32>} : memref<80x128xf32, #tpu.memory_space<vmem>>, vector<16xf32>,
          %get3A_1081 = arith.index_cast %add3A_1038 : i32 to index
          %get3A_1082 = arith.constant 96 : index
          %get3A_1083 = tpu.vector_load %arg15[%get3A_1081, %get3A_1082] {strides = array<i32>} : memref<80x128xf32, #tpu.memory_space<vmem>>, vector<16xf32>,
          %mul3A_1084 = arith.mulf %get3A_1083, %broadcast_in_dim3A_1034 : vector<16xf32>
          %swap3A_1085 = arith.index_cast %add3A_1038 : i32 to index
          %swap3A_1086 = arith.constant 96 : index
          %swap3A_1087 = tpu.vector_load %arg15[%swap3A_1085, %swap3A_1086] {strides = array<i32>} : memref<80x128xf32, #tpu.memory_space<vmem>>, vector<16xf32>,
          tpu.vector_store %arg15[%swap3A_1085, %swap3A_1086], %mul3A_1084 {strides = array<i32>} : memref<80x128xf32, #tpu.memory_space<vmem>>, vector<16xf32>,
          %get3A_1088 = arith.index_cast %add3A_1038 : i32 to index
          %get3A_1089 = arith.constant 112 : index
          %get3A_1090 = tpu.vector_load %arg15[%get3A_1088, %get3A_1089] {strides = array<i32>} : memref<80x128xf32, #tpu.memory_space<vmem>>, vector<16xf32>,
          %mul3A_1091 = arith.mulf %get3A_1090, %broadcast_in_dim3A_1034 : vector<16xf32>
          %swap3A_1092 = arith.index_cast %add3A_1038 : i32 to index
          %swap3A_1093 = arith.constant 112 : index
          %swap3A_1094 = tpu.vector_load %arg15[%swap3A_1092, %swap3A_1093] {strides = array<i32>} : memref<80x128xf32, #tpu.memory_space<vmem>>, vector<16xf32>,
          tpu.vector_store %arg15[%swap3A_1092, %swap3A_1093], %mul3A_1091 {strides = array<i32>} : memref<80x128xf32, #tpu.memory_space<vmem>>, vector<16xf32>,
          %slice3A_1095 = vector.extract_strided_slice %get3A_404 {offsets = [11], sizes = [1], strides = [1]} : vector<16xf32> to vector<1xf32>
          %squeeze3A_1096 = vector.extract %slice3A_1095[0] : f32 from vector<1xf32>
          %broadcast_in_dim3A_1097 = vector.broadcast %squeeze3A_1096 : f32 to vector<16xf32>
          %mul3A_1098 = arith.constant 16 : i32
          %mul3A_1099 = arith.muli %scan3A_400, %mul3A_1098 : i32
          %add3A_1100 = arith.constant 11 : i32
          %add3A_1101 = arith.addi %mul3A_1099, %add3A_1100 : i32
          %get3A_1102 = arith.index_cast %add3A_1101 : i32 to index
          %get3A_1103 = arith.constant 0 : index
          %get3A_1104 = tpu.vector_load %arg15[%get3A_1102, %get3A_1103] {strides = array<i32>} : memref<80x128xf32, #tpu.memory_space<vmem>>, vector<16xf32>,
          %mul3A_1105 = arith.mulf %get3A_1104, %broadcast_in_dim3A_1097 : vector<16xf32>
          %swap3A_1106 = arith.index_cast %add3A_1101 : i32 to index
          %swap3A_1107 = arith.constant 0 : index
          %swap3A_1108 = tpu.vector_load %arg15[%swap3A_1106, %swap3A_1107] {strides = array<i32>} : memref<80x128xf32, #tpu.memory_space<vmem>>, vector<16xf32>,
          tpu.vector_store %arg15[%swap3A_1106, %swap3A_1107], %mul3A_1105 {strides = array<i32>} : memref<80x128xf32, #tpu.memory_space<vmem>>, vector<16xf32>,
          %get3A_1109 = arith.index_cast %add3A_1101 : i32 to index
          %get3A_1110 = arith.constant 16 : index
          %get3A_1111 = tpu.vector_load %arg15[%get3A_1109, %get3A_1110] {strides = array<i32>} : memref<80x128xf32, #tpu.memory_space<vmem>>, vector<16xf32>,
          %mul3A_1112 = arith.mulf %get3A_1111, %broadcast_in_dim3A_1097 : vector<16xf32>
          %swap3A_1113 = arith.index_cast %add3A_1101 : i32 to index
          %swap3A_1114 = arith.constant 16 : index
          %swap3A_1115 = tpu.vector_load %arg15[%swap3A_1113, %swap3A_1114] {strides = array<i32>} : memref<80x128xf32, #tpu.memory_space<vmem>>, vector<16xf32>,
          tpu.vector_store %arg15[%swap3A_1113, %swap3A_1114], %mul3A_1112 {strides = array<i32>} : memref<80x128xf32, #tpu.memory_space<vmem>>, vector<16xf32>,
          %get3A_1116 = arith.index_cast %add3A_1101 : i32 to index
          %get3A_1117 = arith.constant 32 : index
          %get3A_1118 = tpu.vector_load %arg15[%get3A_1116, %get3A_1117] {strides = array<i32>} : memref<80x128xf32, #tpu.memory_space<vmem>>, vector<16xf32>,
          %mul3A_1119 = arith.mulf %get3A_1118, %broadcast_in_dim3A_1097 : vector<16xf32>
          %swap3A_1120 = arith.index_cast %add3A_1101 : i32 to index
          %swap3A_1121 = arith.constant 32 : index
          %swap3A_1122 = tpu.vector_load %arg15[%swap3A_1120, %swap3A_1121] {strides = array<i32>} : memref<80x128xf32, #tpu.memory_space<vmem>>, vector<16xf32>,
          tpu.vector_store %arg15[%swap3A_1120, %swap3A_1121], %mul3A_1119 {strides = array<i32>} : memref<80x128xf32, #tpu.memory_space<vmem>>, vector<16xf32>,
          %get3A_1123 = arith.index_cast %add3A_1101 : i32 to index
          %get3A_1124 = arith.constant 48 : index
          %get3A_1125 = tpu.vector_load %arg15[%get3A_1123, %get3A_1124] {strides = array<i32>} : memref<80x128xf32, #tpu.memory_space<vmem>>, vector<16xf32>,
          %mul3A_1126 = arith.mulf %get3A_1125, %broadcast_in_dim3A_1097 : vector<16xf32>
          %swap3A_1127 = arith.index_cast %add3A_1101 : i32 to index
          %swap3A_1128 = arith.constant 48 : index
          %swap3A_1129 = tpu.vector_load %arg15[%swap3A_1127, %swap3A_1128] {strides = array<i32>} : memref<80x128xf32, #tpu.memory_space<vmem>>, vector<16xf32>,
          tpu.vector_store %arg15[%swap3A_1127, %swap3A_1128], %mul3A_1126 {strides = array<i32>} : memref<80x128xf32, #tpu.memory_space<vmem>>, vector<16xf32>,
          %get3A_1130 = arith.index_cast %add3A_1101 : i32 to index
          %get3A_1131 = arith.constant 64 : index
          %get3A_1132 = tpu.vector_load %arg15[%get3A_1130, %get3A_1131] {strides = array<i32>} : memref<80x128xf32, #tpu.memory_space<vmem>>, vector<16xf32>,
          %mul3A_1133 = arith.mulf %get3A_1132, %broadcast_in_dim3A_1097 : vector<16xf32>
          %swap3A_1134 = arith.index_cast %add3A_1101 : i32 to index
          %swap3A_1135 = arith.constant 64 : index
          %swap3A_1136 = tpu.vector_load %arg15[%swap3A_1134, %swap3A_1135] {strides = array<i32>} : memref<80x128xf32, #tpu.memory_space<vmem>>, vector<16xf32>,
          tpu.vector_store %arg15[%swap3A_1134, %swap3A_1135], %mul3A_1133 {strides = array<i32>} : memref<80x128xf32, #tpu.memory_space<vmem>>, vector<16xf32>,
          %get3A_1137 = arith.index_cast %add3A_1101 : i32 to index
          %get3A_1138 = arith.constant 80 : index
          %get3A_1139 = tpu.vector_load %arg15[%get3A_1137, %get3A_1138] {strides = array<i32>} : memref<80x128xf32, #tpu.memory_space<vmem>>, vector<16xf32>,
          %mul3A_1140 = arith.mulf %get3A_1139, %broadcast_in_dim3A_1097 : vector<16xf32>
          %swap3A_1141 = arith.index_cast %add3A_1101 : i32 to index
          %swap3A_1142 = arith.constant 80 : index
          %swap3A_1143 = tpu.vector_load %arg15[%swap3A_1141, %swap3A_1142] {strides = array<i32>} : memref<80x128xf32, #tpu.memory_space<vmem>>, vector<16xf32>,
          tpu.vector_store %arg15[%swap3A_1141, %swap3A_1142], %mul3A_1140 {strides = array<i32>} : memref<80x128xf32, #tpu.memory_space<vmem>>, vector<16xf32>,
          %get3A_1144 = arith.index_cast %add3A_1101 : i32 to index
          %get3A_1145 = arith.constant 96 : index
          %get3A_1146 = tpu.vector_load %arg15[%get3A_1144, %get3A_1145] {strides = array<i32>} : memref<80x128xf32, #tpu.memory_space<vmem>>, vector<16xf32>,
          %mul3A_1147 = arith.mulf %get3A_1146, %broadcast_in_dim3A_1097 : vector<16xf32>
          %swap3A_1148 = arith.index_cast %add3A_1101 : i32 to index
          %swap3A_1149 = arith.constant 96 : index
          %swap3A_1150 = tpu.vector_load %arg15[%swap3A_1148, %swap3A_1149] {strides = array<i32>} : memref<80x128xf32, #tpu.memory_space<vmem>>, vector<16xf32>,
          tpu.vector_store %arg15[%swap3A_1148, %swap3A_1149], %mul3A_1147 {strides = array<i32>} : memref<80x128xf32, #tpu.memory_space<vmem>>, vector<16xf32>,
          %get3A_1151 = arith.index_cast %add3A_1101 : i32 to index
          %get3A_1152 = arith.constant 112 : index
          %get3A_1153 = tpu.vector_load %arg15[%get3A_1151, %get3A_1152] {strides = array<i32>} : memref<80x128xf32, #tpu.memory_space<vmem>>, vector<16xf32>,
          %mul3A_1154 = arith.mulf %get3A_1153, %broadcast_in_dim3A_1097 : vector<16xf32>
          %swap3A_1155 = arith.index_cast %add3A_1101 : i32 to index
          %swap3A_1156 = arith.constant 112 : index
          %swap3A_1157 = tpu.vector_load %arg15[%swap3A_1155, %swap3A_1156] {strides = array<i32>} : memref<80x128xf32, #tpu.memory_space<vmem>>, vector<16xf32>,
          tpu.vector_store %arg15[%swap3A_1155, %swap3A_1156], %mul3A_1154 {strides = array<i32>} : memref<80x128xf32, #tpu.memory_space<vmem>>, vector<16xf32>,
          %slice3A_1158 = vector.extract_strided_slice %get3A_404 {offsets = [12], sizes = [1], strides = [1]} : vector<16xf32> to vector<1xf32>
          %squeeze3A_1159 = vector.extract %slice3A_1158[0] : f32 from vector<1xf32>
          %broadcast_in_dim3A_1160 = vector.broadcast %squeeze3A_1159 : f32 to vector<16xf32>
          %mul3A_1161 = arith.constant 16 : i32
          %mul3A_1162 = arith.muli %scan3A_400, %mul3A_1161 : i32
          %add3A_1163 = arith.constant 12 : i32
          %add3A_1164 = arith.addi %mul3A_1162, %add3A_1163 : i32
          %get3A_1165 = arith.index_cast %add3A_1164 : i32 to index
          %get3A_1166 = arith.constant 0 : index
          %get3A_1167 = tpu.vector_load %arg15[%get3A_1165, %get3A_1166] {strides = array<i32>} : memref<80x128xf32, #tpu.memory_space<vmem>>, vector<16xf32>,
          %mul3A_1168 = arith.mulf %get3A_1167, %broadcast_in_dim3A_1160 : vector<16xf32>
          %swap3A_1169 = arith.index_cast %add3A_1164 : i32 to index
          %swap3A_1170 = arith.constant 0 : index
          %swap3A_1171 = tpu.vector_load %arg15[%swap3A_1169, %swap3A_1170] {strides = array<i32>} : memref<80x128xf32, #tpu.memory_space<vmem>>, vector<16xf32>,
          tpu.vector_store %arg15[%swap3A_1169, %swap3A_1170], %mul3A_1168 {strides = array<i32>} : memref<80x128xf32, #tpu.memory_space<vmem>>, vector<16xf32>,
          %get3A_1172 = arith.index_cast %add3A_1164 : i32 to index
          %get3A_1173 = arith.constant 16 : index
          %get3A_1174 = tpu.vector_load %arg15[%get3A_1172, %get3A_1173] {strides = array<i32>} : memref<80x128xf32, #tpu.memory_space<vmem>>, vector<16xf32>,
          %mul3A_1175 = arith.mulf %get3A_1174, %broadcast_in_dim3A_1160 : vector<16xf32>
          %swap3A_1176 = arith.index_cast %add3A_1164 : i32 to index
          %swap3A_1177 = arith.constant 16 : index
          %swap3A_1178 = tpu.vector_load %arg15[%swap3A_1176, %swap3A_1177] {strides = array<i32>} : memref<80x128xf32, #tpu.memory_space<vmem>>, vector<16xf32>,
          tpu.vector_store %arg15[%swap3A_1176, %swap3A_1177], %mul3A_1175 {strides = array<i32>} : memref<80x128xf32, #tpu.memory_space<vmem>>, vector<16xf32>,
          %get3A_1179 = arith.index_cast %add3A_1164 : i32 to index
          %get3A_1180 = arith.constant 32 : index
          %get3A_1181 = tpu.vector_load %arg15[%get3A_1179, %get3A_1180] {strides = array<i32>} : memref<80x128xf32, #tpu.memory_space<vmem>>, vector<16xf32>,
          %mul3A_1182 = arith.mulf %get3A_1181, %broadcast_in_dim3A_1160 : vector<16xf32>
          %swap3A_1183 = arith.index_cast %add3A_1164 : i32 to index
          %swap3A_1184 = arith.constant 32 : index
          %swap3A_1185 = tpu.vector_load %arg15[%swap3A_1183, %swap3A_1184] {strides = array<i32>} : memref<80x128xf32, #tpu.memory_space<vmem>>, vector<16xf32>,
          tpu.vector_store %arg15[%swap3A_1183, %swap3A_1184], %mul3A_1182 {strides = array<i32>} : memref<80x128xf32, #tpu.memory_space<vmem>>, vector<16xf32>,
          %get3A_1186 = arith.index_cast %add3A_1164 : i32 to index
          %get3A_1187 = arith.constant 48 : index
          %get3A_1188 = tpu.vector_load %arg15[%get3A_1186, %get3A_1187] {strides = array<i32>} : memref<80x128xf32, #tpu.memory_space<vmem>>, vector<16xf32>,
          %mul3A_1189 = arith.mulf %get3A_1188, %broadcast_in_dim3A_1160 : vector<16xf32>
          %swap3A_1190 = arith.index_cast %add3A_1164 : i32 to index
          %swap3A_1191 = arith.constant 48 : index
          %swap3A_1192 = tpu.vector_load %arg15[%swap3A_1190, %swap3A_1191] {strides = array<i32>} : memref<80x128xf32, #tpu.memory_space<vmem>>, vector<16xf32>,
          tpu.vector_store %arg15[%swap3A_1190, %swap3A_1191], %mul3A_1189 {strides = array<i32>} : memref<80x128xf32, #tpu.memory_space<vmem>>, vector<16xf32>,
          %get3A_1193 = arith.index_cast %add3A_1164 : i32 to index
          %get3A_1194 = arith.constant 64 : index
          %get3A_1195 = tpu.vector_load %arg15[%get3A_1193, %get3A_1194] {strides = array<i32>} : memref<80x128xf32, #tpu.memory_space<vmem>>, vector<16xf32>,
          %mul3A_1196 = arith.mulf %get3A_1195, %broadcast_in_dim3A_1160 : vector<16xf32>
          %swap3A_1197 = arith.index_cast %add3A_1164 : i32 to index
          %swap3A_1198 = arith.constant 64 : index
          %swap3A_1199 = tpu.vector_load %arg15[%swap3A_1197, %swap3A_1198] {strides = array<i32>} : memref<80x128xf32, #tpu.memory_space<vmem>>, vector<16xf32>,
          tpu.vector_store %arg15[%swap3A_1197, %swap3A_1198], %mul3A_1196 {strides = array<i32>} : memref<80x128xf32, #tpu.memory_space<vmem>>, vector<16xf32>,
          %get3A_1200 = arith.index_cast %add3A_1164 : i32 to index
          %get3A_1201 = arith.constant 80 : index
          %get3A_1202 = tpu.vector_load %arg15[%get3A_1200, %get3A_1201] {strides = array<i32>} : memref<80x128xf32, #tpu.memory_space<vmem>>, vector<16xf32>,
          %mul3A_1203 = arith.mulf %get3A_1202, %broadcast_in_dim3A_1160 : vector<16xf32>
          %swap3A_1204 = arith.index_cast %add3A_1164 : i32 to index
          %swap3A_1205 = arith.constant 80 : index
          %swap3A_1206 = tpu.vector_load %arg15[%swap3A_1204, %swap3A_1205] {strides = array<i32>} : memref<80x128xf32, #tpu.memory_space<vmem>>, vector<16xf32>,
          tpu.vector_store %arg15[%swap3A_1204, %swap3A_1205], %mul3A_1203 {strides = array<i32>} : memref<80x128xf32, #tpu.memory_space<vmem>>, vector<16xf32>,
          %get3A_1207 = arith.index_cast %add3A_1164 : i32 to index
          %get3A_1208 = arith.constant 96 : index
          %get3A_1209 = tpu.vector_load %arg15[%get3A_1207, %get3A_1208] {strides = array<i32>} : memref<80x128xf32, #tpu.memory_space<vmem>>, vector<16xf32>,
          %mul3A_1210 = arith.mulf %get3A_1209, %broadcast_in_dim3A_1160 : vector<16xf32>
          %swap3A_1211 = arith.index_cast %add3A_1164 : i32 to index
          %swap3A_1212 = arith.constant 96 : index
          %swap3A_1213 = tpu.vector_load %arg15[%swap3A_1211, %swap3A_1212] {strides = array<i32>} : memref<80x128xf32, #tpu.memory_space<vmem>>, vector<16xf32>,
          tpu.vector_store %arg15[%swap3A_1211, %swap3A_1212], %mul3A_1210 {strides = array<i32>} : memref<80x128xf32, #tpu.memory_space<vmem>>, vector<16xf32>,
          %get3A_1214 = arith.index_cast %add3A_1164 : i32 to index
          %get3A_1215 = arith.constant 112 : index
          %get3A_1216 = tpu.vector_load %arg15[%get3A_1214, %get3A_1215] {strides = array<i32>} : memref<80x128xf32, #tpu.memory_space<vmem>>, vector<16xf32>,
          %mul3A_1217 = arith.mulf %get3A_1216, %broadcast_in_dim3A_1160 : vector<16xf32>
          %swap3A_1218 = arith.index_cast %add3A_1164 : i32 to index
          %swap3A_1219 = arith.constant 112 : index
          %swap3A_1220 = tpu.vector_load %arg15[%swap3A_1218, %swap3A_1219] {strides = array<i32>} : memref<80x128xf32, #tpu.memory_space<vmem>>, vector<16xf32>,
          tpu.vector_store %arg15[%swap3A_1218, %swap3A_1219], %mul3A_1217 {strides = array<i32>} : memref<80x128xf32, #tpu.memory_space<vmem>>, vector<16xf32>,
          %slice3A_1221 = vector.extract_strided_slice %get3A_404 {offsets = [13], sizes = [1], strides = [1]} : vector<16xf32> to vector<1xf32>
          %squeeze3A_1222 = vector.extract %slice3A_1221[0] : f32 from vector<1xf32>
          %broadcast_in_dim3A_1223 = vector.broadcast %squeeze3A_1222 : f32 to vector<16xf32>
          %mul3A_1224 = arith.constant 16 : i32
          %mul3A_1225 = arith.muli %scan3A_400, %mul3A_1224 : i32
          %add3A_1226 = arith.constant 13 : i32
          %add3A_1227 = arith.addi %mul3A_1225, %add3A_1226 : i32
          %get3A_1228 = arith.index_cast %add3A_1227 : i32 to index
          %get3A_1229 = arith.constant 0 : index
          %get3A_1230 = tpu.vector_load %arg15[%get3A_1228, %get3A_1229] {strides = array<i32>} : memref<80x128xf32, #tpu.memory_space<vmem>>, vector<16xf32>,
          %mul3A_1231 = arith.mulf %get3A_1230, %broadcast_in_dim3A_1223 : vector<16xf32>
          %swap3A_1232 = arith.index_cast %add3A_1227 : i32 to index
          %swap3A_1233 = arith.constant 0 : index
          %swap3A_1234 = tpu.vector_load %arg15[%swap3A_1232, %swap3A_1233] {strides = array<i32>} : memref<80x128xf32, #tpu.memory_space<vmem>>, vector<16xf32>,
          tpu.vector_store %arg15[%swap3A_1232, %swap3A_1233], %mul3A_1231 {strides = array<i32>} : memref<80x128xf32, #tpu.memory_space<vmem>>, vector<16xf32>,
          %get3A_1235 = arith.index_cast %add3A_1227 : i32 to index
          %get3A_1236 = arith.constant 16 : index
          %get3A_1237 = tpu.vector_load %arg15[%get3A_1235, %get3A_1236] {strides = array<i32>} : memref<80x128xf32, #tpu.memory_space<vmem>>, vector<16xf32>,
          %mul3A_1238 = arith.mulf %get3A_1237, %broadcast_in_dim3A_1223 : vector<16xf32>
          %swap3A_1239 = arith.index_cast %add3A_1227 : i32 to index
          %swap3A_1240 = arith.constant 16 : index
          %swap3A_1241 = tpu.vector_load %arg15[%swap3A_1239, %swap3A_1240] {strides = array<i32>} : memref<80x128xf32, #tpu.memory_space<vmem>>, vector<16xf32>,
          tpu.vector_store %arg15[%swap3A_1239, %swap3A_1240], %mul3A_1238 {strides = array<i32>} : memref<80x128xf32, #tpu.memory_space<vmem>>, vector<16xf32>,
          %get3A_1242 = arith.index_cast %add3A_1227 : i32 to index
          %get3A_1243 = arith.constant 32 : index
          %get3A_1244 = tpu.vector_load %arg15[%get3A_1242, %get3A_1243] {strides = array<i32>} : memref<80x128xf32, #tpu.memory_space<vmem>>, vector<16xf32>,
          %mul3A_1245 = arith.mulf %get3A_1244, %broadcast_in_dim3A_1223 : vector<16xf32>
          %swap3A_1246 = arith.index_cast %add3A_1227 : i32 to index
          %swap3A_1247 = arith.constant 32 : index
          %swap3A_1248 = tpu.vector_load %arg15[%swap3A_1246, %swap3A_1247] {strides = array<i32>} : memref<80x128xf32, #tpu.memory_space<vmem>>, vector<16xf32>,
          tpu.vector_store %arg15[%swap3A_1246, %swap3A_1247], %mul3A_1245 {strides = array<i32>} : memref<80x128xf32, #tpu.memory_space<vmem>>, vector<16xf32>,
          %get3A_1249 = arith.index_cast %add3A_1227 : i32 to index
          %get3A_1250 = arith.constant 48 : index
          %get3A_1251 = tpu.vector_load %arg15[%get3A_1249, %get3A_1250] {strides = array<i32>} : memref<80x128xf32, #tpu.memory_space<vmem>>, vector<16xf32>,
          %mul3A_1252 = arith.mulf %get3A_1251, %broadcast_in_dim3A_1223 : vector<16xf32>
          %swap3A_1253 = arith.index_cast %add3A_1227 : i32 to index
          %swap3A_1254 = arith.constant 48 : index
          %swap3A_1255 = tpu.vector_load %arg15[%swap3A_1253, %swap3A_1254] {strides = array<i32>} : memref<80x128xf32, #tpu.memory_space<vmem>>, vector<16xf32>,
          tpu.vector_store %arg15[%swap3A_1253, %swap3A_1254], %mul3A_1252 {strides = array<i32>} : memref<80x128xf32, #tpu.memory_space<vmem>>, vector<16xf32>,
          %get3A_1256 = arith.index_cast %add3A_1227 : i32 to index
          %get3A_1257 = arith.constant 64 : index
          %get3A_1258 = tpu.vector_load %arg15[%get3A_1256, %get3A_1257] {strides = array<i32>} : memref<80x128xf32, #tpu.memory_space<vmem>>, vector<16xf32>,
          %mul3A_1259 = arith.mulf %get3A_1258, %broadcast_in_dim3A_1223 : vector<16xf32>
          %swap3A_1260 = arith.index_cast %add3A_1227 : i32 to index
          %swap3A_1261 = arith.constant 64 : index
          %swap3A_1262 = tpu.vector_load %arg15[%swap3A_1260, %swap3A_1261] {strides = array<i32>} : memref<80x128xf32, #tpu.memory_space<vmem>>, vector<16xf32>,
          tpu.vector_store %arg15[%swap3A_1260, %swap3A_1261], %mul3A_1259 {strides = array<i32>} : memref<80x128xf32, #tpu.memory_space<vmem>>, vector<16xf32>,
          %get3A_1263 = arith.index_cast %add3A_1227 : i32 to index
          %get3A_1264 = arith.constant 80 : index
          %get3A_1265 = tpu.vector_load %arg15[%get3A_1263, %get3A_1264] {strides = array<i32>} : memref<80x128xf32, #tpu.memory_space<vmem>>, vector<16xf32>,
          %mul3A_1266 = arith.mulf %get3A_1265, %broadcast_in_dim3A_1223 : vector<16xf32>
          %swap3A_1267 = arith.index_cast %add3A_1227 : i32 to index
          %swap3A_1268 = arith.constant 80 : index
          %swap3A_1269 = tpu.vector_load %arg15[%swap3A_1267, %swap3A_1268] {strides = array<i32>} : memref<80x128xf32, #tpu.memory_space<vmem>>, vector<16xf32>,
          tpu.vector_store %arg15[%swap3A_1267, %swap3A_1268], %mul3A_1266 {strides = array<i32>} : memref<80x128xf32, #tpu.memory_space<vmem>>, vector<16xf32>,
          %get3A_1270 = arith.index_cast %add3A_1227 : i32 to index
          %get3A_1271 = arith.constant 96 : index
          %get3A_1272 = tpu.vector_load %arg15[%get3A_1270, %get3A_1271] {strides = array<i32>} : memref<80x128xf32, #tpu.memory_space<vmem>>, vector<16xf32>,
          %mul3A_1273 = arith.mulf %get3A_1272, %broadcast_in_dim3A_1223 : vector<16xf32>
          %swap3A_1274 = arith.index_cast %add3A_1227 : i32 to index
          %swap3A_1275 = arith.constant 96 : index
          %swap3A_1276 = tpu.vector_load %arg15[%swap3A_1274, %swap3A_1275] {strides = array<i32>} : memref<80x128xf32, #tpu.memory_space<vmem>>, vector<16xf32>,
          tpu.vector_store %arg15[%swap3A_1274, %swap3A_1275], %mul3A_1273 {strides = array<i32>} : memref<80x128xf32, #tpu.memory_space<vmem>>, vector<16xf32>,
          %get3A_1277 = arith.index_cast %add3A_1227 : i32 to index
          %get3A_1278 = arith.constant 112 : index
          %get3A_1279 = tpu.vector_load %arg15[%get3A_1277, %get3A_1278] {strides = array<i32>} : memref<80x128xf32, #tpu.memory_space<vmem>>, vector<16xf32>,
          %mul3A_1280 = arith.mulf %get3A_1279, %broadcast_in_dim3A_1223 : vector<16xf32>
          %swap3A_1281 = arith.index_cast %add3A_1227 : i32 to index
          %swap3A_1282 = arith.constant 112 : index
          %swap3A_1283 = tpu.vector_load %arg15[%swap3A_1281, %swap3A_1282] {strides = array<i32>} : memref<80x128xf32, #tpu.memory_space<vmem>>, vector<16xf32>,
          tpu.vector_store %arg15[%swap3A_1281, %swap3A_1282], %mul3A_1280 {strides = array<i32>} : memref<80x128xf32, #tpu.memory_space<vmem>>, vector<16xf32>,
          %slice3A_1284 = vector.extract_strided_slice %get3A_404 {offsets = [14], sizes = [1], strides = [1]} : vector<16xf32> to vector<1xf32>
          %squeeze3A_1285 = vector.extract %slice3A_1284[0] : f32 from vector<1xf32>
          %broadcast_in_dim3A_1286 = vector.broadcast %squeeze3A_1285 : f32 to vector<16xf32>
          %mul3A_1287 = arith.constant 16 : i32
          %mul3A_1288 = arith.muli %scan3A_400, %mul3A_1287 : i32
          %add3A_1289 = arith.constant 14 : i32
          %add3A_1290 = arith.addi %mul3A_1288, %add3A_1289 : i32
          %get3A_1291 = arith.index_cast %add3A_1290 : i32 to index
          %get3A_1292 = arith.constant 0 : index
          %get3A_1293 = tpu.vector_load %arg15[%get3A_1291, %get3A_1292] {strides = array<i32>} : memref<80x128xf32, #tpu.memory_space<vmem>>, vector<16xf32>,
          %mul3A_1294 = arith.mulf %get3A_1293, %broadcast_in_dim3A_1286 : vector<16xf32>
          %swap3A_1295 = arith.index_cast %add3A_1290 : i32 to index
          %swap3A_1296 = arith.constant 0 : index
          %swap3A_1297 = tpu.vector_load %arg15[%swap3A_1295, %swap3A_1296] {strides = array<i32>} : memref<80x128xf32, #tpu.memory_space<vmem>>, vector<16xf32>,
          tpu.vector_store %arg15[%swap3A_1295, %swap3A_1296], %mul3A_1294 {strides = array<i32>} : memref<80x128xf32, #tpu.memory_space<vmem>>, vector<16xf32>,
          %get3A_1298 = arith.index_cast %add3A_1290 : i32 to index
          %get3A_1299 = arith.constant 16 : index
          %get3A_1300 = tpu.vector_load %arg15[%get3A_1298, %get3A_1299] {strides = array<i32>} : memref<80x128xf32, #tpu.memory_space<vmem>>, vector<16xf32>,
          %mul3A_1301 = arith.mulf %get3A_1300, %broadcast_in_dim3A_1286 : vector<16xf32>
          %swap3A_1302 = arith.index_cast %add3A_1290 : i32 to index
          %swap3A_1303 = arith.constant 16 : index
          %swap3A_1304 = tpu.vector_load %arg15[%swap3A_1302, %swap3A_1303] {strides = array<i32>} : memref<80x128xf32, #tpu.memory_space<vmem>>, vector<16xf32>,
          tpu.vector_store %arg15[%swap3A_1302, %swap3A_1303], %mul3A_1301 {strides = array<i32>} : memref<80x128xf32, #tpu.memory_space<vmem>>, vector<16xf32>,
          %get3A_1305 = arith.index_cast %add3A_1290 : i32 to index
          %get3A_1306 = arith.constant 32 : index
          %get3A_1307 = tpu.vector_load %arg15[%get3A_1305, %get3A_1306] {strides = array<i32>} : memref<80x128xf32, #tpu.memory_space<vmem>>, vector<16xf32>,
          %mul3A_1308 = arith.mulf %get3A_1307, %broadcast_in_dim3A_1286 : vector<16xf32>
          %swap3A_1309 = arith.index_cast %add3A_1290 : i32 to index
          %swap3A_1310 = arith.constant 32 : index
          %swap3A_1311 = tpu.vector_load %arg15[%swap3A_1309, %swap3A_1310] {strides = array<i32>} : memref<80x128xf32, #tpu.memory_space<vmem>>, vector<16xf32>,
          tpu.vector_store %arg15[%swap3A_1309, %swap3A_1310], %mul3A_1308 {strides = array<i32>} : memref<80x128xf32, #tpu.memory_space<vmem>>, vector<16xf32>,
          %get3A_1312 = arith.index_cast %add3A_1290 : i32 to index
          %get3A_1313 = arith.constant 48 : index
          %get3A_1314 = tpu.vector_load %arg15[%get3A_1312, %get3A_1313] {strides = array<i32>} : memref<80x128xf32, #tpu.memory_space<vmem>>, vector<16xf32>,
          %mul3A_1315 = arith.mulf %get3A_1314, %broadcast_in_dim3A_1286 : vector<16xf32>
          %swap3A_1316 = arith.index_cast %add3A_1290 : i32 to index
          %swap3A_1317 = arith.constant 48 : index
          %swap3A_1318 = tpu.vector_load %arg15[%swap3A_1316, %swap3A_1317] {strides = array<i32>} : memref<80x128xf32, #tpu.memory_space<vmem>>, vector<16xf32>,
          tpu.vector_store %arg15[%swap3A_1316, %swap3A_1317], %mul3A_1315 {strides = array<i32>} : memref<80x128xf32, #tpu.memory_space<vmem>>, vector<16xf32>,
          %get3A_1319 = arith.index_cast %add3A_1290 : i32 to index
          %get3A_1320 = arith.constant 64 : index
          %get3A_1321 = tpu.vector_load %arg15[%get3A_1319, %get3A_1320] {strides = array<i32>} : memref<80x128xf32, #tpu.memory_space<vmem>>, vector<16xf32>,
          %mul3A_1322 = arith.mulf %get3A_1321, %broadcast_in_dim3A_1286 : vector<16xf32>
          %swap3A_1323 = arith.index_cast %add3A_1290 : i32 to index
          %swap3A_1324 = arith.constant 64 : index
          %swap3A_1325 = tpu.vector_load %arg15[%swap3A_1323, %swap3A_1324] {strides = array<i32>} : memref<80x128xf32, #tpu.memory_space<vmem>>, vector<16xf32>,
          tpu.vector_store %arg15[%swap3A_1323, %swap3A_1324], %mul3A_1322 {strides = array<i32>} : memref<80x128xf32, #tpu.memory_space<vmem>>, vector<16xf32>,
          %get3A_1326 = arith.index_cast %add3A_1290 : i32 to index
          %get3A_1327 = arith.constant 80 : index
          %get3A_1328 = tpu.vector_load %arg15[%get3A_1326, %get3A_1327] {strides = array<i32>} : memref<80x128xf32, #tpu.memory_space<vmem>>, vector<16xf32>,
          %mul3A_1329 = arith.mulf %get3A_1328, %broadcast_in_dim3A_1286 : vector<16xf32>
          %swap3A_1330 = arith.index_cast %add3A_1290 : i32 to index
          %swap3A_1331 = arith.constant 80 : index
          %swap3A_1332 = tpu.vector_load %arg15[%swap3A_1330, %swap3A_1331] {strides = array<i32>} : memref<80x128xf32, #tpu.memory_space<vmem>>, vector<16xf32>,
          tpu.vector_store %arg15[%swap3A_1330, %swap3A_1331], %mul3A_1329 {strides = array<i32>} : memref<80x128xf32, #tpu.memory_space<vmem>>, vector<16xf32>,
          %get3A_1333 = arith.index_cast %add3A_1290 : i32 to index
          %get3A_1334 = arith.constant 96 : index
          %get3A_1335 = tpu.vector_load %arg15[%get3A_1333, %get3A_1334] {strides = array<i32>} : memref<80x128xf32, #tpu.memory_space<vmem>>, vector<16xf32>,
          %mul3A_1336 = arith.mulf %get3A_1335, %broadcast_in_dim3A_1286 : vector<16xf32>
          %swap3A_1337 = arith.index_cast %add3A_1290 : i32 to index
          %swap3A_1338 = arith.constant 96 : index
          %swap3A_1339 = tpu.vector_load %arg15[%swap3A_1337, %swap3A_1338] {strides = array<i32>} : memref<80x128xf32, #tpu.memory_space<vmem>>, vector<16xf32>,
          tpu.vector_store %arg15[%swap3A_1337, %swap3A_1338], %mul3A_1336 {strides = array<i32>} : memref<80x128xf32, #tpu.memory_space<vmem>>, vector<16xf32>,
          %get3A_1340 = arith.index_cast %add3A_1290 : i32 to index
          %get3A_1341 = arith.constant 112 : index
          %get3A_1342 = tpu.vector_load %arg15[%get3A_1340, %get3A_1341] {strides = array<i32>} : memref<80x128xf32, #tpu.memory_space<vmem>>, vector<16xf32>,
          %mul3A_1343 = arith.mulf %get3A_1342, %broadcast_in_dim3A_1286 : vector<16xf32>
          %swap3A_1344 = arith.index_cast %add3A_1290 : i32 to index
          %swap3A_1345 = arith.constant 112 : index
          %swap3A_1346 = tpu.vector_load %arg15[%swap3A_1344, %swap3A_1345] {strides = array<i32>} : memref<80x128xf32, #tpu.memory_space<vmem>>, vector<16xf32>,
          tpu.vector_store %arg15[%swap3A_1344, %swap3A_1345], %mul3A_1343 {strides = array<i32>} : memref<80x128xf32, #tpu.memory_space<vmem>>, vector<16xf32>,
          %slice3A_1347 = vector.extract_strided_slice %get3A_404 {offsets = [15], sizes = [1], strides = [1]} : vector<16xf32> to vector<1xf32>
          %squeeze3A_1348 = vector.extract %slice3A_1347[0] : f32 from vector<1xf32>
          %broadcast_in_dim3A_1349 = vector.broadcast %squeeze3A_1348 : f32 to vector<16xf32>
          %mul3A_1350 = arith.constant 16 : i32
          %mul3A_1351 = arith.muli %scan3A_400, %mul3A_1350 : i32
          %add3A_1352 = arith.constant 15 : i32
          %add3A_1353 = arith.addi %mul3A_1351, %add3A_1352 : i32
          %get3A_1354 = arith.index_cast %add3A_1353 : i32 to index
          %get3A_1355 = arith.constant 0 : index
          %get3A_1356 = tpu.vector_load %arg15[%get3A_1354, %get3A_1355] {strides = array<i32>} : memref<80x128xf32, #tpu.memory_space<vmem>>, vector<16xf32>,
          %mul3A_1357 = arith.mulf %get3A_1356, %broadcast_in_dim3A_1349 : vector<16xf32>
          %swap3A_1358 = arith.index_cast %add3A_1353 : i32 to index
          %swap3A_1359 = arith.constant 0 : index
          %swap3A_1360 = tpu.vector_load %arg15[%swap3A_1358, %swap3A_1359] {strides = array<i32>} : memref<80x128xf32, #tpu.memory_space<vmem>>, vector<16xf32>,
          tpu.vector_store %arg15[%swap3A_1358, %swap3A_1359], %mul3A_1357 {strides = array<i32>} : memref<80x128xf32, #tpu.memory_space<vmem>>, vector<16xf32>,
          %get3A_1361 = arith.index_cast %add3A_1353 : i32 to index
          %get3A_1362 = arith.constant 16 : index
          %get3A_1363 = tpu.vector_load %arg15[%get3A_1361, %get3A_1362] {strides = array<i32>} : memref<80x128xf32, #tpu.memory_space<vmem>>, vector<16xf32>,
          %mul3A_1364 = arith.mulf %get3A_1363, %broadcast_in_dim3A_1349 : vector<16xf32>
          %swap3A_1365 = arith.index_cast %add3A_1353 : i32 to index
          %swap3A_1366 = arith.constant 16 : index
          %swap3A_1367 = tpu.vector_load %arg15[%swap3A_1365, %swap3A_1366] {strides = array<i32>} : memref<80x128xf32, #tpu.memory_space<vmem>>, vector<16xf32>,
          tpu.vector_store %arg15[%swap3A_1365, %swap3A_1366], %mul3A_1364 {strides = array<i32>} : memref<80x128xf32, #tpu.memory_space<vmem>>, vector<16xf32>,
          %get3A_1368 = arith.index_cast %add3A_1353 : i32 to index
          %get3A_1369 = arith.constant 32 : index
          %get3A_1370 = tpu.vector_load %arg15[%get3A_1368, %get3A_1369] {strides = array<i32>} : memref<80x128xf32, #tpu.memory_space<vmem>>, vector<16xf32>,
          %mul3A_1371 = arith.mulf %get3A_1370, %broadcast_in_dim3A_1349 : vector<16xf32>
          %swap3A_1372 = arith.index_cast %add3A_1353 : i32 to index
          %swap3A_1373 = arith.constant 32 : index
          %swap3A_1374 = tpu.vector_load %arg15[%swap3A_1372, %swap3A_1373] {strides = array<i32>} : memref<80x128xf32, #tpu.memory_space<vmem>>, vector<16xf32>,
          tpu.vector_store %arg15[%swap3A_1372, %swap3A_1373], %mul3A_1371 {strides = array<i32>} : memref<80x128xf32, #tpu.memory_space<vmem>>, vector<16xf32>,
          %get3A_1375 = arith.index_cast %add3A_1353 : i32 to index
          %get3A_1376 = arith.constant 48 : index
          %get3A_1377 = tpu.vector_load %arg15[%get3A_1375, %get3A_1376] {strides = array<i32>} : memref<80x128xf32, #tpu.memory_space<vmem>>, vector<16xf32>,
          %mul3A_1378 = arith.mulf %get3A_1377, %broadcast_in_dim3A_1349 : vector<16xf32>
          %swap3A_1379 = arith.index_cast %add3A_1353 : i32 to index
          %swap3A_1380 = arith.constant 48 : index
          %swap3A_1381 = tpu.vector_load %arg15[%swap3A_1379, %swap3A_1380] {strides = array<i32>} : memref<80x128xf32, #tpu.memory_space<vmem>>, vector<16xf32>,
          tpu.vector_store %arg15[%swap3A_1379, %swap3A_1380], %mul3A_1378 {strides = array<i32>} : memref<80x128xf32, #tpu.memory_space<vmem>>, vector<16xf32>,
          %get3A_1382 = arith.index_cast %add3A_1353 : i32 to index
          %get3A_1383 = arith.constant 64 : index
          %get3A_1384 = tpu.vector_load %arg15[%get3A_1382, %get3A_1383] {strides = array<i32>} : memref<80x128xf32, #tpu.memory_space<vmem>>, vector<16xf32>,
          %mul3A_1385 = arith.mulf %get3A_1384, %broadcast_in_dim3A_1349 : vector<16xf32>
          %swap3A_1386 = arith.index_cast %add3A_1353 : i32 to index
          %swap3A_1387 = arith.constant 64 : index
          %swap3A_1388 = tpu.vector_load %arg15[%swap3A_1386, %swap3A_1387] {strides = array<i32>} : memref<80x128xf32, #tpu.memory_space<vmem>>, vector<16xf32>,
          tpu.vector_store %arg15[%swap3A_1386, %swap3A_1387], %mul3A_1385 {strides = array<i32>} : memref<80x128xf32, #tpu.memory_space<vmem>>, vector<16xf32>,
          %get3A_1389 = arith.index_cast %add3A_1353 : i32 to index
          %get3A_1390 = arith.constant 80 : index
          %get3A_1391 = tpu.vector_load %arg15[%get3A_1389, %get3A_1390] {strides = array<i32>} : memref<80x128xf32, #tpu.memory_space<vmem>>, vector<16xf32>,
          %mul3A_1392 = arith.mulf %get3A_1391, %broadcast_in_dim3A_1349 : vector<16xf32>
          %swap3A_1393 = arith.index_cast %add3A_1353 : i32 to index
          %swap3A_1394 = arith.constant 80 : index
          %swap3A_1395 = tpu.vector_load %arg15[%swap3A_1393, %swap3A_1394] {strides = array<i32>} : memref<80x128xf32, #tpu.memory_space<vmem>>, vector<16xf32>,
          tpu.vector_store %arg15[%swap3A_1393, %swap3A_1394], %mul3A_1392 {strides = array<i32>} : memref<80x128xf32, #tpu.memory_space<vmem>>, vector<16xf32>,
          %get3A_1396 = arith.index_cast %add3A_1353 : i32 to index
          %get3A_1397 = arith.constant 96 : index
          %get3A_1398 = tpu.vector_load %arg15[%get3A_1396, %get3A_1397] {strides = array<i32>} : memref<80x128xf32, #tpu.memory_space<vmem>>, vector<16xf32>,
          %mul3A_1399 = arith.mulf %get3A_1398, %broadcast_in_dim3A_1349 : vector<16xf32>
          %swap3A_1400 = arith.index_cast %add3A_1353 : i32 to index
          %swap3A_1401 = arith.constant 96 : index
          %swap3A_1402 = tpu.vector_load %arg15[%swap3A_1400, %swap3A_1401] {strides = array<i32>} : memref<80x128xf32, #tpu.memory_space<vmem>>, vector<16xf32>,
          tpu.vector_store %arg15[%swap3A_1400, %swap3A_1401], %mul3A_1399 {strides = array<i32>} : memref<80x128xf32, #tpu.memory_space<vmem>>, vector<16xf32>,
          %get3A_1403 = arith.index_cast %add3A_1353 : i32 to index
          %get3A_1404 = arith.constant 112 : index
          %get3A_1405 = tpu.vector_load %arg15[%get3A_1403, %get3A_1404] {strides = array<i32>} : memref<80x128xf32, #tpu.memory_space<vmem>>, vector<16xf32>,
          %mul3A_1406 = arith.mulf %get3A_1405, %broadcast_in_dim3A_1349 : vector<16xf32>
          %swap3A_1407 = arith.index_cast %add3A_1353 : i32 to index
          %swap3A_1408 = arith.constant 112 : index
          %swap3A_1409 = tpu.vector_load %arg15[%swap3A_1407, %swap3A_1408] {strides = array<i32>} : memref<80x128xf32, #tpu.memory_space<vmem>>, vector<16xf32>,
          tpu.vector_store %arg15[%swap3A_1407, %swap3A_1408], %mul3A_1406 {strides = array<i32>} : memref<80x128xf32, #tpu.memory_space<vmem>>, vector<16xf32>,
        }
        %scan3A_399 = arith.constant 5 : i32
        "tpu.region"() ({
          %run_scoped3A = tpu.sem_alloc : memref<!tpu.dma_semaphore, #tpu.memory_space<semaphore_mem>>
          %dma_start3A_400 = arith.constant 0 : i32
          %dma_start3A_401 = tpu.memref_slice %arg9[%add3A_210, %dma_start3A_400] : memref<10x80xi32, #tpu.memory_space<vmem>> -> memref<1x80xi32, #tpu.memory_space<vmem>>
          %dma_start3A_402 = tpu.memref_squeeze %dma_start3A_401 : memref<1x80xi32, #tpu.memory_space<vmem>> -> memref<80xi32, #tpu.memory_space<vmem>>
          %dma_start3A_403 = arith.constant 0 : i32
          %dma_start3A_404 = arith.constant 0 : i32
          %dma_start3A_405 = tpu.memref_slice %arg16[%dma_start3A_403, %dma_start3A_404] : memref<10000x128xf32, #tpu.memory_space<vmem_shared>> -> memref<10000x128xf32, #tpu.memory_space<vmem_shared>>
          tpu.enqueue_indirect_dma source(%arg15 : memref<80x128xf32, #tpu.memory_space<vmem>>) target(%dma_start3A_405 : memref<10000x128xf32, #tpu.memory_space<vmem_shared>>) offsets(%dma_start3A_402 : memref<80xi32, #tpu.memory_space<vmem>>) semaphore(%run_scoped3A : memref<!tpu.dma_semaphore, #tpu.memory_space<semaphore_mem>>) {add = true}
          %dma_wait3A_406 = arith.constant 0 : i32
          %dma_wait3A_407 = tpu.memref_slice %arg9[%add3A_210, %dma_wait3A_406] : memref<10x80xi32, #tpu.memory_space<vmem>> -> memref<1x80xi32, #tpu.memory_space<vmem>>
          %dma_wait3A_408 = tpu.memref_squeeze %dma_wait3A_407 : memref<1x80xi32, #tpu.memory_space<vmem>> -> memref<80xi32, #tpu.memory_space<vmem>>
          %dma_wait3A_409 = arith.constant 0 : i32
          %dma_wait3A_410 = arith.constant 0 : i32
          %dma_wait3A_411 = tpu.memref_slice %arg16[%dma_wait3A_409, %dma_wait3A_410] : memref<10000x128xf32, #tpu.memory_space<vmem_shared>> -> memref<10000x128xf32, #tpu.memory_space<vmem_shared>>
          tpu.wait_indirect_dma semaphore(%run_scoped3A : memref<!tpu.dma_semaphore, #tpu.memory_space<semaphore_mem>>) src(%arg15 : memref<80x128xf32, #tpu.memory_space<vmem>>) dst(%dma_wait3A_411 : memref<10000x128xf32, #tpu.memory_space<vmem_shared>>)
          tpu.yield
        }) : () -> ()
      }
      %scan3A_203 = arith.constant 5 : i32
    }
    %scan3A_124 = arith.constant 25 : i32
    %barrier3A_125 = arith.constant 0 : index
    tpu.barrier barrier_id(%barrier3A_125)
    %mul3A_126 = arith.constant 624 : i32
    %mul3A_127 = arith.muli %arg1, %mul3A_126 : i32
    %add3A_128 = arith.constant 0 : i32
    %add3A_129 = arith.addi %mul3A_127, %add3A_128 : i32
    %min3A_130 = arith.constant 9920 : i32
    %min3A_131 = arith.minsi %add3A_129, %min3A_130 : i32
    "tpu.region"() ({
      %run_scoped3A = tpu.sem_alloc : memref<!tpu.dma_semaphore, #tpu.memory_space<semaphore_mem>>
      %dma_start3A = arith.constant 0 : i32
      %dma_start3A_182 = tpu.memref_slice %arg16[%min3A_131, %dma_start3A] : memref<10000x128xf32, #tpu.memory_space<vmem_shared>> -> memref<80x128xf32, #tpu.memory_space<vmem_shared>>
      %dma_start3A_183 = arith.constant 0 : i32
      %dma_start3A_184 = tpu.memref_slice %arg16[%min3A_131, %dma_start3A_183] : memref<10000x128xf32, #tpu.memory_space<vmem_shared>> -> memref<80x128xf32, #tpu.memory_space<vmem_shared>>
      tpu.enqueue_dma source(%dma_start3A_184 : memref<80x128xf32, #tpu.memory_space<vmem_shared>>) target(%arg14 : memref<80x128xf32, #tpu.memory_space<vmem>>) target_semaphore(%run_scoped3A : memref<!tpu.dma_semaphore, #tpu.memory_space<semaphore_mem>>)
      %dma_wait3A = arith.constant 0 : i32
      %dma_wait3A_185 = tpu.memref_slice %arg16[%min3A_131, %dma_wait3A] : memref<10000x128xf32, #tpu.memory_space<vmem_shared>> -> memref<80x128xf32, #tpu.memory_space<vmem_shared>>
      %dma_wait3A_186 = arith.constant 0 : i32
      %dma_wait3A_187 = tpu.memref_slice %arg16[%min3A_131, %dma_wait3A_186] : memref<10000x128xf32, #tpu.memory_space<vmem_shared>> -> memref<80x128xf32, #tpu.memory_space<vmem_shared>>
      tpu.wait_dma2 semaphore(%run_scoped3A : memref<!tpu.dma_semaphore, #tpu.memory_space<semaphore_mem>>) src(%dma_wait3A_187 : memref<80x128xf32, #tpu.memory_space<vmem_shared>>) dst(%arg14 : memref<80x128xf32, #tpu.memory_space<vmem>>)
      tpu.yield
    }) : () -> ()
    %add3A_132 = arith.addi %mul3A_0, %min3A_131 : i32
    "tpu.region"() ({
      %run_scoped3A = tpu.sem_alloc : memref<!tpu.dma_semaphore, #tpu.memory_space<semaphore_mem>>
      %dma_start3A = arith.constant 0 : i32
      %dma_start3A_182 = tpu.memref_slice %arg7[%add3A_132, %dma_start3A] : memref<20000x128xf32, #tpu.memory_space<hbm>> -> memref<80x128xf32, #tpu.memory_space<hbm>>
      %dma_start3A_183 = arith.constant 0 : i32
      %dma_start3A_184 = tpu.memref_slice %arg7[%add3A_132, %dma_start3A_183] : memref<20000x128xf32, #tpu.memory_space<hbm>> -> memref<80x128xf32, #tpu.memory_space<hbm>>
      tpu.enqueue_dma source(%arg14 : memref<80x128xf32, #tpu.memory_space<vmem>>) target(%dma_start3A_184 : memref<80x128xf32, #tpu.memory_space<hbm>>) target_semaphore(%run_scoped3A : memref<!tpu.dma_semaphore, #tpu.memory_space<semaphore_mem>>)
      %dma_wait3A = arith.constant 0 : i32
      %dma_wait3A_185 = tpu.memref_slice %arg7[%add3A_132, %dma_wait3A] : memref<20000x128xf32, #tpu.memory_space<hbm>> -> memref<80x128xf32, #tpu.memory_space<hbm>>
      %dma_wait3A_186 = arith.constant 0 : i32
      %dma_wait3A_187 = tpu.memref_slice %arg7[%add3A_132, %dma_wait3A_186] : memref<20000x128xf32, #tpu.memory_space<hbm>> -> memref<80x128xf32, #tpu.memory_space<hbm>>
      tpu.wait_dma2 semaphore(%run_scoped3A : memref<!tpu.dma_semaphore, #tpu.memory_space<semaphore_mem>>) src(%arg14 : memref<80x128xf32, #tpu.memory_space<vmem>>) dst(%dma_wait3A_187 : memref<80x128xf32, #tpu.memory_space<hbm>>)
      tpu.yield
    }) : () -> ()
    %mul3A_133 = arith.constant 624 : i32
    %mul3A_134 = arith.muli %arg1, %mul3A_133 : i32
    %add3A_135 = arith.constant 80 : i32
    %add3A_136 = arith.addi %mul3A_134, %add3A_135 : i32
    %min3A_137 = arith.constant 9920 : i32
    %min3A_138 = arith.minsi %add3A_136, %min3A_137 : i32
    "tpu.region"() ({
      %run_scoped3A = tpu.sem_alloc : memref<!tpu.dma_semaphore, #tpu.memory_space<semaphore_mem>>
      %dma_start3A = arith.constant 0 : i32
      %dma_start3A_182 = tpu.memref_slice %arg16[%min3A_138, %dma_start3A] : memref<10000x128xf32, #tpu.memory_space<vmem_shared>> -> memref<80x128xf32, #tpu.memory_space<vmem_shared>>
      %dma_start3A_183 = arith.constant 0 : i32
      %dma_start3A_184 = tpu.memref_slice %arg16[%min3A_138, %dma_start3A_183] : memref<10000x128xf32, #tpu.memory_space<vmem_shared>> -> memref<80x128xf32, #tpu.memory_space<vmem_shared>>
      tpu.enqueue_dma source(%dma_start3A_184 : memref<80x128xf32, #tpu.memory_space<vmem_shared>>) target(%arg14 : memref<80x128xf32, #tpu.memory_space<vmem>>) target_semaphore(%run_scoped3A : memref<!tpu.dma_semaphore, #tpu.memory_space<semaphore_mem>>)
      %dma_wait3A = arith.constant 0 : i32
      %dma_wait3A_185 = tpu.memref_slice %arg16[%min3A_138, %dma_wait3A] : memref<10000x128xf32, #tpu.memory_space<vmem_shared>> -> memref<80x128xf32, #tpu.memory_space<vmem_shared>>
      %dma_wait3A_186 = arith.constant 0 : i32
      %dma_wait3A_187 = tpu.memref_slice %arg16[%min3A_138, %dma_wait3A_186] : memref<10000x128xf32, #tpu.memory_space<vmem_shared>> -> memref<80x128xf32, #tpu.memory_space<vmem_shared>>
      tpu.wait_dma2 semaphore(%run_scoped3A : memref<!tpu.dma_semaphore, #tpu.memory_space<semaphore_mem>>) src(%dma_wait3A_187 : memref<80x128xf32, #tpu.memory_space<vmem_shared>>) dst(%arg14 : memref<80x128xf32, #tpu.memory_space<vmem>>)
      tpu.yield
    }) : () -> ()
    %add3A_139 = arith.addi %mul3A_0, %min3A_138 : i32
    "tpu.region"() ({
      %run_scoped3A = tpu.sem_alloc : memref<!tpu.dma_semaphore, #tpu.memory_space<semaphore_mem>>
      %dma_start3A = arith.constant 0 : i32
      %dma_start3A_182 = tpu.memref_slice %arg7[%add3A_139, %dma_start3A] : memref<20000x128xf32, #tpu.memory_space<hbm>> -> memref<80x128xf32, #tpu.memory_space<hbm>>
      %dma_start3A_183 = arith.constant 0 : i32
      %dma_start3A_184 = tpu.memref_slice %arg7[%add3A_139, %dma_start3A_183] : memref<20000x128xf32, #tpu.memory_space<hbm>> -> memref<80x128xf32, #tpu.memory_space<hbm>>
      tpu.enqueue_dma source(%arg14 : memref<80x128xf32, #tpu.memory_space<vmem>>) target(%dma_start3A_184 : memref<80x128xf32, #tpu.memory_space<hbm>>) target_semaphore(%run_scoped3A : memref<!tpu.dma_semaphore, #tpu.memory_space<semaphore_mem>>)
      %dma_wait3A = arith.constant 0 : i32
      %dma_wait3A_185 = tpu.memref_slice %arg7[%add3A_139, %dma_wait3A] : memref<20000x128xf32, #tpu.memory_space<hbm>> -> memref<80x128xf32, #tpu.memory_space<hbm>>
      %dma_wait3A_186 = arith.constant 0 : i32
      %dma_wait3A_187 = tpu.memref_slice %arg7[%add3A_139, %dma_wait3A_186] : memref<20000x128xf32, #tpu.memory_space<hbm>> -> memref<80x128xf32, #tpu.memory_space<hbm>>
      tpu.wait_dma2 semaphore(%run_scoped3A : memref<!tpu.dma_semaphore, #tpu.memory_space<semaphore_mem>>) src(%arg14 : memref<80x128xf32, #tpu.memory_space<vmem>>) dst(%dma_wait3A_187 : memref<80x128xf32, #tpu.memory_space<hbm>>)
      tpu.yield
    }) : () -> ()
    %mul3A_140 = arith.constant 624 : i32
    %mul3A_141 = arith.muli %arg1, %mul3A_140 : i32
    %add3A_142 = arith.constant 160 : i32
    %add3A_143 = arith.addi %mul3A_141, %add3A_142 : i32
    %min3A_144 = arith.constant 9920 : i32
    %min3A_145 = arith.minsi %add3A_143, %min3A_144 : i32
    "tpu.region"() ({
      %run_scoped3A = tpu.sem_alloc : memref<!tpu.dma_semaphore, #tpu.memory_space<semaphore_mem>>
      %dma_start3A = arith.constant 0 : i32
      %dma_start3A_182 = tpu.memref_slice %arg16[%min3A_145, %dma_start3A] : memref<10000x128xf32, #tpu.memory_space<vmem_shared>> -> memref<80x128xf32, #tpu.memory_space<vmem_shared>>
      %dma_start3A_183 = arith.constant 0 : i32
      %dma_start3A_184 = tpu.memref_slice %arg16[%min3A_145, %dma_start3A_183] : memref<10000x128xf32, #tpu.memory_space<vmem_shared>> -> memref<80x128xf32, #tpu.memory_space<vmem_shared>>
      tpu.enqueue_dma source(%dma_start3A_184 : memref<80x128xf32, #tpu.memory_space<vmem_shared>>) target(%arg14 : memref<80x128xf32, #tpu.memory_space<vmem>>) target_semaphore(%run_scoped3A : memref<!tpu.dma_semaphore, #tpu.memory_space<semaphore_mem>>)
      %dma_wait3A = arith.constant 0 : i32
      %dma_wait3A_185 = tpu.memref_slice %arg16[%min3A_145, %dma_wait3A] : memref<10000x128xf32, #tpu.memory_space<vmem_shared>> -> memref<80x128xf32, #tpu.memory_space<vmem_shared>>
      %dma_wait3A_186 = arith.constant 0 : i32
      %dma_wait3A_187 = tpu.memref_slice %arg16[%min3A_145, %dma_wait3A_186] : memref<10000x128xf32, #tpu.memory_space<vmem_shared>> -> memref<80x128xf32, #tpu.memory_space<vmem_shared>>
      tpu.wait_dma2 semaphore(%run_scoped3A : memref<!tpu.dma_semaphore, #tpu.memory_space<semaphore_mem>>) src(%dma_wait3A_187 : memref<80x128xf32, #tpu.memory_space<vmem_shared>>) dst(%arg14 : memref<80x128xf32, #tpu.memory_space<vmem>>)
      tpu.yield
    }) : () -> ()
    %add3A_146 = arith.addi %mul3A_0, %min3A_145 : i32
    "tpu.region"() ({
      %run_scoped3A = tpu.sem_alloc : memref<!tpu.dma_semaphore, #tpu.memory_space<semaphore_mem>>
      %dma_start3A = arith.constant 0 : i32
      %dma_start3A_182 = tpu.memref_slice %arg7[%add3A_146, %dma_start3A] : memref<20000x128xf32, #tpu.memory_space<hbm>> -> memref<80x128xf32, #tpu.memory_space<hbm>>
      %dma_start3A_183 = arith.constant 0 : i32
      %dma_start3A_184 = tpu.memref_slice %arg7[%add3A_146, %dma_start3A_183] : memref<20000x128xf32, #tpu.memory_space<hbm>> -> memref<80x128xf32, #tpu.memory_space<hbm>>
      tpu.enqueue_dma source(%arg14 : memref<80x128xf32, #tpu.memory_space<vmem>>) target(%dma_start3A_184 : memref<80x128xf32, #tpu.memory_space<hbm>>) target_semaphore(%run_scoped3A : memref<!tpu.dma_semaphore, #tpu.memory_space<semaphore_mem>>)
      %dma_wait3A = arith.constant 0 : i32
      %dma_wait3A_185 = tpu.memref_slice %arg7[%add3A_146, %dma_wait3A] : memref<20000x128xf32, #tpu.memory_space<hbm>> -> memref<80x128xf32, #tpu.memory_space<hbm>>
      %dma_wait3A_186 = arith.constant 0 : i32
      %dma_wait3A_187 = tpu.memref_slice %arg7[%add3A_146, %dma_wait3A_186] : memref<20000x128xf32, #tpu.memory_space<hbm>> -> memref<80x128xf32, #tpu.memory_space<hbm>>
      tpu.wait_dma2 semaphore(%run_scoped3A : memref<!tpu.dma_semaphore, #tpu.memory_space<semaphore_mem>>) src(%arg14 : memref<80x128xf32, #tpu.memory_space<vmem>>) dst(%dma_wait3A_187 : memref<80x128xf32, #tpu.memory_space<hbm>>)
      tpu.yield
    }) : () -> ()
    %mul3A_147 = arith.constant 624 : i32
    %mul3A_148 = arith.muli %arg1, %mul3A_147 : i32
    %add3A_149 = arith.constant 240 : i32
    %add3A_150 = arith.addi %mul3A_148, %add3A_149 : i32
    %min3A_151 = arith.constant 9920 : i32
    %min3A_152 = arith.minsi %add3A_150, %min3A_151 : i32
    "tpu.region"() ({
      %run_scoped3A = tpu.sem_alloc : memref<!tpu.dma_semaphore, #tpu.memory_space<semaphore_mem>>
      %dma_start3A = arith.constant 0 : i32
      %dma_start3A_182 = tpu.memref_slice %arg16[%min3A_152, %dma_start3A] : memref<10000x128xf32, #tpu.memory_space<vmem_shared>> -> memref<80x128xf32, #tpu.memory_space<vmem_shared>>
      %dma_start3A_183 = arith.constant 0 : i32
      %dma_start3A_184 = tpu.memref_slice %arg16[%min3A_152, %dma_start3A_183] : memref<10000x128xf32, #tpu.memory_space<vmem_shared>> -> memref<80x128xf32, #tpu.memory_space<vmem_shared>>
      tpu.enqueue_dma source(%dma_start3A_184 : memref<80x128xf32, #tpu.memory_space<vmem_shared>>) target(%arg14 : memref<80x128xf32, #tpu.memory_space<vmem>>) target_semaphore(%run_scoped3A : memref<!tpu.dma_semaphore, #tpu.memory_space<semaphore_mem>>)
      %dma_wait3A = arith.constant 0 : i32
      %dma_wait3A_185 = tpu.memref_slice %arg16[%min3A_152, %dma_wait3A] : memref<10000x128xf32, #tpu.memory_space<vmem_shared>> -> memref<80x128xf32, #tpu.memory_space<vmem_shared>>
      %dma_wait3A_186 = arith.constant 0 : i32
      %dma_wait3A_187 = tpu.memref_slice %arg16[%min3A_152, %dma_wait3A_186] : memref<10000x128xf32, #tpu.memory_space<vmem_shared>> -> memref<80x128xf32, #tpu.memory_space<vmem_shared>>
      tpu.wait_dma2 semaphore(%run_scoped3A : memref<!tpu.dma_semaphore, #tpu.memory_space<semaphore_mem>>) src(%dma_wait3A_187 : memref<80x128xf32, #tpu.memory_space<vmem_shared>>) dst(%arg14 : memref<80x128xf32, #tpu.memory_space<vmem>>)
      tpu.yield
    }) : () -> ()
    %add3A_153 = arith.addi %mul3A_0, %min3A_152 : i32
    "tpu.region"() ({
      %run_scoped3A = tpu.sem_alloc : memref<!tpu.dma_semaphore, #tpu.memory_space<semaphore_mem>>
      %dma_start3A = arith.constant 0 : i32
      %dma_start3A_182 = tpu.memref_slice %arg7[%add3A_153, %dma_start3A] : memref<20000x128xf32, #tpu.memory_space<hbm>> -> memref<80x128xf32, #tpu.memory_space<hbm>>
      %dma_start3A_183 = arith.constant 0 : i32
      %dma_start3A_184 = tpu.memref_slice %arg7[%add3A_153, %dma_start3A_183] : memref<20000x128xf32, #tpu.memory_space<hbm>> -> memref<80x128xf32, #tpu.memory_space<hbm>>
      tpu.enqueue_dma source(%arg14 : memref<80x128xf32, #tpu.memory_space<vmem>>) target(%dma_start3A_184 : memref<80x128xf32, #tpu.memory_space<hbm>>) target_semaphore(%run_scoped3A : memref<!tpu.dma_semaphore, #tpu.memory_space<semaphore_mem>>)
      %dma_wait3A = arith.constant 0 : i32
      %dma_wait3A_185 = tpu.memref_slice %arg7[%add3A_153, %dma_wait3A] : memref<20000x128xf32, #tpu.memory_space<hbm>> -> memref<80x128xf32, #tpu.memory_space<hbm>>
      %dma_wait3A_186 = arith.constant 0 : i32
      %dma_wait3A_187 = tpu.memref_slice %arg7[%add3A_153, %dma_wait3A_186] : memref<20000x128xf32, #tpu.memory_space<hbm>> -> memref<80x128xf32, #tpu.memory_space<hbm>>
      tpu.wait_dma2 semaphore(%run_scoped3A : memref<!tpu.dma_semaphore, #tpu.memory_space<semaphore_mem>>) src(%arg14 : memref<80x128xf32, #tpu.memory_space<vmem>>) dst(%dma_wait3A_187 : memref<80x128xf32, #tpu.memory_space<hbm>>)
      tpu.yield
    }) : () -> ()
    %mul3A_154 = arith.constant 624 : i32
    %mul3A_155 = arith.muli %arg1, %mul3A_154 : i32
    %add3A_156 = arith.constant 320 : i32
    %add3A_157 = arith.addi %mul3A_155, %add3A_156 : i32
    %min3A_158 = arith.constant 9920 : i32
    %min3A_159 = arith.minsi %add3A_157, %min3A_158 : i32
    "tpu.region"() ({
      %run_scoped3A = tpu.sem_alloc : memref<!tpu.dma_semaphore, #tpu.memory_space<semaphore_mem>>
      %dma_start3A = arith.constant 0 : i32
      %dma_start3A_182 = tpu.memref_slice %arg16[%min3A_159, %dma_start3A] : memref<10000x128xf32, #tpu.memory_space<vmem_shared>> -> memref<80x128xf32, #tpu.memory_space<vmem_shared>>
      %dma_start3A_183 = arith.constant 0 : i32
      %dma_start3A_184 = tpu.memref_slice %arg16[%min3A_159, %dma_start3A_183] : memref<10000x128xf32, #tpu.memory_space<vmem_shared>> -> memref<80x128xf32, #tpu.memory_space<vmem_shared>>
      tpu.enqueue_dma source(%dma_start3A_184 : memref<80x128xf32, #tpu.memory_space<vmem_shared>>) target(%arg14 : memref<80x128xf32, #tpu.memory_space<vmem>>) target_semaphore(%run_scoped3A : memref<!tpu.dma_semaphore, #tpu.memory_space<semaphore_mem>>)
      %dma_wait3A = arith.constant 0 : i32
      %dma_wait3A_185 = tpu.memref_slice %arg16[%min3A_159, %dma_wait3A] : memref<10000x128xf32, #tpu.memory_space<vmem_shared>> -> memref<80x128xf32, #tpu.memory_space<vmem_shared>>
      %dma_wait3A_186 = arith.constant 0 : i32
      %dma_wait3A_187 = tpu.memref_slice %arg16[%min3A_159, %dma_wait3A_186] : memref<10000x128xf32, #tpu.memory_space<vmem_shared>> -> memref<80x128xf32, #tpu.memory_space<vmem_shared>>
      tpu.wait_dma2 semaphore(%run_scoped3A : memref<!tpu.dma_semaphore, #tpu.memory_space<semaphore_mem>>) src(%dma_wait3A_187 : memref<80x128xf32, #tpu.memory_space<vmem_shared>>) dst(%arg14 : memref<80x128xf32, #tpu.memory_space<vmem>>)
      tpu.yield
    }) : () -> ()
    %add3A_160 = arith.addi %mul3A_0, %min3A_159 : i32
    "tpu.region"() ({
      %run_scoped3A = tpu.sem_alloc : memref<!tpu.dma_semaphore, #tpu.memory_space<semaphore_mem>>
      %dma_start3A = arith.constant 0 : i32
      %dma_start3A_182 = tpu.memref_slice %arg7[%add3A_160, %dma_start3A] : memref<20000x128xf32, #tpu.memory_space<hbm>> -> memref<80x128xf32, #tpu.memory_space<hbm>>
      %dma_start3A_183 = arith.constant 0 : i32
      %dma_start3A_184 = tpu.memref_slice %arg7[%add3A_160, %dma_start3A_183] : memref<20000x128xf32, #tpu.memory_space<hbm>> -> memref<80x128xf32, #tpu.memory_space<hbm>>
      tpu.enqueue_dma source(%arg14 : memref<80x128xf32, #tpu.memory_space<vmem>>) target(%dma_start3A_184 : memref<80x128xf32, #tpu.memory_space<hbm>>) target_semaphore(%run_scoped3A : memref<!tpu.dma_semaphore, #tpu.memory_space<semaphore_mem>>)
      %dma_wait3A = arith.constant 0 : i32
      %dma_wait3A_185 = tpu.memref_slice %arg7[%add3A_160, %dma_wait3A] : memref<20000x128xf32, #tpu.memory_space<hbm>> -> memref<80x128xf32, #tpu.memory_space<hbm>>
      %dma_wait3A_186 = arith.constant 0 : i32
      %dma_wait3A_187 = tpu.memref_slice %arg7[%add3A_160, %dma_wait3A_186] : memref<20000x128xf32, #tpu.memory_space<hbm>> -> memref<80x128xf32, #tpu.memory_space<hbm>>
      tpu.wait_dma2 semaphore(%run_scoped3A : memref<!tpu.dma_semaphore, #tpu.memory_space<semaphore_mem>>) src(%arg14 : memref<80x128xf32, #tpu.memory_space<vmem>>) dst(%dma_wait3A_187 : memref<80x128xf32, #tpu.memory_space<hbm>>)
      tpu.yield
    }) : () -> ()
    %mul3A_161 = arith.constant 624 : i32
    %mul3A_162 = arith.muli %arg1, %mul3A_161 : i32
    %add3A_163 = arith.constant 400 : i32
    %add3A_164 = arith.addi %mul3A_162, %add3A_163 : i32
    %min3A_165 = arith.constant 9920 : i32
    %min3A_166 = arith.minsi %add3A_164, %min3A_165 : i32
    "tpu.region"() ({
      %run_scoped3A = tpu.sem_alloc : memref<!tpu.dma_semaphore, #tpu.memory_space<semaphore_mem>>
      %dma_start3A = arith.constant 0 : i32
      %dma_start3A_182 = tpu.memref_slice %arg16[%min3A_166, %dma_start3A] : memref<10000x128xf32, #tpu.memory_space<vmem_shared>> -> memref<80x128xf32, #tpu.memory_space<vmem_shared>>
      %dma_start3A_183 = arith.constant 0 : i32
      %dma_start3A_184 = tpu.memref_slice %arg16[%min3A_166, %dma_start3A_183] : memref<10000x128xf32, #tpu.memory_space<vmem_shared>> -> memref<80x128xf32, #tpu.memory_space<vmem_shared>>
      tpu.enqueue_dma source(%dma_start3A_184 : memref<80x128xf32, #tpu.memory_space<vmem_shared>>) target(%arg14 : memref<80x128xf32, #tpu.memory_space<vmem>>) target_semaphore(%run_scoped3A : memref<!tpu.dma_semaphore, #tpu.memory_space<semaphore_mem>>)
      %dma_wait3A = arith.constant 0 : i32
      %dma_wait3A_185 = tpu.memref_slice %arg16[%min3A_166, %dma_wait3A] : memref<10000x128xf32, #tpu.memory_space<vmem_shared>> -> memref<80x128xf32, #tpu.memory_space<vmem_shared>>
      %dma_wait3A_186 = arith.constant 0 : i32
      %dma_wait3A_187 = tpu.memref_slice %arg16[%min3A_166, %dma_wait3A_186] : memref<10000x128xf32, #tpu.memory_space<vmem_shared>> -> memref<80x128xf32, #tpu.memory_space<vmem_shared>>
      tpu.wait_dma2 semaphore(%run_scoped3A : memref<!tpu.dma_semaphore, #tpu.memory_space<semaphore_mem>>) src(%dma_wait3A_187 : memref<80x128xf32, #tpu.memory_space<vmem_shared>>) dst(%arg14 : memref<80x128xf32, #tpu.memory_space<vmem>>)
      tpu.yield
    }) : () -> ()
    %add3A_167 = arith.addi %mul3A_0, %min3A_166 : i32
    "tpu.region"() ({
      %run_scoped3A = tpu.sem_alloc : memref<!tpu.dma_semaphore, #tpu.memory_space<semaphore_mem>>
      %dma_start3A = arith.constant 0 : i32
      %dma_start3A_182 = tpu.memref_slice %arg7[%add3A_167, %dma_start3A] : memref<20000x128xf32, #tpu.memory_space<hbm>> -> memref<80x128xf32, #tpu.memory_space<hbm>>
      %dma_start3A_183 = arith.constant 0 : i32
      %dma_start3A_184 = tpu.memref_slice %arg7[%add3A_167, %dma_start3A_183] : memref<20000x128xf32, #tpu.memory_space<hbm>> -> memref<80x128xf32, #tpu.memory_space<hbm>>
      tpu.enqueue_dma source(%arg14 : memref<80x128xf32, #tpu.memory_space<vmem>>) target(%dma_start3A_184 : memref<80x128xf32, #tpu.memory_space<hbm>>) target_semaphore(%run_scoped3A : memref<!tpu.dma_semaphore, #tpu.memory_space<semaphore_mem>>)
      %dma_wait3A = arith.constant 0 : i32
      %dma_wait3A_185 = tpu.memref_slice %arg7[%add3A_167, %dma_wait3A] : memref<20000x128xf32, #tpu.memory_space<hbm>> -> memref<80x128xf32, #tpu.memory_space<hbm>>
      %dma_wait3A_186 = arith.constant 0 : i32
      %dma_wait3A_187 = tpu.memref_slice %arg7[%add3A_167, %dma_wait3A_186] : memref<20000x128xf32, #tpu.memory_space<hbm>> -> memref<80x128xf32, #tpu.memory_space<hbm>>
      tpu.wait_dma2 semaphore(%run_scoped3A : memref<!tpu.dma_semaphore, #tpu.memory_space<semaphore_mem>>) src(%arg14 : memref<80x128xf32, #tpu.memory_space<vmem>>) dst(%dma_wait3A_187 : memref<80x128xf32, #tpu.memory_space<hbm>>)
      tpu.yield
    }) : () -> ()
    %mul3A_168 = arith.constant 624 : i32
    %mul3A_169 = arith.muli %arg1, %mul3A_168 : i32
    %add3A_170 = arith.constant 480 : i32
    %add3A_171 = arith.addi %mul3A_169, %add3A_170 : i32
    %min3A_172 = arith.constant 9920 : i32
    %min3A_173 = arith.minsi %add3A_171, %min3A_172 : i32
    "tpu.region"() ({
      %run_scoped3A = tpu.sem_alloc : memref<!tpu.dma_semaphore, #tpu.memory_space<semaphore_mem>>
      %dma_start3A = arith.constant 0 : i32
      %dma_start3A_182 = tpu.memref_slice %arg16[%min3A_173, %dma_start3A] : memref<10000x128xf32, #tpu.memory_space<vmem_shared>> -> memref<80x128xf32, #tpu.memory_space<vmem_shared>>
      %dma_start3A_183 = arith.constant 0 : i32
      %dma_start3A_184 = tpu.memref_slice %arg16[%min3A_173, %dma_start3A_183] : memref<10000x128xf32, #tpu.memory_space<vmem_shared>> -> memref<80x128xf32, #tpu.memory_space<vmem_shared>>
      tpu.enqueue_dma source(%dma_start3A_184 : memref<80x128xf32, #tpu.memory_space<vmem_shared>>) target(%arg14 : memref<80x128xf32, #tpu.memory_space<vmem>>) target_semaphore(%run_scoped3A : memref<!tpu.dma_semaphore, #tpu.memory_space<semaphore_mem>>)
      %dma_wait3A = arith.constant 0 : i32
      %dma_wait3A_185 = tpu.memref_slice %arg16[%min3A_173, %dma_wait3A] : memref<10000x128xf32, #tpu.memory_space<vmem_shared>> -> memref<80x128xf32, #tpu.memory_space<vmem_shared>>
      %dma_wait3A_186 = arith.constant 0 : i32
      %dma_wait3A_187 = tpu.memref_slice %arg16[%min3A_173, %dma_wait3A_186] : memref<10000x128xf32, #tpu.memory_space<vmem_shared>> -> memref<80x128xf32, #tpu.memory_space<vmem_shared>>
      tpu.wait_dma2 semaphore(%run_scoped3A : memref<!tpu.dma_semaphore, #tpu.memory_space<semaphore_mem>>) src(%dma_wait3A_187 : memref<80x128xf32, #tpu.memory_space<vmem_shared>>) dst(%arg14 : memref<80x128xf32, #tpu.memory_space<vmem>>)
      tpu.yield
    }) : () -> ()
    %add3A_174 = arith.addi %mul3A_0, %min3A_173 : i32
    "tpu.region"() ({
      %run_scoped3A = tpu.sem_alloc : memref<!tpu.dma_semaphore, #tpu.memory_space<semaphore_mem>>
      %dma_start3A = arith.constant 0 : i32
      %dma_start3A_182 = tpu.memref_slice %arg7[%add3A_174, %dma_start3A] : memref<20000x128xf32, #tpu.memory_space<hbm>> -> memref<80x128xf32, #tpu.memory_space<hbm>>
      %dma_start3A_183 = arith.constant 0 : i32
      %dma_start3A_184 = tpu.memref_slice %arg7[%add3A_174, %dma_start3A_183] : memref<20000x128xf32, #tpu.memory_space<hbm>> -> memref<80x128xf32, #tpu.memory_space<hbm>>
      tpu.enqueue_dma source(%arg14 : memref<80x128xf32, #tpu.memory_space<vmem>>) target(%dma_start3A_184 : memref<80x128xf32, #tpu.memory_space<hbm>>) target_semaphore(%run_scoped3A : memref<!tpu.dma_semaphore, #tpu.memory_space<semaphore_mem>>)
      %dma_wait3A = arith.constant 0 : i32
      %dma_wait3A_185 = tpu.memref_slice %arg7[%add3A_174, %dma_wait3A] : memref<20000x128xf32, #tpu.memory_space<hbm>> -> memref<80x128xf32, #tpu.memory_space<hbm>>
      %dma_wait3A_186 = arith.constant 0 : i32
      %dma_wait3A_187 = tpu.memref_slice %arg7[%add3A_174, %dma_wait3A_186] : memref<20000x128xf32, #tpu.memory_space<hbm>> -> memref<80x128xf32, #tpu.memory_space<hbm>>
      tpu.wait_dma2 semaphore(%run_scoped3A : memref<!tpu.dma_semaphore, #tpu.memory_space<semaphore_mem>>) src(%arg14 : memref<80x128xf32, #tpu.memory_space<vmem>>) dst(%dma_wait3A_187 : memref<80x128xf32, #tpu.memory_space<hbm>>)
      tpu.yield
    }) : () -> ()
    %mul3A_175 = arith.constant 624 : i32
    %mul3A_176 = arith.muli %arg1, %mul3A_175 : i32
    %add3A_177 = arith.constant 560 : i32
    %add3A_178 = arith.addi %mul3A_176, %add3A_177 : i32
    %min3A_179 = arith.constant 9920 : i32
    %min3A_180 = arith.minsi %add3A_178, %min3A_179 : i32
    "tpu.region"() ({
      %run_scoped3A = tpu.sem_alloc : memref<!tpu.dma_semaphore, #tpu.memory_space<semaphore_mem>>
      %dma_start3A = arith.constant 0 : i32
      %dma_start3A_182 = tpu.memref_slice %arg16[%min3A_180, %dma_start3A] : memref<10000x128xf32, #tpu.memory_space<vmem_shared>> -> memref<80x128xf32, #tpu.memory_space<vmem_shared>>
      %dma_start3A_183 = arith.constant 0 : i32
      %dma_start3A_184 = tpu.memref_slice %arg16[%min3A_180, %dma_start3A_183] : memref<10000x128xf32, #tpu.memory_space<vmem_shared>> -> memref<80x128xf32, #tpu.memory_space<vmem_shared>>
      tpu.enqueue_dma source(%dma_start3A_184 : memref<80x128xf32, #tpu.memory_space<vmem_shared>>) target(%arg14 : memref<80x128xf32, #tpu.memory_space<vmem>>) target_semaphore(%run_scoped3A : memref<!tpu.dma_semaphore, #tpu.memory_space<semaphore_mem>>)
      %dma_wait3A = arith.constant 0 : i32
      %dma_wait3A_185 = tpu.memref_slice %arg16[%min3A_180, %dma_wait3A] : memref<10000x128xf32, #tpu.memory_space<vmem_shared>> -> memref<80x128xf32, #tpu.memory_space<vmem_shared>>
      %dma_wait3A_186 = arith.constant 0 : i32
      %dma_wait3A_187 = tpu.memref_slice %arg16[%min3A_180, %dma_wait3A_186] : memref<10000x128xf32, #tpu.memory_space<vmem_shared>> -> memref<80x128xf32, #tpu.memory_space<vmem_shared>>
      tpu.wait_dma2 semaphore(%run_scoped3A : memref<!tpu.dma_semaphore, #tpu.memory_space<semaphore_mem>>) src(%dma_wait3A_187 : memref<80x128xf32, #tpu.memory_space<vmem_shared>>) dst(%arg14 : memref<80x128xf32, #tpu.memory_space<vmem>>)
      tpu.yield
    }) : () -> ()
    %add3A_181 = arith.addi %mul3A_0, %min3A_180 : i32
    "tpu.region"() ({
      %run_scoped3A = tpu.sem_alloc : memref<!tpu.dma_semaphore, #tpu.memory_space<semaphore_mem>>
      %dma_start3A = arith.constant 0 : i32
      %dma_start3A_182 = tpu.memref_slice %arg7[%add3A_181, %dma_start3A] : memref<20000x128xf32, #tpu.memory_space<hbm>> -> memref<80x128xf32, #tpu.memory_space<hbm>>
      %dma_start3A_183 = arith.constant 0 : i32
      %dma_start3A_184 = tpu.memref_slice %arg7[%add3A_181, %dma_start3A_183] : memref<20000x128xf32, #tpu.memory_space<hbm>> -> memref<80x128xf32, #tpu.memory_space<hbm>>
      tpu.enqueue_dma source(%arg14 : memref<80x128xf32, #tpu.memory_space<vmem>>) target(%dma_start3A_184 : memref<80x128xf32, #tpu.memory_space<hbm>>) target_semaphore(%run_scoped3A : memref<!tpu.dma_semaphore, #tpu.memory_space<semaphore_mem>>)
      %dma_wait3A = arith.constant 0 : i32
      %dma_wait3A_185 = tpu.memref_slice %arg7[%add3A_181, %dma_wait3A] : memref<20000x128xf32, #tpu.memory_space<hbm>> -> memref<80x128xf32, #tpu.memory_space<hbm>>
      %dma_wait3A_186 = arith.constant 0 : i32
      %dma_wait3A_187 = tpu.memref_slice %arg7[%add3A_181, %dma_wait3A_186] : memref<20000x128xf32, #tpu.memory_space<hbm>> -> memref<80x128xf32, #tpu.memory_space<hbm>>
      tpu.wait_dma2 semaphore(%run_scoped3A : memref<!tpu.dma_semaphore, #tpu.memory_space<semaphore_mem>>) src(%arg14 : memref<80x128xf32, #tpu.memory_space<vmem>>) dst(%dma_wait3A_187 : memref<80x128xf32, #tpu.memory_space<hbm>>)
      tpu.yield
    }) : () -> ()
    return
  }
}

#map = affine_map<(d0, d1) -> (0)>
module attributes {stable_mosaic.version = 14 : i64} {
  func.func @_sc_attn_body(%arg0: i32, %arg1: i32, %arg2: memref<320000xi32, #tpu.memory_space<hbm>>, %arg3: memref<320000xi32, #tpu.memory_space<hbm>>, %arg4: memref<20000xf32, #tpu.memory_space<hbm>>, %arg5: memref<20000xf32, #tpu.memory_space<hbm>>, %arg6: memref<640000xf32, #tpu.memory_space<hbm>>, %arg7: memref<40000xf32, #tpu.memory_space<hbm>>, %arg8: memref<10000xi32, #tpu.memory_space<vmem>>, %arg9: memref<10000xi32, #tpu.memory_space<vmem>>, %arg10: memref<20000xf32, #tpu.memory_space<vmem>>, %arg11: memref<20000xf32, #tpu.memory_space<vmem>>, %arg12: memref<20000xf32, #tpu.memory_space<vmem>>, %arg13: memref<250x80xi32, #tpu.memory_space<vmem>>, %arg14: memref<1280xf32, #tpu.memory_space<vmem>>, %arg15: memref<20000xf32, #tpu.memory_space<vmem_shared>>) attributes {dimension_semantics = [#tpu.dimension_semantics<core_parallel>, #tpu.dimension_semantics<subcore_parallel>], iteration_bounds = array<i64: 2, 16>, scalar_prefetch = 0 : i64, scratch_operands = 8 : i64, tpu.core_type = #tpu.core_type<sc_vector_subcore>, window_params = [{transform_indices = #map}, {transform_indices = #map}, {transform_indices = #map}, {transform_indices = #map}, {transform_indices = #map}, {transform_indices = #map}]} {
    %mul3A = arith.constant 16 : i32
    %mul3A_0 = arith.muli %arg0, %mul3A : i32
    %add3A = arith.addi %mul3A_0, %arg1 : i32
    %mul3A_1 = arith.constant 10000 : i32
    %mul3A_2 = arith.muli %add3A, %mul3A_1 : i32
    %scan3A = arith.constant 0 : i32
    %scan3A_3 = arith.constant 0 : i32
    %scan3A_4 = arith.constant 80 : i32
    %scan3A_5 = arith.addi %scan3A_3, %scan3A_4 : i32
    %scan3A_6 = arith.constant 1 : i32
    scf.for %scan3A_31 = %scan3A_3 to %scan3A_5 step %scan3A_6  : i32 {
      %broadcast_in_dim3A = arith.constant 0.000000e+00 : f32
      %broadcast_in_dim3A_32 = vector.broadcast %broadcast_in_dim3A : f32 to vector<16xf32>
      %mul3A_33 = arith.constant 16 : i32
      %mul3A_34 = arith.muli %scan3A_31, %mul3A_33 : i32
      %swap3A = arith.index_cast %mul3A_34 : i32 to index
      %swap3A_35 = tpu.vector_load %arg14[%swap3A] {strides = array<i32>} : memref<1280xf32, #tpu.memory_space<vmem>>, vector<16xf32>,
      tpu.vector_store %arg14[%swap3A], %broadcast_in_dim3A_32 {strides = array<i32>} : memref<1280xf32, #tpu.memory_space<vmem>>, vector<16xf32>,
    }
    %scan3A_7 = arith.constant 80 : i32
    %mul3A_8 = arith.constant 1280 : i32
    %mul3A_9 = arith.muli %arg1, %mul3A_8 : i32
    %min3A = arith.constant 18720 : i32
    %min3A_10 = arith.minsi %mul3A_9, %min3A : i32
    "tpu.region"() ({
      %run_scoped3A = tpu.sem_alloc : memref<!tpu.dma_semaphore, #tpu.memory_space<semaphore_mem>>
      %dma_start3A = tpu.memref_slice %arg15[%min3A_10] : memref<20000xf32, #tpu.memory_space<vmem_shared>> -> memref<1280xf32, #tpu.memory_space<vmem_shared>>
      %dma_start3A_31 = tpu.memref_slice %arg15[%min3A_10] : memref<20000xf32, #tpu.memory_space<vmem_shared>> -> memref<1280xf32, #tpu.memory_space<vmem_shared>>
      tpu.enqueue_dma source(%arg14 : memref<1280xf32, #tpu.memory_space<vmem>>) target(%dma_start3A_31 : memref<1280xf32, #tpu.memory_space<vmem_shared>>) target_semaphore(%run_scoped3A : memref<!tpu.dma_semaphore, #tpu.memory_space<semaphore_mem>>)
      %dma_wait3A = tpu.memref_slice %arg15[%min3A_10] : memref<20000xf32, #tpu.memory_space<vmem_shared>> -> memref<1280xf32, #tpu.memory_space<vmem_shared>>
      %dma_wait3A_32 = tpu.memref_slice %arg15[%min3A_10] : memref<20000xf32, #tpu.memory_space<vmem_shared>> -> memref<1280xf32, #tpu.memory_space<vmem_shared>>
      tpu.wait_dma2 semaphore(%run_scoped3A : memref<!tpu.dma_semaphore, #tpu.memory_space<semaphore_mem>>) src(%arg14 : memref<1280xf32, #tpu.memory_space<vmem>>) dst(%dma_wait3A_32 : memref<1280xf32, #tpu.memory_space<vmem_shared>>)
      tpu.yield
    }) : () -> ()
    "tpu.region"() ({
      %run_scoped3A = tpu.sem_alloc : memref<!tpu.dma_semaphore, #tpu.memory_space<semaphore_mem>>
      %dma_start3A = tpu.memref_slice %arg2[%mul3A_2] : memref<320000xi32, #tpu.memory_space<hbm>> -> memref<10000xi32, #tpu.memory_space<hbm>>
      %dma_start3A_31 = tpu.memref_slice %arg2[%mul3A_2] : memref<320000xi32, #tpu.memory_space<hbm>> -> memref<10000xi32, #tpu.memory_space<hbm>>
      tpu.enqueue_dma source(%dma_start3A_31 : memref<10000xi32, #tpu.memory_space<hbm>>) target(%arg8 : memref<10000xi32, #tpu.memory_space<vmem>>) target_semaphore(%run_scoped3A : memref<!tpu.dma_semaphore, #tpu.memory_space<semaphore_mem>>)
      %dma_wait3A = tpu.memref_slice %arg2[%mul3A_2] : memref<320000xi32, #tpu.memory_space<hbm>> -> memref<10000xi32, #tpu.memory_space<hbm>>
      %dma_wait3A_32 = tpu.memref_slice %arg2[%mul3A_2] : memref<320000xi32, #tpu.memory_space<hbm>> -> memref<10000xi32, #tpu.memory_space<hbm>>
      tpu.wait_dma2 semaphore(%run_scoped3A : memref<!tpu.dma_semaphore, #tpu.memory_space<semaphore_mem>>) src(%dma_wait3A_32 : memref<10000xi32, #tpu.memory_space<hbm>>) dst(%arg8 : memref<10000xi32, #tpu.memory_space<vmem>>)
      tpu.yield
    }) : () -> ()
    "tpu.region"() ({
      %run_scoped3A = tpu.sem_alloc : memref<!tpu.dma_semaphore, #tpu.memory_space<semaphore_mem>>
      %dma_start3A = tpu.memref_slice %arg3[%mul3A_2] : memref<320000xi32, #tpu.memory_space<hbm>> -> memref<10000xi32, #tpu.memory_space<hbm>>
      %dma_start3A_31 = tpu.memref_slice %arg3[%mul3A_2] : memref<320000xi32, #tpu.memory_space<hbm>> -> memref<10000xi32, #tpu.memory_space<hbm>>
      tpu.enqueue_dma source(%dma_start3A_31 : memref<10000xi32, #tpu.memory_space<hbm>>) target(%arg9 : memref<10000xi32, #tpu.memory_space<vmem>>) target_semaphore(%run_scoped3A : memref<!tpu.dma_semaphore, #tpu.memory_space<semaphore_mem>>)
      %dma_wait3A = tpu.memref_slice %arg3[%mul3A_2] : memref<320000xi32, #tpu.memory_space<hbm>> -> memref<10000xi32, #tpu.memory_space<hbm>>
      %dma_wait3A_32 = tpu.memref_slice %arg3[%mul3A_2] : memref<320000xi32, #tpu.memory_space<hbm>> -> memref<10000xi32, #tpu.memory_space<hbm>>
      tpu.wait_dma2 semaphore(%run_scoped3A : memref<!tpu.dma_semaphore, #tpu.memory_space<semaphore_mem>>) src(%dma_wait3A_32 : memref<10000xi32, #tpu.memory_space<hbm>>) dst(%arg9 : memref<10000xi32, #tpu.memory_space<vmem>>)
      tpu.yield
    }) : () -> ()
    "tpu.region"() ({
      %run_scoped3A = tpu.sem_alloc : memref<!tpu.dma_semaphore, #tpu.memory_space<semaphore_mem>>
      tpu.enqueue_dma source(%arg4 : memref<20000xf32, #tpu.memory_space<hbm>>) target(%arg10 : memref<20000xf32, #tpu.memory_space<vmem>>) target_semaphore(%run_scoped3A : memref<!tpu.dma_semaphore, #tpu.memory_space<semaphore_mem>>)
      tpu.wait_dma2 semaphore(%run_scoped3A : memref<!tpu.dma_semaphore, #tpu.memory_space<semaphore_mem>>) src(%arg4 : memref<20000xf32, #tpu.memory_space<hbm>>) dst(%arg10 : memref<20000xf32, #tpu.memory_space<vmem>>)
      tpu.yield
    }) : () -> ()
    "tpu.region"() ({
      %run_scoped3A = tpu.sem_alloc : memref<!tpu.dma_semaphore, #tpu.memory_space<semaphore_mem>>
      tpu.enqueue_dma source(%arg5 : memref<20000xf32, #tpu.memory_space<hbm>>) target(%arg11 : memref<20000xf32, #tpu.memory_space<vmem>>) target_semaphore(%run_scoped3A : memref<!tpu.dma_semaphore, #tpu.memory_space<semaphore_mem>>)
      tpu.wait_dma2 semaphore(%run_scoped3A : memref<!tpu.dma_semaphore, #tpu.memory_space<semaphore_mem>>) src(%arg5 : memref<20000xf32, #tpu.memory_space<hbm>>) dst(%arg11 : memref<20000xf32, #tpu.memory_space<vmem>>)
      tpu.yield
    }) : () -> ()
    %scan3A_11 = arith.constant 0 : i32
    %scan3A_12 = arith.constant 0 : i32
    %scan3A_13 = arith.constant 625 : i32
    %scan3A_14 = arith.addi %scan3A_12, %scan3A_13 : i32
    %scan3A_15 = arith.constant 1 : i32
    scf.for %scan3A_31 = %scan3A_12 to %scan3A_14 step %scan3A_15  : i32 {
      %mul3A_32 = arith.constant 16 : i32
      %mul3A_33 = arith.muli %scan3A_31, %mul3A_32 : i32
      %get3A = arith.index_cast %mul3A_33 : i32 to index
      %get3A_34 = tpu.vector_load %arg8[%get3A] {strides = array<i32>} : memref<10000xi32, #tpu.memory_space<vmem>>, vector<16xi32>,
      %mul3A_35 = arith.constant 16 : i32
      %mul3A_36 = arith.muli %scan3A_31, %mul3A_35 : i32
      %get3A_37 = arith.index_cast %mul3A_36 : i32 to index
      %get3A_38 = tpu.vector_load %arg9[%get3A_37] {strides = array<i32>} : memref<10000xi32, #tpu.memory_space<vmem>>, vector<16xi32>,
      %mul3A_39 = arith.constant 2 : i32
      %mul3A_40 = vector.broadcast %mul3A_39 : i32 to vector<16xi32>
      %mul3A_41 = arith.muli %get3A_34, %mul3A_40 : vector<16xi32>
      %add3A_42 = arith.constant 0 : i32
      %add3A_43 = vector.broadcast %add3A_42 : i32 to vector<16xi32>
      %add3A_44 = arith.addi %mul3A_41, %add3A_43 : vector<16xi32>
      %gather3A = tpu.vector_load_idx %arg10[%add3A_44] : memref<20000xf32, #tpu.memory_space<vmem>>[vector<16xi32>], vector<16xf32>,
      %mul3A_45 = arith.constant 2 : i32
      %mul3A_46 = vector.broadcast %mul3A_45 : i32 to vector<16xi32>
      %mul3A_47 = arith.muli %get3A_38, %mul3A_46 : vector<16xi32>
      %add3A_48 = arith.constant 0 : i32
      %add3A_49 = vector.broadcast %add3A_48 : i32 to vector<16xi32>
      %add3A_50 = arith.addi %mul3A_47, %add3A_49 : vector<16xi32>
      %gather3A_51 = tpu.vector_load_idx %arg11[%add3A_50] : memref<20000xf32, #tpu.memory_space<vmem>>[vector<16xi32>], vector<16xf32>,
      %add3A_52 = arith.addf %gather3A, %gather3A_51 : vector<16xf32>
      %ge3A = arith.constant 0.000000e+00 : f32
      %ge3A_53 = vector.broadcast %ge3A : f32 to vector<16xf32>
      %ge3A_54 = arith.cmpf oge, %add3A_52, %ge3A_53 : vector<16xf32>
      %mul3A_55 = arith.constant 2.000000e-01 : f32
      %mul3A_56 = vector.broadcast %mul3A_55 : f32 to vector<16xf32>
      %mul3A_57 = arith.mulf %add3A_52, %mul3A_56 : vector<16xf32>
      %select_n3A = arith.select %ge3A_54, %add3A_52, %mul3A_57 : vector<16xi1>, vector<16xf32>
      %exp3A = math.exp %select_n3A : vector<16xf32>
      %mul3A_58 = arith.constant 16 : i32
      %mul3A_59 = arith.muli %scan3A_31, %mul3A_58 : i32
      %add3A_60 = arith.constant 0 : i32
      %add3A_61 = arith.addi %add3A_60, %mul3A_59 : i32
      %swap3A = arith.index_cast %add3A_61 : i32 to index
      %swap3A_62 = tpu.vector_load %arg12[%swap3A] {strides = array<i32>} : memref<20000xf32, #tpu.memory_space<vmem>>, vector<16xf32>,
      tpu.vector_store %arg12[%swap3A], %exp3A {strides = array<i32>} : memref<20000xf32, #tpu.memory_space<vmem>>, vector<16xf32>,
      %jit3A = arith.constant 80 : i32
      %div3A = arith.divsi %add3A_61, %jit3A : i32
      %sign3A = arith.constant 0 : i32
      %sign3A_63 = arith.cmpi sgt, %add3A_61, %sign3A : i32
      %sign3A_64 = arith.extui %sign3A_63 : i1 to i32
      %sign3A_65 = arith.constant 0 : i32
      %sign3A_66 = arith.cmpi slt, %add3A_61, %sign3A_65 : i32
      %sign3A_67 = arith.extui %sign3A_66 : i1 to i32
      %sign3A_68 = arith.subi %sign3A_64, %sign3A_67 : i32
      %sign3A_69 = arith.constant 0 : i32
      %sign3A_70 = arith.cmpi sgt, %jit3A, %sign3A_69 : i32
      %sign3A_71 = arith.extui %sign3A_70 : i1 to i32
      %sign3A_72 = arith.constant 0 : i32
      %sign3A_73 = arith.cmpi slt, %jit3A, %sign3A_72 : i32
      %sign3A_74 = arith.extui %sign3A_73 : i1 to i32
      %sign3A_75 = arith.subi %sign3A_71, %sign3A_74 : i32
      %ne3A = arith.cmpi ne, %sign3A_68, %sign3A_75 : i32
      %rem3A = arith.remsi %add3A_61, %jit3A : i32
      %ne3A_76 = arith.constant 0 : i32
      %ne3A_77 = arith.cmpi ne, %rem3A, %ne3A_76 : i32
      %and3A = arith.andi %ne3A, %ne3A_77 : i1
      %sub3A = arith.constant 1 : i32
      %sub3A_78 = arith.subi %div3A, %sub3A : i32
      %select_n3A_79 = arith.select %and3A, %sub3A_78, %div3A : i32
      %jit3A_80 = arith.constant 80 : i32
      %eq3A = arith.constant 0 : i32
      %eq3A_81 = arith.cmpi eq, %jit3A_80, %eq3A : i32
      %jit3A_82 = arith.constant 1 : i32
      %select_n3A_83 = arith.select %eq3A_81, %jit3A_82, %jit3A_80 : i32
      %rem3A_84 = arith.remsi %add3A_61, %select_n3A_83 : i32
      %ne3A_85 = arith.constant 0 : i32
      %ne3A_86 = arith.cmpi ne, %rem3A_84, %ne3A_85 : i32
      %lt3A = arith.constant 0 : i32
      %lt3A_87 = arith.cmpi slt, %rem3A_84, %lt3A : i32
      %lt3A_88 = arith.constant 0 : i32
      %lt3A_89 = arith.cmpi slt, %select_n3A_83, %lt3A_88 : i32
      %ne3A_90 = arith.xori %lt3A_87, %lt3A_89 : i1
      %and3A_91 = arith.andi %ne3A_90, %ne3A_86 : i1
      %add3A_92 = arith.addi %rem3A_84, %select_n3A_83 : i32
      %select_n3A_93 = arith.select %and3A_91, %add3A_92, %rem3A_84 : i32
      %add3A_94 = arith.constant 0 : i32
      %add3A_95 = vector.broadcast %add3A_94 : i32 to vector<16xi32>
      %add3A_96 = arith.addi %get3A_38, %add3A_95 : vector<16xi32>
      %swap3A_97 = arith.index_cast %select_n3A_79 : i32 to index
      %swap3A_98 = arith.index_cast %select_n3A_93 : i32 to index
      %swap3A_99 = tpu.vector_load %arg13[%swap3A_97, %swap3A_98] {strides = array<i32>} : memref<250x80xi32, #tpu.memory_space<vmem>>, vector<16xi32>,
      tpu.vector_store %arg13[%swap3A_97, %swap3A_98], %add3A_96 {strides = array<i32>} : memref<250x80xi32, #tpu.memory_space<vmem>>, vector<16xi32>,
      %mul3A_100 = arith.constant 2 : i32
      %mul3A_101 = vector.broadcast %mul3A_100 : i32 to vector<16xi32>
      %mul3A_102 = arith.muli %get3A_34, %mul3A_101 : vector<16xi32>
      %add3A_103 = arith.constant 1 : i32
      %add3A_104 = vector.broadcast %add3A_103 : i32 to vector<16xi32>
      %add3A_105 = arith.addi %mul3A_102, %add3A_104 : vector<16xi32>
      %gather3A_106 = tpu.vector_load_idx %arg10[%add3A_105] : memref<20000xf32, #tpu.memory_space<vmem>>[vector<16xi32>], vector<16xf32>,
      %mul3A_107 = arith.constant 2 : i32
      %mul3A_108 = vector.broadcast %mul3A_107 : i32 to vector<16xi32>
      %mul3A_109 = arith.muli %get3A_38, %mul3A_108 : vector<16xi32>
      %add3A_110 = arith.constant 1 : i32
      %add3A_111 = vector.broadcast %add3A_110 : i32 to vector<16xi32>
      %add3A_112 = arith.addi %mul3A_109, %add3A_111 : vector<16xi32>
      %gather3A_113 = tpu.vector_load_idx %arg11[%add3A_112] : memref<20000xf32, #tpu.memory_space<vmem>>[vector<16xi32>], vector<16xf32>,
      %add3A_114 = arith.addf %gather3A_106, %gather3A_113 : vector<16xf32>
      %ge3A_115 = arith.constant 0.000000e+00 : f32
      %ge3A_116 = vector.broadcast %ge3A_115 : f32 to vector<16xf32>
      %ge3A_117 = arith.cmpf oge, %add3A_114, %ge3A_116 : vector<16xf32>
      %mul3A_118 = arith.constant 2.000000e-01 : f32
      %mul3A_119 = vector.broadcast %mul3A_118 : f32 to vector<16xf32>
      %mul3A_120 = arith.mulf %add3A_114, %mul3A_119 : vector<16xf32>
      %select_n3A_121 = arith.select %ge3A_117, %add3A_114, %mul3A_120 : vector<16xi1>, vector<16xf32>
      %exp3A_122 = math.exp %select_n3A_121 : vector<16xf32>
      %mul3A_123 = arith.constant 16 : i32
      %mul3A_124 = arith.muli %scan3A_31, %mul3A_123 : i32
      %add3A_125 = arith.constant 10000 : i32
      %add3A_126 = arith.addi %add3A_125, %mul3A_124 : i32
      %swap3A_127 = arith.index_cast %add3A_126 : i32 to index
      %swap3A_128 = tpu.vector_load %arg12[%swap3A_127] {strides = array<i32>} : memref<20000xf32, #tpu.memory_space<vmem>>, vector<16xf32>,
      tpu.vector_store %arg12[%swap3A_127], %exp3A_122 {strides = array<i32>} : memref<20000xf32, #tpu.memory_space<vmem>>, vector<16xf32>,
      %jit3A_129 = arith.constant 80 : i32
      %div3A_130 = arith.divsi %add3A_126, %jit3A_129 : i32
      %sign3A_131 = arith.constant 0 : i32
      %sign3A_132 = arith.cmpi sgt, %add3A_126, %sign3A_131 : i32
      %sign3A_133 = arith.extui %sign3A_132 : i1 to i32
      %sign3A_134 = arith.constant 0 : i32
      %sign3A_135 = arith.cmpi slt, %add3A_126, %sign3A_134 : i32
      %sign3A_136 = arith.extui %sign3A_135 : i1 to i32
      %sign3A_137 = arith.subi %sign3A_133, %sign3A_136 : i32
      %sign3A_138 = arith.constant 0 : i32
      %sign3A_139 = arith.cmpi sgt, %jit3A_129, %sign3A_138 : i32
      %sign3A_140 = arith.extui %sign3A_139 : i1 to i32
      %sign3A_141 = arith.constant 0 : i32
      %sign3A_142 = arith.cmpi slt, %jit3A_129, %sign3A_141 : i32
      %sign3A_143 = arith.extui %sign3A_142 : i1 to i32
      %sign3A_144 = arith.subi %sign3A_140, %sign3A_143 : i32
      %ne3A_145 = arith.cmpi ne, %sign3A_137, %sign3A_144 : i32
      %rem3A_146 = arith.remsi %add3A_126, %jit3A_129 : i32
      %ne3A_147 = arith.constant 0 : i32
      %ne3A_148 = arith.cmpi ne, %rem3A_146, %ne3A_147 : i32
      %and3A_149 = arith.andi %ne3A_145, %ne3A_148 : i1
      %sub3A_150 = arith.constant 1 : i32
      %sub3A_151 = arith.subi %div3A_130, %sub3A_150 : i32
      %select_n3A_152 = arith.select %and3A_149, %sub3A_151, %div3A_130 : i32
      %jit3A_153 = arith.constant 80 : i32
      %eq3A_154 = arith.constant 0 : i32
      %eq3A_155 = arith.cmpi eq, %jit3A_153, %eq3A_154 : i32
      %jit3A_156 = arith.constant 1 : i32
      %select_n3A_157 = arith.select %eq3A_155, %jit3A_156, %jit3A_153 : i32
      %rem3A_158 = arith.remsi %add3A_126, %select_n3A_157 : i32
      %ne3A_159 = arith.constant 0 : i32
      %ne3A_160 = arith.cmpi ne, %rem3A_158, %ne3A_159 : i32
      %lt3A_161 = arith.constant 0 : i32
      %lt3A_162 = arith.cmpi slt, %rem3A_158, %lt3A_161 : i32
      %lt3A_163 = arith.constant 0 : i32
      %lt3A_164 = arith.cmpi slt, %select_n3A_157, %lt3A_163 : i32
      %ne3A_165 = arith.xori %lt3A_162, %lt3A_164 : i1
      %and3A_166 = arith.andi %ne3A_165, %ne3A_160 : i1
      %add3A_167 = arith.addi %rem3A_158, %select_n3A_157 : i32
      %select_n3A_168 = arith.select %and3A_166, %add3A_167, %rem3A_158 : i32
      %add3A_169 = arith.constant 10000 : i32
      %add3A_170 = vector.broadcast %add3A_169 : i32 to vector<16xi32>
      %add3A_171 = arith.addi %get3A_38, %add3A_170 : vector<16xi32>
      %swap3A_172 = arith.index_cast %select_n3A_152 : i32 to index
      %swap3A_173 = arith.index_cast %select_n3A_168 : i32 to index
      %swap3A_174 = tpu.vector_load %arg13[%swap3A_172, %swap3A_173] {strides = array<i32>} : memref<250x80xi32, #tpu.memory_space<vmem>>, vector<16xi32>,
      tpu.vector_store %arg13[%swap3A_172, %swap3A_173], %add3A_171 {strides = array<i32>} : memref<250x80xi32, #tpu.memory_space<vmem>>, vector<16xi32>,
    }
    %scan3A_16 = arith.constant 625 : i32
    %barrier3A = arith.constant 0 : index
    tpu.barrier barrier_id(%barrier3A)
    %scan3A_17 = arith.constant 0 : i32
    %scan3A_18 = arith.constant 0 : i32
    %scan3A_19 = arith.constant 250 : i32
    %scan3A_20 = arith.addi %scan3A_18, %scan3A_19 : i32
    %scan3A_21 = arith.constant 1 : i32
    scf.for %scan3A_31 = %scan3A_18 to %scan3A_20 step %scan3A_21  : i32 {
      %mul3A_32 = arith.constant 80 : i32
      %mul3A_33 = arith.muli %scan3A_31, %mul3A_32 : i32
      "tpu.region"() ({
        %run_scoped3A = tpu.sem_alloc : memref<!tpu.dma_semaphore, #tpu.memory_space<semaphore_mem>>
        %dma_start3A = tpu.memref_slice %arg12[%mul3A_33] : memref<20000xf32, #tpu.memory_space<vmem>> -> memref<80xf32, #tpu.memory_space<vmem>>
        %dma_start3A_34 = arith.constant 0 : i32
        %dma_start3A_35 = tpu.memref_slice %arg13[%scan3A_31, %dma_start3A_34] : memref<250x80xi32, #tpu.memory_space<vmem>> -> memref<1x80xi32, #tpu.memory_space<vmem>>
        %dma_start3A_36 = tpu.memref_squeeze %dma_start3A_35 : memref<1x80xi32, #tpu.memory_space<vmem>> -> memref<80xi32, #tpu.memory_space<vmem>>
        %dma_start3A_37 = arith.constant 0 : i32
        %dma_start3A_38 = tpu.memref_slice %arg15[%dma_start3A_37] : memref<20000xf32, #tpu.memory_space<vmem_shared>> -> memref<20000xf32, #tpu.memory_space<vmem_shared>>
        tpu.enqueue_indirect_dma source(%dma_start3A : memref<80xf32, #tpu.memory_space<vmem>>) target(%dma_start3A_38 : memref<20000xf32, #tpu.memory_space<vmem_shared>>) offsets(%dma_start3A_36 : memref<80xi32, #tpu.memory_space<vmem>>) semaphore(%run_scoped3A : memref<!tpu.dma_semaphore, #tpu.memory_space<semaphore_mem>>) {add = true}
        %dma_wait3A = tpu.memref_slice %arg12[%mul3A_33] : memref<20000xf32, #tpu.memory_space<vmem>> -> memref<80xf32, #tpu.memory_space<vmem>>
        %dma_wait3A_39 = arith.constant 0 : i32
        %dma_wait3A_40 = tpu.memref_slice %arg13[%scan3A_31, %dma_wait3A_39] : memref<250x80xi32, #tpu.memory_space<vmem>> -> memref<1x80xi32, #tpu.memory_space<vmem>>
        %dma_wait3A_41 = tpu.memref_squeeze %dma_wait3A_40 : memref<1x80xi32, #tpu.memory_space<vmem>> -> memref<80xi32, #tpu.memory_space<vmem>>
        %dma_wait3A_42 = arith.constant 0 : i32
        %dma_wait3A_43 = tpu.memref_slice %arg15[%dma_wait3A_42] : memref<20000xf32, #tpu.memory_space<vmem_shared>> -> memref<20000xf32, #tpu.memory_space<vmem_shared>>
        tpu.wait_indirect_dma semaphore(%run_scoped3A : memref<!tpu.dma_semaphore, #tpu.memory_space<semaphore_mem>>) src(%dma_wait3A : memref<80xf32, #tpu.memory_space<vmem>>) dst(%dma_wait3A_43 : memref<20000xf32, #tpu.memory_space<vmem_shared>>)
        tpu.yield
      }) : () -> ()
    }
    %scan3A_22 = arith.constant 250 : i32
    "tpu.region"() ({
      %run_scoped3A = tpu.sem_alloc : memref<!tpu.dma_semaphore, #tpu.memory_space<semaphore_mem>>
      %dma_start3A = arith.constant 0 : i32
      %dma_start3A_31 = tpu.memref_slice %arg12[%dma_start3A] : memref<20000xf32, #tpu.memory_space<vmem>> -> memref<10000xf32, #tpu.memory_space<vmem>>
      %dma_start3A_32 = tpu.memref_slice %arg6[%mul3A_2] : memref<640000xf32, #tpu.memory_space<hbm>> -> memref<10000xf32, #tpu.memory_space<hbm>>
      %dma_start3A_33 = tpu.memref_slice %arg6[%mul3A_2] : memref<640000xf32, #tpu.memory_space<hbm>> -> memref<10000xf32, #tpu.memory_space<hbm>>
      %dma_start3A_34 = arith.constant 0 : i32
      %dma_start3A_35 = tpu.memref_slice %arg12[%dma_start3A_34] : memref<20000xf32, #tpu.memory_space<vmem>> -> memref<10000xf32, #tpu.memory_space<vmem>>
      tpu.enqueue_dma source(%dma_start3A_35 : memref<10000xf32, #tpu.memory_space<vmem>>) target(%dma_start3A_33 : memref<10000xf32, #tpu.memory_space<hbm>>) target_semaphore(%run_scoped3A : memref<!tpu.dma_semaphore, #tpu.memory_space<semaphore_mem>>)
      %dma_wait3A = arith.constant 0 : i32
      %dma_wait3A_36 = tpu.memref_slice %arg12[%dma_wait3A] : memref<20000xf32, #tpu.memory_space<vmem>> -> memref<10000xf32, #tpu.memory_space<vmem>>
      %dma_wait3A_37 = tpu.memref_slice %arg6[%mul3A_2] : memref<640000xf32, #tpu.memory_space<hbm>> -> memref<10000xf32, #tpu.memory_space<hbm>>
      %dma_wait3A_38 = tpu.memref_slice %arg6[%mul3A_2] : memref<640000xf32, #tpu.memory_space<hbm>> -> memref<10000xf32, #tpu.memory_space<hbm>>
      %dma_wait3A_39 = arith.constant 0 : i32
      %dma_wait3A_40 = tpu.memref_slice %arg12[%dma_wait3A_39] : memref<20000xf32, #tpu.memory_space<vmem>> -> memref<10000xf32, #tpu.memory_space<vmem>>
      tpu.wait_dma2 semaphore(%run_scoped3A : memref<!tpu.dma_semaphore, #tpu.memory_space<semaphore_mem>>) src(%dma_wait3A_40 : memref<10000xf32, #tpu.memory_space<vmem>>) dst(%dma_wait3A_38 : memref<10000xf32, #tpu.memory_space<hbm>>)
      tpu.yield
    }) : () -> ()
    %add3A_23 = arith.constant 320000 : i32
    %add3A_24 = arith.addi %add3A_23, %mul3A_2 : i32
    "tpu.region"() ({
      %run_scoped3A = tpu.sem_alloc : memref<!tpu.dma_semaphore, #tpu.memory_space<semaphore_mem>>
      %dma_start3A = arith.constant 10000 : i32
      %dma_start3A_31 = tpu.memref_slice %arg12[%dma_start3A] : memref<20000xf32, #tpu.memory_space<vmem>> -> memref<10000xf32, #tpu.memory_space<vmem>>
      %dma_start3A_32 = tpu.memref_slice %arg6[%add3A_24] : memref<640000xf32, #tpu.memory_space<hbm>> -> memref<10000xf32, #tpu.memory_space<hbm>>
      %dma_start3A_33 = tpu.memref_slice %arg6[%add3A_24] : memref<640000xf32, #tpu.memory_space<hbm>> -> memref<10000xf32, #tpu.memory_space<hbm>>
      %dma_start3A_34 = arith.constant 10000 : i32
      %dma_start3A_35 = tpu.memref_slice %arg12[%dma_start3A_34] : memref<20000xf32, #tpu.memory_space<vmem>> -> memref<10000xf32, #tpu.memory_space<vmem>>
      tpu.enqueue_dma source(%dma_start3A_35 : memref<10000xf32, #tpu.memory_space<vmem>>) target(%dma_start3A_33 : memref<10000xf32, #tpu.memory_space<hbm>>) target_semaphore(%run_scoped3A : memref<!tpu.dma_semaphore, #tpu.memory_space<semaphore_mem>>)
      %dma_wait3A = arith.constant 10000 : i32
      %dma_wait3A_36 = tpu.memref_slice %arg12[%dma_wait3A] : memref<20000xf32, #tpu.memory_space<vmem>> -> memref<10000xf32, #tpu.memory_space<vmem>>
      %dma_wait3A_37 = tpu.memref_slice %arg6[%add3A_24] : memref<640000xf32, #tpu.memory_space<hbm>> -> memref<10000xf32, #tpu.memory_space<hbm>>
      %dma_wait3A_38 = tpu.memref_slice %arg6[%add3A_24] : memref<640000xf32, #tpu.memory_space<hbm>> -> memref<10000xf32, #tpu.memory_space<hbm>>
      %dma_wait3A_39 = arith.constant 10000 : i32
      %dma_wait3A_40 = tpu.memref_slice %arg12[%dma_wait3A_39] : memref<20000xf32, #tpu.memory_space<vmem>> -> memref<10000xf32, #tpu.memory_space<vmem>>
      tpu.wait_dma2 semaphore(%run_scoped3A : memref<!tpu.dma_semaphore, #tpu.memory_space<semaphore_mem>>) src(%dma_wait3A_40 : memref<10000xf32, #tpu.memory_space<vmem>>) dst(%dma_wait3A_38 : memref<10000xf32, #tpu.memory_space<hbm>>)
      tpu.yield
    }) : () -> ()
    %barrier3A_25 = arith.constant 0 : index
    tpu.barrier barrier_id(%barrier3A_25)
    "tpu.region"() ({
      %run_scoped3A = tpu.sem_alloc : memref<!tpu.dma_semaphore, #tpu.memory_space<semaphore_mem>>
      %dma_start3A = tpu.memref_slice %arg15[%min3A_10] : memref<20000xf32, #tpu.memory_space<vmem_shared>> -> memref<1280xf32, #tpu.memory_space<vmem_shared>>
      %dma_start3A_31 = tpu.memref_slice %arg15[%min3A_10] : memref<20000xf32, #tpu.memory_space<vmem_shared>> -> memref<1280xf32, #tpu.memory_space<vmem_shared>>
      tpu.enqueue_dma source(%dma_start3A_31 : memref<1280xf32, #tpu.memory_space<vmem_shared>>) target(%arg14 : memref<1280xf32, #tpu.memory_space<vmem>>) target_semaphore(%run_scoped3A : memref<!tpu.dma_semaphore, #tpu.memory_space<semaphore_mem>>)
      %dma_wait3A = tpu.memref_slice %arg15[%min3A_10] : memref<20000xf32, #tpu.memory_space<vmem_shared>> -> memref<1280xf32, #tpu.memory_space<vmem_shared>>
      %dma_wait3A_32 = tpu.memref_slice %arg15[%min3A_10] : memref<20000xf32, #tpu.memory_space<vmem_shared>> -> memref<1280xf32, #tpu.memory_space<vmem_shared>>
      tpu.wait_dma2 semaphore(%run_scoped3A : memref<!tpu.dma_semaphore, #tpu.memory_space<semaphore_mem>>) src(%dma_wait3A_32 : memref<1280xf32, #tpu.memory_space<vmem_shared>>) dst(%arg14 : memref<1280xf32, #tpu.memory_space<vmem>>)
      tpu.yield
    }) : () -> ()
    %mul3A_26 = arith.constant 2 : i32
    %mul3A_27 = arith.muli %arg0, %mul3A_26 : i32
    %mul3A_28 = arith.constant 10000 : i32
    %mul3A_29 = arith.muli %mul3A_27, %mul3A_28 : i32
    %add3A_30 = arith.addi %mul3A_29, %min3A_10 : i32
    "tpu.region"() ({
      %run_scoped3A = tpu.sem_alloc : memref<!tpu.dma_semaphore, #tpu.memory_space<semaphore_mem>>
      %dma_start3A = tpu.memref_slice %arg7[%add3A_30] : memref<40000xf32, #tpu.memory_space<hbm>> -> memref<1280xf32, #tpu.memory_space<hbm>>
      %dma_start3A_31 = tpu.memref_slice %arg7[%add3A_30] : memref<40000xf32, #tpu.memory_space<hbm>> -> memref<1280xf32, #tpu.memory_space<hbm>>
      tpu.enqueue_dma source(%arg14 : memref<1280xf32, #tpu.memory_space<vmem>>) target(%dma_start3A_31 : memref<1280xf32, #tpu.memory_space<hbm>>) target_semaphore(%run_scoped3A : memref<!tpu.dma_semaphore, #tpu.memory_space<semaphore_mem>>)
      %dma_wait3A = tpu.memref_slice %arg7[%add3A_30] : memref<40000xf32, #tpu.memory_space<hbm>> -> memref<1280xf32, #tpu.memory_space<hbm>>
      %dma_wait3A_32 = tpu.memref_slice %arg7[%add3A_30] : memref<40000xf32, #tpu.memory_space<hbm>> -> memref<1280xf32, #tpu.memory_space<hbm>>
      tpu.wait_dma2 semaphore(%run_scoped3A : memref<!tpu.dma_semaphore, #tpu.memory_space<semaphore_mem>>) src(%arg14 : memref<1280xf32, #tpu.memory_space<vmem>>) dst(%dma_wait3A_32 : memref<1280xf32, #tpu.memory_space<hbm>>)
      tpu.yield
    }) : () -> ()
    return
  }
}

module attributes {stable_mosaic.version = 14 : i64} {
  func.func @body(%arg0: i32, %arg1: memref<2000x128xf32, #tpu.memory_space<vmem>>, %arg2: memref<2000x128xf32, #tpu.memory_space<vmem>>, %arg3: memref<128x256xf32, #tpu.memory_space<vmem>>, %arg4: memref<128x256xf32, #tpu.memory_space<vmem>>, %arg5: memref<2x128xf32, #tpu.memory_space<vmem>>, %arg6: memref<2x128xf32, #tpu.memory_space<vmem>>, %arg7: memref<2x128xf32, #tpu.memory_space<vmem>>, %arg8: memref<1x1xf32, #tpu.memory_space<vmem>>, %arg9: memref<2x2000x128xf32, #tpu.memory_space<vmem>>, %arg10: memref<2000x2xf32, #tpu.memory_space<vmem>>, %arg11: memref<2000x2xf32, #tpu.memory_space<vmem>>) attributes {dimension_semantics = [#tpu.dimension_semantics<arbitrary>], iteration_bounds = array<i64: 5>, scalar_prefetch = 0 : i64, scratch_operands = 0 : i64, tpu.core_type = #tpu.core_type<tc>, window_params = [{transform_indices = @transform_0, window_bounds = array<i64: 2000, 128>}, {transform_indices = @transform_1, window_bounds = array<i64: 2000, 128>}, {pipeline_mode = #tpu.pipeline_mode<synchronous>, transform_indices = @transform_2, window_bounds = array<i64: 128, 256>}, {pipeline_mode = #tpu.pipeline_mode<synchronous>, transform_indices = @transform_3, window_bounds = array<i64: 128, 256>}, {pipeline_mode = #tpu.pipeline_mode<synchronous>, transform_indices = @transform_4, window_bounds = array<i64: 2, 128>}, {pipeline_mode = #tpu.pipeline_mode<synchronous>, transform_indices = @transform_5, window_bounds = array<i64: 2, 128>}, {pipeline_mode = #tpu.pipeline_mode<synchronous>, transform_indices = @transform_6, window_bounds = array<i64: 2, 128>}, {pipeline_mode = #tpu.pipeline_mode<synchronous>, transform_indices = @transform_7, window_bounds = array<i64: 1, 1>}, {transform_indices = @transform_8, window_bounds = array<i64: 2, 2000, 128>}, {transform_indices = @transform_9, window_bounds = array<i64: 2000, 2>}, {transform_indices = @transform_10, window_bounds = array<i64: 2000, 2>}]} {
    %get3A = arith.constant 0 : index
    %get3A_0 = arith.constant 0 : index
    %get3A_1 = vector.load %arg1[%get3A, %get3A_0] : memref<2000x128xf32, #tpu.memory_space<vmem>>, vector<2000x128xf32>
    %get3A_2 = arith.constant 0 : index
    %get3A_3 = arith.constant 0 : index
    %get3A_4 = vector.load %arg2[%get3A_2, %get3A_3] : memref<2000x128xf32, #tpu.memory_space<vmem>>, vector<2000x128xf32>
    %get3A_5 = arith.constant 0 : index
    %get3A_6 = arith.constant 0 : index
    %get3A_7 = vector.load %arg8[%get3A_5, %get3A_6] : memref<1x1xf32, #tpu.memory_space<vmem>>, vector<1x1xf32>
    %get3A_8 = arith.constant 0 : index
    %get3A_9 = arith.constant 0 : index
    %get3A_10 = vector.load %arg7[%get3A_8, %get3A_9] : memref<2x128xf32, #tpu.memory_space<vmem>>, vector<1x128xf32>
    %add3A = vector.broadcast %get3A_10 : vector<1x128xf32> to vector<2000x128xf32>
    %add3A_11 = arith.addf %get3A_1, %add3A : vector<2000x128xf32>
    %max3A = arith.constant 0.000000e+00 : f32
    %max3A_12 = vector.broadcast %max3A : f32 to vector<2000x128xf32>
    %max3A_13 = arith.maximumf %add3A_11, %max3A_12 : vector<2000x128xf32>
    %mul3A = vector.broadcast %get3A_7 : vector<1x1xf32> to vector<2000x128xf32>
    %mul3A_14 = arith.mulf %mul3A, %max3A_13 : vector<2000x128xf32>
    %sub3A = arith.constant 1.000000e+00 : f32
    %sub3A_15 = vector.broadcast %sub3A : f32 to vector<1x1xf32>
    %sub3A_16 = arith.subf %sub3A_15, %get3A_7 : vector<1x1xf32>
    %mul3A_17 = vector.broadcast %sub3A_16 : vector<1x1xf32> to vector<2000x128xf32>
    %mul3A_18 = arith.mulf %mul3A_17, %get3A_1 : vector<2000x128xf32>
    %add3A_19 = arith.addf %mul3A_14, %mul3A_18 : vector<2000x128xf32>
    %get3A_20 = arith.constant 1 : index
    %get3A_21 = arith.constant 0 : index
    %get3A_22 = vector.load %arg7[%get3A_20, %get3A_21] : memref<2x128xf32, #tpu.memory_space<vmem>>, vector<1x128xf32>
    %add3A_23 = vector.broadcast %get3A_22 : vector<1x128xf32> to vector<2000x128xf32>
    %add3A_24 = arith.addf %get3A_4, %add3A_23 : vector<2000x128xf32>
    %max3A_25 = arith.constant 0.000000e+00 : f32
    %max3A_26 = vector.broadcast %max3A_25 : f32 to vector<2000x128xf32>
    %max3A_27 = arith.maximumf %add3A_24, %max3A_26 : vector<2000x128xf32>
    %mul3A_28 = vector.broadcast %get3A_7 : vector<1x1xf32> to vector<2000x128xf32>
    %mul3A_29 = arith.mulf %mul3A_28, %max3A_27 : vector<2000x128xf32>
    %sub3A_30 = arith.constant 1.000000e+00 : f32
    %sub3A_31 = vector.broadcast %sub3A_30 : f32 to vector<1x1xf32>
    %sub3A_32 = arith.subf %sub3A_31, %get3A_7 : vector<1x1xf32>
    %mul3A_33 = vector.broadcast %sub3A_32 : vector<1x1xf32> to vector<2000x128xf32>
    %mul3A_34 = arith.mulf %mul3A_33, %get3A_4 : vector<2000x128xf32>
    %add3A_35 = arith.addf %mul3A_29, %mul3A_34 : vector<2000x128xf32>
    %get3A_36 = arith.constant 0 : index
    %get3A_37 = arith.constant 0 : index
    %get3A_38 = vector.load %arg3[%get3A_36, %get3A_37] : memref<128x256xf32, #tpu.memory_space<vmem>>, vector<128x256xf32>
    %dot_general3A = arith.constant dense<0.000000e+00> : vector<2000x256xf32>
    %dot_general3A_39 = tpu.matmul %add3A_19, %get3A_38, %dot_general3A {dimension_numbers = #tpu.dot_dimension_numbers<[1], [0], [0], [1], [0, 0, 1, 1], [], []>, transpose_lhs_hint = false} : vector<2000x128xf32>, vector<128x256xf32>, vector<2000x256xf32> -> vector<2000x256xf32>
    %get3A_40 = arith.constant 0 : index
    %get3A_41 = arith.constant 0 : index
    %get3A_42 = vector.load %arg4[%get3A_40, %get3A_41] : memref<128x256xf32, #tpu.memory_space<vmem>>, vector<128x256xf32>
    %dot_general3A_43 = arith.constant dense<0.000000e+00> : vector<2000x256xf32>
    %dot_general3A_44 = tpu.matmul %add3A_35, %get3A_42, %dot_general3A_43 {dimension_numbers = #tpu.dot_dimension_numbers<[1], [0], [0], [1], [0, 0, 1, 1], [], []>, transpose_lhs_hint = false} : vector<2000x128xf32>, vector<128x256xf32>, vector<2000x256xf32> -> vector<2000x256xf32>
    %add3A_45 = arith.addf %dot_general3A_39, %dot_general3A_44 : vector<2000x256xf32>
    %slice3A = vector.extract_strided_slice %add3A_45 {offsets = [0, 0], sizes = [2000, 128], strides = [1, 1]} : vector<2000x256xf32> to vector<2000x128xf32>
    %slice3A_46 = vector.extract_strided_slice %add3A_45 {offsets = [0, 128], sizes = [2000, 128], strides = [1, 1]} : vector<2000x256xf32> to vector<2000x128xf32>
    %swap3A = arith.constant 0 : index
    %swap3A_47 = arith.constant 0 : index
    %swap3A_48 = arith.constant 0 : index
    %swap3A_49 = vector.load %arg9[%swap3A, %swap3A_47, %swap3A_48] : memref<2x2000x128xf32, #tpu.memory_space<vmem>>, vector<1x2000x128xf32>
    %swap3A_50 = vector.shape_cast %swap3A_49 : vector<1x2000x128xf32> to vector<2000x128xf32>
    %swap3A_51 = vector.shape_cast %slice3A : vector<2000x128xf32> to vector<1x2000x128xf32>
    tpu.vector_store %arg9[%swap3A, %swap3A_47, %swap3A_48], %swap3A_51 {strides = array<i32>} : memref<2x2000x128xf32, #tpu.memory_space<vmem>>, vector<1x2000x128xf32>,
    %swap3A_52 = arith.constant 1 : index
    %swap3A_53 = arith.constant 0 : index
    %swap3A_54 = arith.constant 0 : index
    %swap3A_55 = vector.load %arg9[%swap3A_52, %swap3A_53, %swap3A_54] : memref<2x2000x128xf32, #tpu.memory_space<vmem>>, vector<1x2000x128xf32>
    %swap3A_56 = vector.shape_cast %swap3A_55 : vector<1x2000x128xf32> to vector<2000x128xf32>
    %swap3A_57 = vector.shape_cast %slice3A_46 : vector<2000x128xf32> to vector<1x2000x128xf32>
    tpu.vector_store %arg9[%swap3A_52, %swap3A_53, %swap3A_54], %swap3A_57 {strides = array<i32>} : memref<2x2000x128xf32, #tpu.memory_space<vmem>>, vector<1x2000x128xf32>,
    %get3A_58 = arith.constant 0 : index
    %get3A_59 = arith.constant 0 : index
    %get3A_60 = vector.load %arg5[%get3A_58, %get3A_59] : memref<2x128xf32, #tpu.memory_space<vmem>>, vector<2x128xf32>
    %get3A_61 = arith.constant 0 : index
    %get3A_62 = arith.constant 0 : index
    %get3A_63 = vector.load %arg6[%get3A_61, %get3A_62] : memref<2x128xf32, #tpu.memory_space<vmem>>, vector<2x128xf32>
    %slice3A_64 = vector.extract_strided_slice %get3A_60 {offsets = [0, 0], sizes = [1, 128], strides = [1, 1]} : vector<2x128xf32> to vector<1x128xf32>
    %mul3A_65 = vector.broadcast %slice3A_64 : vector<1x128xf32> to vector<2000x128xf32>
    %mul3A_66 = arith.mulf %slice3A, %mul3A_65 : vector<2000x128xf32>
    %reduce_sum3A = arith.constant dense<0.000000e+00> : vector<2000xf32>
    %reduce_sum3A_67 = vector.multi_reduction <add>, %mul3A_66, %reduce_sum3A [1] : vector<2000x128xf32> to vector<2000xf32>
    %broadcast_in_dim3A = vector.shape_cast %reduce_sum3A_67 : vector<2000xf32> to vector<2000x1xf32>
    %slice3A_68 = vector.extract_strided_slice %get3A_60 {offsets = [1, 0], sizes = [1, 128], strides = [1, 1]} : vector<2x128xf32> to vector<1x128xf32>
    %mul3A_69 = vector.broadcast %slice3A_68 : vector<1x128xf32> to vector<2000x128xf32>
    %mul3A_70 = arith.mulf %slice3A_46, %mul3A_69 : vector<2000x128xf32>
    %reduce_sum3A_71 = arith.constant dense<0.000000e+00> : vector<2000xf32>
    %reduce_sum3A_72 = vector.multi_reduction <add>, %mul3A_70, %reduce_sum3A_71 [1] : vector<2000x128xf32> to vector<2000xf32>
    %broadcast_in_dim3A_73 = vector.shape_cast %reduce_sum3A_72 : vector<2000xf32> to vector<2000x1xf32>
    %concatenate3A = tpu.concatenate %broadcast_in_dim3A, %broadcast_in_dim3A_73 in 1 : vector<2000x1xf32>, vector<2000x1xf32> -> vector<2000x2xf32>
    %swap3A_74 = arith.constant 0 : index
    %swap3A_75 = arith.constant 0 : index
    %swap3A_76 = vector.load %arg10[%swap3A_74, %swap3A_75] : memref<2000x2xf32, #tpu.memory_space<vmem>>, vector<2000x2xf32>
    tpu.vector_store %arg10[%swap3A_74, %swap3A_75], %concatenate3A {strides = array<i32>} : memref<2000x2xf32, #tpu.memory_space<vmem>>, vector<2000x2xf32>,
    %slice3A_77 = vector.extract_strided_slice %get3A_63 {offsets = [0, 0], sizes = [1, 128], strides = [1, 1]} : vector<2x128xf32> to vector<1x128xf32>
    %mul3A_78 = vector.broadcast %slice3A_77 : vector<1x128xf32> to vector<2000x128xf32>
    %mul3A_79 = arith.mulf %slice3A, %mul3A_78 : vector<2000x128xf32>
    %reduce_sum3A_80 = arith.constant dense<0.000000e+00> : vector<2000xf32>
    %reduce_sum3A_81 = vector.multi_reduction <add>, %mul3A_79, %reduce_sum3A_80 [1] : vector<2000x128xf32> to vector<2000xf32>
    %broadcast_in_dim3A_82 = vector.shape_cast %reduce_sum3A_81 : vector<2000xf32> to vector<2000x1xf32>
    %slice3A_83 = vector.extract_strided_slice %get3A_63 {offsets = [1, 0], sizes = [1, 128], strides = [1, 1]} : vector<2x128xf32> to vector<1x128xf32>
    %mul3A_84 = vector.broadcast %slice3A_83 : vector<1x128xf32> to vector<2000x128xf32>
    %mul3A_85 = arith.mulf %slice3A_46, %mul3A_84 : vector<2000x128xf32>
    %reduce_sum3A_86 = arith.constant dense<0.000000e+00> : vector<2000xf32>
    %reduce_sum3A_87 = vector.multi_reduction <add>, %mul3A_85, %reduce_sum3A_86 [1] : vector<2000x128xf32> to vector<2000xf32>
    %broadcast_in_dim3A_88 = vector.shape_cast %reduce_sum3A_87 : vector<2000xf32> to vector<2000x1xf32>
    %concatenate3A_89 = tpu.concatenate %broadcast_in_dim3A_82, %broadcast_in_dim3A_88 in 1 : vector<2000x1xf32>, vector<2000x1xf32> -> vector<2000x2xf32>
    %swap3A_90 = arith.constant 0 : index
    %swap3A_91 = arith.constant 0 : index
    %swap3A_92 = vector.load %arg11[%swap3A_90, %swap3A_91] : memref<2000x2xf32, #tpu.memory_space<vmem>>, vector<2000x2xf32>
    tpu.vector_store %arg11[%swap3A_90, %swap3A_91], %concatenate3A_89 {strides = array<i32>} : memref<2000x2xf32, #tpu.memory_space<vmem>>, vector<2000x2xf32>,
    return
  }
  func.func @transform_0(%arg0: i32) -> (i32, i32) {
    %c0_i32 = arith.constant 0 : i32
    %c0_i32_0 = arith.constant 0 : i32
    return %arg0, %c0_i32 : i32, i32
  }
  func.func @transform_1(%arg0: i32) -> (i32, i32) {
    %c0_i32 = arith.constant 0 : i32
    %c0_i32_0 = arith.constant 0 : i32
    return %arg0, %c0_i32 : i32, i32
  }
  func.func @transform_2(%arg0: i32) -> (i32, i32) {
    %c0_i32 = arith.constant 0 : i32
    %c0_i32_0 = arith.constant 0 : i32
    %c0_i32_1 = arith.constant 0 : i32
    return %c0_i32, %c0_i32_0 : i32, i32
  }
  func.func @transform_3(%arg0: i32) -> (i32, i32) {
    %c0_i32 = arith.constant 0 : i32
    %c0_i32_0 = arith.constant 0 : i32
    %c0_i32_1 = arith.constant 0 : i32
    return %c0_i32, %c0_i32_0 : i32, i32
  }
  func.func @transform_4(%arg0: i32) -> (i32, i32) {
    %c0_i32 = arith.constant 0 : i32
    %c0_i32_0 = arith.constant 0 : i32
    %c0_i32_1 = arith.constant 0 : i32
    return %c0_i32, %c0_i32_0 : i32, i32
  }
  func.func @transform_5(%arg0: i32) -> (i32, i32) {
    %c0_i32 = arith.constant 0 : i32
    %c0_i32_0 = arith.constant 0 : i32
    %c0_i32_1 = arith.constant 0 : i32
    return %c0_i32, %c0_i32_0 : i32, i32
  }
  func.func @transform_6(%arg0: i32) -> (i32, i32) {
    %c0_i32 = arith.constant 0 : i32
    %c0_i32_0 = arith.constant 0 : i32
    %c0_i32_1 = arith.constant 0 : i32
    return %c0_i32, %c0_i32_0 : i32, i32
  }
  func.func @transform_7(%arg0: i32) -> (i32, i32) {
    %c0_i32 = arith.constant 0 : i32
    %c0_i32_0 = arith.constant 0 : i32
    %c0_i32_1 = arith.constant 0 : i32
    return %c0_i32, %c0_i32_0 : i32, i32
  }
  func.func @transform_8(%arg0: i32) -> (i32, i32, i32) {
    %c0_i32 = arith.constant 0 : i32
    %c0_i32_0 = arith.constant 0 : i32
    %c0_i32_1 = arith.constant 0 : i32
    return %c0_i32, %arg0, %c0_i32_0 : i32, i32, i32
  }
  func.func @transform_9(%arg0: i32) -> (i32, i32) {
    %c0_i32 = arith.constant 0 : i32
    %c0_i32_0 = arith.constant 0 : i32
    return %arg0, %c0_i32 : i32, i32
  }
  func.func @transform_10(%arg0: i32) -> (i32, i32) {
    %c0_i32 = arith.constant 0 : i32
    %c0_i32_0 = arith.constant 0 : i32
    return %arg0, %c0_i32 : i32, i32
  }
}

module attributes {stable_mosaic.version = 14 : i64} {
  func.func @body(%arg0: i32, %arg1: memref<2000x128xf32, #tpu.memory_space<vmem>>, %arg2: memref<2000x128xf32, #tpu.memory_space<vmem>>, %arg3: memref<128x4xf32, #tpu.memory_space<vmem>>, %arg4: memref<128x4xf32, #tpu.memory_space<vmem>>, %arg5: memref<2x128xf32, #tpu.memory_space<vmem>>, %arg6: memref<1x4xf32, #tpu.memory_space<vmem>>, %arg7: memref<2000x4xf32, #tpu.memory_space<vmem>>) attributes {dimension_semantics = [#tpu.dimension_semantics<arbitrary>], iteration_bounds = array<i64: 5>, scalar_prefetch = 0 : i64, scratch_operands = 0 : i64, tpu.core_type = #tpu.core_type<tc>, window_params = [{transform_indices = @transform_0, window_bounds = array<i64: 2000, 128>}, {transform_indices = @transform_1, window_bounds = array<i64: 2000, 128>}, {pipeline_mode = #tpu.pipeline_mode<synchronous>, transform_indices = @transform_2, window_bounds = array<i64: 128, 4>}, {pipeline_mode = #tpu.pipeline_mode<synchronous>, transform_indices = @transform_3, window_bounds = array<i64: 128, 4>}, {pipeline_mode = #tpu.pipeline_mode<synchronous>, transform_indices = @transform_4, window_bounds = array<i64: 2, 128>}, {pipeline_mode = #tpu.pipeline_mode<synchronous>, transform_indices = @transform_5, window_bounds = array<i64: 1, 4>}, {transform_indices = @transform_6, window_bounds = array<i64: 2000, 4>}]} {
    %get3A = arith.constant 0 : index
    %get3A_0 = arith.constant 0 : index
    %get3A_1 = vector.load %arg1[%get3A, %get3A_0] : memref<2000x128xf32, #tpu.memory_space<vmem>>, vector<2000x128xf32>
    %get3A_2 = arith.constant 0 : index
    %get3A_3 = arith.constant 0 : index
    %get3A_4 = vector.load %arg5[%get3A_2, %get3A_3] : memref<2x128xf32, #tpu.memory_space<vmem>>, vector<1x128xf32>
    %add3A = vector.broadcast %get3A_4 : vector<1x128xf32> to vector<2000x128xf32>
    %add3A_5 = arith.addf %get3A_1, %add3A : vector<2000x128xf32>
    %max3A = arith.constant 0.000000e+00 : f32
    %max3A_6 = vector.broadcast %max3A : f32 to vector<2000x128xf32>
    %max3A_7 = arith.maximumf %add3A_5, %max3A_6 : vector<2000x128xf32>
    %get3A_8 = arith.constant 0 : index
    %get3A_9 = arith.constant 0 : index
    %get3A_10 = vector.load %arg2[%get3A_8, %get3A_9] : memref<2000x128xf32, #tpu.memory_space<vmem>>, vector<2000x128xf32>
    %get3A_11 = arith.constant 1 : index
    %get3A_12 = arith.constant 0 : index
    %get3A_13 = vector.load %arg5[%get3A_11, %get3A_12] : memref<2x128xf32, #tpu.memory_space<vmem>>, vector<1x128xf32>
    %add3A_14 = vector.broadcast %get3A_13 : vector<1x128xf32> to vector<2000x128xf32>
    %add3A_15 = arith.addf %get3A_10, %add3A_14 : vector<2000x128xf32>
    %max3A_16 = arith.constant 0.000000e+00 : f32
    %max3A_17 = vector.broadcast %max3A_16 : f32 to vector<2000x128xf32>
    %max3A_18 = arith.maximumf %add3A_15, %max3A_17 : vector<2000x128xf32>
    %get3A_19 = arith.constant 0 : index
    %get3A_20 = arith.constant 0 : index
    %get3A_21 = vector.load %arg3[%get3A_19, %get3A_20] : memref<128x4xf32, #tpu.memory_space<vmem>>, vector<128x4xf32>
    %dot_general3A = arith.constant dense<0.000000e+00> : vector<2000x4xf32>
    %dot_general3A_22 = tpu.matmul %max3A_7, %get3A_21, %dot_general3A {dimension_numbers = #tpu.dot_dimension_numbers<[1], [0], [0], [1], [0, 0, 1, 1], [], []>, transpose_lhs_hint = false} : vector<2000x128xf32>, vector<128x4xf32>, vector<2000x4xf32> -> vector<2000x4xf32>
    %get3A_23 = arith.constant 0 : index
    %get3A_24 = arith.constant 0 : index
    %get3A_25 = vector.load %arg4[%get3A_23, %get3A_24] : memref<128x4xf32, #tpu.memory_space<vmem>>, vector<128x4xf32>
    %dot_general3A_26 = arith.constant dense<0.000000e+00> : vector<2000x4xf32>
    %dot_general3A_27 = tpu.matmul %max3A_18, %get3A_25, %dot_general3A_26 {dimension_numbers = #tpu.dot_dimension_numbers<[1], [0], [0], [1], [0, 0, 1, 1], [], []>, transpose_lhs_hint = false} : vector<2000x128xf32>, vector<128x4xf32>, vector<2000x4xf32> -> vector<2000x4xf32>
    %add3A_28 = arith.addf %dot_general3A_22, %dot_general3A_27 : vector<2000x4xf32>
    %get3A_29 = arith.constant 0 : index
    %get3A_30 = arith.constant 0 : index
    %get3A_31 = vector.load %arg6[%get3A_29, %get3A_30] : memref<1x4xf32, #tpu.memory_space<vmem>>, vector<1x4xf32>
    %add3A_32 = vector.broadcast %get3A_31 : vector<1x4xf32> to vector<2000x4xf32>
    %add3A_33 = arith.addf %add3A_28, %add3A_32 : vector<2000x4xf32>
    %swap3A = arith.constant 0 : index
    %swap3A_34 = arith.constant 0 : index
    %swap3A_35 = vector.load %arg7[%swap3A, %swap3A_34] : memref<2000x4xf32, #tpu.memory_space<vmem>>, vector<2000x4xf32>
    tpu.vector_store %arg7[%swap3A, %swap3A_34], %add3A_33 {strides = array<i32>} : memref<2000x4xf32, #tpu.memory_space<vmem>>, vector<2000x4xf32>,
    return
  }
  func.func @transform_0(%arg0: i32) -> (i32, i32) {
    %c0_i32 = arith.constant 0 : i32
    %c0_i32_0 = arith.constant 0 : i32
    return %arg0, %c0_i32 : i32, i32
  }
  func.func @transform_1(%arg0: i32) -> (i32, i32) {
    %c0_i32 = arith.constant 0 : i32
    %c0_i32_0 = arith.constant 0 : i32
    return %arg0, %c0_i32 : i32, i32
  }
  func.func @transform_2(%arg0: i32) -> (i32, i32) {
    %c0_i32 = arith.constant 0 : i32
    %c0_i32_0 = arith.constant 0 : i32
    %c0_i32_1 = arith.constant 0 : i32
    return %c0_i32, %c0_i32_0 : i32, i32
  }
  func.func @transform_3(%arg0: i32) -> (i32, i32) {
    %c0_i32 = arith.constant 0 : i32
    %c0_i32_0 = arith.constant 0 : i32
    %c0_i32_1 = arith.constant 0 : i32
    return %c0_i32, %c0_i32_0 : i32, i32
  }
  func.func @transform_4(%arg0: i32) -> (i32, i32) {
    %c0_i32 = arith.constant 0 : i32
    %c0_i32_0 = arith.constant 0 : i32
    %c0_i32_1 = arith.constant 0 : i32
    return %c0_i32, %c0_i32_0 : i32, i32
  }
  func.func @transform_5(%arg0: i32) -> (i32, i32) {
    %c0_i32 = arith.constant 0 : i32
    %c0_i32_0 = arith.constant 0 : i32
    %c0_i32_1 = arith.constant 0 : i32
    return %c0_i32, %c0_i32_0 : i32, i32
  }
  func.func @transform_6(%arg0: i32) -> (i32, i32) {
    %c0_i32 = arith.constant 0 : i32
    %c0_i32_0 = arith.constant 0 : i32
    return %arg0, %c0_i32 : i32, i32
  }
}

</mosaic_0001>

<sc_bundles>
// kernel: closed_call.27.cloned.1.call-start
scs
__scs_entry_jumppad:
0x0: {  	(pc) =	sbr.rel $0x88, $3  }
0x1: {  	(tag) =	ssettag $0x0;
	lr =	simm.s32 $0x1  }
0x2: {  	[smem:$0x3F94] =	sst lr;
	_ =	strace $0xD0000000  }
0x3: {  	_ = 	snop  }
0x4: {  	_ = 	snop  }
0x5: {  	_ = 	snop  }
0x6: {  	_ = 	snop  }
0x7: {  	_ = 	snop  }
__scs_overlays_trampoline_lowered:
0x8: {  	[smem:$0x3FA3] =	sst s0  }
0x9: {  	[smem:$0x3FA4] =	sst s1  }
0xa: {  	[smem:$0x3FA5] =	sst s2  }
0xb: {  	[smem:$0x3FA6] =	sst s3  }
0xc: {  	[smem:$0x3FA7] =	sst s4  }
0xd: {  	[smem:$0x3FA8] =	sst s5  }
0xe: {  	[smem:$0x3FA9] =	sst s6  }
0xf: {  	[smem:$0x3FAA] =	sst s7  }
0x10: {  	[smem:$0x3FAB] =	sst s8  }
0x11: {  	[smem:$0x3FAC] =	sst s9;
	s0 =	simm.s32 @!p0 $0x0  }
0x12: {  	s1 =	sld [smem:$0x3F92];
	s0 =	simm.s32 @p0 $0x1  }
0x13: {  	[smem:$0x3FAD] =	sst s0;
	s0 =	simm.s32 @!p1 $0x0  }
0x14: {  	s2 =	sld [smem:$0x3F91];
	s0 =	simm.s32 @p1 $0x1  }
0x15: {  	[smem:$0x3FAE] =	sst s0;
	s0 =	simm.s32 @!p2 $0x0  }
0x16: {  	s3 =	sld [smem:$0x3FDB];
	s0 =	simm.s32 @p2 $0x1  }
0x17: {  	s4 =	simm.s32 $0x1BF5;
	[smem:$0x3FB0] =	sst s0  }
0x18: {  	s0 =	sld [smem:$0x3F93];
	_ =	swait.ge [sflag:s4], $0x0  }
0x19: {  	s7 =	sld [smem:$0x3F94]  }
0x1a: {  	s8 =	sadd.s32 $0xFFFFE003, lr  }
0x1b: {  	s9 =	sadd.s32 $0xFFFFFEF7, lr;
	s5 =	simm.s32 $0xFFFFFFFF;
	p2 =	slt.u32 s8, $0xFFFFF086  }
0x1c: {  	p1 =	slt.u32 s9, $0xF7A;
	s5 =	simm.s32 @!p2 $0x0  }
0x1d: {  	s5 =	simm.s32 @p1 $0x1;
	p0 =	seq.s32 s7, s2  }
0x1e: {  	s7 =	smul.u32 @!p0 $0xF7A, s2;
	p2 =	seq.s32 @!p0 s5, $0x0  }
0x1f: {  	s9 =	smul.u32 $0xF7A, s1;
	s8 =	simm.s32 @!p0 $0x1BF5;
	p2 =	por !p2, p0  }
0x20: {  	[sflag:s8] =	ssyncset.s32 @!p0 $0xFFFFF086;
	s6 =	sadd.s32 @!p0 s3, s7;
	s7 =	simm.s32 @!p0 $0x108  }
0x21: {  	s3 =	sadd.s32 s3, s9;
	s6 =	sadd.s32 @!p0 $0x88, s6;
	s7 =	simm.s32 @p2 $0x1082  }
0x22: {  	[simem:s7], [sflag:s8] =	dma.local @!p0 [hbm:s6], $0xF7A  }
0x23: {  	s9 =	sor.u32 $0xD0000000, s2;
	s6 =	simm.s32 $0x108;
	_ =	swait.ge @!p0 [sflag:s8], $0x0  }
0x24: {  	s3 =	sadd.s32 $0x88, s3;
	s6 =	simm.s32 @!p1 $0x1082;
	[sflag:s4] =	ssyncset.s32 $0xFFFFF086  }
0x25: {  	[simem:s6], [sflag:s4] =	dma.local [hbm:s3], $0xF7A  }
0x26: {  	[smem:$0x3F94] =	sst s1;
	(tag) =	ssettag s2;
	_ =	strace s9  }
0x27: {  	s1 =	sld [smem:$0x3FA4]  }
0x28: {  	s2 =	sld [smem:$0x3FA5]  }
0x29: {  	s4 =	sld [smem:$0x3FA7]  }
0x2a: {  	p0 =	seq.s32 s5, $0x0;
	s5 =	sld [smem:$0x3FA8]  }
0x2b: {  	s6 =	sld [smem:$0x3FA9]  }
0x2c: {  	s7 =	sld [smem:$0x3FAA]  }
0x2d: {  	s3 =	simm.s32 $0x108;
	s8 =	sld [smem:$0x3FAB]  }
0x2e: {  	s3 =	simm.s32 @!p0 $0x1082;
	s9 =	sld [smem:$0x3FAC]  }
0x2f: {  	lr =	sadd.s32 s0, s3;
	s0 =	sld [smem:$0x3FA3]  }
0x30: {  	s3 =	sld [smem:$0x3FA6]  }
0x31: {  	[smem:$0x3FAF] =	sst s10  }
0x32: {  	s10 =	sld [smem:$0x3FAD];
	_ =	sdelay $0x3  }
0x33: {  	p0 =	seq.s32 s10, $0x1;
	s10 =	sld [smem:$0x3FAF];
	_ =	sdelay $0x3  }
0x34: {  	[smem:$0x3FAF] =	sst s10  }
0x35: {  	s10 =	sld [smem:$0x3FAE];
	_ =	sdelay $0x3  }
0x36: {  	p1 =	seq.s32 s10, $0x1;
	s10 =	sld [smem:$0x3FAF];
	_ =	sdelay $0x3  }
0x37: {  	[smem:$0x3FAF] =	sst s10  }
0x38: {  	s10 =	sld [smem:$0x3FB0]  }
0x39: {  	_ = 	snop;
	(pc) =	sbr.ind lr, $3  }
0x3a: {  	_ = 	snop  }
0x3b: {  	_ = 	snop  }
0x3c: {  	p2 =	seq.s32 s10, $0x1;
	s10 =	sld [smem:$0x3FAF]  }
0x3d: {  	_ =	shalt  }
0x3e: {  	_ =	shalt  }
0x3f: {  	_ =	shalt  }
0x40: {  	_ =	shalt  }
0x41: {  	_ =	shalt  }
0x42: {  	_ =	shalt  }
0x43: {  	_ =	shalt  }
0x44: {  	_ =	shalt  }
0x45: {  	_ =	shalt  }
0x46: {  	_ =	shalt  }
0x47: {  	_ =	shalt  }
0x48: {  	_ =	shalt  }
0x49: {  	_ =	shalt  }
0x4a: {  	_ =	shalt  }
0x4b: {  	_ =	shalt  }
0x4c: {  	_ =	shalt  }
0x4d: {  	_ =	shalt  }
0x4e: {  	_ =	shalt  }
0x4f: {  	_ =	shalt  }
0x50: {  	_ =	shalt  }
0x51: {  	_ =	shalt  }
0x52: {  	_ =	shalt  }
0x53: {  	_ =	shalt  }
0x54: {  	_ =	shalt  }
0x55: {  	_ =	shalt  }
0x56: {  	_ =	shalt  }
0x57: {  	_ =	shalt  }
0x58: {  	_ =	shalt  }
0x59: {  	_ =	shalt  }
0x5a: {  	_ =	shalt  }
0x5b: {  	_ =	shalt  }
0x5c: {  	_ =	shalt  }
0x5d: {  	_ =	shalt  }
0x5e: {  	_ =	shalt  }
0x5f: {  	_ =	shalt  }
0x60: {  	_ =	shalt  }
0x61: {  	_ =	shalt  }
0x62: {  	_ =	shalt  }
0x63: {  	_ =	shalt  }
0x64: {  	_ =	shalt  }
0x65: {  	_ =	shalt  }
0x66: {  	_ =	shalt  }
0x67: {  	_ =	shalt  }
0x68: {  	_ =	shalt  }
0x69: {  	_ =	shalt  }
0x6a: {  	_ =	shalt  }
0x6b: {  	_ =	shalt  }
0x6c: {  	_ =	shalt  }
0x6d: {  	_ =	shalt  }
0x6e: {  	_ =	shalt  }
0x6f: {  	_ =	shalt  }
0x70: {  	_ =	shalt  }
0x71: {  	_ =	shalt  }
0x72: {  	_ =	shalt  }
0x73: {  	_ =	shalt  }
0x74: {  	_ =	shalt  }
0x75: {  	_ =	shalt  }
0x76: {  	_ =	shalt  }
0x77: {  	_ =	shalt  }
0x78: {  	_ =	shalt  }
0x79: {  	_ =	shalt  }
0x7a: {  	_ =	shalt  }
0x7b: {  	_ =	shalt  }
0x7c: {  	_ =	shalt  }
0x7d: {  	_ =	shalt  }
0x7e: {  	_ =	shalt  }
0x7f: {  	_ =	shalt  }
0x80: {  	_ =	shalt  }
0x81: {  	_ =	shalt  }
0x82: {  	_ =	shalt  }
0x83: {  	_ =	shalt  }
0x84: {  	_ =	shalt  }
0x85: {  	_ =	shalt  }
0x86: {  	_ =	shalt  }
0x87: {  	_ =	shalt  }
.Lfunc_end0:
.L_simem_size_0:
called_computation_lowered:
.L_overlay_start_0:
0x88: {  	s2 =	sld [smem:$0x3FD9]  }
0x89: {  	s3 =	sld [smem:$0x3FFE];
	_ =	sdelay $0x1  }
0x8a: {  	s1 =	srdreg.scid  }
0x8b: {  	s0 =	sand.u32 $0x1, s1  }
0x8c: {  	s17 =	sshll.u32 s0, $0xA;
	s2 =	sadd.s32 s3, s2  }
0x8d: {  	s2 =	sadd.s32 s2, s17  }
0x8e: {  	[smem:$0x3FBB] =	sst s2  }
0x8f: {  	_ = 	snop  }
0x90: {  	s2 =	sld [smem:$0x3FD0];
	(tm) =	ssettm $0x1  }
0x91: {  	s18 =	sld [smem:$0x3FFB];
	_ =	sdelay $0x3  }
0x92: {  	_ =	strace s18  }
0x93: {  	s3 =	sld [smem:$0x3FFC];
	_ =	sdelay $0x3  }
0x94: {  	_ =	strace s3  }
0x95: {  	s3 =	sld [smem:$0x3FFD];
	_ =	sdelay $0x3  }
0x96: {  	_ =	strace s3  }
0x97: {  	_ =	strace $0x8FFFFFFF  }
0x98: {  	s19 =	sld [smem:$0x3FDB];
	_ =	sdelay $0x1  }
0x99: {  	s4 =	simm.s32 $_scs_section_size  }
0x9a: {  	s5 =	simm.s32 $_size__tile_overlayer_lowered;
	s6 =	simm.s32 $_tile_overlayer_lowered  }
0x9b: {  	s22 =	simm.s32 $0x1BFF;
	s21 =	sshll.u32 s6, $0x1;
	s3 =	sadd.s32 s4, s19  }
0x9c: {  	s7 =	simm.s32 $0x0;
	s20 =	sshll.u32 s5, $0x1;
	s5 =	sadd.s32 s21, s3  }
0x9d: {  	[timem:s7], [sflag:s22] =	dma.local [hbm:s5], s20  }
0x9e: {  	_ =	swait.ge [sflag:s22], s20  }
0x9f: {  	s4 =	ssub.s32 $0x0, s20;
	[sflag:s22] =	ssyncset.done $0x0  }
0xa0: {  	[sflag:s22] =	ssyncadd.s32 s4;
	_ =	sdelay $0x1  }
0xa1: {  	s23 =	simm.s32 $0x1B8B  }
0xa2: {  	_ =	swait.ge [sflag:s23], $0x1  }
0xa3: {  	[sflag:s23] =	ssyncset.done $0x0  }
0xa4: {  	s25 =	simm.s32 $0x1B8E;
	s24 =	sld [smem:$0x3FFE];
	[sflag:s23] =	ssyncadd.s32 $0xFFFFFFFF  }
0xa5: {  	s26 =	simm.s32 $execute0_lowered;
	[smem:$0x3FD2] =	sst s25  }
0xa6: {  	s5 =	sshll.u32 s26, $0x1;
	_ =	strace $0x80000049;
	[dreg:$0x1] =	wrdreg $0xFFFFFFFF  }
0xa7: {  	s28 =	simm.s32 $_size_execute0_lowered;
	s3 =	sadd.s32 s3, s5;
	[dreg:$0x0] =	wrdreg $0x0  }
0xa8: {  	s5 =	sshll.u32 s28, $0x1;
	[dreg:$0x2] =	wrdreg s3  }
0xa9: {  	[dreg:$0x3] =	wrdreg s5  }
0xaa: {  	[dreg:$0x4] =	wrdreg $0xC0  }
0xab: {  	_ =	task [dreg:s7], $0x5FFFF  }
0xac: {  	[dreg:$0x1] =	wrdreg $0xFFFFFFFF  }
0xad: {  	[dreg:$0x0] =	wrdreg $0x60  }
0xae: {  	[dreg:$0x2] =	wrdreg s24  }
0xaf: {  	[dreg:$0x3] =	wrdreg s2  }
0xb0: {  	[dreg:$0x4] =	wrdreg $0x1BF800  }
0xb1: {  	[dreg:$0x5] =	wrdreg $0x9  }
0xb2: {  	_ =	task.clear_ibuf [dreg:s7], $0x6FFFF;
	_ =	strace $0x90000049  }
0xb3: {  	s29 =	simm.s32 $0x9;
	_ =	strace $0x8000004B  }
0xb4: {  	_ =	swait.ge [sflag:s29], $0x1  }
0xb5: {  	[sflag:s29] =	ssyncadd.s32 $0xFFFFFFFF  }
0xb6: {  	_ =	strace $0x9000004B  }
0xb7: {  	_ =	sfence  }
0xb8: {  	s30 =	sld [smem:$0x0];
	_ =	sdelay $0x2  }
0xb9: {  	s31 =	sshll.u32 s1, $0xD;
	s1 =	sshrl.u32 s1, $0x2  }
0xba: {  	s3 =	sand.u32 $0x4000, s31;
	s1 =	sadd.s32 s1, s30  }
0xbb: {  	s0 =	sor.u32 s3, s0;
	s1 =	sshll.u32 s1, $0x11  }
0xbc: {  	s0 =	sor.u32 s1, s0  }
0xbd: {  	s0 =	sadd.s32 $0x8F2B, s0  }
0xbe: {  	[sflag:s0] =	ssyncadd.remote.s32 $0x1  }
0xbf: {  	_ =	sfence.sel $0xFFFF  }
0xc0: {  	[dreg:$0x0] =	wrdreg $0xFFFFFFFF;
	(pc) =	sbr.abs _section_cstart, $3  }
0xc1: {  	[dreg:$0x1] =	wrdreg $0xFFFFFFFF  }
0xc2: {  	_ =	task.clear_ibuf [dreg:s7], $0x2FFFF;
	_ =	strace $0x9FFFFFFF  }
0xc3: {  	(tm) =	ssettm $0x7FFFFFFF  }
tec
execute0_lowered:
.L_overlay_start_1:
0x0: {  	(tag) =	ssettag $0x1  }
0x1: {  	s6 =	rddreg [dreg:$0x0]  }
0x2: {  	s8 =	rddreg [dreg:$0x1]  }
0x3: {  	s0 =	srdreg.scid;
	s2 =	rddreg [dreg:$0x2];
	s3 =	simm.s32 $0x0  }
0x4: {  	s14 =	simm.s32 $0x1;
	s15 =	simm.s32 $0x4F00;
	s16 =	simm.s32 $0x9D80  }
0x5: {  	s17 =	simm.s32 $0x50;
	s18 =	simm.s32 $0xEC00;
	s19 =	simm.s32 $0x11310  }
0x6: {  	s20 =	simm.s32 $0x0;
	s4 =	sand.u32 $0x1, s0;
	s0 =	stileid.u32  }
0x7: {  	[smem:$0x7FF] =	sst s3;
	s1 =	sshll.u32 s4, $0x4;
	s7 =	smul.u32 $0x500, s0  }
0x8: {  	s9 =	smul.u32 $0x4E20, s4;
	s31 =	ssub.s32 $0x2, s4;
	s1 =	sor.u32 s0, s1  }
0x9: {  	s4 =	sadd.s32 $0xE8200, s6;
	s13 =	sshrl.u32 s31, $0x1;
	s5 =	smul.u32 $0x2710, s1  }
0xa: {  	s1 =	rddreg [dreg:$0x3];
	_ =	strace $0x8000004A;
	s7 =	smin.u32 s7, $0x4920  }
0xb: {  	s13 =	ssub.s32 s31, s13;
	s30 =	sadd.s32 s9, s7;
	s10 =	sshrl.u32 s5, $0x3  }
0xc: {  	s12 =	sshrl.u32 s30, $0x3;
	s5 =	sadd.s32 $0xE8C00, s6;
	s11 =	sadd.s32 s10, s6  }
0xd: {  	s12 =	sadd.s32 s12, s6;
	s6 =	sadd.s32 s7, s2;
	s8 =	sadd.s32 s8, s10  }
0xe: {  	s7 =	sadd.s32 $0x86400, s11;
	s9 =	sadd.s32 $0x90200, s11;
	s10 =	sadd.s32 $0x9C40, s8  }
0xf: {  	v0 =	vimm.f32 $0.0e+00;
	s11 =	sadd.s32 $0xE9600, s12;
	s12 =	smax.u32 s13, $0x1;
	s13 =	simm.s32 $0x1BA80  }
.LBB2_1:
0x10: {  	s21 =	simm.s32 $0x40;
	s22 =	simm.s32 $0x0  }
.LBB2_2:
0x11: {  	p0 =	sne.s32 s21, $0x13C0;
	[tilespmem:s22+$0x1BA80] =	vst v0;
	s22 =	smov.u32 s21;
	s21 =	sadd.s32 $0x40, s21  }
.Ltmp0:
0x12: {  	(pc) =	sbr.rel @p0 .LBB2_2-.Ltmp0, $2  }
0x13: {  	_ =	sdelay $0x2  }
0x14: {  	s22 =	sshra.s32 s22, $0x2  }
0x15: {  	[tilespmem:s22+$0x1BA80] =	vst v0  }
0x16: {  	[spmem:s6] =	stream.linear.scatter [tilespmem:s13], [sflag:$0x1], $0x500, $0x38;
	[tilespmem:$0x1C468] =	vst v63  }
0x17: {  	_ =	swait.ge [sflag:s14], $0x500  }
0x18: {  	[sflag:s14] =	ssyncset.done $0x0  }
0x19: {  	s21 =	simm.s32 $0x0;
	[sflag:s14] =	ssyncadd.s32 $0xFFFFFB00  }
0x1a: {  	[tilespmem:s21], [sflag:$0x1] =	stream.linear.gather [hbm4b:s7+s21], $0x2710, $0x38;
	[tilespmem:$0x1C468] =	vst v63  }
0x1b: {  	_ =	swait.ge [sflag:s14], $0x2710  }
0x1c: {  	[sflag:s14] =	ssyncset.done $0x0  }
0x1d: {  	s22 =	simm.s32 $0x2780;
	[sflag:s14] =	ssyncadd.s32 $0xFFFFD8F0  }
0x1e: {  	[tilespmem:s22], [sflag:$0x1] =	stream.linear.gather [hbm4b:s9+s21], $0x2710, $0x38;
	[tilespmem:$0x1C468] =	vst v63  }
0x1f: {  	_ =	swait.ge [sflag:s14], $0x2710  }
0x20: {  	[sflag:s14] =	ssyncset.done $0x0  }
0x21: {  	[sflag:s14] =	ssyncadd.s32 $0xFFFFD8F0  }
0x22: {  	[tilespmem:s15], [sflag:$0x1] =	stream.linear.gather [hbm4b:s4+s21], $0x4E80, $0x38;
	[tilespmem:$0x1C468] =	vst v63  }
0x23: {  	_ =	swait.ge [sflag:s14], $0x4E80  }
0x24: {  	[sflag:s14] =	ssyncset.done $0x0  }
0x25: {  	[sflag:s14] =	ssyncadd.s32 $0xFFFFB180  }
0x26: {  	[tilespmem:s16], [sflag:$0x1] =	stream.linear.gather [hbm4b:s5+s21], $0x4E80, $0x38;
	[tilespmem:$0x1C468] =	vst v63  }
0x27: {  	_ =	swait.ge [sflag:s14], $0x4E80  }
0x28: {  	[sflag:s14] =	ssyncset.done $0x0  }
0x29: {  	[sflag:s14] =	ssyncadd.s32 $0xFFFFB180  }
0x2a: {  	v1 =	vld [tilespmem:s21+$0x0]  }
0x2b: {  	v2 =	vld [tilespmem:s22+$0x0];
	_ =	sdelay $0x3  }
0x2c: {  	v1 =	vshll.u32 v1, $0x1  }
0x2d: {  	v3 =	vshll.u32 v2, $0x1;
	_ =	sdelay $0x3  }
0x2e: {  	v4 =	vld.idx.msk [tilespmem:v1+s15+$0x0], $0xffff  }
0x2f: {  	v5 =	vld.idx.msk [tilespmem:v3+s16+$0x0], $0xffff;
	_ =	sdelay $0x4  }
0x30: {  	v4 =	vadd.f32 v5, v4;
	_ =	sdelay $0x1  }
0x31: {  	v5 =	vmul.f32 $2.000000030e-01, v4  }
0x32: {  	vm0 =	vge.f32 v4, $0.0e+00  }
0x33: {  	v4 =	vsel vm0, v4, v5  }
0x34: {  	v4 =	vmul.f32 $1.442695020e+00, v4;
	_ =	sdelay $0x1  }
0x35: {  	(erf) = vpow2.f32 v4;
	_ =	sdelay $0x2  }
0x36: {  	s24 =	smul.u32 $0xCCCD, s21;
	_ =	sdelay $0x1  }
0x37: {  	s23 =	smul.u32 $0xCCCD, s21;
	s25 =	sshrl.u32 s24, $0x16  }
0x38: {  	s25 =	smul.u32 $0x50, s25  }
0x39: {  	v1 =	vor.u32 $0x1, v1  }
0x3a: {  	s26 =	sshrl.u32 s23, $0xB;
	s25 =	ssub.s32 $0x0, s25;
	v3 =	vor.u32 $0x1, v3  }
0x3b: {  	s23 =	simm.s32 $0xEC00;
	s26 =	sand.u32 $0x1FFF80, s26;
	s25 =	sand.u32 $0xFFFF, s25;
	v4 =	vpop (erf)  }
0x3c: {  	s25 =	sor.u32 s25, s26;
	[tilespmem:s23+$0x0] =	vst v4  }
0x3d: {  	[tilespmem:s25+$0x13A80] =	vst v2  }
0x3e: {  	v1 =	vld.idx.msk [tilespmem:v1+s15+$0x0], $0xffff  }
0x3f: {  	v3 =	vld.idx.msk [tilespmem:v3+s16+$0x0], $0xffff;
	_ =	sdelay $0x4  }
0x40: {  	v1 =	vadd.f32 v3, v1;
	_ =	sdelay $0x1  }
0x41: {  	v3 =	vmul.f32 $2.000000030e-01, v1  }
0x42: {  	vm15 =	vge.f32 v1, $0.0e+00  }
0x43: {  	v1 =	vsel vm15, v1, v3  }
0x44: {  	v1 =	vmul.f32 $1.442695020e+00, v1;
	_ =	sdelay $0x1  }
0x45: {  	(erf) = vpow2.f32 v1;
	_ =	sdelay $0x1  }
0x46: {  	s24 =	sadd.s32 $0x1F4007D0, s24  }
0x47: {  	s30 =	sshrl.u32 s24, $0x16  }
0x48: {  	s24 =	smul.u32 $0x50, s30;
	_ =	sdelay $0x1  }
0x49: {  	s24 =	ssub.s32 $0x0, s24  }
0x4a: {  	s31 =	sadd.s32 $0x2710, s24  }
0x4b: {  	s24 =	simm.s32 $0x1;
	s26 =	sand.u32 $0xFFFF, s31;
	s25 =	sshll.u32 s30, $0x7  }
0x4c: {  	s28 =	sor.u32 s26, s25;
	s25 =	simm.s32 $0xEC10;
	s26 =	simm.s32 $0x0;
	v1 =	vadd.s32 $0x2710, v2;
	v2 =	vpop (erf)  }
.LBB2_4:
0x4d: {  	[tilespmem:s23+$0x2710] =	vst v2;
	s21 =	sadd.s32 $0x10, s21;
	s26 =	sadd.s32 $0x10, s26;
	s22 =	sadd.s32 $0x10, s22  }
0x4e: {  	p0 =	sne.s32 s24, $0x270;
	[tilespmem:s28+$0x13A80] =	vst v1;
	s28 =	smov.u32 s24;
	s24 =	sadd.s32 $0x1, s24  }
0x4f: {  	s23 =	smov.u32 s25;
	v1 =	vld [tilespmem:s26+$0x0]  }
0x50: {  	v2 =	vld [tilespmem:s22+$0x0];
	_ =	sdelay $0x3  }
0x51: {  	v1 =	vshll.u32 v1, $0x1  }
0x52: {  	v3 =	vshll.u32 v2, $0x1;
	_ =	sdelay $0x3  }
0x53: {  	v4 =	vld.idx.msk [tilespmem:v1+s15+$0x0], $0xffff  }
0x54: {  	v5 =	vld.idx.msk [tilespmem:v3+s16+$0x0], $0xffff;
	_ =	sdelay $0x5  }
0x55: {  	v4 =	vadd.f32 v5, v4;
	_ =	sdelay $0x1  }
0x56: {  	v5 =	vmul.f32 $2.000000030e-01, v4  }
0x57: {  	vm0 =	vge.f32 v4, $0.0e+00  }
0x58: {  	v4 =	vsel vm0, v4, v5  }
0x59: {  	v4 =	vmul.f32 $1.442695020e+00, v4;
	_ =	sdelay $0x1  }
0x5a: {  	(erf) = vpow2.f32 v4;
	_ =	sdelay $0x2  }
0x5b: {  	s29 =	smul.u32 $0xCCCD, s21;
	_ =	sdelay $0x1  }
0x5c: {  	s28 =	smul.u32 $0xCCCD, s28;
	s30 =	sshrl.u32 s29, $0x16;
	s29 =	sadd.s32 $0x1F4007D0, s29  }
0x5d: {  	s30 =	smul.u32 $0x50, s30;
	s29 =	sshrl.u32 s29, $0x16  }
0x5e: {  	s28 =	sshrl.u32 s28, $0xB;
	s31 =	smul.u32 $0x50, s29;
	v1 =	vor.u32 $0x1, v1;
	v3 =	vor.u32 $0x1, v3  }
0x5f: {  	s30 =	ssub.s32 s21, s30  }
0x60: {  	s28 =	sand.u32 $0x1FFF80, s28;
	s30 =	sand.u32 $0xFFFF, s30;
	s31 =	ssub.s32 s21, s31;
	v4 =	vpop (erf)  }
0x61: {  	s28 =	sor.u32 s30, s28;
	s30 =	sadd.s32 $0x2710, s31;
	[tilespmem:s25+$0x0] =	vst v4  }
0x62: {  	[tilespmem:s28+$0x13A80] =	vst v2;
	s28 =	sand.u32 $0xFFFF, s30  }
0x63: {  	v1 =	vld.idx.msk [tilespmem:v1+s15+$0x0], $0xffff  }
0x64: {  	v3 =	vld.idx.msk [tilespmem:v3+s16+$0x0], $0xffff;
	_ =	sdelay $0x5  }
0x65: {  	v1 =	vadd.f32 v3, v1;
	_ =	sdelay $0x1  }
0x66: {  	vm0 =	vge.f32 v1, $0.0e+00;
	v3 =	vmul.f32 $2.000000030e-01, v1;
	_ =	sdelay $0x1  }
0x67: {  	v1 =	vsel vm0, v1, v3  }
0x68: {  	v1 =	vmul.f32 $1.442695020e+00, v1;
	_ =	sdelay $0x1  }
0x69: {  	(erf) = vpow2.f32 v1;
	_ =	sdelay $0x4  }
.Ltmp1:
0x6a: {  	(pc) =	sbr.rel @p0 .LBB2_4-.Ltmp1, $3  }
0x6b: {  	_ =	sdelay $0x1  }
0x6c: {  	s29 =	sshll.u32 s29, $0x7  }
0x6d: {  	s25 =	sadd.s32 $0x10, s25;
	s28 =	sor.u32 s28, s29;
	v1 =	vadd.s32 $0x2710, v2;
	v2 =	vpop (erf)  }
0x6e: {  	[tilespmem:s23+$0x2710] =	vst v2  }
0x6f: {  	[tilespmem:s28+$0x13A80] =	vst v1  }
0x70: {  	s21 =	simm.s32 $0x13A80;
	s22 =	simm.s32 $0xEC00;
	[bflag:$0x0] =	sbarrier.arrive $0xFFFF  }
0x71: {  	[spmem:s2] =	stream.indirect.scatter.add.f32 [tilespmem:s22], [sflag:$0x1], $0x1, s21, s17, $0xb8;
	[tilespmem:$0x1C468] =	vst v63  }
0x72: {  	s22 =	simm.s32 $0x140;
	_ =	swait.ge [sflag:s14], $0x50  }
.LBB2_6:
0x73: {  	s23 =	sshra.s32 s22, $0x2  }
0x74: {  	[sflag:s14] =	ssyncset.done $0x0;
	s21 =	sadd.s32 $0x80, s21;
	p0 =	sne.s32 s22, $0x13740  }
.Ltmp2:
0x75: {  	s23 =	sadd.s32 $0xEC00, s23;
	[sflag:s14] =	ssyncadd.s32 $0xFFFFFFB0;
	(pc) =	sbr.rel @p0 .LBB2_6-.Ltmp2, $3  }
0x76: {  	[spmem:s2] =	stream.indirect.scatter.add.f32 [tilespmem:s23], [sflag:$0x1], $0x1, s21, s17, $0xb8;
	[tilespmem:$0x1C468] =	vst v63  }
0x77: {  	s22 =	sadd.s32 $0x140, s22;
	_ =	sdelay $0x1  }
0x78: {  	_ =	swait.ge [sflag:s14], $0x50  }
0x79: {  	[sflag:s14] =	ssyncset.done $0x0  }
0x7a: {  	[sflag:s14] =	ssyncadd.s32 $0xFFFFFFB0  }
0x7b: {  	[hbm4b:s8+s3] =	stream.linear.scatter [tilespmem:s18], [sflag:$0x1], $0x2710, $0x38;
	[tilespmem:$0x1C468] =	vst v63  }
0x7c: {  	_ =	swait.ge [sflag:s14], $0x2710  }
0x7d: {  	[sflag:s14] =	ssyncset.done $0x0  }
0x7e: {  	[sflag:s14] =	ssyncadd.s32 $0xFFFFD8F0  }
0x7f: {  	[hbm4b:s10+s3] =	stream.linear.scatter [tilespmem:s19], [sflag:$0x1], $0x2710, $0x38;
	[tilespmem:$0x1C468] =	vst v63  }
0x80: {  	_ =	swait.ge [sflag:s14], $0x2710  }
0x81: {  	[sflag:s14] =	ssyncset.done $0x0  }
0x82: {  	[sflag:s14] =	ssyncadd.s32 $0xFFFFD8F0  }
0x83: {  	[bflag:$0x0] =	sbarrier.arrive $0xFFFF  }
0x84: {  	[tilespmem:s13], [sflag:$0x1] =	stream.linear.gather [spmem:s6], $0x500, $0x38;
	[tilespmem:$0x1C468] =	vst v63  }
0x85: {  	s20 =	sadd.s32 $0x1, s20;
	_ =	swait.ge [sflag:s14], $0x500  }
0x86: {  	p0 =	sne.s32 s20, s12;
	[sflag:s14] =	ssyncset.done $0x0  }
.Ltmp3:
0x87: {  	[sflag:s14] =	ssyncadd.s32 $0xFFFFFB00;
	(pc) =	sbr.rel @p0 .LBB2_1-.Ltmp3, $4  }
0x88: {  	[hbm4b:s11+s3] =	stream.linear.scatter [tilespmem:s13], [sflag:$0x1], $0x500, $0x38;
	[tilespmem:$0x1C468] =	vst v63  }
0x89: {  	_ =	swait.ge [sflag:s14], $0x500  }
0x8a: {  	[sflag:s14] =	ssyncset.done $0x0  }
0x8b: {  	[sflag:s14] =	ssyncadd.s32 $0xFFFFFB00  }
0x8c: {  	_ =	sfence.sel $0x180000  }
0x8d: {  	[bflag:$0x0] =	sbarrier.arrive $0xFFFF  }
0x8e: {  	p0 =	sne.s32 s0, $0x0;
	_ =	strace $0x9000004A  }
0x8f: {  	s0 =	sadd.s32 @!p0 $0x100000, s1;
	[bflag:$0x2] =	sbarrier.arrive $0xFFFF  }
0x90: {  	[sflag:s0] =	ssyncadd.tile.s32 @!p0 $0x1;
	_ =	shalt  }
.Lfunc_end2:
_tile_overlayer_lowered:
.L_overlay_start_2:
0x91: {  	(tag) =	ssettag $0x2  }
0x92: {  	s0 =	rddreg [dreg:$0x0];
	s2 =	stileid.u32  }
0x93: {  	s1 =	rddreg [dreg:$0x1];
	p0 =	sne.s32 s2, $0x0  }
0x94: {  	s3 =	rddreg [dreg:$0x2];
	[bflag:$0x3] =	sbarrier.arrive $0xFFFF;
	s2 =	simm.s32 @!p0 $0x1C01  }
0x95: {  	[timem:s3], [sflag:s2] =	dma.local @!p0 [hbm:s0], s1  }
0x96: {  	s0 =	simm.s32 @!p0 $0x1  }
0x97: {  	_ =	swait.ge @!p0 [sflag:s0], s1  }
0x98: {  	s1 =	ssub.s32 @!p0 $0x0, s1;
	[sflag:s0] =	ssyncset.done @!p0 $0x0  }
0x99: {  	[sflag:s0] =	ssyncadd.s32 @!p0 s1  }
0x9a: {  	[bflag:$0x3] =	sbarrier.arrive $0xFFFF  }
0x9b: {  	_ =	shalt  }

// kernel: closed_call.30.cloned.1.call-start
scs
__scs_entry_jumppad:
0x0: {  	(pc) =	sbr.rel $0x88, $3  }
0x1: {  	(tag) =	ssettag $0x0;
	lr =	simm.s32 $0x1  }
0x2: {  	[smem:$0x3F94] =	sst lr;
	_ =	strace $0xD0000000  }
0x3: {  	_ = 	snop  }
0x4: {  	_ = 	snop  }
0x5: {  	_ = 	snop  }
0x6: {  	_ = 	snop  }
0x7: {  	_ = 	snop  }
__scs_overlays_trampoline_lowered:
0x8: {  	[smem:$0x3FA3] =	sst s0  }
0x9: {  	[smem:$0x3FA4] =	sst s1  }
0xa: {  	[smem:$0x3FA5] =	sst s2  }
0xb: {  	[smem:$0x3FA6] =	sst s3  }
0xc: {  	[smem:$0x3FA7] =	sst s4  }
0xd: {  	[smem:$0x3FA8] =	sst s5  }
0xe: {  	[smem:$0x3FA9] =	sst s6  }
0xf: {  	[smem:$0x3FAA] =	sst s7  }
0x10: {  	[smem:$0x3FAB] =	sst s8  }
0x11: {  	[smem:$0x3FAC] =	sst s9;
	s0 =	simm.s32 @!p0 $0x0  }
0x12: {  	s1 =	sld [smem:$0x3F92];
	s0 =	simm.s32 @p0 $0x1  }
0x13: {  	[smem:$0x3FAD] =	sst s0;
	s0 =	simm.s32 @!p1 $0x0  }
0x14: {  	s2 =	sld [smem:$0x3F91];
	s0 =	simm.s32 @p1 $0x1  }
0x15: {  	[smem:$0x3FAE] =	sst s0;
	s0 =	simm.s32 @!p2 $0x0  }
0x16: {  	s3 =	sld [smem:$0x3FDB];
	s0 =	simm.s32 @p2 $0x1  }
0x17: {  	s4 =	simm.s32 $0x1BF5;
	[smem:$0x3FB0] =	sst s0  }
0x18: {  	s0 =	sld [smem:$0x3F93];
	_ =	swait.ge [sflag:s4], $0x0  }
0x19: {  	s7 =	sld [smem:$0x3F94]  }
0x1a: {  	s8 =	sadd.s32 $0xFFFFE003, lr  }
0x1b: {  	s9 =	sadd.s32 $0xFFFFFEF7, lr;
	s5 =	simm.s32 $0xFFFFFFFF;
	p2 =	slt.u32 s8, $0xFFFFF086  }
0x1c: {  	p1 =	slt.u32 s9, $0xF7A;
	s5 =	simm.s32 @!p2 $0x0  }
0x1d: {  	s5 =	simm.s32 @p1 $0x1;
	p0 =	seq.s32 s7, s2  }
0x1e: {  	s7 =	smul.u32 @!p0 $0xF7A, s2;
	p2 =	seq.s32 @!p0 s5, $0x0  }
0x1f: {  	s9 =	smul.u32 $0xF7A, s1;
	s8 =	simm.s32 @!p0 $0x1BF5;
	p2 =	por !p2, p0  }
0x20: {  	[sflag:s8] =	ssyncset.s32 @!p0 $0xFFFFF086;
	s6 =	sadd.s32 @!p0 s3, s7;
	s7 =	simm.s32 @!p0 $0x108  }
0x21: {  	s3 =	sadd.s32 s3, s9;
	s6 =	sadd.s32 @!p0 $0x88, s6;
	s7 =	simm.s32 @p2 $0x1082  }
0x22: {  	[simem:s7], [sflag:s8] =	dma.local @!p0 [hbm:s6], $0xF7A  }
0x23: {  	s9 =	sor.u32 $0xD0000000, s2;
	s6 =	simm.s32 $0x108;
	_ =	swait.ge @!p0 [sflag:s8], $0x0  }
0x24: {  	s3 =	sadd.s32 $0x88, s3;
	s6 =	simm.s32 @!p1 $0x1082;
	[sflag:s4] =	ssyncset.s32 $0xFFFFF086  }
0x25: {  	[simem:s6], [sflag:s4] =	dma.local [hbm:s3], $0xF7A  }
0x26: {  	[smem:$0x3F94] =	sst s1;
	(tag) =	ssettag s2;
	_ =	strace s9  }
0x27: {  	s1 =	sld [smem:$0x3FA4]  }
0x28: {  	s2 =	sld [smem:$0x3FA5]  }
0x29: {  	s4 =	sld [smem:$0x3FA7]  }
0x2a: {  	p0 =	seq.s32 s5, $0x0;
	s5 =	sld [smem:$0x3FA8]  }
0x2b: {  	s6 =	sld [smem:$0x3FA9]  }
0x2c: {  	s7 =	sld [smem:$0x3FAA]  }
0x2d: {  	s3 =	simm.s32 $0x108;
	s8 =	sld [smem:$0x3FAB]  }
0x2e: {  	s3 =	simm.s32 @!p0 $0x1082;
	s9 =	sld [smem:$0x3FAC]  }
0x2f: {  	lr =	sadd.s32 s0, s3;
	s0 =	sld [smem:$0x3FA3]  }
0x30: {  	s3 =	sld [smem:$0x3FA6]  }
0x31: {  	[smem:$0x3FAF] =	sst s10  }
0x32: {  	s10 =	sld [smem:$0x3FAD];
	_ =	sdelay $0x3  }
0x33: {  	p0 =	seq.s32 s10, $0x1;
	s10 =	sld [smem:$0x3FAF];
	_ =	sdelay $0x3  }
0x34: {  	[smem:$0x3FAF] =	sst s10  }
0x35: {  	s10 =	sld [smem:$0x3FAE];
	_ =	sdelay $0x3  }
0x36: {  	p1 =	seq.s32 s10, $0x1;
	s10 =	sld [smem:$0x3FAF];
	_ =	sdelay $0x3  }
0x37: {  	[smem:$0x3FAF] =	sst s10  }
0x38: {  	s10 =	sld [smem:$0x3FB0]  }
0x39: {  	_ = 	snop;
	(pc) =	sbr.ind lr, $3  }
0x3a: {  	_ = 	snop  }
0x3b: {  	_ = 	snop  }
0x3c: {  	p2 =	seq.s32 s10, $0x1;
	s10 =	sld [smem:$0x3FAF]  }
0x3d: {  	_ =	shalt  }
0x3e: {  	_ =	shalt  }
0x3f: {  	_ =	shalt  }
0x40: {  	_ =	shalt  }
0x41: {  	_ =	shalt  }
0x42: {  	_ =	shalt  }
0x43: {  	_ =	shalt  }
0x44: {  	_ =	shalt  }
0x45: {  	_ =	shalt  }
0x46: {  	_ =	shalt  }
0x47: {  	_ =	shalt  }
0x48: {  	_ =	shalt  }
0x49: {  	_ =	shalt  }
0x4a: {  	_ =	shalt  }
0x4b: {  	_ =	shalt  }
0x4c: {  	_ =	shalt  }
0x4d: {  	_ =	shalt  }
0x4e: {  	_ =	shalt  }
0x4f: {  	_ =	shalt  }
0x50: {  	_ =	shalt  }
0x51: {  	_ =	shalt  }
0x52: {  	_ =	shalt  }
0x53: {  	_ =	shalt  }
0x54: {  	_ =	shalt  }
0x55: {  	_ =	shalt  }
0x56: {  	_ =	shalt  }
0x57: {  	_ =	shalt  }
0x58: {  	_ =	shalt  }
0x59: {  	_ =	shalt  }
0x5a: {  	_ =	shalt  }
0x5b: {  	_ =	shalt  }
0x5c: {  	_ =	shalt  }
0x5d: {  	_ =	shalt  }
0x5e: {  	_ =	shalt  }
0x5f: {  	_ =	shalt  }
0x60: {  	_ =	shalt  }
0x61: {  	_ =	shalt  }
0x62: {  	_ =	shalt  }
0x63: {  	_ =	shalt  }
0x64: {  	_ =	shalt  }
0x65: {  	_ =	shalt  }
0x66: {  	_ =	shalt  }
0x67: {  	_ =	shalt  }
0x68: {  	_ =	shalt  }
0x69: {  	_ =	shalt  }
0x6a: {  	_ =	shalt  }
0x6b: {  	_ =	shalt  }
0x6c: {  	_ =	shalt  }
0x6d: {  	_ =	shalt  }
0x6e: {  	_ =	shalt  }
0x6f: {  	_ =	shalt  }
0x70: {  	_ =	shalt  }
0x71: {  	_ =	shalt  }
0x72: {  	_ =	shalt  }
0x73: {  	_ =	shalt  }
0x74: {  	_ =	shalt  }
0x75: {  	_ =	shalt  }
0x76: {  	_ =	shalt  }
0x77: {  	_ =	shalt  }
0x78: {  	_ =	shalt  }
0x79: {  	_ =	shalt  }
0x7a: {  	_ =	shalt  }
0x7b: {  	_ =	shalt  }
0x7c: {  	_ =	shalt  }
0x7d: {  	_ =	shalt  }
0x7e: {  	_ =	shalt  }
0x7f: {  	_ =	shalt  }
0x80: {  	_ =	shalt  }
0x81: {  	_ =	shalt  }
0x82: {  	_ =	shalt  }
0x83: {  	_ =	shalt  }
0x84: {  	_ =	shalt  }
0x85: {  	_ =	shalt  }
0x86: {  	_ =	shalt  }
0x87: {  	_ =	shalt  }
.Lfunc_end0:
.L_simem_size_0:
called_computation.1_lowered:
.L_overlay_start_0:
0x88: {  	s2 =	sld [smem:$0x3FD9]  }
0x89: {  	s3 =	sld [smem:$0x3FFE];
	_ =	sdelay $0x1  }
0x8a: {  	s1 =	srdreg.scid  }
0x8b: {  	s0 =	sand.u32 $0x1, s1  }
0x8c: {  	s17 =	sshll.u32 s0, $0xA;
	s2 =	sadd.s32 s3, s2  }
0x8d: {  	s2 =	sadd.s32 s2, s17  }
0x8e: {  	[smem:$0x3FBB] =	sst s2  }
0x8f: {  	_ = 	snop  }
0x90: {  	s2 =	sld [smem:$0x3FD0];
	(tm) =	ssettm $0x1  }
0x91: {  	s18 =	sld [smem:$0x3FFB];
	_ =	sdelay $0x3  }
0x92: {  	_ =	strace s18  }
0x93: {  	s3 =	sld [smem:$0x3FFC];
	_ =	sdelay $0x3  }
0x94: {  	_ =	strace s3  }
0x95: {  	s3 =	sld [smem:$0x3FFD];
	_ =	sdelay $0x3  }
0x96: {  	_ =	strace s3  }
0x97: {  	_ =	strace $0x8FFFFFFF  }
0x98: {  	s19 =	sld [smem:$0x3FDB];
	_ =	sdelay $0x1  }
0x99: {  	s4 =	simm.s32 $_scs_section_size  }
0x9a: {  	s5 =	simm.s32 $_size__tile_overlayer_lowered;
	s6 =	simm.s32 $_tile_overlayer_lowered  }
0x9b: {  	s22 =	simm.s32 $0x1BFF;
	s21 =	sshll.u32 s6, $0x1;
	s3 =	sadd.s32 s4, s19  }
0x9c: {  	s7 =	simm.s32 $0x0;
	s20 =	sshll.u32 s5, $0x1;
	s5 =	sadd.s32 s21, s3  }
0x9d: {  	[timem:s7], [sflag:s22] =	dma.local [hbm:s5], s20  }
0x9e: {  	_ =	swait.ge [sflag:s22], s20  }
0x9f: {  	s4 =	ssub.s32 $0x0, s20;
	[sflag:s22] =	ssyncset.done $0x0  }
0xa0: {  	[sflag:s22] =	ssyncadd.s32 s4;
	_ =	sdelay $0x1  }
0xa1: {  	s23 =	simm.s32 $0x1B8B  }
0xa2: {  	_ =	swait.ge [sflag:s23], $0x1  }
0xa3: {  	[sflag:s23] =	ssyncset.done $0x0  }
0xa4: {  	s25 =	simm.s32 $0x1B8E;
	s24 =	sld [smem:$0x3FFE];
	[sflag:s23] =	ssyncadd.s32 $0xFFFFFFFF  }
0xa5: {  	s26 =	simm.s32 $execute0_lowered;
	[smem:$0x3FD2] =	sst s25  }
0xa6: {  	s5 =	sshll.u32 s26, $0x1;
	_ =	strace $0x8000004C;
	[dreg:$0x1] =	wrdreg $0xFFFFFFFF  }
0xa7: {  	s28 =	simm.s32 $_size_execute0_lowered;
	s3 =	sadd.s32 s3, s5;
	[dreg:$0x0] =	wrdreg $0x0  }
0xa8: {  	s5 =	sshll.u32 s28, $0x1;
	[dreg:$0x2] =	wrdreg s3  }
0xa9: {  	[dreg:$0x3] =	wrdreg s5  }
0xaa: {  	[dreg:$0x4] =	wrdreg $0xC0  }
0xab: {  	_ =	task [dreg:s7], $0x5FFFF  }
0xac: {  	[dreg:$0x1] =	wrdreg $0xFFFFFFFF  }
0xad: {  	[dreg:$0x0] =	wrdreg $0x60  }
0xae: {  	[dreg:$0x2] =	wrdreg s24  }
0xaf: {  	[dreg:$0x3] =	wrdreg s2  }
0xb0: {  	[dreg:$0x4] =	wrdreg $0x93800  }
0xb1: {  	[dreg:$0x5] =	wrdreg $0x9  }
0xb2: {  	_ =	task.clear_ibuf [dreg:s7], $0x6FFFF;
	_ =	strace $0x9000004C  }
0xb3: {  	s29 =	simm.s32 $0x9;
	_ =	strace $0x8000004E  }
0xb4: {  	_ =	swait.ge [sflag:s29], $0x1  }
0xb5: {  	[sflag:s29] =	ssyncadd.s32 $0xFFFFFFFF  }
0xb6: {  	_ =	strace $0x9000004E  }
0xb7: {  	_ =	sfence  }
0xb8: {  	s30 =	sld [smem:$0x0];
	_ =	sdelay $0x2  }
0xb9: {  	s31 =	sshll.u32 s1, $0xD;
	s1 =	sshrl.u32 s1, $0x2  }
0xba: {  	s3 =	sand.u32 $0x4000, s31;
	s1 =	sadd.s32 s1, s30  }
0xbb: {  	s0 =	sor.u32 s3, s0;
	s1 =	sshll.u32 s1, $0x11  }
0xbc: {  	s0 =	sor.u32 s1, s0  }
0xbd: {  	s0 =	sadd.s32 $0x8F2B, s0  }
0xbe: {  	[sflag:s0] =	ssyncadd.remote.s32 $0x1  }
0xbf: {  	_ =	sfence.sel $0xFFFF  }
0xc0: {  	[dreg:$0x0] =	wrdreg $0xFFFFFFFF;
	(pc) =	sbr.abs _section_cstart, $3  }
0xc1: {  	[dreg:$0x1] =	wrdreg $0xFFFFFFFF  }
0xc2: {  	_ =	task.clear_ibuf [dreg:s7], $0x2FFFF;
	_ =	strace $0x9FFFFFFF  }
0xc3: {  	(tm) =	ssettm $0x7FFFFFFF  }
tec
execute0_lowered:
.L_overlay_start_1:
0x0: {  	(tag) =	ssettag $0x1  }
0x1: {  	s3 =	rddreg [dreg:$0x0]  }
0x2: {  	s1 =	rddreg [dreg:$0x1]  }
0x3: {  	s2 =	rddreg [dreg:$0x2]  }
0x4: {  	s4 =	simm.s32 $0x0;
	s0 =	srdreg.scid;
	s19 =	stileid.u32  }
0x5: {  	[smem:$0x7FF] =	sst s4;
	s8 =	smul.u32 $0x4E20, s19  }
0x6: {  	s0 =	sand.u32 $0x1, s0;
	s5 =	sadd.s32 $0x54400, s3;
	s10 =	smul.u32 $0x270, s19  }
0x7: {  	s11 =	sadd.s32 $0xEAA00, s3;
	s6 =	smul.u32 $0x4E200, s0;
	s7 =	ssub.s32 $0x2, s0  }
0x8: {  	_ =	strace $0x8000004D;
	s0 =	smul.u32 $0x2710, s0;
	s9 =	sshrl.u32 s7, $0x1  }
0x9: {  	s12 =	sadd.s32 $0xF0, s10;
	s13 =	sadd.s32 $0x140, s10;
	s14 =	sadd.s32 $0x190, s10  }
0xa: {  	s17 =	sadd.s32 $0x1E0, s10;
	s7 =	ssub.s32 s7, s9;
	s6 =	sadd.s32 s8, s6  }
0xb: {  	s8 =	sadd.s32 $0x50, s10;
	s9 =	sadd.s32 $0xA0, s10;
	s15 =	sadd.s32 s0, s10  }
0xc: {  	s10 =	sadd.s32 $0x230, s10;
	s26 =	sadd.s32 s0, s12;
	s18 =	sadd.s32 s0, s13  }
0xd: {  	s23 =	sshrl.u32 s0, $0x3;
	s16 =	sadd.s32 s0, s8;
	s15 =	sshll.u32 s15, $0x4  }
0xe: {  	s25 =	sadd.s32 s0, s9;
	s29 =	sshll.u32 s26, $0x4;
	s30 =	sshll.u32 s18, $0x4  }
0xf: {  	s18 =	sadd.s32 s0, s17;
	s20 =	sadd.s32 s0, s10;
	s26 =	smul.u32 $0x4E000, s19  }
0x10: {  	s8 =	sshll.u32 s8, $0x7;
	s16 =	sshll.u32 s16, $0x4;
	s15 =	sadd.s32 s11, s15  }
0x11: {  	s31 =	sadd.s32 s11, s30;
	s22 =	sshll.u32 s20, $0x4;
	[dreg:$0x4] =	wrdreg s15  }
0x12: {  	s24 =	sadd.s32 s11, s16;
	s15 =	sshll.u32 s25, $0x4;
	[dreg:$0x8] =	wrdreg s31  }
0x13: {  	s20 =	sshll.u32 s13, $0x7;
	[dreg:$0x5] =	wrdreg s24;
	s15 =	sadd.s32 s11, s15  }
0x14: {  	s16 =	sadd.s32 s0, s14;
	[dreg:$0x6] =	wrdreg s15;
	s15 =	sadd.s32 s11, s29  }
0x15: {  	s28 =	sadd.s32 s20, s2;
	[dreg:$0x7] =	wrdreg s15;
	s15 =	sshll.u32 s16, $0x4  }
0x16: {  	s21 =	sshll.u32 s18, $0x4;
	[dreg:$0x13] =	wrdreg s28;
	s15 =	sadd.s32 s11, s15  }
0x17: {  	s18 =	sshll.u32 s12, $0x7;
	[dreg:$0x9] =	wrdreg s15;
	s15 =	sadd.s32 s11, s21  }
0x18: {  	s12 =	simm.s32 $0x1000;
	s11 =	sadd.s32 s11, s22;
	[dreg:$0xa] =	wrdreg s15  }
0x19: {  	s16 =	sadd.s32 $0x9A000, s3;
	[dreg:$0xb] =	wrdreg s11;
	s11 =	sadd.s32 s23, s3  }
0x1a: {  	s15 =	sadd.s32 $0x6D400, s3;
	s3 =	sshrl.u32 s26, $0x2;
	s26 =	sadd.s32 s18, s2  }
0x1b: {  	s13 =	simm.s32 $0x50;
	s24 =	sadd.s32 $0xE9600, s11;
	[dreg:$0x12] =	wrdreg s26  }
0x1c: {  	s21 =	sshll.u32 s14, $0x7;
	s25 =	sadd.s32 $0xE9FC4, s11;
	[dreg:$0xc] =	wrdreg s24  }
0x1d: {  	s22 =	sshll.u32 s17, $0x7;
	s29 =	sadd.s32 $0xEA0BE, s11;
	[dreg:$0xd] =	wrdreg s25  }
0x1e: {  	s14 =	simm.s32 $0x6B80;
	s30 =	sadd.s32 $0xEA1B8, s11;
	[dreg:$0xe] =	wrdreg s29  }
0x1f: {  	s17 =	simm.s32 $0x1;
	s31 =	sadd.s32 $0xEA2B2, s11;
	[dreg:$0xf] =	wrdreg s30  }
0x20: {  	s18 =	simm.s32 $0x2;
	s11 =	sadd.s32 $0xEA3AC, s11;
	[dreg:$0x10] =	wrdreg s31  }
0x21: {  	s23 =	sadd.s32 s3, s2;
	s3 =	sadd.s32 s21, s2;
	[dreg:$0x11] =	wrdreg s11  }
0x22: {  	s24 =	sadd.s32 s8, s2;
	s11 =	sshll.u32 s9, $0x7;
	[dreg:$0x14] =	wrdreg s3  }
0x23: {  	s29 =	sshll.u32 s10, $0x7;
	s3 =	sadd.s32 s22, s2;
	s31 =	smax.u32 s7, $0x1  }
0x24: {  	s7 =	simm.s32 $0x1400;
	s8 =	simm.s32 $0x3;
	s9 =	simm.s32 $0x3B80  }
0x25: {  	s10 =	simm.s32 $0x4380;
	s25 =	sadd.s32 s11, s2;
	[dreg:$0x15] =	wrdreg s3  }
0x26: {  	s30 =	sadd.s32 s29, s2;
	[dreg:$0x17] =	wrdreg s31;
	s3 =	smul.u32 $0xC800, s19  }
0x27: {  	v1 =	vimm.f32 $0.0e+00;
	v0 =	vmov s0;
	s11 =	simm.s32 $0x800;
	s19 =	simm.s32 $0x0;
	[dreg:$0x16] =	wrdreg s30  }
.LBB2_1:
0x28: {  	s0 =	rddreg [dreg:$0xc]  }
0x29: {  	[tilespmem:s7], [sflag:$0x3] =	stream.linear.gather [hbm4b:s0+s4], $0x2710, $0x38;
	[tilespmem:$0x1CC00] =	vst v63  }
0x2a: {  	_ =	swait.ge [sflag:s8], $0x2710  }
0x2b: {  	[sflag:s8] =	ssyncset.done $0x0  }
0x2c: {  	s31 =	rddreg [dreg:$0xd];
	[sflag:s8] =	ssyncadd.s32 $0xFFFFD8F0  }
0x2d: {  	[tilespmem:s9], [sflag:$0x3] =	stream.linear.gather [hbm4b:s31+s4], $0x7D0, $0x38;
	[tilespmem:$0x1CC00] =	vst v63  }
0x2e: {  	_ =	swait.ge [sflag:s8], $0x7D0  }
0x2f: {  	[sflag:s8] =	ssyncset.done $0x0  }
0x30: {  	s0 =	simm.s32 $0x0;
	[sflag:s8] =	ssyncadd.s32 $0xFFFFF830  }
0x31: {  	s20 =	simm.s32 $0x40;
	v2 =	vld [tilespmem:s0+$0x3B80]  }
.LBB2_2:
0x32: {  	p0 =	sne.s32 s20, $0x1F00;
	v3 =	vld [tilespmem:s0+$0x1400];
	_ =	sdelay $0x2  }
.Ltmp0:
0x33: {  	(pc) =	sbr.rel @p0 .LBB2_2-.Ltmp0, $4  }
0x34: {  	_ = 	snop  }
0x35: {  	v3 =	vadd.f32 v2, v3  }
0x36: {  	s21 =	sshra.s32 s20, $0x2  }
0x37: {  	s20 =	sadd.s32 $0x40, s20;
	v2 =	vld [tilespmem:s21+$0x3B80];
	[tilespmem:s0+$0x1400] =	vst v3;
	s0 =	smov.u32 s21  }
0x38: {  	v3 =	vld [tilespmem:s0+$0x1400];
	_ =	sdelay $0x4  }
0x39: {  	v2 =	vadd.f32 v2, v3;
	_ =	sdelay $0x1  }
0x3a: {  	s31 =	simm.s32 $0x0;
	s20 =	rddreg [dreg:$0xe];
	[tilespmem:s0+$0x1400] =	vst v2  }
0x3b: {  	[tilespmem:s9], [sflag:$0x3] =	stream.linear.gather [hbm4b:s20+s31], $0x7D0, $0x38;
	[tilespmem:$0x1CC00] =	vst v63  }
0x3c: {  	_ =	swait.ge [sflag:s8], $0x7D0  }
0x3d: {  	[sflag:s8] =	ssyncset.done $0x0  }
0x3e: {  	s0 =	simm.s32 $0x0;
	[sflag:s8] =	ssyncadd.s32 $0xFFFFF830  }
0x3f: {  	s20 =	simm.s32 $0x40;
	v2 =	vld [tilespmem:s0+$0x3B80]  }
.LBB2_4:
0x40: {  	p0 =	sne.s32 s20, $0x1F00;
	v3 =	vld [tilespmem:s0+$0x1BD0];
	_ =	sdelay $0x2  }
.Ltmp1:
0x41: {  	(pc) =	sbr.rel @p0 .LBB2_4-.Ltmp1, $4  }
0x42: {  	_ = 	snop  }
0x43: {  	v3 =	vadd.f32 v2, v3  }
0x44: {  	s21 =	sshra.s32 s20, $0x2  }
0x45: {  	s20 =	sadd.s32 $0x40, s20;
	v2 =	vld [tilespmem:s21+$0x3B80];
	[tilespmem:s0+$0x1BD0] =	vst v3;
	s0 =	smov.u32 s21  }
0x46: {  	v3 =	vld [tilespmem:s0+$0x1BD0];
	_ =	sdelay $0x4  }
0x47: {  	v2 =	vadd.f32 v2, v3;
	_ =	sdelay $0x1  }
0x48: {  	s31 =	simm.s32 $0x0;
	s20 =	rddreg [dreg:$0xf];
	[tilespmem:s0+$0x1BD0] =	vst v2  }
0x49: {  	[tilespmem:s9], [sflag:$0x3] =	stream.linear.gather [hbm4b:s20+s31], $0x7D0, $0x38;
	[tilespmem:$0x1CC00] =	vst v63  }
0x4a: {  	_ =	swait.ge [sflag:s8], $0x7D0  }
0x4b: {  	[sflag:s8] =	ssyncset.done $0x0  }
0x4c: {  	s0 =	simm.s32 $0x0;
	[sflag:s8] =	ssyncadd.s32 $0xFFFFF830  }
0x4d: {  	s20 =	simm.s32 $0x40;
	v2 =	vld [tilespmem:s0+$0x3B80]  }
.LBB2_6:
0x4e: {  	p0 =	sne.s32 s20, $0x1F00;
	v3 =	vld [tilespmem:s0+$0x23A0];
	_ =	sdelay $0x2  }
.Ltmp2:
0x4f: {  	(pc) =	sbr.rel @p0 .LBB2_6-.Ltmp2, $4  }
0x50: {  	_ = 	snop  }
0x51: {  	v3 =	vadd.f32 v2, v3  }
0x52: {  	s21 =	sshra.s32 s20, $0x2  }
0x53: {  	s20 =	sadd.s32 $0x40, s20;
	v2 =	vld [tilespmem:s21+$0x3B80];
	[tilespmem:s0+$0x23A0] =	vst v3;
	s0 =	smov.u32 s21  }
0x54: {  	v3 =	vld [tilespmem:s0+$0x23A0];
	_ =	sdelay $0x4  }
0x55: {  	v2 =	vadd.f32 v2, v3;
	_ =	sdelay $0x1  }
0x56: {  	s31 =	simm.s32 $0x0;
	s20 =	rddreg [dreg:$0x10];
	[tilespmem:s0+$0x23A0] =	vst v2  }
0x57: {  	[tilespmem:s9], [sflag:$0x3] =	stream.linear.gather [hbm4b:s20+s31], $0x7D0, $0x38;
	[tilespmem:$0x1CC00] =	vst v63  }
0x58: {  	_ =	swait.ge [sflag:s8], $0x7D0  }
0x59: {  	[sflag:s8] =	ssyncset.done $0x0  }
0x5a: {  	s0 =	simm.s32 $0x0;
	[sflag:s8] =	ssyncadd.s32 $0xFFFFF830  }
0x5b: {  	s20 =	simm.s32 $0x40;
	v2 =	vld [tilespmem:s0+$0x3B80]  }
.LBB2_8:
0x5c: {  	p0 =	sne.s32 s20, $0x1F00;
	v3 =	vld [tilespmem:s0+$0x2B70];
	_ =	sdelay $0x2  }
.Ltmp3:
0x5d: {  	(pc) =	sbr.rel @p0 .LBB2_8-.Ltmp3, $4  }
0x5e: {  	_ = 	snop  }
0x5f: {  	v3 =	vadd.f32 v2, v3  }
0x60: {  	s21 =	sshra.s32 s20, $0x2  }
0x61: {  	s20 =	sadd.s32 $0x40, s20;
	v2 =	vld [tilespmem:s21+$0x3B80];
	[tilespmem:s0+$0x2B70] =	vst v3;
	s0 =	smov.u32 s21  }
0x62: {  	v3 =	vld [tilespmem:s0+$0x2B70];
	_ =	sdelay $0x4  }
0x63: {  	v2 =	vadd.f32 v2, v3;
	_ =	sdelay $0x1  }
0x64: {  	s31 =	simm.s32 $0x0;
	s20 =	rddreg [dreg:$0x11];
	[tilespmem:s0+$0x2B70] =	vst v2  }
0x65: {  	[tilespmem:s9], [sflag:$0x3] =	stream.linear.gather [hbm4b:s20+s31], $0x7D0, $0x38;
	[tilespmem:$0x1CC00] =	vst v63  }
0x66: {  	_ =	swait.ge [sflag:s8], $0x7D0  }
0x67: {  	[sflag:s8] =	ssyncset.done $0x0  }
0x68: {  	s0 =	simm.s32 $0x0;
	[sflag:s8] =	ssyncadd.s32 $0xFFFFF830  }
0x69: {  	s21 =	simm.s32 $0x40;
	s20 =	simm.s32 $0x0;
	v2 =	vld [tilespmem:s0+$0x3B80]  }
.LBB2_10:
0x6a: {  	p0 =	sne.s32 s21, $0x1F00;
	v3 =	vld [tilespmem:s20+$0x3340];
	_ =	sdelay $0x2  }
.Ltmp4:
0x6b: {  	(pc) =	sbr.rel @p0 .LBB2_10-.Ltmp4, $4  }
0x6c: {  	_ = 	snop  }
0x6d: {  	v3 =	vadd.f32 v2, v3  }
0x6e: {  	s22 =	sshra.s32 s21, $0x2  }
0x6f: {  	s21 =	sadd.s32 $0x40, s21;
	v2 =	vld [tilespmem:s22+$0x3B80];
	[tilespmem:s20+$0x3340] =	vst v3;
	s20 =	smov.u32 s22  }
0x70: {  	v3 =	vld [tilespmem:s20+$0x3340];
	_ =	sdelay $0x4  }
0x71: {  	v2 =	vadd.f32 v2, v3;
	_ =	sdelay $0x1  }
0x72: {  	[tilespmem:s20+$0x3340] =	vst v2;
	s20 =	simm.s32 $0x200  }
.LBB2_12:
0x73: {  	p0 =	sne.s32 s20, $0x9E00;
	[tilespmem:s0+$0x43F0] =	vst v1  }
0x74: {  	[tilespmem:s0+$0x4380] =	vst v1  }
0x75: {  	[tilespmem:s0+$0x4390] =	vst v1  }
.Ltmp5:
0x76: {  	[tilespmem:s0+$0x43A0] =	vst v1;
	(pc) =	sbr.rel @p0 .LBB2_12-.Ltmp5, $4  }
0x77: {  	[tilespmem:s0+$0x43B0] =	vst v1  }
0x78: {  	[tilespmem:s0+$0x43C0] =	vst v1  }
0x79: {  	[tilespmem:s0+$0x43D0] =	vst v1  }
0x7a: {  	[tilespmem:s0+$0x43E0] =	vst v1;
	s0 =	sshra.s32 s20, $0x2;
	s20 =	sadd.s32 $0x200, s20  }
0x7b: {  	[tilespmem:s0+$0x43F0] =	vst v1  }
0x7c: {  	[tilespmem:s0+$0x4380] =	vst v1  }
0x7d: {  	[tilespmem:s0+$0x4390] =	vst v1  }
0x7e: {  	[tilespmem:s0+$0x43A0] =	vst v1  }
0x7f: {  	[tilespmem:s0+$0x43B0] =	vst v1  }
0x80: {  	[tilespmem:s0+$0x43C0] =	vst v1  }
0x81: {  	[tilespmem:s0+$0x43D0] =	vst v1  }
0x82: {  	[tilespmem:s0+$0x43E0] =	vst v1  }
0x83: {  	[spmem:s23] =	stream.linear.scatter [tilespmem:s10], [sflag:$0x3], $0x2800, $0x38;
	[tilespmem:$0x1CC00] =	vst v63  }
0x84: {  	_ =	swait.ge [sflag:s8], $0x2800  }
0x85: {  	[sflag:s8] =	ssyncset.done $0x0  }
0x86: {  	[sflag:s8] =	ssyncadd.s32 $0xFFFFD800  }
0x87: {  	[spmem:s24] =	stream.linear.scatter [tilespmem:s10], [sflag:$0x3], $0x2800, $0x38;
	[tilespmem:$0x1CC00] =	vst v63  }
0x88: {  	_ =	swait.ge [sflag:s8], $0x2800  }
0x89: {  	[sflag:s8] =	ssyncset.done $0x0  }
0x8a: {  	[sflag:s8] =	ssyncadd.s32 $0xFFFFD800  }
0x8b: {  	[spmem:s25] =	stream.linear.scatter [tilespmem:s10], [sflag:$0x3], $0x2800, $0x38;
	[tilespmem:$0x1CC00] =	vst v63  }
0x8c: {  	_ =	swait.ge [sflag:s8], $0x2800  }
0x8d: {  	[sflag:s8] =	ssyncset.done $0x0  }
0x8e: {  	[sflag:s8] =	ssyncadd.s32 $0xFFFFD800  }
0x8f: {  	[spmem:s26] =	stream.linear.scatter [tilespmem:s10], [sflag:$0x3], $0x2800, $0x38;
	[tilespmem:$0x1CC00] =	vst v63  }
0x90: {  	_ =	swait.ge [sflag:s8], $0x2800  }
0x91: {  	[sflag:s8] =	ssyncset.done $0x0  }
0x92: {  	[sflag:s8] =	ssyncadd.s32 $0xFFFFD800  }
0x93: {  	[spmem:s28] =	stream.linear.scatter [tilespmem:s10], [sflag:$0x3], $0x2800, $0x38;
	[tilespmem:$0x1CC00] =	vst v63  }
0x94: {  	_ =	swait.ge [sflag:s8], $0x2800  }
0x95: {  	[sflag:s8] =	ssyncset.done $0x0  }
0x96: {  	s31 =	smov.u32 s25;
	s25 =	rddreg [dreg:$0x14];
	[sflag:s8] =	ssyncadd.s32 $0xFFFFD800  }
0x97: {  	[spmem:s25] =	stream.linear.scatter [tilespmem:s10], [sflag:$0x3], $0x2800, $0x38;
	[tilespmem:$0x1CC00] =	vst v63  }
0x98: {  	_ =	swait.ge [sflag:s8], $0x2800  }
0x99: {  	[sflag:s8] =	ssyncset.done $0x0  }
0x9a: {  	s26 =	rddreg [dreg:$0x15];
	[sflag:s8] =	ssyncadd.s32 $0xFFFFD800  }
0x9b: {  	[spmem:s26] =	stream.linear.scatter [tilespmem:s10], [sflag:$0x3], $0x2800, $0x38;
	[tilespmem:$0x1CC00] =	vst v63  }
0x9c: {  	_ =	swait.ge [sflag:s8], $0x2800  }
0x9d: {  	[sflag:s8] =	ssyncset.done $0x0  }
0x9e: {  	s28 =	rddreg [dreg:$0x16];
	[sflag:s8] =	ssyncadd.s32 $0xFFFFD800  }
0x9f: {  	[spmem:s28] =	stream.linear.scatter [tilespmem:s10], [sflag:$0x3], $0x2800, $0x38;
	[tilespmem:$0x1CC00] =	vst v63  }
0xa0: {  	_ =	swait.ge [sflag:s8], $0x2800  }
0xa1: {  	[sflag:s8] =	ssyncset.done $0x0  }
0xa2: {  	s29 =	smov.u32 s23;
	s30 =	smov.u32 s24;
	[sflag:s8] =	ssyncadd.s32 $0xFFFFD800  }
0xa3: {  	s20 =	simm.s32 $0x0;
	s21 =	simm.s32 $0x0;
	[bflag:$0x0] =	sbarrier.arrive $0xFFFF  }
.LBB2_14:
0xa4: {  	s0 =	sshll.u32 s21, $0xB  }
0xa5: {  	s0 =	sadd.s32 s3, s0  }
0xa6: {  	s0 =	sshrl.u32 s0, $0x3  }
0xa7: {  	s22 =	sadd.s32 s5, s0  }
0xa8: {  	[tilespmem:s20], [sflag:$0x3] =	stream.linear.gather [hbm4b:s22+s20], $0x500, $0x38;
	[tilespmem:$0x1CC00] =	vst v63  }
0xa9: {  	_ =	swait.ge [sflag:s8], $0x500  }
0xaa: {  	s25 =	smul.u32 $0x320, s21;
	[sflag:s8] =	ssyncset.done $0x0  }
0xab: {  	s0 =	sadd.s32 s15, s0;
	s22 =	smul.u32 $0xCD, s20;
	[sflag:s8] =	ssyncadd.s32 $0xFFFFFB00  }
0xac: {  	[tilespmem:s11], [sflag:$0x3] =	stream.linear.gather [hbm4b:s0+s20], $0x500, $0x38;
	[tilespmem:$0x1CC00] =	vst v63  }
0xad: {  	s26 =	sadd.s32 s25, s6;
	s23 =	sshrl.u32 s22, $0xA;
	_ =	swait.ge [sflag:s8], $0x500  }
0xae: {  	s23 =	sand.u32 $0x3F, s23;
	s0 =	sshrl.u32 s26, $0x3;
	[sflag:s8] =	ssyncset.done $0x0  }
0xaf: {  	s24 =	smul.u32 $0x5, s23;
	s0 =	sadd.s32 s1, s0;
	[sflag:s8] =	ssyncadd.s32 $0xFFFFFB00  }
0xb0: {  	[tilespmem:s12], [sflag:$0x3] =	stream.linear.gather [hbm4b:s0+s20], $0x320, $0x38;
	[tilespmem:$0x1CC00] =	vst v63  }
0xb1: {  	s28 =	simm.s32 $0x1;
	s22 =	sshrl.u32 s22, $0x3;
	s0 =	ssub.s32 $0x0, s24  }
0xb2: {  	s26 =	smul.u32 $0xCD, s28;
	_ =	swait.ge [sflag:s8], $0x320;
	s24 =	sand.u32 $0xFF, s0  }
0xb3: {  	s22 =	sand.u32 $0x1F80, s22;
	[sflag:s8] =	ssyncset.done $0x0;
	s28 =	sshll.u32 s24, $0x4  }
0xb4: {  	s25 =	sshrl.u32 s26, $0xA;
	[sflag:s8] =	ssyncadd.s32 $0xFFFFFCE0;
	s22 =	sor.u32 s28, s22  }
0xb5: {  	s23 =	sand.u32 $0x3F, s25;
	v2 =	vld [tilespmem:s22+$0x0]  }
0xb6: {  	s25 =	smul.u32 $0x5, s23;
	_ =	sdelay $0x1  }
0xb7: {  	s26 =	sshrl.u32 s26, $0x3;
	s0 =	simm.s32 $0x2;
	s25 =	ssub.s32 $0x1, s25  }
0xb8: {  	s23 =	smul.u32 $0xCD, s0;
	s24 =	simm.s32 $0x3;
	s25 =	sand.u32 $0xFF, s25  }
.LBB2_15:
0xb9: {  	p0 =	sne.s32 s24, $0x31;
	s26 =	sand.u32 $0x1F80, s26;
	s25 =	sshll.u32 s25, $0x4;
	v2 =	vadd.s32 v0, v2  }
0xba: {  	s28 =	sshrl.u32 s23, $0xA;
	[tilespmem:s22+$0x0] =	vst v2;
	s22 =	sor.u32 s25, s26;
	s26 =	smov.u32 s23  }
.Ltmp6:
0xbb: {  	s23 =	sand.u32 $0x3F, s28;
	v2 =	vld [tilespmem:s22+$0x0];
	(pc) =	sbr.rel @p0 .LBB2_15-.Ltmp6, $3  }
0xbc: {  	s25 =	smul.u32 $0x5, s23;
	_ =	sdelay $0x1  }
0xbd: {  	s23 =	smul.u32 $0xCD, s24;
	s25 =	ssub.s32 s0, s25;
	s0 =	smov.u32 s24  }
0xbe: {  	s26 =	sshrl.u32 s26, $0x3;
	s24 =	sadd.s32 $0x1, s24;
	s25 =	sand.u32 $0xFF, s25  }
0xbf: {  	s24 =	sand.u32 $0x1F80, s26;
	s25 =	sshll.u32 s25, $0x4;
	v2 =	vadd.s32 v0, v2  }
0xc0: {  	s28 =	sshrl.u32 s23, $0xA;
	s24 =	sor.u32 s25, s24;
	[tilespmem:s22+$0x0] =	vst v2  }
0xc1: {  	s26 =	sand.u32 $0x3F, s28;
	v2 =	vld [tilespmem:s24+$0x0]  }
0xc2: {  	s22 =	smul.u32 $0x5, s26;
	_ =	sdelay $0x1  }
0xc3: {  	s0 =	ssub.s32 s0, s22  }
0xc4: {  	s28 =	sshrl.u32 s23, $0x3;
	s0 =	sand.u32 $0xFF, s0  }
0xc5: {  	s22 =	sand.u32 $0x1F80, s28;
	s0 =	sshll.u32 s0, $0x4;
	v2 =	vadd.s32 v0, v2  }
0xc6: {  	s0 =	sor.u32 s0, s22;
	[tilespmem:s24+$0x0] =	vst v2  }
0xc7: {  	v2 =	vld [tilespmem:s0+$0x0];
	_ =	sdelay $0x4  }
0xc8: {  	v2 =	vadd.s32 v0, v2  }
0xc9: {  	s22 =	simm.s32 $0x0;
	[tilespmem:s0+$0x0] =	vst v2  }
0xca: {  	[tilespmem:s10], [sflag:$0x1] =	stream.indirect.gather [hbm4b:s16+s13], $0x80, s22, s13, $0xb8;
	[tilespmem:$0x1CC00] =	vst v63  }
.LBB2_17:
0xcb: {  	s23 =	sshllo.u32 s22, $0x1  }
0xcc: {  	s0 =	sshll.u32 s23, $0x7  }
0xcd: {  	[tilespmem:s14], [sflag:$0x2] =	stream.indirect.gather [hbm4b:s16+s13], $0x80, s0, s13, $0xb8;
	[tilespmem:$0x1CC00] =	vst v63  }
0xce: {  	_ =	swait.ge [sflag:s17], $0x2800  }
0xcf: {  	s24 =	sshll.u32 s22, $0xA;
	[sflag:s17] =	ssyncset.done $0x0  }
0xd0: {  	s25 =	sshrl.u32 s24, $0x2;
	[sflag:s17] =	ssyncadd.s32 $0xFFFFD800  }
0xd1: {  	v2 =	vld [tilespmem:s25+$0x800];
	_ =	sdelay $0x7  }
0xd2: {  	v2 =	vld.idx.msk [tilespmem:v2+s7+$0x0], $0xffff;
	_ =	sdelay $0x4  }
0xd3: {  	v2 =	vadd.f32 $9.999999710e-10, v2;
	_ =	sdelay $0x1  }
0xd4: {  	(erf) = vrcp.f32 v2;
	_ =	sdelay $0x1  }
0xd5: {  	s26 =	smul.u32 $0x280, s22;
	_ =	sdelay $0x1  }
0xd6: {  	s26 =	sshra.s32 s26, $0x2  }
0xd7: {  	v2 =	vld [tilespmem:s26+$0x1000];
	_ =	sdelay $0x3  }
0xd8: {  	v3 =	vpop (erf)  }
0xd9: {  	v2 =	vmul.f32 v3, v2;
	_ =	sdelay $0x1  }
0xda: {  	[tilespmem:$0x1380] =	vst v2  }
0xdb: {  	v2 =	vld [tilespmem:s25+$0x810];
	_ =	sdelay $0x7  }
0xdc: {  	v2 =	vld.idx.msk [tilespmem:v2+s7+$0x0], $0xffff;
	_ =	sdelay $0x4  }
0xdd: {  	v2 =	vadd.f32 $9.999999710e-10, v2;
	_ =	sdelay $0x1  }
0xde: {  	(erf) = vrcp.f32 v2;
	_ =	sdelay $0x4  }
0xdf: {  	v2 =	vld [tilespmem:s26+$0x1010];
	_ =	sdelay $0x3  }
0xe0: {  	v3 =	vpop (erf)  }
0xe1: {  	v2 =	vmul.f32 v3, v2;
	_ =	sdelay $0x1  }
0xe2: {  	[tilespmem:$0x1390] =	vst v2  }
0xe3: {  	v2 =	vld [tilespmem:s25+$0x820];
	_ =	sdelay $0x7  }
0xe4: {  	v2 =	vld.idx.msk [tilespmem:v2+s7+$0x0], $0xffff;
	_ =	sdelay $0x4  }
0xe5: {  	v2 =	vadd.f32 $9.999999710e-10, v2;
	_ =	sdelay $0x1  }
0xe6: {  	(erf) = vrcp.f32 v2;
	_ =	sdelay $0x4  }
0xe7: {  	v2 =	vld [tilespmem:s26+$0x1020];
	_ =	sdelay $0x3  }
0xe8: {  	v3 =	vpop (erf)  }
0xe9: {  	v2 =	vmul.f32 v3, v2;
	_ =	sdelay $0x1  }
0xea: {  	[tilespmem:$0x13A0] =	vst v2  }
0xeb: {  	v2 =	vld [tilespmem:s25+$0x830];
	_ =	sdelay $0x7  }
0xec: {  	v2 =	vld.idx.msk [tilespmem:v2+s7+$0x0], $0xffff;
	_ =	sdelay $0x4  }
0xed: {  	v2 =	vadd.f32 $9.999999710e-10, v2;
	_ =	sdelay $0x1  }
0xee: {  	(erf) = vrcp.f32 v2;
	_ =	sdelay $0x4  }
0xef: {  	v2 =	vld [tilespmem:s26+$0x1030];
	_ =	sdelay $0x3  }
0xf0: {  	v3 =	vpop (erf)  }
0xf1: {  	v2 =	vmul.f32 v3, v2;
	_ =	sdelay $0x1  }
0xf2: {  	[tilespmem:$0x13B0] =	vst v2  }
0xf3: {  	v2 =	vld [tilespmem:s25+$0x840];
	_ =	sdelay $0x7  }
0xf4: {  	v2 =	vld.idx.msk [tilespmem:v2+s7+$0x0], $0xffff;
	_ =	sdelay $0x4  }
0xf5: {  	v2 =	vadd.f32 $9.999999710e-10, v2;
	_ =	sdelay $0x1  }
0xf6: {  	(erf) = vrcp.f32 v2;
	_ =	sdelay $0x4  }
0xf7: {  	v2 =	vld [tilespmem:s26+$0x1040];
	_ =	sdelay $0x3  }
0xf8: {  	v3 =	vpop (erf)  }
0xf9: {  	v2 =	vmul.f32 v3, v2;
	_ =	sdelay $0x1  }
0xfa: {  	s25 =	sadd.s32 $0x800, s25;
	s26 =	simm.s32 $0x0;
	[tilespmem:$0x13C0] =	vst v2  }
.LBB2_18:
0xfb: {  	s28 =	sshll.u32 s26, $0x4  }
0xfc: {  	s28 =	sand.u32 $0x3FFFFFF0, s28  }
0xfd: {  	v2 =	vld [tilespmem:s28+$0x1380];
	s28 =	sshll.u32 s26, $0xB  }
0xfe: {  	s28 =	sand.u32 $0x3FFFF800, s28  }
0xff: {  	v3 =	vld [tilespmem:s28+$0x4380]  }
0x100: {  	v4 =	vld [tilespmem:s28+$0x4390]  }
0x101: {  	v5 =	vld [tilespmem:s28+$0x43A0]  }
0x102: {  	v7 =	vld [tilespmem:s28+$0x43B0];
	v6 =	vbroadcast v2, $0x0  }
0x103: {  	v8 =	vld [tilespmem:s28+$0x43C0]  }
0x104: {  	v9 =	vld [tilespmem:s28+$0x43D0];
	v3 =	vmul.f32 v6, v3  }
0x105: {  	v10 =	vld [tilespmem:s28+$0x43E0];
	v4 =	vmul.f32 v4, v6  }
0x106: {  	v24 =	vld [tilespmem:s28+$0x43F0];
	[tilespmem:s28+$0x4380] =	vst v3;
	v3 =	vmul.f32 v5, v6  }
0x107: {  	v26 =	vld [tilespmem:s28+$0x4400];
	v25 =	vmul.f32 v7, v6;
	[tilespmem:s28+$0x4390] =	vst v4  }
0x108: {  	v27 =	vld [tilespmem:s28+$0x4410];
	[tilespmem:s28+$0x43A0] =	vst v3;
	v3 =	vmul.f32 v8, v6  }
0x109: {  	v29 =	vld [tilespmem:s28+$0x4420];
	v28 =	vmul.f32 v9, v6;
	[tilespmem:s28+$0x43B0] =	vst v25  }
0x10a: {  	v11 =	vld [tilespmem:s28+$0x4430];
	v30 =	vbroadcast v2, $0x1;
	[tilespmem:s28+$0x43C0] =	vst v3;
	v3 =	vmul.f32 v10, v6  }
0x10b: {  	v32 =	vld [tilespmem:s28+$0x4440];
	v31 =	vmul.f32 v24, v6;
	[tilespmem:s28+$0x43D0] =	vst v28  }
0x10c: {  	v33 =	vld [tilespmem:s28+$0x4450];
	[tilespmem:s28+$0x43E0] =	vst v3;
	v3 =	vmul.f32 v26, v30  }
0x10d: {  	v35 =	vld [tilespmem:s28+$0x4460];
	v34 =	vmul.f32 v27, v30;
	[tilespmem:s28+$0x43F0] =	vst v31  }
0x10e: {  	v36 =	vld [tilespmem:s28+$0x4470];
	[tilespmem:s28+$0x4400] =	vst v3;
	v3 =	vmul.f32 v29, v30  }
0x10f: {  	v38 =	vld [tilespmem:s28+$0x4480];
	v37 =	vmul.f32 v11, v30;
	[tilespmem:s28+$0x4410] =	vst v34  }
0x110: {  	v39 =	vld [tilespmem:s28+$0x4490];
	[tilespmem:s28+$0x4420] =	vst v3;
	v3 =	vmul.f32 v32, v30  }
0x111: {  	v41 =	vld [tilespmem:s28+$0x44A0];
	v40 =	vmul.f32 v33, v30;
	[tilespmem:s28+$0x4430] =	vst v37  }
0x112: {  	v43 =	vld [tilespmem:s28+$0x44B0];
	v42 =	vbroadcast v2, $0x2;
	[tilespmem:s28+$0x4440] =	vst v3;
	v3 =	vmul.f32 v35, v30  }
0x113: {  	v45 =	vld [tilespmem:s28+$0x44C0];
	v44 =	vmul.f32 v36, v30;
	[tilespmem:s28+$0x4450] =	vst v40  }
0x114: {  	v46 =	vld [tilespmem:s28+$0x44D0];
	[tilespmem:s28+$0x4460] =	vst v3;
	v3 =	vmul.f32 v38, v42  }
0x115: {  	v48 =	vld [tilespmem:s28+$0x44E0];
	v47 =	vmul.f32 v39, v42;
	[tilespmem:s28+$0x4470] =	vst v44  }
0x116: {  	v49 =	vld [tilespmem:s28+$0x44F0];
	[tilespmem:s28+$0x4480] =	vst v3;
	v3 =	vmul.f32 v41, v42  }
0x117: {  	v51 =	vld [tilespmem:s28+$0x4500];
	v50 =	vmul.f32 v43, v42;
	[tilespmem:s28+$0x4490] =	vst v47  }
0x118: {  	v52 =	vld [tilespmem:s28+$0x4510];
	[tilespmem:s28+$0x44A0] =	vst v3;
	v3 =	vmul.f32 v45, v42  }
0x119: {  	v54 =	vld [tilespmem:s28+$0x4520];
	v53 =	vmul.f32 v46, v42;
	[tilespmem:s28+$0x44B0] =	vst v50  }
0x11a: {  	v56 =	vld [tilespmem:s28+$0x4530];
	v55 =	vbroadcast v2, $0x3;
	[tilespmem:s28+$0x44C0] =	vst v3;
	v3 =	vmul.f32 v48, v42  }
0x11b: {  	v58 =	vld [tilespmem:s28+$0x4540];
	v57 =	vmul.f32 v49, v42;
	[tilespmem:s28+$0x44D0] =	vst v53  }
0x11c: {  	v59 =	vld [tilespmem:s28+$0x4550];
	[tilespmem:s28+$0x44E0] =	vst v3;
	v3 =	vmul.f32 v51, v55  }
0x11d: {  	v61 =	vld [tilespmem:s28+$0x4560];
	v60 =	vmul.f32 v52, v55;
	[tilespmem:s28+$0x44F0] =	vst v57  }
0x11e: {  	v62 =	vld [tilespmem:s28+$0x4570];
	[tilespmem:s28+$0x4500] =	vst v3;
	v3 =	vmul.f32 v54, v55  }
0x11f: {  	v12 =	vld [tilespmem:s28+$0x4580];
	v63 =	vmul.f32 v56, v55;
	[tilespmem:s28+$0x4510] =	vst v60  }
0x120: {  	v13 =	vld [tilespmem:s28+$0x4590];
	[tilespmem:s28+$0x4520] =	vst v3;
	v3 =	vmul.f32 v58, v55  }
0x121: {  	v15 =	vld [tilespmem:s28+$0x45A0];
	v14 =	vmul.f32 v59, v55;
	[tilespmem:s28+$0x4530] =	vst v63  }
0x122: {  	v17 =	vld [tilespmem:s28+$0x45B0];
	v16 =	vbroadcast v2, $0x4;
	[tilespmem:s28+$0x4540] =	vst v3;
	v3 =	vmul.f32 v61, v55  }
0x123: {  	v19 =	vld [tilespmem:s28+$0x45C0];
	v18 =	vmul.f32 v62, v55;
	[tilespmem:s28+$0x4550] =	vst v14  }
0x124: {  	v20 =	vld [tilespmem:s28+$0x45D0];
	[tilespmem:s28+$0x4560] =	vst v3;
	v3 =	vmul.f32 v12, v16  }
0x125: {  	v22 =	vld [tilespmem:s28+$0x45E0];
	v21 =	vmul.f32 v13, v16;
	[tilespmem:s28+$0x4570] =	vst v18  }
0x126: {  	v23 =	vld [tilespmem:s28+$0x45F0];
	[tilespmem:s28+$0x4580] =	vst v3;
	v3 =	vmul.f32 v15, v16  }
0x127: {  	v24 =	vmul.f32 v17, v16;
	[tilespmem:s28+$0x4590] =	vst v21;
	v25 =	vld [tilespmem:s28+$0x4600]  }
0x128: {  	v33 =	vld [tilespmem:s28+$0x4650];
	[tilespmem:s28+$0x45A0] =	vst v3;
	v3 =	vmul.f32 v19, v16  }
0x129: {  	v27 =	vmul.f32 v20, v16;
	[tilespmem:s28+$0x45B0] =	vst v24;
	v28 =	vld [tilespmem:s28+$0x4620]  }
0x12a: {  	v36 =	vld [tilespmem:s28+$0x4670];
	v29 =	vbroadcast v2, $0x5;
	[tilespmem:s28+$0x45C0] =	vst v3;
	v3 =	vmul.f32 v22, v16  }
0x12b: {  	[tilespmem:s28+$0x45D0] =	vst v27;
	v31 =	vmul.f32 v23, v16;
	v32 =	vld [tilespmem:s28+$0x4640]  }
0x12c: {  	v26 =	vld [tilespmem:s28+$0x4610];
	[tilespmem:s28+$0x45E0] =	vst v3;
	v3 =	vmul.f32 v25, v29  }
0x12d: {  	[tilespmem:s28+$0x45F0] =	vst v31;
	v40 =	vmul.f32 v33, v29;
	v35 =	vld [tilespmem:s28+$0x4660]  }
0x12e: {  	v30 =	vld [tilespmem:s28+$0x4630];
	[tilespmem:s28+$0x4600] =	vst v3;
	v3 =	vmul.f32 v28, v29  }
0x12f: {  	v44 =	vmul.f32 v36, v29;
	[tilespmem:s28+$0x4650] =	vst v40;
	v38 =	vld [tilespmem:s28+$0x4680]  }
0x130: {  	v39 =	vld [tilespmem:s28+$0x4690];
	[tilespmem:s28+$0x4620] =	vst v3;
	v3 =	vmul.f32 v32, v29  }
0x131: {  	v34 =	vmul.f32 v26, v29;
	[tilespmem:s28+$0x4670] =	vst v44;
	v41 =	vld [tilespmem:s28+$0x46A0]  }
0x132: {  	v43 =	vld [tilespmem:s28+$0x46B0];
	v42 =	vbroadcast v2, $0x6;
	[tilespmem:s28+$0x4640] =	vst v3;
	v3 =	vmul.f32 v35, v29  }
0x133: {  	[tilespmem:s28+$0x4610] =	vst v34;
	v37 =	vmul.f32 v30, v29;
	v45 =	vld [tilespmem:s28+$0x46C0]  }
0x134: {  	v46 =	vld [tilespmem:s28+$0x46D0];
	[tilespmem:s28+$0x4660] =	vst v3;
	v3 =	vmul.f32 v38, v42  }
0x135: {  	[tilespmem:s28+$0x4630] =	vst v37;
	v48 =	vld [tilespmem:s28+$0x46E0];
	v47 =	vmul.f32 v39, v42  }
0x136: {  	v49 =	vld [tilespmem:s28+$0x46F0];
	[tilespmem:s28+$0x4680] =	vst v3;
	v3 =	vmul.f32 v41, v42  }
0x137: {  	v50 =	vmul.f32 v43, v42;
	v51 =	vld [tilespmem:s28+$0x4700];
	[tilespmem:s28+$0x4690] =	vst v47  }
0x138: {  	v52 =	vld [tilespmem:s28+$0x4710];
	[tilespmem:s28+$0x46A0] =	vst v3;
	v3 =	vmul.f32 v45, v42  }
0x139: {  	v53 =	vmul.f32 v46, v42;
	[tilespmem:s28+$0x46B0] =	vst v50;
	v54 =	vld [tilespmem:s28+$0x4720]  }
0x13a: {  	v56 =	vld [tilespmem:s28+$0x4730];
	v55 =	vbroadcast v2, $0x7;
	[tilespmem:s28+$0x46C0] =	vst v3;
	v3 =	vmul.f32 v48, v42  }
0x13b: {  	v57 =	vmul.f32 v49, v42;
	[tilespmem:s28+$0x46D0] =	vst v53;
	v58 =	vld [tilespmem:s28+$0x4740]  }
0x13c: {  	v59 =	vld [tilespmem:s28+$0x4750];
	[tilespmem:s28+$0x46E0] =	vst v3;
	v3 =	vmul.f32 v51, v55  }
0x13d: {  	[tilespmem:s28+$0x46F0] =	vst v57;
	v61 =	vld [tilespmem:s28+$0x4760];
	v60 =	vmul.f32 v52, v55  }
0x13e: {  	v62 =	vld [tilespmem:s28+$0x4770];
	[tilespmem:s28+$0x4700] =	vst v3;
	v3 =	vmul.f32 v54, v55  }
0x13f: {  	v63 =	vmul.f32 v56, v55;
	v12 =	vld [tilespmem:s28+$0x4780];
	[tilespmem:s28+$0x4710] =	vst v60  }
0x140: {  	v13 =	vld [tilespmem:s28+$0x4790];
	[tilespmem:s28+$0x4720] =	vst v3;
	v3 =	vmul.f32 v58, v55  }
0x141: {  	v14 =	vmul.f32 v59, v55;
	[tilespmem:s28+$0x4730] =	vst v63;
	v15 =	vld [tilespmem:s28+$0x47A0]  }
0x142: {  	v17 =	vld [tilespmem:s28+$0x47B0];
	v16 =	vbroadcast v2, $0x8;
	[tilespmem:s28+$0x4740] =	vst v3;
	v3 =	vmul.f32 v61, v55  }
0x143: {  	v18 =	vmul.f32 v62, v55;
	[tilespmem:s28+$0x4750] =	vst v14;
	v19 =	vld [tilespmem:s28+$0x47C0]  }
0x144: {  	v20 =	vld [tilespmem:s28+$0x47D0];
	[tilespmem:s28+$0x4760] =	vst v3;
	v3 =	vmul.f32 v12, v16  }
0x145: {  	[tilespmem:s28+$0x4770] =	vst v18;
	v22 =	vld [tilespmem:s28+$0x47E0];
	v21 =	vmul.f32 v13, v16  }
0x146: {  	v23 =	vld [tilespmem:s28+$0x47F0];
	[tilespmem:s28+$0x4780] =	vst v3;
	v3 =	vmul.f32 v15, v16  }
0x147: {  	v24 =	vmul.f32 v17, v16;
	v25 =	vld [tilespmem:s28+$0x4800];
	[tilespmem:s28+$0x4790] =	vst v21  }
0x148: {  	v26 =	vld [tilespmem:s28+$0x4810];
	[tilespmem:s28+$0x47A0] =	vst v3;
	v3 =	vmul.f32 v19, v16  }
0x149: {  	v27 =	vmul.f32 v20, v16;
	[tilespmem:s28+$0x47B0] =	vst v24;
	v28 =	vld [tilespmem:s28+$0x4820]  }
0x14a: {  	v30 =	vld [tilespmem:s28+$0x4830];
	v29 =	vbroadcast v2, $0x9;
	[tilespmem:s28+$0x47C0] =	vst v3;
	v3 =	vmul.f32 v22, v16  }
0x14b: {  	v31 =	vmul.f32 v23, v16;
	[tilespmem:s28+$0x47D0] =	vst v27;
	v32 =	vld [tilespmem:s28+$0x4840]  }
0x14c: {  	v33 =	vld [tilespmem:s28+$0x4850];
	[tilespmem:s28+$0x47E0] =	vst v3;
	v3 =	vmul.f32 v25, v29  }
0x14d: {  	[tilespmem:s28+$0x47F0] =	vst v31;
	v35 =	vld [tilespmem:s28+$0x4860];
	v34 =	vmul.f32 v26, v29  }
0x14e: {  	v36 =	vld [tilespmem:s28+$0x4870];
	[tilespmem:s28+$0x4800] =	vst v3;
	v3 =	vmul.f32 v28, v29  }
0x14f: {  	v37 =	vmul.f32 v30, v29;
	v38 =	vld [tilespmem:s28+$0x4880];
	[tilespmem:s28+$0x4810] =	vst v34  }
0x150: {  	v39 =	vld [tilespmem:s28+$0x4890];
	[tilespmem:s28+$0x4820] =	vst v3;
	v3 =	vmul.f32 v32, v29  }
0x151: {  	v40 =	vmul.f32 v33, v29;
	[tilespmem:s28+$0x4830] =	vst v37;
	v41 =	vld [tilespmem:s28+$0x48A0]  }
0x152: {  	v43 =	vld [tilespmem:s28+$0x48B0];
	v42 =	vbroadcast v2, $0xA;
	[tilespmem:s28+$0x4840] =	vst v3;
	v3 =	vmul.f32 v35, v29  }
0x153: {  	v44 =	vmul.f32 v36, v29;
	[tilespmem:s28+$0x4850] =	vst v40;
	v45 =	vld [tilespmem:s28+$0x48C0]  }
0x154: {  	v46 =	vld [tilespmem:s28+$0x48D0];
	[tilespmem:s28+$0x4860] =	vst v3;
	v3 =	vmul.f32 v38, v42  }
0x155: {  	[tilespmem:s28+$0x4870] =	vst v44;
	v48 =	vld [tilespmem:s28+$0x48E0];
	v47 =	vmul.f32 v39, v42  }
0x156: {  	v49 =	vld [tilespmem:s28+$0x48F0];
	[tilespmem:s28+$0x4880] =	vst v3;
	v3 =	vmul.f32 v41, v42  }
0x157: {  	v50 =	vmul.f32 v43, v42;
	v51 =	vld [tilespmem:s28+$0x4900];
	[tilespmem:s28+$0x4890] =	vst v47  }
0x158: {  	v52 =	vld [tilespmem:s28+$0x4910];
	[tilespmem:s28+$0x48A0] =	vst v3;
	v3 =	vmul.f32 v45, v42  }
0x159: {  	v53 =	vmul.f32 v46, v42;
	[tilespmem:s28+$0x48B0] =	vst v50;
	v54 =	vld [tilespmem:s28+$0x4920]  }
0x15a: {  	v56 =	vld [tilespmem:s28+$0x4930];
	v55 =	vbroadcast v2, $0xB;
	[tilespmem:s28+$0x48C0] =	vst v3;
	v3 =	vmul.f32 v48, v42  }
0x15b: {  	v57 =	vmul.f32 v49, v42;
	[tilespmem:s28+$0x48D0] =	vst v53;
	v58 =	vld [tilespmem:s28+$0x4940]  }
0x15c: {  	v59 =	vld [tilespmem:s28+$0x4950];
	[tilespmem:s28+$0x48E0] =	vst v3;
	v3 =	vmul.f32 v51, v55  }
0x15d: {  	[tilespmem:s28+$0x48F0] =	vst v57;
	v61 =	vld [tilespmem:s28+$0x4960];
	v60 =	vmul.f32 v52, v55  }
0x15e: {  	v62 =	vld [tilespmem:s28+$0x4970];
	[tilespmem:s28+$0x4900] =	vst v3;
	v3 =	vmul.f32 v54, v55  }
0x15f: {  	v63 =	vmul.f32 v56, v55;
	v12 =	vld [tilespmem:s28+$0x4980];
	[tilespmem:s28+$0x4910] =	vst v60  }
0x160: {  	v13 =	vld [tilespmem:s28+$0x4990];
	[tilespmem:s28+$0x4920] =	vst v3;
	v3 =	vmul.f32 v58, v55  }
0x161: {  	v14 =	vmul.f32 v59, v55;
	[tilespmem:s28+$0x4930] =	vst v63;
	v15 =	vld [tilespmem:s28+$0x49A0]  }
0x162: {  	v17 =	vld [tilespmem:s28+$0x49B0];
	v16 =	vbroadcast v2, $0xC;
	[tilespmem:s28+$0x4940] =	vst v3;
	v3 =	vmul.f32 v61, v55  }
0x163: {  	v18 =	vmul.f32 v62, v55;
	[tilespmem:s28+$0x4950] =	vst v14;
	v19 =	vld [tilespmem:s28+$0x49C0]  }
0x164: {  	v20 =	vld [tilespmem:s28+$0x49D0];
	[tilespmem:s28+$0x4960] =	vst v3;
	v3 =	vmul.f32 v12, v16  }
0x165: {  	[tilespmem:s28+$0x4970] =	vst v18;
	v22 =	vld [tilespmem:s28+$0x49E0];
	v21 =	vmul.f32 v13, v16  }
0x166: {  	v23 =	vld [tilespmem:s28+$0x49F0];
	[tilespmem:s28+$0x4980] =	vst v3;
	v3 =	vmul.f32 v15, v16  }
0x167: {  	v24 =	vmul.f32 v17, v16;
	v25 =	vld [tilespmem:s28+$0x4A00];
	[tilespmem:s28+$0x4990] =	vst v21  }
0x168: {  	v26 =	vld [tilespmem:s28+$0x4A10];
	[tilespmem:s28+$0x49A0] =	vst v3;
	v3 =	vmul.f32 v19, v16  }
0x169: {  	v27 =	vmul.f32 v20, v16;
	[tilespmem:s28+$0x49B0] =	vst v24;
	v28 =	vld [tilespmem:s28+$0x4A20]  }
0x16a: {  	v30 =	vld [tilespmem:s28+$0x4A30];
	v29 =	vbroadcast v2, $0xD;
	[tilespmem:s28+$0x49C0] =	vst v3;
	v3 =	vmul.f32 v22, v16  }
0x16b: {  	v31 =	vmul.f32 v23, v16;
	[tilespmem:s28+$0x49D0] =	vst v27;
	v32 =	vld [tilespmem:s28+$0x4A40]  }
0x16c: {  	v33 =	vld [tilespmem:s28+$0x4A50];
	[tilespmem:s28+$0x49E0] =	vst v3;
	v3 =	vmul.f32 v25, v29  }
0x16d: {  	[tilespmem:s28+$0x49F0] =	vst v31;
	v35 =	vld [tilespmem:s28+$0x4A60];
	v34 =	vmul.f32 v26, v29  }
0x16e: {  	v36 =	vld [tilespmem:s28+$0x4A70];
	[tilespmem:s28+$0x4A00] =	vst v3;
	v3 =	vmul.f32 v28, v29  }
0x16f: {  	v37 =	vmul.f32 v30, v29;
	v38 =	vld [tilespmem:s28+$0x4A80];
	[tilespmem:s28+$0x4A10] =	vst v34  }
0x170: {  	v39 =	vld [tilespmem:s28+$0x4A90];
	[tilespmem:s28+$0x4A20] =	vst v3;
	v3 =	vmul.f32 v32, v29  }
0x171: {  	v40 =	vmul.f32 v33, v29;
	[tilespmem:s28+$0x4A30] =	vst v37;
	v41 =	vld [tilespmem:s28+$0x4AA0]  }
0x172: {  	v43 =	vld [tilespmem:s28+$0x4AB0];
	v42 =	vbroadcast v2, $0xE;
	[tilespmem:s28+$0x4A40] =	vst v3;
	v3 =	vmul.f32 v35, v29  }
0x173: {  	v44 =	vmul.f32 v36, v29;
	[tilespmem:s28+$0x4A50] =	vst v40;
	v45 =	vld [tilespmem:s28+$0x4AC0]  }
0x174: {  	v46 =	vld [tilespmem:s28+$0x4AD0];
	[tilespmem:s28+$0x4A60] =	vst v3;
	v3 =	vmul.f32 v38, v42  }
0x175: {  	[tilespmem:s28+$0x4A70] =	vst v44;
	v48 =	vld [tilespmem:s28+$0x4AE0];
	v47 =	vmul.f32 v39, v42  }
0x176: {  	v49 =	vld [tilespmem:s28+$0x4AF0];
	[tilespmem:s28+$0x4A80] =	vst v3;
	v3 =	vmul.f32 v41, v42  }
0x177: {  	v50 =	vmul.f32 v43, v42;
	v51 =	vld [tilespmem:s28+$0x4B00];
	[tilespmem:s28+$0x4A90] =	vst v47  }
0x178: {  	v52 =	vld [tilespmem:s28+$0x4B10];
	[tilespmem:s28+$0x4AA0] =	vst v3;
	v3 =	vmul.f32 v45, v42  }
0x179: {  	v53 =	vmul.f32 v46, v42;
	[tilespmem:s28+$0x4AB0] =	vst v50;
	v54 =	vld [tilespmem:s28+$0x4B20]  }
0x17a: {  	v2 =	vbroadcast v2, $0xF;
	v58 =	vld [tilespmem:s28+$0x4B50];
	[tilespmem:s28+$0x4AC0] =	vst v3;
	v3 =	vmul.f32 v48, v42  }
0x17b: {  	v57 =	vld [tilespmem:s28+$0x4B40];
	v56 =	vmul.f32 v49, v42;
	[tilespmem:s28+$0x4AD0] =	vst v53  }
0x17c: {  	v55 =	vld [tilespmem:s28+$0x4B30];
	[tilespmem:s28+$0x4AE0] =	vst v3;
	v3 =	vmul.f32 v51, v2  }
0x17d: {  	v60 =	vld [tilespmem:s28+$0x4B60];
	v59 =	vmul.f32 v52, v2;
	[tilespmem:s28+$0x4AF0] =	vst v56  }
0x17e: {  	v61 =	vld [tilespmem:s28+$0x4B70];
	[tilespmem:s28+$0x4B00] =	vst v3;
	v3 =	vmul.f32 v54, v2  }
0x17f: {  	[tilespmem:s28+$0x4B10] =	vst v59;
	v63 =	vmul.f32 v58, v2  }
0x180: {  	p0 =	sne.s32 s26, $0x4;
	[tilespmem:s28+$0x4B20] =	vst v3;
	v3 =	vmul.f32 v57, v2  }
.Ltmp7:
0x181: {  	v62 =	vmul.f32 v55, v2;
	[tilespmem:s28+$0x4B50] =	vst v63;
	(pc) =	sbr.rel @p0 .LBB2_18-.Ltmp7, $4  }
0x182: {  	[tilespmem:s28+$0x4B40] =	vst v3;
	v3 =	vmul.f32 v60, v2  }
0x183: {  	[tilespmem:s28+$0x4B30] =	vst v62;
	v2 =	vmul.f32 v61, v2  }
0x184: {  	[tilespmem:s28+$0x4B60] =	vst v3  }
0x185: {  	s26 =	sadd.s32 $0x1, s26;
	[tilespmem:s28+$0x4B70] =	vst v2  }
0x186: {  	[spmem:s2] =	stream.indirect.scatter.add.f32 [tilespmem:s10], [sflag:$0x3], $0x80, s25, s13, $0xb8;
	[tilespmem:$0x1CC00] =	vst v63  }
0x187: {  	p0 =	seq.s32 s22, $0x4;
	_ =	swait.ge [sflag:s8], $0x2800  }
0x188: {  	s24 =	sshrl.u32 @!p0 s24, $0x2;
	s25 =	simm.s32 @!p0 $0x50;
	[sflag:s8] =	ssyncset.done $0x0  }
0x189: {  	s26 =	simm.s32 @!p0 $0x4380;
	s24 =	sadd.s32 @!p0 $0x100, s24;
	[sflag:s8] =	ssyncadd.s32 $0xFFFFD800  }
0x18a: {  	[tilespmem:s26], [sflag:$0x1] =	stream.indirect.gather @!p0 [hbm4b:s16+s25], $0x80, s24, s25, $0xb8;
	[tilespmem:$0x1CC00] =	vst v63  }
0x18b: {  	_ =	swait.ge [sflag:s18], $0x2800  }
0x18c: {  	[sflag:s18] =	ssyncset.done $0x0  }
0x18d: {  	[sflag:s18] =	ssyncadd.s32 $0xFFFFD800  }
0x18e: {  	v2 =	vld [tilespmem:s0+$0x800];
	_ =	sdelay $0x7  }
0x18f: {  	v2 =	vld.idx.msk [tilespmem:v2+s7+$0x0], $0xffff;
	_ =	sdelay $0x4  }
0x190: {  	v2 =	vadd.f32 $9.999999710e-10, v2;
	_ =	sdelay $0x1  }
0x191: {  	(erf) = vrcp.f32 v2;
	_ =	sdelay $0x1  }
0x192: {  	s23 =	smul.u32 $0x140, s23;
	_ =	sdelay $0x1  }
0x193: {  	s23 =	sshra.s32 s23, $0x2  }
0x194: {  	v2 =	vld [tilespmem:s23+$0x1000];
	_ =	sdelay $0x3  }
0x195: {  	v3 =	vpop (erf)  }
0x196: {  	v2 =	vmul.f32 v3, v2;
	_ =	sdelay $0x1  }
0x197: {  	[tilespmem:$0x1380] =	vst v2  }
0x198: {  	v2 =	vld [tilespmem:s0+$0x810];
	_ =	sdelay $0x7  }
0x199: {  	v2 =	vld.idx.msk [tilespmem:v2+s7+$0x0], $0xffff;
	_ =	sdelay $0x4  }
0x19a: {  	v2 =	vadd.f32 $9.999999710e-10, v2;
	_ =	sdelay $0x1  }
0x19b: {  	(erf) = vrcp.f32 v2;
	_ =	sdelay $0x4  }
0x19c: {  	v2 =	vld [tilespmem:s23+$0x1010];
	_ =	sdelay $0x3  }
0x19d: {  	v3 =	vpop (erf)  }
0x19e: {  	v2 =	vmul.f32 v3, v2;
	_ =	sdelay $0x1  }
0x19f: {  	[tilespmem:$0x1390] =	vst v2  }
0x1a0: {  	v2 =	vld [tilespmem:s0+$0x820];
	_ =	sdelay $0x7  }
0x1a1: {  	v2 =	vld.idx.msk [tilespmem:v2+s7+$0x0], $0xffff;
	_ =	sdelay $0x4  }
0x1a2: {  	v2 =	vadd.f32 $9.999999710e-10, v2;
	_ =	sdelay $0x1  }
0x1a3: {  	(erf) = vrcp.f32 v2;
	_ =	sdelay $0x4  }
0x1a4: {  	v2 =	vld [tilespmem:s23+$0x1020];
	_ =	sdelay $0x3  }
0x1a5: {  	v3 =	vpop (erf)  }
0x1a6: {  	v2 =	vmul.f32 v3, v2;
	_ =	sdelay $0x1  }
0x1a7: {  	[tilespmem:$0x13A0] =	vst v2  }
0x1a8: {  	v2 =	vld [tilespmem:s0+$0x830];
	_ =	sdelay $0x7  }
0x1a9: {  	v2 =	vld.idx.msk [tilespmem:v2+s7+$0x0], $0xffff;
	_ =	sdelay $0x4  }
0x1aa: {  	v2 =	vadd.f32 $9.999999710e-10, v2;
	_ =	sdelay $0x1  }
0x1ab: {  	(erf) = vrcp.f32 v2;
	_ =	sdelay $0x4  }
0x1ac: {  	v2 =	vld [tilespmem:s23+$0x1030];
	_ =	sdelay $0x3  }
0x1ad: {  	v3 =	vpop (erf)  }
0x1ae: {  	v2 =	vmul.f32 v3, v2;
	_ =	sdelay $0x1  }
0x1af: {  	[tilespmem:$0x13B0] =	vst v2  }
0x1b0: {  	v2 =	vld [tilespmem:s0+$0x840];
	_ =	sdelay $0x7  }
0x1b1: {  	v2 =	vld.idx.msk [tilespmem:v2+s7+$0x0], $0xffff;
	_ =	sdelay $0x4  }
0x1b2: {  	v2 =	vadd.f32 $9.999999710e-10, v2;
	_ =	sdelay $0x1  }
0x1b3: {  	(erf) = vrcp.f32 v2;
	_ =	sdelay $0x4  }
0x1b4: {  	v2 =	vld [tilespmem:s23+$0x1040];
	_ =	sdelay $0x3  }
0x1b5: {  	v3 =	vpop (erf)  }
0x1b6: {  	v2 =	vmul.f32 v3, v2;
	_ =	sdelay $0x1  }
0x1b7: {  	s0 =	sadd.s32 $0x800, s0;
	s23 =	simm.s32 $0x0;
	[tilespmem:$0x13C0] =	vst v2  }
.LBB2_20:
0x1b8: {  	s24 =	sshll.u32 s23, $0x4  }
0x1b9: {  	s24 =	sand.u32 $0x3FFFFFF0, s24  }
0x1ba: {  	s28 =	sshll.u32 s23, $0xB;
	v2 =	vld [tilespmem:s24+$0x1380]  }
0x1bb: {  	s24 =	sand.u32 $0x3FFFF800, s28  }
0x1bc: {  	v3 =	vld [tilespmem:s24+$0x6B80]  }
0x1bd: {  	v4 =	vld [tilespmem:s24+$0x6B90]  }
0x1be: {  	v5 =	vld [tilespmem:s24+$0x6BA0]  }
0x1bf: {  	v7 =	vld [tilespmem:s24+$0x6BB0];
	v6 =	vbroadcast v2, $0x0  }
0x1c0: {  	v8 =	vld [tilespmem:s24+$0x6BC0]  }
0x1c1: {  	v9 =	vld [tilespmem:s24+$0x6BD0];
	v3 =	vmul.f32 v6, v3  }
0x1c2: {  	v10 =	vld [tilespmem:s24+$0x6BE0];
	v4 =	vmul.f32 v4, v6  }
0x1c3: {  	v24 =	vld [tilespmem:s24+$0x6BF0];
	[tilespmem:s24+$0x6B80] =	vst v3;
	v3 =	vmul.f32 v5, v6  }
0x1c4: {  	v26 =	vld [tilespmem:s24+$0x6C00];
	v25 =	vmul.f32 v7, v6;
	[tilespmem:s24+$0x6B90] =	vst v4  }
0x1c5: {  	v27 =	vld [tilespmem:s24+$0x6C10];
	[tilespmem:s24+$0x6BA0] =	vst v3;
	v3 =	vmul.f32 v8, v6  }
0x1c6: {  	v29 =	vld [tilespmem:s24+$0x6C20];
	v28 =	vmul.f32 v9, v6;
	[tilespmem:s24+$0x6BB0] =	vst v25  }
0x1c7: {  	v11 =	vld [tilespmem:s24+$0x6C30];
	v30 =	vbroadcast v2, $0x1;
	[tilespmem:s24+$0x6BC0] =	vst v3;
	v3 =	vmul.f32 v10, v6  }
0x1c8: {  	v32 =	vld [tilespmem:s24+$0x6C40];
	v31 =	vmul.f32 v24, v6;
	[tilespmem:s24+$0x6BD0] =	vst v28  }
0x1c9: {  	v33 =	vld [tilespmem:s24+$0x6C50];
	[tilespmem:s24+$0x6BE0] =	vst v3;
	v3 =	vmul.f32 v26, v30  }
0x1ca: {  	v35 =	vld [tilespmem:s24+$0x6C60];
	v34 =	vmul.f32 v27, v30;
	[tilespmem:s24+$0x6BF0] =	vst v31  }
0x1cb: {  	v36 =	vld [tilespmem:s24+$0x6C70];
	[tilespmem:s24+$0x6C00] =	vst v3;
	v3 =	vmul.f32 v29, v30  }
0x1cc: {  	v38 =	vld [tilespmem:s24+$0x6C80];
	v37 =	vmul.f32 v11, v30;
	[tilespmem:s24+$0x6C10] =	vst v34  }
0x1cd: {  	v39 =	vld [tilespmem:s24+$0x6C90];
	[tilespmem:s24+$0x6C20] =	vst v3;
	v3 =	vmul.f32 v32, v30  }
0x1ce: {  	v41 =	vld [tilespmem:s24+$0x6CA0];
	v40 =	vmul.f32 v33, v30;
	[tilespmem:s24+$0x6C30] =	vst v37  }
0x1cf: {  	v43 =	vld [tilespmem:s24+$0x6CB0];
	v42 =	vbroadcast v2, $0x2;
	[tilespmem:s24+$0x6C40] =	vst v3;
	v3 =	vmul.f32 v35, v30  }
0x1d0: {  	v45 =	vld [tilespmem:s24+$0x6CC0];
	v44 =	vmul.f32 v36, v30;
	[tilespmem:s24+$0x6C50] =	vst v40  }
0x1d1: {  	v46 =	vld [tilespmem:s24+$0x6CD0];
	[tilespmem:s24+$0x6C60] =	vst v3;
	v3 =	vmul.f32 v38, v42  }
0x1d2: {  	v48 =	vld [tilespmem:s24+$0x6CE0];
	v47 =	vmul.f32 v39, v42;
	[tilespmem:s24+$0x6C70] =	vst v44  }
0x1d3: {  	v49 =	vld [tilespmem:s24+$0x6CF0];
	[tilespmem:s24+$0x6C80] =	vst v3;
	v3 =	vmul.f32 v41, v42  }
0x1d4: {  	v51 =	vld [tilespmem:s24+$0x6D00];
	v50 =	vmul.f32 v43, v42;
	[tilespmem:s24+$0x6C90] =	vst v47  }
0x1d5: {  	v52 =	vld [tilespmem:s24+$0x6D10];
	[tilespmem:s24+$0x6CA0] =	vst v3;
	v3 =	vmul.f32 v45, v42  }
0x1d6: {  	v54 =	vld [tilespmem:s24+$0x6D20];
	v53 =	vmul.f32 v46, v42;
	[tilespmem:s24+$0x6CB0] =	vst v50  }
0x1d7: {  	v56 =	vld [tilespmem:s24+$0x6D30];
	v55 =	vbroadcast v2, $0x3;
	[tilespmem:s24+$0x6CC0] =	vst v3;
	v3 =	vmul.f32 v48, v42  }
0x1d8: {  	v58 =	vld [tilespmem:s24+$0x6D40];
	v57 =	vmul.f32 v49, v42;
	[tilespmem:s24+$0x6CD0] =	vst v53  }
0x1d9: {  	v59 =	vld [tilespmem:s24+$0x6D50];
	[tilespmem:s24+$0x6CE0] =	vst v3;
	v3 =	vmul.f32 v51, v55  }
0x1da: {  	v61 =	vld [tilespmem:s24+$0x6D60];
	v60 =	vmul.f32 v52, v55;
	[tilespmem:s24+$0x6CF0] =	vst v57  }
0x1db: {  	v62 =	vld [tilespmem:s24+$0x6D70];
	[tilespmem:s24+$0x6D00] =	vst v3;
	v3 =	vmul.f32 v54, v55  }
0x1dc: {  	v12 =	vld [tilespmem:s24+$0x6D80];
	v63 =	vmul.f32 v56, v55;
	[tilespmem:s24+$0x6D10] =	vst v60  }
0x1dd: {  	v13 =	vld [tilespmem:s24+$0x6D90];
	[tilespmem:s24+$0x6D20] =	vst v3;
	v3 =	vmul.f32 v58, v55  }
0x1de: {  	v15 =	vld [tilespmem:s24+$0x6DA0];
	v14 =	vmul.f32 v59, v55;
	[tilespmem:s24+$0x6D30] =	vst v63  }
0x1df: {  	v17 =	vld [tilespmem:s24+$0x6DB0];
	v16 =	vbroadcast v2, $0x4;
	[tilespmem:s24+$0x6D40] =	vst v3;
	v3 =	vmul.f32 v61, v55  }
0x1e0: {  	v19 =	vld [tilespmem:s24+$0x6DC0];
	v18 =	vmul.f32 v62, v55;
	[tilespmem:s24+$0x6D50] =	vst v14  }
0x1e1: {  	v20 =	vld [tilespmem:s24+$0x6DD0];
	[tilespmem:s24+$0x6D60] =	vst v3;
	v3 =	vmul.f32 v12, v16  }
0x1e2: {  	v22 =	vld [tilespmem:s24+$0x6DE0];
	v21 =	vmul.f32 v13, v16;
	[tilespmem:s24+$0x6D70] =	vst v18  }
0x1e3: {  	v23 =	vld [tilespmem:s24+$0x6DF0];
	[tilespmem:s24+$0x6D80] =	vst v3;
	v3 =	vmul.f32 v15, v16  }
0x1e4: {  	v24 =	vmul.f32 v17, v16;
	[tilespmem:s24+$0x6D90] =	vst v21;
	v25 =	vld [tilespmem:s24+$0x6E00]  }
0x1e5: {  	v33 =	vld [tilespmem:s24+$0x6E50];
	[tilespmem:s24+$0x6DA0] =	vst v3;
	v3 =	vmul.f32 v19, v16  }
0x1e6: {  	v27 =	vmul.f32 v20, v16;
	[tilespmem:s24+$0x6DB0] =	vst v24;
	v28 =	vld [tilespmem:s24+$0x6E20]  }
0x1e7: {  	v36 =	vld [tilespmem:s24+$0x6E70];
	v29 =	vbroadcast v2, $0x5;
	[tilespmem:s24+$0x6DC0] =	vst v3;
	v3 =	vmul.f32 v22, v16  }
0x1e8: {  	[tilespmem:s24+$0x6DD0] =	vst v27;
	v31 =	vmul.f32 v23, v16;
	v32 =	vld [tilespmem:s24+$0x6E40]  }
0x1e9: {  	v26 =	vld [tilespmem:s24+$0x6E10];
	[tilespmem:s24+$0x6DE0] =	vst v3;
	v3 =	vmul.f32 v25, v29  }
0x1ea: {  	[tilespmem:s24+$0x6DF0] =	vst v31;
	v40 =	vmul.f32 v33, v29;
	v35 =	vld [tilespmem:s24+$0x6E60]  }
0x1eb: {  	v30 =	vld [tilespmem:s24+$0x6E30];
	[tilespmem:s24+$0x6E00] =	vst v3;
	v3 =	vmul.f32 v28, v29  }
0x1ec: {  	v44 =	vmul.f32 v36, v29;
	[tilespmem:s24+$0x6E50] =	vst v40;
	v38 =	vld [tilespmem:s24+$0x6E80]  }
0x1ed: {  	v39 =	vld [tilespmem:s24+$0x6E90];
	[tilespmem:s24+$0x6E20] =	vst v3;
	v3 =	vmul.f32 v32, v29  }
0x1ee: {  	v34 =	vmul.f32 v26, v29;
	[tilespmem:s24+$0x6E70] =	vst v44;
	v41 =	vld [tilespmem:s24+$0x6EA0]  }
0x1ef: {  	v43 =	vld [tilespmem:s24+$0x6EB0];
	v42 =	vbroadcast v2, $0x6;
	[tilespmem:s24+$0x6E40] =	vst v3;
	v3 =	vmul.f32 v35, v29  }
0x1f0: {  	[tilespmem:s24+$0x6E10] =	vst v34;
	v37 =	vmul.f32 v30, v29;
	v45 =	vld [tilespmem:s24+$0x6EC0]  }
0x1f1: {  	v46 =	vld [tilespmem:s24+$0x6ED0];
	[tilespmem:s24+$0x6E60] =	vst v3;
	v3 =	vmul.f32 v38, v42  }
0x1f2: {  	[tilespmem:s24+$0x6E30] =	vst v37;
	v48 =	vld [tilespmem:s24+$0x6EE0];
	v47 =	vmul.f32 v39, v42  }
0x1f3: {  	v49 =	vld [tilespmem:s24+$0x6EF0];
	[tilespmem:s24+$0x6E80] =	vst v3;
	v3 =	vmul.f32 v41, v42  }
0x1f4: {  	v50 =	vmul.f32 v43, v42;
	v51 =	vld [tilespmem:s24+$0x6F00];
	[tilespmem:s24+$0x6E90] =	vst v47  }
0x1f5: {  	v52 =	vld [tilespmem:s24+$0x6F10];
	[tilespmem:s24+$0x6EA0] =	vst v3;
	v3 =	vmul.f32 v45, v42  }
0x1f6: {  	v53 =	vmul.f32 v46, v42;
	[tilespmem:s24+$0x6EB0] =	vst v50;
	v54 =	vld [tilespmem:s24+$0x6F20]  }
0x1f7: {  	v56 =	vld [tilespmem:s24+$0x6F30];
	v55 =	vbroadcast v2, $0x7;
	[tilespmem:s24+$0x6EC0] =	vst v3;
	v3 =	vmul.f32 v48, v42  }
0x1f8: {  	v57 =	vmul.f32 v49, v42;
	[tilespmem:s24+$0x6ED0] =	vst v53;
	v58 =	vld [tilespmem:s24+$0x6F40]  }
0x1f9: {  	v59 =	vld [tilespmem:s24+$0x6F50];
	[tilespmem:s24+$0x6EE0] =	vst v3;
	v3 =	vmul.f32 v51, v55  }
0x1fa: {  	[tilespmem:s24+$0x6EF0] =	vst v57;
	v61 =	vld [tilespmem:s24+$0x6F60];
	v60 =	vmul.f32 v52, v55  }
0x1fb: {  	v62 =	vld [tilespmem:s24+$0x6F70];
	[tilespmem:s24+$0x6F00] =	vst v3;
	v3 =	vmul.f32 v54, v55  }
0x1fc: {  	v63 =	vmul.f32 v56, v55;
	v12 =	vld [tilespmem:s24+$0x6F80];
	[tilespmem:s24+$0x6F10] =	vst v60  }
0x1fd: {  	v13 =	vld [tilespmem:s24+$0x6F90];
	[tilespmem:s24+$0x6F20] =	vst v3;
	v3 =	vmul.f32 v58, v55  }
0x1fe: {  	v14 =	vmul.f32 v59, v55;
	[tilespmem:s24+$0x6F30] =	vst v63;
	v15 =	vld [tilespmem:s24+$0x6FA0]  }
0x1ff: {  	v17 =	vld [tilespmem:s24+$0x6FB0];
	v16 =	vbroadcast v2, $0x8;
	[tilespmem:s24+$0x6F40] =	vst v3;
	v3 =	vmul.f32 v61, v55  }
0x200: {  	v18 =	vmul.f32 v62, v55;
	[tilespmem:s24+$0x6F50] =	vst v14;
	v19 =	vld [tilespmem:s24+$0x6FC0]  }
0x201: {  	v20 =	vld [tilespmem:s24+$0x6FD0];
	[tilespmem:s24+$0x6F60] =	vst v3;
	v3 =	vmul.f32 v12, v16  }
0x202: {  	[tilespmem:s24+$0x6F70] =	vst v18;
	v22 =	vld [tilespmem:s24+$0x6FE0];
	v21 =	vmul.f32 v13, v16  }
0x203: {  	v23 =	vld [tilespmem:s24+$0x6FF0];
	[tilespmem:s24+$0x6F80] =	vst v3;
	v3 =	vmul.f32 v15, v16  }
0x204: {  	v24 =	vmul.f32 v17, v16;
	v25 =	vld [tilespmem:s24+$0x7000];
	[tilespmem:s24+$0x6F90] =	vst v21  }
0x205: {  	v26 =	vld [tilespmem:s24+$0x7010];
	[tilespmem:s24+$0x6FA0] =	vst v3;
	v3 =	vmul.f32 v19, v16  }
0x206: {  	v27 =	vmul.f32 v20, v16;
	[tilespmem:s24+$0x6FB0] =	vst v24;
	v28 =	vld [tilespmem:s24+$0x7020]  }
0x207: {  	v30 =	vld [tilespmem:s24+$0x7030];
	v29 =	vbroadcast v2, $0x9;
	[tilespmem:s24+$0x6FC0] =	vst v3;
	v3 =	vmul.f32 v22, v16  }
0x208: {  	v31 =	vmul.f32 v23, v16;
	[tilespmem:s24+$0x6FD0] =	vst v27;
	v32 =	vld [tilespmem:s24+$0x7040]  }
0x209: {  	v33 =	vld [tilespmem:s24+$0x7050];
	[tilespmem:s24+$0x6FE0] =	vst v3;
	v3 =	vmul.f32 v25, v29  }
0x20a: {  	[tilespmem:s24+$0x6FF0] =	vst v31;
	v35 =	vld [tilespmem:s24+$0x7060];
	v34 =	vmul.f32 v26, v29  }
0x20b: {  	v36 =	vld [tilespmem:s24+$0x7070];
	[tilespmem:s24+$0x7000] =	vst v3;
	v3 =	vmul.f32 v28, v29  }
0x20c: {  	v37 =	vmul.f32 v30, v29;
	v38 =	vld [tilespmem:s24+$0x7080];
	[tilespmem:s24+$0x7010] =	vst v34  }
0x20d: {  	v39 =	vld [tilespmem:s24+$0x7090];
	[tilespmem:s24+$0x7020] =	vst v3;
	v3 =	vmul.f32 v32, v29  }
0x20e: {  	v40 =	vmul.f32 v33, v29;
	[tilespmem:s24+$0x7030] =	vst v37;
	v41 =	vld [tilespmem:s24+$0x70A0]  }
0x20f: {  	v43 =	vld [tilespmem:s24+$0x70B0];
	v42 =	vbroadcast v2, $0xA;
	[tilespmem:s24+$0x7040] =	vst v3;
	v3 =	vmul.f32 v35, v29  }
0x210: {  	v44 =	vmul.f32 v36, v29;
	[tilespmem:s24+$0x7050] =	vst v40;
	v45 =	vld [tilespmem:s24+$0x70C0]  }
0x211: {  	v46 =	vld [tilespmem:s24+$0x70D0];
	[tilespmem:s24+$0x7060] =	vst v3;
	v3 =	vmul.f32 v38, v42  }
0x212: {  	[tilespmem:s24+$0x7070] =	vst v44;
	v48 =	vld [tilespmem:s24+$0x70E0];
	v47 =	vmul.f32 v39, v42  }
0x213: {  	v49 =	vld [tilespmem:s24+$0x70F0];
	[tilespmem:s24+$0x7080] =	vst v3;
	v3 =	vmul.f32 v41, v42  }
0x214: {  	v50 =	vmul.f32 v43, v42;
	v51 =	vld [tilespmem:s24+$0x7100];
	[tilespmem:s24+$0x7090] =	vst v47  }
0x215: {  	v52 =	vld [tilespmem:s24+$0x7110];
	[tilespmem:s24+$0x70A0] =	vst v3;
	v3 =	vmul.f32 v45, v42  }
0x216: {  	v53 =	vmul.f32 v46, v42;
	[tilespmem:s24+$0x70B0] =	vst v50;
	v54 =	vld [tilespmem:s24+$0x7120]  }
0x217: {  	v56 =	vld [tilespmem:s24+$0x7130];
	v55 =	vbroadcast v2, $0xB;
	[tilespmem:s24+$0x70C0] =	vst v3;
	v3 =	vmul.f32 v48, v42  }
0x218: {  	v57 =	vmul.f32 v49, v42;
	[tilespmem:s24+$0x70D0] =	vst v53;
	v58 =	vld [tilespmem:s24+$0x7140]  }
0x219: {  	v59 =	vld [tilespmem:s24+$0x7150];
	[tilespmem:s24+$0x70E0] =	vst v3;
	v3 =	vmul.f32 v51, v55  }
0x21a: {  	[tilespmem:s24+$0x70F0] =	vst v57;
	v61 =	vld [tilespmem:s24+$0x7160];
	v60 =	vmul.f32 v52, v55  }
0x21b: {  	v62 =	vld [tilespmem:s24+$0x7170];
	[tilespmem:s24+$0x7100] =	vst v3;
	v3 =	vmul.f32 v54, v55  }
0x21c: {  	v63 =	vmul.f32 v56, v55;
	v12 =	vld [tilespmem:s24+$0x7180];
	[tilespmem:s24+$0x7110] =	vst v60  }
0x21d: {  	v13 =	vld [tilespmem:s24+$0x7190];
	[tilespmem:s24+$0x7120] =	vst v3;
	v3 =	vmul.f32 v58, v55  }
0x21e: {  	v14 =	vmul.f32 v59, v55;
	[tilespmem:s24+$0x7130] =	vst v63;
	v15 =	vld [tilespmem:s24+$0x71A0]  }
0x21f: {  	v17 =	vld [tilespmem:s24+$0x71B0];
	v16 =	vbroadcast v2, $0xC;
	[tilespmem:s24+$0x7140] =	vst v3;
	v3 =	vmul.f32 v61, v55  }
0x220: {  	v18 =	vmul.f32 v62, v55;
	[tilespmem:s24+$0x7150] =	vst v14;
	v19 =	vld [tilespmem:s24+$0x71C0]  }
0x221: {  	v20 =	vld [tilespmem:s24+$0x71D0];
	[tilespmem:s24+$0x7160] =	vst v3;
	v3 =	vmul.f32 v12, v16  }
0x222: {  	[tilespmem:s24+$0x7170] =	vst v18;
	v22 =	vld [tilespmem:s24+$0x71E0];
	v21 =	vmul.f32 v13, v16  }
0x223: {  	v23 =	vld [tilespmem:s24+$0x71F0];
	[tilespmem:s24+$0x7180] =	vst v3;
	v3 =	vmul.f32 v15, v16  }
0x224: {  	v24 =	vmul.f32 v17, v16;
	v25 =	vld [tilespmem:s24+$0x7200];
	[tilespmem:s24+$0x7190] =	vst v21  }
0x225: {  	v26 =	vld [tilespmem:s24+$0x7210];
	[tilespmem:s24+$0x71A0] =	vst v3;
	v3 =	vmul.f32 v19, v16  }
0x226: {  	v27 =	vmul.f32 v20, v16;
	[tilespmem:s24+$0x71B0] =	vst v24;
	v28 =	vld [tilespmem:s24+$0x7220]  }
0x227: {  	v30 =	vld [tilespmem:s24+$0x7230];
	v29 =	vbroadcast v2, $0xD;
	[tilespmem:s24+$0x71C0] =	vst v3;
	v3 =	vmul.f32 v22, v16  }
0x228: {  	v31 =	vmul.f32 v23, v16;
	[tilespmem:s24+$0x71D0] =	vst v27;
	v32 =	vld [tilespmem:s24+$0x7240]  }
0x229: {  	v33 =	vld [tilespmem:s24+$0x7250];
	[tilespmem:s24+$0x71E0] =	vst v3;
	v3 =	vmul.f32 v25, v29  }
0x22a: {  	[tilespmem:s24+$0x71F0] =	vst v31;
	v35 =	vld [tilespmem:s24+$0x7260];
	v34 =	vmul.f32 v26, v29  }
0x22b: {  	v36 =	vld [tilespmem:s24+$0x7270];
	[tilespmem:s24+$0x7200] =	vst v3;
	v3 =	vmul.f32 v28, v29  }
0x22c: {  	v37 =	vmul.f32 v30, v29;
	v38 =	vld [tilespmem:s24+$0x7280];
	[tilespmem:s24+$0x7210] =	vst v34  }
0x22d: {  	v39 =	vld [tilespmem:s24+$0x7290];
	[tilespmem:s24+$0x7220] =	vst v3;
	v3 =	vmul.f32 v32, v29  }
0x22e: {  	v40 =	vmul.f32 v33, v29;
	[tilespmem:s24+$0x7230] =	vst v37;
	v41 =	vld [tilespmem:s24+$0x72A0]  }
0x22f: {  	v43 =	vld [tilespmem:s24+$0x72B0];
	v42 =	vbroadcast v2, $0xE;
	[tilespmem:s24+$0x7240] =	vst v3;
	v3 =	vmul.f32 v35, v29  }
0x230: {  	v44 =	vmul.f32 v36, v29;
	[tilespmem:s24+$0x7250] =	vst v40;
	v45 =	vld [tilespmem:s24+$0x72C0]  }
0x231: {  	v46 =	vld [tilespmem:s24+$0x72D0];
	[tilespmem:s24+$0x7260] =	vst v3;
	v3 =	vmul.f32 v38, v42  }
0x232: {  	[tilespmem:s24+$0x7270] =	vst v44;
	v48 =	vld [tilespmem:s24+$0x72E0];
	v47 =	vmul.f32 v39, v42  }
0x233: {  	v49 =	vld [tilespmem:s24+$0x72F0];
	[tilespmem:s24+$0x7280] =	vst v3;
	v3 =	vmul.f32 v41, v42  }
0x234: {  	v50 =	vmul.f32 v43, v42;
	v51 =	vld [tilespmem:s24+$0x7300];
	[tilespmem:s24+$0x7290] =	vst v47  }
0x235: {  	v52 =	vld [tilespmem:s24+$0x7310];
	[tilespmem:s24+$0x72A0] =	vst v3;
	v3 =	vmul.f32 v45, v42  }
0x236: {  	v53 =	vmul.f32 v46, v42;
	[tilespmem:s24+$0x72B0] =	vst v50;
	v54 =	vld [tilespmem:s24+$0x7320]  }
0x237: {  	v2 =	vbroadcast v2, $0xF;
	v58 =	vld [tilespmem:s24+$0x7350];
	[tilespmem:s24+$0x72C0] =	vst v3;
	v3 =	vmul.f32 v48, v42  }
0x238: {  	v57 =	vld [tilespmem:s24+$0x7340];
	v56 =	vmul.f32 v49, v42;
	[tilespmem:s24+$0x72D0] =	vst v53  }
0x239: {  	v55 =	vld [tilespmem:s24+$0x7330];
	[tilespmem:s24+$0x72E0] =	vst v3;
	v3 =	vmul.f32 v51, v2  }
0x23a: {  	v60 =	vld [tilespmem:s24+$0x7360];
	v59 =	vmul.f32 v52, v2;
	[tilespmem:s24+$0x72F0] =	vst v56  }
0x23b: {  	v61 =	vld [tilespmem:s24+$0x7370];
	[tilespmem:s24+$0x7300] =	vst v3;
	v3 =	vmul.f32 v54, v2  }
0x23c: {  	[tilespmem:s24+$0x7310] =	vst v59;
	v63 =	vmul.f32 v58, v2  }
0x23d: {  	p0 =	sne.s32 s23, $0x4;
	[tilespmem:s24+$0x7320] =	vst v3;
	v3 =	vmul.f32 v57, v2  }
.Ltmp8:
0x23e: {  	v62 =	vmul.f32 v55, v2;
	[tilespmem:s24+$0x7350] =	vst v63;
	(pc) =	sbr.rel @p0 .LBB2_20-.Ltmp8, $4  }
0x23f: {  	[tilespmem:s24+$0x7340] =	vst v3;
	v3 =	vmul.f32 v60, v2  }
0x240: {  	[tilespmem:s24+$0x7330] =	vst v62;
	v2 =	vmul.f32 v61, v2  }
0x241: {  	[tilespmem:s24+$0x7360] =	vst v3  }
0x242: {  	s23 =	sadd.s32 $0x1, s23;
	[tilespmem:s24+$0x7370] =	vst v2  }
0x243: {  	s22 =	sadd.s32 $0x1, s22  }
0x244: {  	p0 =	sne.s32 s22, $0x5  }
.Ltmp9:
0x245: {  	_ = 	snop;
	(pc) =	sbr.rel @p0 .LBB2_17-.Ltmp9, $4  }
0x246: {  	[spmem:s2] =	stream.indirect.scatter.add.f32 [tilespmem:s14], [sflag:$0x3], $0x80, s0, s13, $0xb8;
	[tilespmem:$0x1CC00] =	vst v63  }
0x247: {  	_ =	swait.ge [sflag:s8], $0x2800  }
0x248: {  	[sflag:s8] =	ssyncset.done $0x0  }
0x249: {  	[sflag:s8] =	ssyncadd.s32 $0xFFFFD800  }
0x24a: {  	s21 =	sadd.s32 $0x1, s21  }
0x24b: {  	p0 =	sne.s32 s21, $0x19  }
.Ltmp10:
0x24c: {  	_ = 	snop;
	(pc) =	sbr.rel @p0 .LBB2_14-.Ltmp10, $1  }
0x24d: {  	_ =	sdelay $0x3  }
0x24e: {  	[bflag:$0x0] =	sbarrier.arrive $0xFFFF  }
0x24f: {  	[tilespmem:s10], [sflag:$0x3] =	stream.linear.gather [spmem:s29], $0x2800, $0x38;
	[tilespmem:$0x1CC00] =	vst v63  }
0x250: {  	_ =	swait.ge [sflag:s8], $0x2800  }
0x251: {  	[sflag:s8] =	ssyncset.done $0x0  }
0x252: {  	s0 =	rddreg [dreg:$0x4];
	[sflag:s8] =	ssyncadd.s32 $0xFFFFD800  }
0x253: {  	[hbm4b:s0+s4] =	stream.linear.scatter [tilespmem:s10], [sflag:$0x3], $0x2800, $0x38;
	[tilespmem:$0x1CC00] =	vst v63  }
0x254: {  	_ =	swait.ge [sflag:s8], $0x2800  }
0x255: {  	[sflag:s8] =	ssyncset.done $0x0  }
0x256: {  	[sflag:s8] =	ssyncadd.s32 $0xFFFFD800  }
0x257: {  	[tilespmem:s10], [sflag:$0x3] =	stream.linear.gather [spmem:s30], $0x2800, $0x38;
	[tilespmem:$0x1CC00] =	vst v63  }
0x258: {  	_ =	swait.ge [sflag:s8], $0x2800  }
0x259: {  	[sflag:s8] =	ssyncset.done $0x0  }
0x25a: {  	s25 =	rddreg [dreg:$0x5];
	[sflag:s8] =	ssyncadd.s32 $0xFFFFD800  }
0x25b: {  	[hbm4b:s25+s4] =	stream.linear.scatter [tilespmem:s10], [sflag:$0x3], $0x2800, $0x38;
	[tilespmem:$0x1CC00] =	vst v63  }
0x25c: {  	_ =	swait.ge [sflag:s8], $0x2800  }
0x25d: {  	[sflag:s8] =	ssyncset.done $0x0  }
0x25e: {  	[sflag:s8] =	ssyncadd.s32 $0xFFFFD800  }
0x25f: {  	[tilespmem:s10], [sflag:$0x3] =	stream.linear.gather [spmem:s31], $0x2800, $0x38;
	[tilespmem:$0x1CC00] =	vst v63  }
0x260: {  	_ =	swait.ge [sflag:s8], $0x2800  }
0x261: {  	[sflag:s8] =	ssyncset.done $0x0  }
0x262: {  	s26 =	rddreg [dreg:$0x6];
	[sflag:s8] =	ssyncadd.s32 $0xFFFFD800  }
0x263: {  	[hbm4b:s26+s4] =	stream.linear.scatter [tilespmem:s10], [sflag:$0x3], $0x2800, $0x38;
	[tilespmem:$0x1CC00] =	vst v63  }
0x264: {  	_ =	swait.ge [sflag:s8], $0x2800  }
0x265: {  	[sflag:s8] =	ssyncset.done $0x0  }
0x266: {  	s26 =	rddreg [dreg:$0x12];
	[sflag:s8] =	ssyncadd.s32 $0xFFFFD800  }
0x267: {  	[tilespmem:s10], [sflag:$0x3] =	stream.linear.gather [spmem:s26], $0x2800, $0x38;
	[tilespmem:$0x1CC00] =	vst v63  }
0x268: {  	_ =	swait.ge [sflag:s8], $0x2800  }
0x269: {  	[sflag:s8] =	ssyncset.done $0x0  }
0x26a: {  	s23 =	smov.u32 s29;
	s29 =	rddreg [dreg:$0x7];
	[sflag:s8] =	ssyncadd.s32 $0xFFFFD800  }
0x26b: {  	[hbm4b:s29+s4] =	stream.linear.scatter [tilespmem:s10], [sflag:$0x3], $0x2800, $0x38;
	[tilespmem:$0x1CC00] =	vst v63  }
0x26c: {  	_ =	swait.ge [sflag:s8], $0x2800  }
0x26d: {  	[sflag:s8] =	ssyncset.done $0x0  }
0x26e: {  	s28 =	rddreg [dreg:$0x13];
	[sflag:s8] =	ssyncadd.s32 $0xFFFFD800  }
0x26f: {  	[tilespmem:s10], [sflag:$0x3] =	stream.linear.gather [spmem:s28], $0x2800, $0x38;
	[tilespmem:$0x1CC00] =	vst v63  }
0x270: {  	_ =	swait.ge [sflag:s8], $0x2800  }
0x271: {  	[sflag:s8] =	ssyncset.done $0x0  }
0x272: {  	s24 =	smov.u32 s30;
	s30 =	rddreg [dreg:$0x8];
	[sflag:s8] =	ssyncadd.s32 $0xFFFFD800  }
0x273: {  	[hbm4b:s30+s4] =	stream.linear.scatter [tilespmem:s10], [sflag:$0x3], $0x2800, $0x38;
	[tilespmem:$0x1CC00] =	vst v63  }
0x274: {  	_ =	swait.ge [sflag:s8], $0x2800  }
0x275: {  	[sflag:s8] =	ssyncset.done $0x0  }
0x276: {  	s25 =	smov.u32 s31;
	s31 =	rddreg [dreg:$0x14];
	[sflag:s8] =	ssyncadd.s32 $0xFFFFD800  }
0x277: {  	[tilespmem:s10], [sflag:$0x3] =	stream.linear.gather [spmem:s31], $0x2800, $0x38;
	[tilespmem:$0x1CC00] =	vst v63  }
0x278: {  	_ =	swait.ge [sflag:s8], $0x2800  }
0x279: {  	[sflag:s8] =	ssyncset.done $0x0  }
0x27a: {  	s20 =	rddreg [dreg:$0x9];
	[sflag:s8] =	ssyncadd.s32 $0xFFFFD800  }
0x27b: {  	[hbm4b:s20+s4] =	stream.linear.scatter [tilespmem:s10], [sflag:$0x3], $0x2800, $0x38;
	[tilespmem:$0x1CC00] =	vst v63  }
0x27c: {  	_ =	swait.ge [sflag:s8], $0x2800  }
0x27d: {  	[sflag:s8] =	ssyncset.done $0x0  }
0x27e: {  	s21 =	rddreg [dreg:$0x15];
	[sflag:s8] =	ssyncadd.s32 $0xFFFFD800  }
0x27f: {  	[tilespmem:s10], [sflag:$0x3] =	stream.linear.gather [spmem:s21], $0x2800, $0x38;
	[tilespmem:$0x1CC00] =	vst v63  }
0x280: {  	_ =	swait.ge [sflag:s8], $0x2800  }
0x281: {  	[sflag:s8] =	ssyncset.done $0x0  }
0x282: {  	s22 =	rddreg [dreg:$0xa];
	[sflag:s8] =	ssyncadd.s32 $0xFFFFD800  }
0x283: {  	[hbm4b:s22+s4] =	stream.linear.scatter [tilespmem:s10], [sflag:$0x3], $0x2800, $0x38;
	[tilespmem:$0x1CC00] =	vst v63  }
0x284: {  	_ =	swait.ge [sflag:s8], $0x2800  }
0x285: {  	[sflag:s8] =	ssyncset.done $0x0  }
0x286: {  	s29 =	rddreg [dreg:$0x16];
	[sflag:s8] =	ssyncadd.s32 $0xFFFFD800  }
0x287: {  	[tilespmem:s10], [sflag:$0x3] =	stream.linear.gather [spmem:s29], $0x2800, $0x38;
	[tilespmem:$0x1CC00] =	vst v63  }
0x288: {  	_ =	swait.ge [sflag:s8], $0x2800  }
0x289: {  	[sflag:s8] =	ssyncset.done $0x0  }
0x28a: {  	s30 =	rddreg [dreg:$0xb];
	[sflag:s8] =	ssyncadd.s32 $0xFFFFD800  }
0x28b: {  	[hbm4b:s30+s4] =	stream.linear.scatter [tilespmem:s10], [sflag:$0x3], $0x2800, $0x38;
	[tilespmem:$0x1CC00] =	vst v63  }
0x28c: {  	_ =	swait.ge [sflag:s8], $0x2800  }
0x28d: {  	s19 =	sadd.s32 $0x1, s19;
	s31 =	rddreg [dreg:$0x17]  }
0x28e: {  	p0 =	sne.s32 s19, s31  }
.Ltmp11:
0x28f: {  	_ = 	snop;
	(pc) =	sbr.rel @p0 .LBB2_1-.Ltmp11, $3  }
0x290: {  	_ =	sdelay $0x1  }
0x291: {  	[sflag:s8] =	ssyncset.done $0x0  }
0x292: {  	[sflag:s8] =	ssyncadd.s32 $0xFFFFD800  }
0x293: {  	_ =	sfence.sel $0x180000  }
0x294: {  	[bflag:$0x0] =	sbarrier.arrive $0xFFFF  }
0x295: {  	_ =	strace $0x9000004D  }
0x296: {  	s0 =	stileid.u32;
	[bflag:$0x2] =	sbarrier.arrive $0xFFFF  }
0x297: {  	p0 =	sne.s32 s0, $0x0;
	s0 =	rddreg [dreg:$0x3]  }
0x298: {  	s0 =	sadd.s32 @!p0 $0x100000, s0  }
0x299: {  	[sflag:s0] =	ssyncadd.tile.s32 @!p0 $0x1;
	_ =	shalt  }
.Lfunc_end2:
_tile_overlayer_lowered:
.L_overlay_start_2:
0x29a: {  	(tag) =	ssettag $0x2  }
0x29b: {  	s0 =	rddreg [dreg:$0x0];
	s2 =	stileid.u32  }
0x29c: {  	s1 =	rddreg [dreg:$0x1];
	p0 =	sne.s32 s2, $0x0  }
0x29d: {  	s3 =	rddreg [dreg:$0x2];
	[bflag:$0x3] =	sbarrier.arrive $0xFFFF;
	s2 =	simm.s32 @!p0 $0x1C03  }
0x29e: {  	[timem:s3], [sflag:s2] =	dma.local @!p0 [hbm:s0], s1  }
0x29f: {  	s0 =	simm.s32 @!p0 $0x3  }
0x2a0: {  	_ =	swait.ge @!p0 [sflag:s0], s1  }
0x2a1: {  	s1 =	ssub.s32 @!p0 $0x0, s1;
	[sflag:s0] =	ssyncset.done @!p0 $0x0  }
0x2a2: {  	[sflag:s0] =	ssyncadd.s32 @!p0 s1  }
0x2a3: {  	[bflag:$0x3] =	sbarrier.arrive $0xFFFF  }
0x2a4: {  	_ =	shalt  }

// kernel: kernel.4.cloned.1.call-start
scs
__scs_entry_jumppad:
0x0: {  	(pc) =	sbr.rel $0x88, $3  }
0x1: {  	(tag) =	ssettag $0x0;
	lr =	simm.s32 $0x1  }
0x2: {  	[smem:$0x3F94] =	sst lr;
	_ =	strace $0xD0000000  }
0x3: {  	_ = 	snop  }
0x4: {  	_ = 	snop  }
0x5: {  	_ = 	snop  }
0x6: {  	_ = 	snop  }
0x7: {  	_ = 	snop  }
__scs_overlays_trampoline_lowered:
0x8: {  	[smem:$0x3FA3] =	sst s0  }
0x9: {  	[smem:$0x3FA4] =	sst s1  }
0xa: {  	[smem:$0x3FA5] =	sst s2  }
0xb: {  	[smem:$0x3FA6] =	sst s3  }
0xc: {  	[smem:$0x3FA7] =	sst s4  }
0xd: {  	[smem:$0x3FA8] =	sst s5  }
0xe: {  	[smem:$0x3FA9] =	sst s6  }
0xf: {  	[smem:$0x3FAA] =	sst s7  }
0x10: {  	[smem:$0x3FAB] =	sst s8  }
0x11: {  	[smem:$0x3FAC] =	sst s9;
	s0 =	simm.s32 @!p0 $0x0  }
0x12: {  	s1 =	sld [smem:$0x3F92];
	s0 =	simm.s32 @p0 $0x1  }
0x13: {  	[smem:$0x3FAD] =	sst s0;
	s0 =	simm.s32 @!p1 $0x0  }
0x14: {  	s2 =	sld [smem:$0x3F91];
	s0 =	simm.s32 @p1 $0x1  }
0x15: {  	[smem:$0x3FAE] =	sst s0;
	s0 =	simm.s32 @!p2 $0x0  }
0x16: {  	s3 =	sld [smem:$0x3FDB];
	s0 =	simm.s32 @p2 $0x1  }
0x17: {  	s4 =	simm.s32 $0x1BF5;
	[smem:$0x3FB0] =	sst s0  }
0x18: {  	s0 =	sld [smem:$0x3F93];
	_ =	swait.ge [sflag:s4], $0x0  }
0x19: {  	s7 =	sld [smem:$0x3F94]  }
0x1a: {  	s8 =	sadd.s32 $0xFFFFE003, lr  }
0x1b: {  	s9 =	sadd.s32 $0xFFFFFEF7, lr;
	s5 =	simm.s32 $0xFFFFFFFF;
	p2 =	slt.u32 s8, $0xFFFFF086  }
0x1c: {  	p1 =	slt.u32 s9, $0xF7A;
	s5 =	simm.s32 @!p2 $0x0  }
0x1d: {  	s5 =	simm.s32 @p1 $0x1;
	p0 =	seq.s32 s7, s2  }
0x1e: {  	s7 =	smul.u32 @!p0 $0xF7A, s2;
	p2 =	seq.s32 @!p0 s5, $0x0  }
0x1f: {  	s9 =	smul.u32 $0xF7A, s1;
	s8 =	simm.s32 @!p0 $0x1BF5;
	p2 =	por !p2, p0  }
0x20: {  	[sflag:s8] =	ssyncset.s32 @!p0 $0xFFFFF086;
	s6 =	sadd.s32 @!p0 s3, s7;
	s7 =	simm.s32 @!p0 $0x108  }
0x21: {  	s3 =	sadd.s32 s3, s9;
	s6 =	sadd.s32 @!p0 $0x88, s6;
	s7 =	simm.s32 @p2 $0x1082  }
0x22: {  	[simem:s7], [sflag:s8] =	dma.local @!p0 [hbm:s6], $0xF7A  }
0x23: {  	s9 =	sor.u32 $0xD0000000, s2;
	s6 =	simm.s32 $0x108;
	_ =	swait.ge @!p0 [sflag:s8], $0x0  }
0x24: {  	s3 =	sadd.s32 $0x88, s3;
	s6 =	simm.s32 @!p1 $0x1082;
	[sflag:s4] =	ssyncset.s32 $0xFFFFF086  }
0x25: {  	[simem:s6], [sflag:s4] =	dma.local [hbm:s3], $0xF7A  }
0x26: {  	[smem:$0x3F94] =	sst s1;
	(tag) =	ssettag s2;
	_ =	strace s9  }
0x27: {  	s1 =	sld [smem:$0x3FA4]  }
0x28: {  	s2 =	sld [smem:$0x3FA5]  }
0x29: {  	s4 =	sld [smem:$0x3FA7]  }
0x2a: {  	p0 =	seq.s32 s5, $0x0;
	s5 =	sld [smem:$0x3FA8]  }
0x2b: {  	s6 =	sld [smem:$0x3FA9]  }
0x2c: {  	s7 =	sld [smem:$0x3FAA]  }
0x2d: {  	s3 =	simm.s32 $0x108;
	s8 =	sld [smem:$0x3FAB]  }
0x2e: {  	s3 =	simm.s32 @!p0 $0x1082;
	s9 =	sld [smem:$0x3FAC]  }
0x2f: {  	lr =	sadd.s32 s0, s3;
	s0 =	sld [smem:$0x3FA3]  }
0x30: {  	s3 =	sld [smem:$0x3FA6]  }
0x31: {  	[smem:$0x3FAF] =	sst s10  }
0x32: {  	s10 =	sld [smem:$0x3FAD];
	_ =	sdelay $0x3  }
0x33: {  	p0 =	seq.s32 s10, $0x1;
	s10 =	sld [smem:$0x3FAF];
	_ =	sdelay $0x3  }
0x34: {  	[smem:$0x3FAF] =	sst s10  }
0x35: {  	s10 =	sld [smem:$0x3FAE];
	_ =	sdelay $0x3  }
0x36: {  	p1 =	seq.s32 s10, $0x1;
	s10 =	sld [smem:$0x3FAF];
	_ =	sdelay $0x3  }
0x37: {  	[smem:$0x3FAF] =	sst s10  }
0x38: {  	s10 =	sld [smem:$0x3FB0]  }
0x39: {  	_ = 	snop;
	(pc) =	sbr.ind lr, $3  }
0x3a: {  	_ = 	snop  }
0x3b: {  	_ = 	snop  }
0x3c: {  	p2 =	seq.s32 s10, $0x1;
	s10 =	sld [smem:$0x3FAF]  }
0x3d: {  	_ =	shalt  }
0x3e: {  	_ =	shalt  }
0x3f: {  	_ =	shalt  }
0x40: {  	_ =	shalt  }
0x41: {  	_ =	shalt  }
0x42: {  	_ =	shalt  }
0x43: {  	_ =	shalt  }
0x44: {  	_ =	shalt  }
0x45: {  	_ =	shalt  }
0x46: {  	_ =	shalt  }
0x47: {  	_ =	shalt  }
0x48: {  	_ =	shalt  }
0x49: {  	_ =	shalt  }
0x4a: {  	_ =	shalt  }
0x4b: {  	_ =	shalt  }
0x4c: {  	_ =	shalt  }
0x4d: {  	_ =	shalt  }
0x4e: {  	_ =	shalt  }
0x4f: {  	_ =	shalt  }
0x50: {  	_ =	shalt  }
0x51: {  	_ =	shalt  }
0x52: {  	_ =	shalt  }
0x53: {  	_ =	shalt  }
0x54: {  	_ =	shalt  }
0x55: {  	_ =	shalt  }
0x56: {  	_ =	shalt  }
0x57: {  	_ =	shalt  }
0x58: {  	_ =	shalt  }
0x59: {  	_ =	shalt  }
0x5a: {  	_ =	shalt  }
0x5b: {  	_ =	shalt  }
0x5c: {  	_ =	shalt  }
0x5d: {  	_ =	shalt  }
0x5e: {  	_ =	shalt  }
0x5f: {  	_ =	shalt  }
0x60: {  	_ =	shalt  }
0x61: {  	_ =	shalt  }
0x62: {  	_ =	shalt  }
0x63: {  	_ =	shalt  }
0x64: {  	_ =	shalt  }
0x65: {  	_ =	shalt  }
0x66: {  	_ =	shalt  }
0x67: {  	_ =	shalt  }
0x68: {  	_ =	shalt  }
0x69: {  	_ =	shalt  }
0x6a: {  	_ =	shalt  }
0x6b: {  	_ =	shalt  }
0x6c: {  	_ =	shalt  }
0x6d: {  	_ =	shalt  }
0x6e: {  	_ =	shalt  }
0x6f: {  	_ =	shalt  }
0x70: {  	_ =	shalt  }
0x71: {  	_ =	shalt  }
0x72: {  	_ =	shalt  }
0x73: {  	_ =	shalt  }
0x74: {  	_ =	shalt  }
0x75: {  	_ =	shalt  }
0x76: {  	_ =	shalt  }
0x77: {  	_ =	shalt  }
0x78: {  	_ =	shalt  }
0x79: {  	_ =	shalt  }
0x7a: {  	_ =	shalt  }
0x7b: {  	_ =	shalt  }
0x7c: {  	_ =	shalt  }
0x7d: {  	_ =	shalt  }
0x7e: {  	_ =	shalt  }
0x7f: {  	_ =	shalt  }
0x80: {  	_ =	shalt  }
0x81: {  	_ =	shalt  }
0x82: {  	_ =	shalt  }
0x83: {  	_ =	shalt  }
0x84: {  	_ =	shalt  }
0x85: {  	_ =	shalt  }
0x86: {  	_ =	shalt  }
0x87: {  	_ =	shalt  }
.Lfunc_end0:
.L_simem_size_0:
called_computation.2_lowered:
.L_overlay_start_0:
0x88: {  	s2 =	sld [smem:$0x3FD9]  }
0x89: {  	s3 =	sld [smem:$0x3FFE];
	_ =	sdelay $0x1  }
0x8a: {  	s1 =	srdreg.scid  }
0x8b: {  	s0 =	sand.u32 $0x1, s1  }
0x8c: {  	s17 =	sshll.u32 s0, $0xA;
	s2 =	sadd.s32 s3, s2  }
0x8d: {  	s2 =	sadd.s32 s2, s17  }
0x8e: {  	[smem:$0x3FBB] =	sst s2  }
0x8f: {  	_ = 	snop  }
0x90: {  	s2 =	sld [smem:$0x3FD0];
	(tm) =	ssettm $0x1  }
0x91: {  	s18 =	sld [smem:$0x3FFB];
	_ =	sdelay $0x3  }
0x92: {  	_ =	strace s18  }
0x93: {  	s3 =	sld [smem:$0x3FFC];
	_ =	sdelay $0x3  }
0x94: {  	_ =	strace s3  }
0x95: {  	s3 =	sld [smem:$0x3FFD];
	_ =	sdelay $0x3  }
0x96: {  	_ =	strace s3  }
0x97: {  	_ =	strace $0x8FFFFFFF  }
0x98: {  	s19 =	sld [smem:$0x3FDB];
	_ =	sdelay $0x1  }
0x99: {  	s4 =	simm.s32 $_scs_section_size  }
0x9a: {  	s5 =	simm.s32 $_size__tile_overlayer_lowered;
	s6 =	simm.s32 $_tile_overlayer_lowered  }
0x9b: {  	s22 =	simm.s32 $0x1BFF;
	s21 =	sshll.u32 s6, $0x1;
	s3 =	sadd.s32 s4, s19  }
0x9c: {  	s7 =	simm.s32 $0x0;
	s20 =	sshll.u32 s5, $0x1;
	s5 =	sadd.s32 s21, s3  }
0x9d: {  	[timem:s7], [sflag:s22] =	dma.local [hbm:s5], s20  }
0x9e: {  	_ =	swait.ge [sflag:s22], s20  }
0x9f: {  	s4 =	ssub.s32 $0x0, s20;
	[sflag:s22] =	ssyncset.done $0x0  }
0xa0: {  	[sflag:s22] =	ssyncadd.s32 s4;
	_ =	sdelay $0x1  }
0xa1: {  	s23 =	simm.s32 $0x1B8B  }
0xa2: {  	_ =	swait.ge [sflag:s23], $0x1  }
0xa3: {  	[sflag:s23] =	ssyncset.done $0x0  }
0xa4: {  	s25 =	simm.s32 $0x1B8E;
	s24 =	sld [smem:$0x3FFE];
	[sflag:s23] =	ssyncadd.s32 $0xFFFFFFFF  }
0xa5: {  	s26 =	simm.s32 $execute0_lowered;
	[smem:$0x3FD2] =	sst s25  }
0xa6: {  	s5 =	sshll.u32 s26, $0x1;
	_ =	strace $0x80000046;
	[dreg:$0x1] =	wrdreg $0xFFFFFFFF  }
0xa7: {  	s28 =	simm.s32 $_size_execute0_lowered;
	s3 =	sadd.s32 s3, s5;
	[dreg:$0x0] =	wrdreg $0x0  }
0xa8: {  	s5 =	sshll.u32 s28, $0x1;
	[dreg:$0x2] =	wrdreg s3  }
0xa9: {  	[dreg:$0x3] =	wrdreg s5  }
0xaa: {  	[dreg:$0x4] =	wrdreg $0xC0  }
0xab: {  	_ =	task [dreg:s7], $0x5FFFF  }
0xac: {  	[dreg:$0x1] =	wrdreg $0xFFFFFFFF  }
0xad: {  	[dreg:$0x0] =	wrdreg $0x60  }
0xae: {  	[dreg:$0x2] =	wrdreg s24  }
0xaf: {  	[dreg:$0x3] =	wrdreg s2  }
0xb0: {  	[dreg:$0x4] =	wrdreg $0x9  }
0xb1: {  	_ =	task.clear_ibuf [dreg:s7], $0x5FFFF;
	_ =	strace $0x90000046  }
0xb2: {  	s29 =	simm.s32 $0x9;
	_ =	strace $0x80000048  }
0xb3: {  	_ =	swait.ge [sflag:s29], $0x1  }
0xb4: {  	[sflag:s29] =	ssyncadd.s32 $0xFFFFFFFF  }
0xb5: {  	_ =	strace $0x90000048  }
0xb6: {  	_ =	sfence  }
0xb7: {  	s30 =	sld [smem:$0x0];
	_ =	sdelay $0x2  }
0xb8: {  	s31 =	sshll.u32 s1, $0xD;
	s1 =	sshrl.u32 s1, $0x2  }
0xb9: {  	s3 =	sand.u32 $0x4000, s31;
	s1 =	sadd.s32 s1, s30  }
0xba: {  	s0 =	sor.u32 s3, s0;
	s1 =	sshll.u32 s1, $0x11  }
0xbb: {  	s0 =	sor.u32 s1, s0  }
0xbc: {  	s0 =	sadd.s32 $0x8F2B, s0  }
0xbd: {  	[sflag:s0] =	ssyncadd.remote.s32 $0x1  }
0xbe: {  	_ =	sfence.sel $0xFFFF  }
0xbf: {  	[dreg:$0x0] =	wrdreg $0xFFFFFFFF;
	(pc) =	sbr.abs _section_cstart, $3  }
0xc0: {  	[dreg:$0x1] =	wrdreg $0xFFFFFFFF  }
0xc1: {  	_ =	task.clear_ibuf [dreg:s7], $0x2FFFF;
	_ =	strace $0x9FFFFFFF  }
0xc2: {  	(tm) =	ssettm $0x7FFFFFFF  }
0xc3: {  	_ =	shalt  }
tec
execute0_lowered:
.L_overlay_start_1:
0x0: {  	(tag) =	ssettag $0x1  }
0x1: {  	s3 =	rddreg [dreg:$0x0]  }
0x2: {  	s0 =	srdreg.scid;
	s6 =	rddreg [dreg:$0x1]  }
0x3: {  	s1 =	stileid.u32;
	s2 =	simm.s32 $0x0;
	s4 =	sand.u32 $0x1, s0  }
0x4: {  	s10 =	simm.s32 $0x4F00;
	s11 =	simm.s32 $0xEB80;
	s5 =	sshll.u32 s4, $0x4  }
0x5: {  	s12 =	simm.s32 $0x0;
	s0 =	rddreg [dreg:$0x2];
	s5 =	sor.u32 s1, s5  }
0x6: {  	[smem:$0x7FF] =	sst s2;
	s4 =	ssub.s32 $0x2, s4;
	s7 =	smul.u32 $0x4E2, s5  }
0x7: {  	_ =	strace $0x80000047;
	s8 =	sshrl.u32 s4, $0x1;
	s9 =	smul.u32 $0x9C4, s5  }
0x8: {  	v1 =	vlaneseq.u32;
	s31 =	ssub.s32 s4, s8;
	s8 =	simm.s32 $0x1;
	s30 =	sadd.s32 s7, s3  }
0x9: {  	v0 =	vand.u32 $0x1, v1;
	s3 =	sadd.s32 $0x4C00, s3;
	s6 =	sadd.s32 s6, s9;
	s7 =	smax.u32 s31, $0x1  }
0xa: {  	v1 =	vshrl.u32 v1, $0x1;
	v2 =	vor.u32 $0x2, v0;
	s9 =	simm.s32 $0x2780;
	s4 =	sadd.s32 $0x54400, s30;
	s5 =	sadd.s32 $0x5E200, s30  }
.LBB2_1:
0xb: {  	[tilespmem:s2], [sflag:$0x1] =	stream.linear.gather [hbm4b:s4+s2], $0x2710, $0x38;
	[tilespmem:$0x13A00] =	vst v63  }
0xc: {  	_ =	swait.ge [sflag:s8], $0x2710  }
0xd: {  	[sflag:s8] =	ssyncset.done $0x0  }
0xe: {  	[sflag:s8] =	ssyncadd.s32 $0xFFFFD8F0  }
0xf: {  	[tilespmem:s9], [sflag:$0x1] =	stream.linear.gather [hbm4b:s5+s2], $0x2710, $0x38;
	[tilespmem:$0x13A00] =	vst v63  }
0x10: {  	_ =	swait.ge [sflag:s8], $0x2710  }
0x11: {  	[sflag:s8] =	ssyncset.done $0x0  }
0x12: {  	v3 =	vor.u32 s2, v1;
	[sflag:s8] =	ssyncadd.s32 $0xFFFFD8F0  }
0x13: {  	[tilespmem:s10], [sflag:$0x1] =	stream.linear.gather [hbm4b:s3+s2], $0x9C80, $0x38;
	[tilespmem:$0x13A00] =	vst v63  }
0x14: {  	_ =	swait.ge [sflag:s8], $0x9C80  }
0x15: {  	[sflag:s8] =	ssyncset.done $0x0  }
0x16: {  	[sflag:s8] =	ssyncadd.s32 $0xFFFF6380  }
0x17: {  	v4 =	vld.idx.msk [tilespmem:v3+s2+$0x0], $0xffff  }
0x18: {  	v3 =	vld.idx.msk [tilespmem:v3+s9+$0x0], $0xffff;
	_ =	sdelay $0x3  }
0x19: {  	v4 =	vshll.u32 v4, $0x2  }
0x1a: {  	v3 =	vshll.u32 v3, $0x2;
	v4 =	vor.u32 v0, v4  }
0x1b: {  	v3 =	vor.u32 v2, v3;
	_ =	sdelay $0x3  }
0x1c: {  	v4 =	vld.idx.msk [tilespmem:v4+s10+$0x0], $0xffff  }
0x1d: {  	v3 =	vld.idx.msk [tilespmem:v3+s10+$0x0], $0xffff;
	_ =	sdelay $0x1  }
0x1e: {  	s13 =	simm.s32 $0x8  }
0x1f: {  	v5 =	vor.u32 s13, v1;
	_ =	sdelay $0x1  }
0x20: {  	v3 =	vadd.f32 v3, v4;
	_ =	sdelay $0x1  }
0x21: {  	[tilespmem:s11+$0x0] =	vst v3  }
0x22: {  	v3 =	vld.idx.msk [tilespmem:v5+s2+$0x0], $0xffff  }
0x23: {  	v4 =	vld.idx.msk [tilespmem:v5+s9+$0x0], $0xffff;
	_ =	sdelay $0x3  }
0x24: {  	v3 =	vshll.u32 v3, $0x2  }
0x25: {  	v4 =	vshll.u32 v4, $0x2;
	v3 =	vor.u32 v0, v3  }
0x26: {  	v5 =	vor.u32 v2, v4;
	_ =	sdelay $0x3  }
0x27: {  	v4 =	vld.idx.msk [tilespmem:v3+s10+$0x0], $0xffff  }
0x28: {  	v5 =	vld.idx.msk [tilespmem:v5+s10+$0x0], $0xffff;
	_ =	sdelay $0x1  }
0x29: {  	s31 =	simm.s32 $0x10  }
0x2a: {  	v3 =	vor.u32 s31, v1  }
0x2b: {  	s14 =	simm.s32 $0x18;
	s13 =	simm.s32 $0xEB80  }
.LBB2_2:
0x2c: {  	p0 =	sne.s32 s14, $0x2708;
	v4 =	vadd.f32 v5, v4  }
0x2d: {  	s13 =	sadd.s32 $0x10, s13  }
0x2e: {  	[tilespmem:s13+$0x0] =	vst v4  }
0x2f: {  	v4 =	vld.idx.msk [tilespmem:v3+s2+$0x0], $0xffff  }
0x30: {  	v3 =	vld.idx.msk [tilespmem:v3+s9+$0x0], $0xffff;
	_ =	sdelay $0x4  }
0x31: {  	v4 =	vshll.u32 v4, $0x2  }
0x32: {  	v4 =	vor.u32 v0, v4;
	v3 =	vshll.u32 v3, $0x2  }
0x33: {  	v3 =	vor.u32 v2, v3;
	_ =	sdelay $0x3  }
0x34: {  	v4 =	vld.idx.msk [tilespmem:v4+s10+$0x0], $0xffff  }
0x35: {  	v5 =	vld.idx.msk [tilespmem:v3+s10+$0x0], $0xffff  }
.Ltmp0:
0x36: {  	(pc) =	sbr.rel @p0 .LBB2_2-.Ltmp0, $3  }
0x37: {  	_ =	sdelay $0x1  }
0x38: {  	v3 =	vor.u32 s14, v1  }
0x39: {  	s14 =	sadd.s32 $0x8, s14  }
0x3a: {  	_ = 	snop  }
0x3b: {  	v4 =	vadd.f32 v5, v4  }
0x3c: {  	s13 =	sadd.s32 $0x10, s13  }
0x3d: {  	[tilespmem:s13+$0x0] =	vst v4  }
0x3e: {  	v4 =	vld.idx.msk [tilespmem:v3+s2+$0x0], $0xffff  }
0x3f: {  	v3 =	vld.idx.msk [tilespmem:v3+s9+$0x0], $0xffff;
	_ =	sdelay $0x3  }
0x40: {  	v4 =	vshll.u32 v4, $0x2  }
0x41: {  	v3 =	vshll.u32 v3, $0x2;
	v4 =	vor.u32 v0, v4  }
0x42: {  	v3 =	vor.u32 v2, v3;
	_ =	sdelay $0x3  }
0x43: {  	v4 =	vld.idx.msk [tilespmem:v4+s10+$0x0], $0xffff  }
0x44: {  	v3 =	vld.idx.msk [tilespmem:v3+s10+$0x0], $0xffff;
	_ =	sdelay $0x4  }
0x45: {  	s12 =	sadd.s32 $0x1, s12;
	v3 =	vadd.f32 v3, v4  }
0x46: {  	p0 =	sne.s32 s12, s7;
	s13 =	sadd.s32 $0x10, s13  }
.Ltmp1:
0x47: {  	[tilespmem:s13+$0x0] =	vst v3;
	(pc) =	sbr.rel @p0 .LBB2_1-.Ltmp1, $4  }
0x48: {  	[hbm4b:s6+s2] =	stream.linear.scatter [tilespmem:s11], [sflag:$0x1], $0x4E20, $0x38;
	[tilespmem:$0x13A00] =	vst v63  }
0x49: {  	_ =	swait.ge [sflag:s8], $0x4E20  }
0x4a: {  	[sflag:s8] =	ssyncset.done $0x0  }
0x4b: {  	[sflag:s8] =	ssyncadd.s32 $0xFFFFB1E0  }
0x4c: {  	_ =	sfence.sel $0x180000  }
0x4d: {  	[bflag:$0x0] =	sbarrier.arrive $0xFFFF  }
0x4e: {  	p0 =	sne.s32 s1, $0x0;
	_ =	strace $0x90000047  }
0x4f: {  	s0 =	sadd.s32 @!p0 $0x100000, s0;
	[bflag:$0x2] =	sbarrier.arrive $0xFFFF  }
0x50: {  	[sflag:s0] =	ssyncadd.tile.s32 @!p0 $0x1;
	_ =	shalt  }
.Lfunc_end2:
_tile_overlayer_lowered:
.L_overlay_start_2:
0x51: {  	(tag) =	ssettag $0x2  }
0x52: {  	s0 =	rddreg [dreg:$0x0];
	s2 =	stileid.u32  }
0x53: {  	s1 =	rddreg [dreg:$0x1];
	p0 =	sne.s32 s2, $0x0  }
0x54: {  	s3 =	rddreg [dreg:$0x2];
	[bflag:$0x3] =	sbarrier.arrive $0xFFFF;
	s2 =	simm.s32 @!p0 $0x1C01  }
0x55: {  	[timem:s3], [sflag:s2] =	dma.local @!p0 [hbm:s0], s1  }
0x56: {  	s0 =	simm.s32 @!p0 $0x1  }
0x57: {  	_ =	swait.ge @!p0 [sflag:s0], s1  }
0x58: {  	s1 =	ssub.s32 @!p0 $0x0, s1;
	[sflag:s0] =	ssyncset.done @!p0 $0x0  }
0x59: {  	[sflag:s0] =	ssyncadd.s32 @!p0 s1  }
0x5a: {  	[bflag:$0x3] =	sbarrier.arrive $0xFFFF  }
0x5b: {  	_ =	shalt  }

</sc_bundles>
